<compile_context>
chip_gen: v7x
topology: tpu7x:2x2x1
jax: 0.10.2.dev20260603
libtpu: 0.0.44.dev20260713+nightly
codegen_flags: <defaults>
</compile_context>

<pallas_src>
import jax
import jax.numpy as jnp
import numpy as np
from jax import lax
from jax.experimental import pallas as pl
from jax.experimental.pallas import tpu as pltpu
from jax.experimental.pallas import tpu_sc as plsc

_D = 128
_K = 10
_B = 4096
_M = _B * (_K + 1)
_NW = 32
_PER_TILE = _M // _NW
_C = 16
_NCHUNK = _PER_TILE // _C
_NIDX = _C * (_K + 1)
_JROWS = 2
_JW = (_C * _K) // _JROWS


def _build_dmap():
    p = np.arange(_M)
    pn = p - _B
    r = np.where(p < _B, p, (pn % _K + 1) * _B + pn // _K)
    return r.reshape(_NW, _NCHUNK, _C).astype(np.int32)


_DMAP = _build_dmap()


def _sc_gather_mean(raw_hbm, nidx_hbm, sidx_hbm, dmap_hbm,
                    self_out, agg_out,
                    nidx_v, sidx_v, dmap_v, rows0, rows1, ag0, ag1,
                    sg0, sg1, sws0, sws1, swa0, swa1):
    cid = lax.axis_index("c")
    sid = lax.axis_index("s")
    wid = sid * 2 + cid

    rows = (rows0, rows1)
    aggs = (ag0, ag1)
    sem_g = (sg0, sg1)
    sem_ws = (sws0, sws1)
    sem_wa = (swa0, swa1)

    pltpu.sync_copy(nidx_hbm.at[wid], nidx_v)
    pltpu.sync_copy(sidx_hbm.at[wid], sidx_v)
    pltpu.sync_copy(dmap_hbm.at[wid], dmap_v)

    def g_issue(c, rows_ref, sem):
        for j in range(_JROWS):
            pltpu.async_copy(raw_hbm.at[nidx_v.at[c * _JROWS + j]],
                             rows_ref.at[pl.ds(j * _JW, _JW)], sem)
        pltpu.async_copy(raw_hbm.at[sidx_v.at[c]],
                         rows_ref.at[pl.ds(_C * _K, _C)], sem)

    def g_wait(c, rows_ref, sem):
        for j in range(_JROWS):
            pltpu.make_async_copy(raw_hbm.at[nidx_v.at[c * _JROWS + j]],
                                  rows_ref.at[pl.ds(j * _JW, _JW)], sem).wait()
        pltpu.make_async_copy(raw_hbm.at[sidx_v.at[c]],
                              rows_ref.at[pl.ds(_C * _K, _C)], sem).wait()

    def ws_issue(c, rows_ref, sem):
        pltpu.async_copy(rows_ref.at[pl.ds(_C * _K, _C)],
                         self_out.at[dmap_v.at[c]], sem)

    def wa_issue(c, agg_ref, sem):
        pltpu.async_copy(agg_ref, agg_out.at[dmap_v.at[c]], sem)

    def ws_wait(rows_ref, sem):
        pltpu.make_async_copy(rows_ref.at[pl.ds(_C * _K, _C)],
                              self_out.at[dmap_v.at[0]], sem).wait()

    def wa_wait(agg_ref, sem):
        pltpu.make_async_copy(agg_ref, agg_out.at[dmap_v.at[0]], sem).wait()

    def compute(rows_ref, agg_ref):
        def node_body(n, carry):
            base = n * _K
            for d in range(_D // 16):
                sl = pl.ds(d * 16, 16)
                r = [rows_ref[base + k, sl] for k in range(_K)]
                while len(r) > 1:
                    r = [r[i] + r[i + 1] for i in range(0, len(r) - 1, 2)] \
                        + ([r[-1]] if len(r) % 2 else [])
                agg_ref[n, sl] = r[0]
            return carry

        lax.fori_loop(0, _C, node_body, 0, unroll=False)

    def step(c, u, do_ws_wait, do_wa_wait, issue_next, when_pred=None):
        ru = u % 2
        ru1 = 1 - ru
        g_wait(c, rows[ru], sem_g[ru])
        ws_issue(c, rows[ru], sem_ws[ru])
        if issue_next:
            def _issue():
                if do_ws_wait:
                    ws_wait(rows[ru1], sem_ws[ru1])
                g_issue(c + 1, rows[ru1], sem_g[ru1])
            if when_pred is None:
                _issue()
            else:
                pl.when(when_pred)(_issue)
        if do_wa_wait:
            wa_wait(aggs[ru], sem_wa[ru])
        compute(rows[ru], aggs[ru])
        wa_issue(c, aggs[ru], sem_wa[ru])

    g_issue(0, rows0, sg0)
    step(0, 0, do_ws_wait=False, do_wa_wait=False, issue_next=True)
    step(1, 1, do_ws_wait=True, do_wa_wait=False, issue_next=True)

    def loop_body(t, carry):
        c0 = t * 2
        step(c0, 0, True, True, True)
        step(c0 + 1, 1, True, True, True, when_pred=t < (_NCHUNK // 2 - 1))
        return carry

    lax.fori_loop(1, _NCHUNK // 2, loop_body, 0)

    ws_wait(rows0, sws0)
    ws_wait(rows1, sws1)
    wa_wait(ag0, swa0)
    wa_wait(ag1, swa1)


def _tc_sage(self_ref, agg_ref, w1a, w1b, w2a, w2b, out_ref):
    h1s = jnp.maximum(
        jnp.dot(self_ref[0], w1a[...], preferred_element_type=jnp.float32)
        + jnp.dot(agg_ref[0], w1b[...], preferred_element_type=jnp.float32),
        0.0,
    )
    acc = jnp.zeros_like(h1s)
    for k in range(_K):
        hk = jnp.maximum(
            jnp.dot(self_ref[k + 1], w1a[...], preferred_element_type=jnp.float32)
            + jnp.dot(agg_ref[k + 1], w1b[...], preferred_element_type=jnp.float32),
            0.0,
        )
        acc = acc + hk
    out_ref[...] = jnp.maximum(
        jnp.dot(h1s, w2a[...], preferred_element_type=jnp.float32)
        + jnp.dot(acc, w2b[...], preferred_element_type=jnp.float32),
        0.0,
    )


def kernel(nodes_batch, raw_features, l1_nodes, neigh_l1, W1, W2):
    del nodes_batch
    nidx = neigh_l1.astype(jnp.int32).reshape(_NW, _NCHUNK * _JROWS, _JW)
    sidx = l1_nodes.astype(jnp.int32).reshape(_NW, _NCHUNK, _C)

    sc_fn = pl.kernel(
        _sc_gather_mean,
        out_type=(
            jax.ShapeDtypeStruct(((_K + 1) * _B, _D), jnp.float32),
            jax.ShapeDtypeStruct(((_K + 1) * _B, _D), jnp.float32),
        ),
        mesh=plsc.VectorSubcoreMesh(core_axis_name="c", subcore_axis_name="s"),
        scratch_types=[
            pltpu.VMEM((_NCHUNK * _JROWS, _JW), jnp.int32),
            pltpu.VMEM((_NCHUNK, _C), jnp.int32),
            pltpu.VMEM((_NCHUNK, _C), jnp.int32),
            pltpu.VMEM((_NIDX, _D), jnp.float32),
            pltpu.VMEM((_NIDX, _D), jnp.float32),
            pltpu.VMEM((_C, _D), jnp.float32),
            pltpu.VMEM((_C, _D), jnp.float32),
            pltpu.SemaphoreType.DMA,
            pltpu.SemaphoreType.DMA,
            pltpu.SemaphoreType.DMA,
            pltpu.SemaphoreType.DMA,
            pltpu.SemaphoreType.DMA,
            pltpu.SemaphoreType.DMA,
        ],
    )
    selfp, aggp = sc_fn(raw_features, nidx, sidx, jnp.asarray(_DMAP))

    w1a = W1[:, :_D].T
    w1b = W1[:, _D:].T * jnp.float32(1.0 / _K)
    w2a = W2[:, :_D].T
    w2b = W2[:, _D:].T * jnp.float32(1.0 / _K)
    selfp = selfp.reshape(_K + 1, _B, _D)
    aggp = aggp.reshape(_K + 1, _B, _D)

    S = 512
    grid = _B // S
    h2 = pl.pallas_call(
        _tc_sage,
        grid=(grid,),
        in_specs=[
            pl.BlockSpec((_K + 1, S, _D), lambda g: (0, g, 0)),
            pl.BlockSpec((_K + 1, S, _D), lambda g: (0, g, 0)),
            pl.BlockSpec((_D, _D), lambda g: (0, 0)),
            pl.BlockSpec((_D, _D), lambda g: (0, 0)),
            pl.BlockSpec((_D, _D), lambda g: (0, 0)),
            pl.BlockSpec((_D, _D), lambda g: (0, 0)),
        ],
        out_specs=pl.BlockSpec((S, _D), lambda g: (g, 0)),
        out_shape=jax.ShapeDtypeStruct((_B, _D), jnp.float32),
    )(selfp, aggp, w1a, w1b, w2a, w2b)
    return h2

# --- scband reference (transcript-rebuilt; emitter-appended) ---
"""Pipeline reference for scband-graph-sage-6193342841339 (READ-ONLY COPY).

The authoritative reference and input builder live on the scoring server;
editing this copy changes nothing except your own understanding.
"""

import jax, jax.numpy as jnp
import numpy as np

N_NODES = 100000
D_IN = 128
D_OUT = 128
BATCH = 4096
K = 10  # num_sample neighbors per node


def setup_inputs(seed: int = 0) -> dict:
    key = jax.random.key(seed)
    k1, k2, k3, k4, k5, k6 = jax.random.split(key, 6)
    # raw node feature table (constructor arg raw_features)
    raw_features = jax.random.normal(k1, (N_NODES, D_IN), dtype=jnp.float32)
    # batch of seed node ids
    nodes_batch = jax.random.randint(k2, (BATCH,), 0, N_NODES)
    # sampled neighbors of seed nodes (layer-2 aggregation neighborhood),
    # materialized from adj_lists + random.sample in the original module
    neigh_l2 = jax.random.randint(k3, (BATCH, K), 0, N_NODES)
    # layer-1 node set: seeds followed by their sampled neighbors (un-uniqued;
    # uniquing in the original only dedupes compute, math is identical per node)
    l1_nodes = jnp.concatenate([nodes_batch, neigh_l2.reshape(-1)], axis=0)  # [BATCH*(K+1)]
    # sampled neighbors of every layer-1 node (layer-1 aggregation neighborhood)
    neigh_l1 = jax.random.randint(k4, (BATCH * (K + 1), K), 0, N_NODES)
    # SageLayer weights: out = relu(W @ cat(self, agg).T).T, W: [out, 2*in]
    lim1 = float(np.sqrt(6.0 / (2 * D_IN + D_OUT)))
    W1 = jax.random.uniform(k5, (D_OUT, 2 * D_IN), minval=-lim1, maxval=lim1, dtype=jnp.float32)
    lim2 = float(np.sqrt(6.0 / (2 * D_OUT + D_OUT)))
    W2 = jax.random.uniform(k6, (D_OUT, 2 * D_OUT), minval=-lim2, maxval=lim2, dtype=jnp.float32)
    return {
        "nodes_batch": nodes_batch,
        "raw_features": raw_features,
        "l1_nodes": l1_nodes,
        "neigh_l1": neigh_l1,
        "W1": W1,
        "W2": W2,
    }


def reference(nodes_batch, raw_features, l1_nodes, neigh_l1, W1, W2):
    B = nodes_batch.shape[0]
    Kn = neigh_l1.shape[1]
    # ---- layer 1: compute hidden embeddings for all layer-1 nodes ----
    self1 = jnp.take(raw_features, l1_nodes, axis=0)                 # [M, D_IN]
    neigh_feats1 = jnp.take(raw_features, neigh_l1, axis=0)          # [M, K, D_IN]
    agg1 = neigh_feats1.mean(axis=1)                                 # MEAN aggregator
    h1 = jax.nn.relu(jnp.concatenate([self1, agg1], axis=1) @ W1.T)  # [M, D_OUT]
    # ---- layer 2: combine seed self-embeddings with neighbor aggregates ----
    self2 = h1[:B]                                                   # seeds come first
    agg2 = h1[B:].reshape(B, Kn, -1).mean(axis=1)                    # mean over sampled neighbors
    h2 = jax.nn.relu(jnp.concatenate([self2, agg2], axis=1) @ W2.T)  # [B, D_OUT]
    return h2

if __name__ == "__main__":
    import jax
    _d = setup_inputs()
    print(jax.jit(kernel)(*tuple(_d.values())))

</pallas_src>

<mosaic_0001>
#map = affine_map<(d0, d1) -> (0, 0)>
#map1 = affine_map<(d0, d1) -> (0, 0, 0)>
module attributes {stable_mosaic.version = 14 : i64} {
  func.func @_sc_gather_mean(%arg0: i32, %arg1: i32, %arg2: memref<100000x128xf32, #tpu.memory_space<hbm>>, %arg3: memref<32x176x80xi32, #tpu.memory_space<hbm>>, %arg4: memref<32x88x16xi32, #tpu.memory_space<hbm>>, %arg5: memref<32x88x16xi32, #tpu.memory_space<hbm>>, %arg6: memref<45056x128xf32, #tpu.memory_space<hbm>>, %arg7: memref<45056x128xf32, #tpu.memory_space<hbm>>, %arg8: memref<176x80xi32, #tpu.memory_space<vmem>>, %arg9: memref<88x16xi32, #tpu.memory_space<vmem>>, %arg10: memref<88x16xi32, #tpu.memory_space<vmem>>, %arg11: memref<176x128xf32, #tpu.memory_space<vmem>>, %arg12: memref<176x128xf32, #tpu.memory_space<vmem>>, %arg13: memref<16x128xf32, #tpu.memory_space<vmem>>, %arg14: memref<16x128xf32, #tpu.memory_space<vmem>>, %arg15: memref<!tpu.dma_semaphore, #tpu.memory_space<semaphore_mem>>, %arg16: memref<!tpu.dma_semaphore, #tpu.memory_space<semaphore_mem>>, %arg17: memref<!tpu.dma_semaphore, #tpu.memory_space<semaphore_mem>>, %arg18: memref<!tpu.dma_semaphore, #tpu.memory_space<semaphore_mem>>, %arg19: memref<!tpu.dma_semaphore, #tpu.memory_space<semaphore_mem>>, %arg20: memref<!tpu.dma_semaphore, #tpu.memory_space<semaphore_mem>>) attributes {dimension_semantics = [#tpu.dimension_semantics<core_parallel>, #tpu.dimension_semantics<subcore_parallel>], iteration_bounds = array<i64: 2, 16>, scalar_prefetch = 0 : i64, scratch_operands = 13 : i64, tpu.core_type = #tpu.core_type<sc_vector_subcore>, window_params = [{transform_indices = #map}, {transform_indices = #map1}, {transform_indices = #map1}, {transform_indices = #map1}, {transform_indices = #map}, {transform_indices = #map}]} {
    %mul3A = arith.constant 2 : i32
    %mul3A_0 = arith.muli %arg1, %mul3A : i32
    %add3A = arith.addi %mul3A_0, %arg0 : i32
    "tpu.region"() ({
      %run_scoped3A = tpu.sem_alloc : memref<!tpu.dma_semaphore, #tpu.memory_space<semaphore_mem>>
      %dma_start3A_244 = arith.constant 0 : i32
      %dma_start3A_245 = arith.constant 0 : i32
      %dma_start3A_246 = tpu.memref_slice %arg3[%add3A, %dma_start3A_244, %dma_start3A_245] : memref<32x176x80xi32, #tpu.memory_space<hbm>> -> memref<1x176x80xi32, #tpu.memory_space<hbm>>
      %dma_start3A_247 = tpu.memref_squeeze %dma_start3A_246 : memref<1x176x80xi32, #tpu.memory_space<hbm>> -> memref<176x80xi32, #tpu.memory_space<hbm>>
      %dma_start3A_248 = arith.constant 0 : i32
      %dma_start3A_249 = arith.constant 0 : i32
      %dma_start3A_250 = tpu.memref_slice %arg3[%add3A, %dma_start3A_248, %dma_start3A_249] : memref<32x176x80xi32, #tpu.memory_space<hbm>> -> memref<1x176x80xi32, #tpu.memory_space<hbm>>
      %dma_start3A_251 = tpu.memref_squeeze %dma_start3A_250 : memref<1x176x80xi32, #tpu.memory_space<hbm>> -> memref<176x80xi32, #tpu.memory_space<hbm>>
      tpu.enqueue_dma source(%dma_start3A_251 : memref<176x80xi32, #tpu.memory_space<hbm>>) target(%arg8 : memref<176x80xi32, #tpu.memory_space<vmem>>) target_semaphore(%run_scoped3A : memref<!tpu.dma_semaphore, #tpu.memory_space<semaphore_mem>>)
      %dma_wait3A_252 = arith.constant 0 : i32
      %dma_wait3A_253 = arith.constant 0 : i32
      %dma_wait3A_254 = tpu.memref_slice %arg3[%add3A, %dma_wait3A_252, %dma_wait3A_253] : memref<32x176x80xi32, #tpu.memory_space<hbm>> -> memref<1x176x80xi32, #tpu.memory_space<hbm>>
      %dma_wait3A_255 = tpu.memref_squeeze %dma_wait3A_254 : memref<1x176x80xi32, #tpu.memory_space<hbm>> -> memref<176x80xi32, #tpu.memory_space<hbm>>
      %dma_wait3A_256 = arith.constant 0 : i32
      %dma_wait3A_257 = arith.constant 0 : i32
      %dma_wait3A_258 = tpu.memref_slice %arg3[%add3A, %dma_wait3A_256, %dma_wait3A_257] : memref<32x176x80xi32, #tpu.memory_space<hbm>> -> memref<1x176x80xi32, #tpu.memory_space<hbm>>
      %dma_wait3A_259 = tpu.memref_squeeze %dma_wait3A_258 : memref<1x176x80xi32, #tpu.memory_space<hbm>> -> memref<176x80xi32, #tpu.memory_space<hbm>>
      tpu.wait_dma2 semaphore(%run_scoped3A : memref<!tpu.dma_semaphore, #tpu.memory_space<semaphore_mem>>) src(%dma_wait3A_259 : memref<176x80xi32, #tpu.memory_space<hbm>>) dst(%arg8 : memref<176x80xi32, #tpu.memory_space<vmem>>)
      tpu.yield
    }) : () -> ()
    "tpu.region"() ({
      %run_scoped3A = tpu.sem_alloc : memref<!tpu.dma_semaphore, #tpu.memory_space<semaphore_mem>>
      %dma_start3A_244 = arith.constant 0 : i32
      %dma_start3A_245 = arith.constant 0 : i32
      %dma_start3A_246 = tpu.memref_slice %arg4[%add3A, %dma_start3A_244, %dma_start3A_245] : memref<32x88x16xi32, #tpu.memory_space<hbm>> -> memref<1x88x16xi32, #tpu.memory_space<hbm>>
      %dma_start3A_247 = tpu.memref_squeeze %dma_start3A_246 : memref<1x88x16xi32, #tpu.memory_space<hbm>> -> memref<88x16xi32, #tpu.memory_space<hbm>>
      %dma_start3A_248 = arith.constant 0 : i32
      %dma_start3A_249 = arith.constant 0 : i32
      %dma_start3A_250 = tpu.memref_slice %arg4[%add3A, %dma_start3A_248, %dma_start3A_249] : memref<32x88x16xi32, #tpu.memory_space<hbm>> -> memref<1x88x16xi32, #tpu.memory_space<hbm>>
      %dma_start3A_251 = tpu.memref_squeeze %dma_start3A_250 : memref<1x88x16xi32, #tpu.memory_space<hbm>> -> memref<88x16xi32, #tpu.memory_space<hbm>>
      tpu.enqueue_dma source(%dma_start3A_251 : memref<88x16xi32, #tpu.memory_space<hbm>>) target(%arg9 : memref<88x16xi32, #tpu.memory_space<vmem>>) target_semaphore(%run_scoped3A : memref<!tpu.dma_semaphore, #tpu.memory_space<semaphore_mem>>)
      %dma_wait3A_252 = arith.constant 0 : i32
      %dma_wait3A_253 = arith.constant 0 : i32
      %dma_wait3A_254 = tpu.memref_slice %arg4[%add3A, %dma_wait3A_252, %dma_wait3A_253] : memref<32x88x16xi32, #tpu.memory_space<hbm>> -> memref<1x88x16xi32, #tpu.memory_space<hbm>>
      %dma_wait3A_255 = tpu.memref_squeeze %dma_wait3A_254 : memref<1x88x16xi32, #tpu.memory_space<hbm>> -> memref<88x16xi32, #tpu.memory_space<hbm>>
      %dma_wait3A_256 = arith.constant 0 : i32
      %dma_wait3A_257 = arith.constant 0 : i32
      %dma_wait3A_258 = tpu.memref_slice %arg4[%add3A, %dma_wait3A_256, %dma_wait3A_257] : memref<32x88x16xi32, #tpu.memory_space<hbm>> -> memref<1x88x16xi32, #tpu.memory_space<hbm>>
      %dma_wait3A_259 = tpu.memref_squeeze %dma_wait3A_258 : memref<1x88x16xi32, #tpu.memory_space<hbm>> -> memref<88x16xi32, #tpu.memory_space<hbm>>
      tpu.wait_dma2 semaphore(%run_scoped3A : memref<!tpu.dma_semaphore, #tpu.memory_space<semaphore_mem>>) src(%dma_wait3A_259 : memref<88x16xi32, #tpu.memory_space<hbm>>) dst(%arg9 : memref<88x16xi32, #tpu.memory_space<vmem>>)
      tpu.yield
    }) : () -> ()
    "tpu.region"() ({
      %run_scoped3A = tpu.sem_alloc : memref<!tpu.dma_semaphore, #tpu.memory_space<semaphore_mem>>
      %dma_start3A_244 = arith.constant 0 : i32
      %dma_start3A_245 = arith.constant 0 : i32
      %dma_start3A_246 = tpu.memref_slice %arg5[%add3A, %dma_start3A_244, %dma_start3A_245] : memref<32x88x16xi32, #tpu.memory_space<hbm>> -> memref<1x88x16xi32, #tpu.memory_space<hbm>>
      %dma_start3A_247 = tpu.memref_squeeze %dma_start3A_246 : memref<1x88x16xi32, #tpu.memory_space<hbm>> -> memref<88x16xi32, #tpu.memory_space<hbm>>
      %dma_start3A_248 = arith.constant 0 : i32
      %dma_start3A_249 = arith.constant 0 : i32
      %dma_start3A_250 = tpu.memref_slice %arg5[%add3A, %dma_start3A_248, %dma_start3A_249] : memref<32x88x16xi32, #tpu.memory_space<hbm>> -> memref<1x88x16xi32, #tpu.memory_space<hbm>>
      %dma_start3A_251 = tpu.memref_squeeze %dma_start3A_250 : memref<1x88x16xi32, #tpu.memory_space<hbm>> -> memref<88x16xi32, #tpu.memory_space<hbm>>
      tpu.enqueue_dma source(%dma_start3A_251 : memref<88x16xi32, #tpu.memory_space<hbm>>) target(%arg10 : memref<88x16xi32, #tpu.memory_space<vmem>>) target_semaphore(%run_scoped3A : memref<!tpu.dma_semaphore, #tpu.memory_space<semaphore_mem>>)
      %dma_wait3A_252 = arith.constant 0 : i32
      %dma_wait3A_253 = arith.constant 0 : i32
      %dma_wait3A_254 = tpu.memref_slice %arg5[%add3A, %dma_wait3A_252, %dma_wait3A_253] : memref<32x88x16xi32, #tpu.memory_space<hbm>> -> memref<1x88x16xi32, #tpu.memory_space<hbm>>
      %dma_wait3A_255 = tpu.memref_squeeze %dma_wait3A_254 : memref<1x88x16xi32, #tpu.memory_space<hbm>> -> memref<88x16xi32, #tpu.memory_space<hbm>>
      %dma_wait3A_256 = arith.constant 0 : i32
      %dma_wait3A_257 = arith.constant 0 : i32
      %dma_wait3A_258 = tpu.memref_slice %arg5[%add3A, %dma_wait3A_256, %dma_wait3A_257] : memref<32x88x16xi32, #tpu.memory_space<hbm>> -> memref<1x88x16xi32, #tpu.memory_space<hbm>>
      %dma_wait3A_259 = tpu.memref_squeeze %dma_wait3A_258 : memref<1x88x16xi32, #tpu.memory_space<hbm>> -> memref<88x16xi32, #tpu.memory_space<hbm>>
      tpu.wait_dma2 semaphore(%run_scoped3A : memref<!tpu.dma_semaphore, #tpu.memory_space<semaphore_mem>>) src(%dma_wait3A_259 : memref<88x16xi32, #tpu.memory_space<hbm>>) dst(%arg10 : memref<88x16xi32, #tpu.memory_space<vmem>>)
      tpu.yield
    }) : () -> ()
    %dma_start3A = arith.constant 0 : i32
    %dma_start3A_1 = arith.constant 0 : i32
    %dma_start3A_2 = arith.constant 0 : i32
    %dma_start3A_3 = tpu.memref_slice %arg11[%dma_start3A_1, %dma_start3A_2] : memref<176x128xf32, #tpu.memory_space<vmem>> -> memref<80x128xf32, #tpu.memory_space<vmem>>
    %dma_start3A_4 = arith.constant 0 : i32
    %dma_start3A_5 = tpu.memref_slice %arg8[%dma_start3A, %dma_start3A_4] : memref<176x80xi32, #tpu.memory_space<vmem>> -> memref<1x80xi32, #tpu.memory_space<vmem>>
    %dma_start3A_6 = tpu.memref_squeeze %dma_start3A_5 : memref<1x80xi32, #tpu.memory_space<vmem>> -> memref<80xi32, #tpu.memory_space<vmem>>
    %dma_start3A_7 = arith.constant 0 : i32
    %dma_start3A_8 = arith.constant 0 : i32
    %dma_start3A_9 = tpu.memref_slice %arg2[%dma_start3A_7, %dma_start3A_8] : memref<100000x128xf32, #tpu.memory_space<hbm>> -> memref<100000x128xf32, #tpu.memory_space<hbm>>
    tpu.enqueue_indirect_dma source(%dma_start3A_9 : memref<100000x128xf32, #tpu.memory_space<hbm>>) target(%dma_start3A_3 : memref<80x128xf32, #tpu.memory_space<vmem>>) offsets(%dma_start3A_6 : memref<80xi32, #tpu.memory_space<vmem>>) semaphore(%arg15 : memref<!tpu.dma_semaphore, #tpu.memory_space<semaphore_mem>>)
    %dma_start3A_10 = arith.constant 1 : i32
    %dma_start3A_11 = arith.constant 80 : i32
    %dma_start3A_12 = arith.constant 0 : i32
    %dma_start3A_13 = tpu.memref_slice %arg11[%dma_start3A_11, %dma_start3A_12] : memref<176x128xf32, #tpu.memory_space<vmem>> -> memref<80x128xf32, #tpu.memory_space<vmem>>
    %dma_start3A_14 = arith.constant 0 : i32
    %dma_start3A_15 = tpu.memref_slice %arg8[%dma_start3A_10, %dma_start3A_14] : memref<176x80xi32, #tpu.memory_space<vmem>> -> memref<1x80xi32, #tpu.memory_space<vmem>>
    %dma_start3A_16 = tpu.memref_squeeze %dma_start3A_15 : memref<1x80xi32, #tpu.memory_space<vmem>> -> memref<80xi32, #tpu.memory_space<vmem>>
    %dma_start3A_17 = arith.constant 0 : i32
    %dma_start3A_18 = arith.constant 0 : i32
    %dma_start3A_19 = tpu.memref_slice %arg2[%dma_start3A_17, %dma_start3A_18] : memref<100000x128xf32, #tpu.memory_space<hbm>> -> memref<100000x128xf32, #tpu.memory_space<hbm>>
    tpu.enqueue_indirect_dma source(%dma_start3A_19 : memref<100000x128xf32, #tpu.memory_space<hbm>>) target(%dma_start3A_13 : memref<80x128xf32, #tpu.memory_space<vmem>>) offsets(%dma_start3A_16 : memref<80xi32, #tpu.memory_space<vmem>>) semaphore(%arg15 : memref<!tpu.dma_semaphore, #tpu.memory_space<semaphore_mem>>)
    %dma_start3A_20 = arith.constant 0 : i32
    %dma_start3A_21 = arith.constant 160 : i32
    %dma_start3A_22 = arith.constant 0 : i32
    %dma_start3A_23 = tpu.memref_slice %arg11[%dma_start3A_21, %dma_start3A_22] : memref<176x128xf32, #tpu.memory_space<vmem>> -> memref<16x128xf32, #tpu.memory_space<vmem>>
    %dma_start3A_24 = arith.constant 0 : i32
    %dma_start3A_25 = tpu.memref_slice %arg9[%dma_start3A_20, %dma_start3A_24] : memref<88x16xi32, #tpu.memory_space<vmem>> -> memref<1x16xi32, #tpu.memory_space<vmem>>
    %dma_start3A_26 = tpu.memref_squeeze %dma_start3A_25 : memref<1x16xi32, #tpu.memory_space<vmem>> -> memref<16xi32, #tpu.memory_space<vmem>>
    %dma_start3A_27 = arith.constant 0 : i32
    %dma_start3A_28 = arith.constant 0 : i32
    %dma_start3A_29 = tpu.memref_slice %arg2[%dma_start3A_27, %dma_start3A_28] : memref<100000x128xf32, #tpu.memory_space<hbm>> -> memref<100000x128xf32, #tpu.memory_space<hbm>>
    tpu.enqueue_indirect_dma source(%dma_start3A_29 : memref<100000x128xf32, #tpu.memory_space<hbm>>) target(%dma_start3A_23 : memref<16x128xf32, #tpu.memory_space<vmem>>) offsets(%dma_start3A_26 : memref<16xi32, #tpu.memory_space<vmem>>) semaphore(%arg15 : memref<!tpu.dma_semaphore, #tpu.memory_space<semaphore_mem>>)
    %dma_wait3A = arith.constant 0 : i32
    %dma_wait3A_30 = arith.constant 0 : i32
    %dma_wait3A_31 = arith.constant 0 : i32
    %dma_wait3A_32 = tpu.memref_slice %arg11[%dma_wait3A_30, %dma_wait3A_31] : memref<176x128xf32, #tpu.memory_space<vmem>> -> memref<80x128xf32, #tpu.memory_space<vmem>>
    %dma_wait3A_33 = arith.constant 0 : i32
    %dma_wait3A_34 = tpu.memref_slice %arg8[%dma_wait3A, %dma_wait3A_33] : memref<176x80xi32, #tpu.memory_space<vmem>> -> memref<1x80xi32, #tpu.memory_space<vmem>>
    %dma_wait3A_35 = tpu.memref_squeeze %dma_wait3A_34 : memref<1x80xi32, #tpu.memory_space<vmem>> -> memref<80xi32, #tpu.memory_space<vmem>>
    %dma_wait3A_36 = arith.constant 0 : i32
    %dma_wait3A_37 = arith.constant 0 : i32
    %dma_wait3A_38 = tpu.memref_slice %arg2[%dma_wait3A_36, %dma_wait3A_37] : memref<100000x128xf32, #tpu.memory_space<hbm>> -> memref<100000x128xf32, #tpu.memory_space<hbm>>
    tpu.wait_indirect_dma semaphore(%arg15 : memref<!tpu.dma_semaphore, #tpu.memory_space<semaphore_mem>>) src(%dma_wait3A_38 : memref<100000x128xf32, #tpu.memory_space<hbm>>) dst(%dma_wait3A_32 : memref<80x128xf32, #tpu.memory_space<vmem>>)
    %dma_wait3A_39 = arith.constant 1 : i32
    %dma_wait3A_40 = arith.constant 80 : i32
    %dma_wait3A_41 = arith.constant 0 : i32
    %dma_wait3A_42 = tpu.memref_slice %arg11[%dma_wait3A_40, %dma_wait3A_41] : memref<176x128xf32, #tpu.memory_space<vmem>> -> memref<80x128xf32, #tpu.memory_space<vmem>>
    %dma_wait3A_43 = arith.constant 0 : i32
    %dma_wait3A_44 = tpu.memref_slice %arg8[%dma_wait3A_39, %dma_wait3A_43] : memref<176x80xi32, #tpu.memory_space<vmem>> -> memref<1x80xi32, #tpu.memory_space<vmem>>
    %dma_wait3A_45 = tpu.memref_squeeze %dma_wait3A_44 : memref<1x80xi32, #tpu.memory_space<vmem>> -> memref<80xi32, #tpu.memory_space<vmem>>
    %dma_wait3A_46 = arith.constant 0 : i32
    %dma_wait3A_47 = arith.constant 0 : i32
    %dma_wait3A_48 = tpu.memref_slice %arg2[%dma_wait3A_46, %dma_wait3A_47] : memref<100000x128xf32, #tpu.memory_space<hbm>> -> memref<100000x128xf32, #tpu.memory_space<hbm>>
    tpu.wait_indirect_dma semaphore(%arg15 : memref<!tpu.dma_semaphore, #tpu.memory_space<semaphore_mem>>) src(%dma_wait3A_48 : memref<100000x128xf32, #tpu.memory_space<hbm>>) dst(%dma_wait3A_42 : memref<80x128xf32, #tpu.memory_space<vmem>>)
    %dma_wait3A_49 = arith.constant 0 : i32
    %dma_wait3A_50 = arith.constant 160 : i32
    %dma_wait3A_51 = arith.constant 0 : i32
    %dma_wait3A_52 = tpu.memref_slice %arg11[%dma_wait3A_50, %dma_wait3A_51] : memref<176x128xf32, #tpu.memory_space<vmem>> -> memref<16x128xf32, #tpu.memory_space<vmem>>
    %dma_wait3A_53 = arith.constant 0 : i32
    %dma_wait3A_54 = tpu.memref_slice %arg9[%dma_wait3A_49, %dma_wait3A_53] : memref<88x16xi32, #tpu.memory_space<vmem>> -> memref<1x16xi32, #tpu.memory_space<vmem>>
    %dma_wait3A_55 = tpu.memref_squeeze %dma_wait3A_54 : memref<1x16xi32, #tpu.memory_space<vmem>> -> memref<16xi32, #tpu.memory_space<vmem>>
    %dma_wait3A_56 = arith.constant 0 : i32
    %dma_wait3A_57 = arith.constant 0 : i32
    %dma_wait3A_58 = tpu.memref_slice %arg2[%dma_wait3A_56, %dma_wait3A_57] : memref<100000x128xf32, #tpu.memory_space<hbm>> -> memref<100000x128xf32, #tpu.memory_space<hbm>>
    tpu.wait_indirect_dma semaphore(%arg15 : memref<!tpu.dma_semaphore, #tpu.memory_space<semaphore_mem>>) src(%dma_wait3A_58 : memref<100000x128xf32, #tpu.memory_space<hbm>>) dst(%dma_wait3A_52 : memref<16x128xf32, #tpu.memory_space<vmem>>)
    %dma_start3A_59 = arith.constant 0 : i32
    %dma_start3A_60 = arith.constant 160 : i32
    %dma_start3A_61 = arith.constant 0 : i32
    %dma_start3A_62 = tpu.memref_slice %arg11[%dma_start3A_60, %dma_start3A_61] : memref<176x128xf32, #tpu.memory_space<vmem>> -> memref<16x128xf32, #tpu.memory_space<vmem>>
    %dma_start3A_63 = arith.constant 0 : i32
    %dma_start3A_64 = tpu.memref_slice %arg10[%dma_start3A_59, %dma_start3A_63] : memref<88x16xi32, #tpu.memory_space<vmem>> -> memref<1x16xi32, #tpu.memory_space<vmem>>
    %dma_start3A_65 = tpu.memref_squeeze %dma_start3A_64 : memref<1x16xi32, #tpu.memory_space<vmem>> -> memref<16xi32, #tpu.memory_space<vmem>>
    %dma_start3A_66 = arith.constant 0 : i32
    %dma_start3A_67 = arith.constant 0 : i32
    %dma_start3A_68 = tpu.memref_slice %arg6[%dma_start3A_66, %dma_start3A_67] : memref<45056x128xf32, #tpu.memory_space<hbm>> -> memref<45056x128xf32, #tpu.memory_space<hbm>>
    tpu.enqueue_indirect_dma source(%dma_start3A_62 : memref<16x128xf32, #tpu.memory_space<vmem>>) target(%dma_start3A_68 : memref<45056x128xf32, #tpu.memory_space<hbm>>) offsets(%dma_start3A_65 : memref<16xi32, #tpu.memory_space<vmem>>) semaphore(%arg17 : memref<!tpu.dma_semaphore, #tpu.memory_space<semaphore_mem>>)
    %dma_start3A_69 = arith.constant 2 : i32
    %dma_start3A_70 = arith.constant 0 : i32
    %dma_start3A_71 = arith.constant 0 : i32
    %dma_start3A_72 = tpu.memref_slice %arg12[%dma_start3A_70, %dma_start3A_71] : memref<176x128xf32, #tpu.memory_space<vmem>> -> memref<80x128xf32, #tpu.memory_space<vmem>>
    %dma_start3A_73 = arith.constant 0 : i32
    %dma_start3A_74 = tpu.memref_slice %arg8[%dma_start3A_69, %dma_start3A_73] : memref<176x80xi32, #tpu.memory_space<vmem>> -> memref<1x80xi32, #tpu.memory_space<vmem>>
    %dma_start3A_75 = tpu.memref_squeeze %dma_start3A_74 : memref<1x80xi32, #tpu.memory_space<vmem>> -> memref<80xi32, #tpu.memory_space<vmem>>
    %dma_start3A_76 = arith.constant 0 : i32
    %dma_start3A_77 = arith.constant 0 : i32
    %dma_start3A_78 = tpu.memref_slice %arg2[%dma_start3A_76, %dma_start3A_77] : memref<100000x128xf32, #tpu.memory_space<hbm>> -> memref<100000x128xf32, #tpu.memory_space<hbm>>
    tpu.enqueue_indirect_dma source(%dma_start3A_78 : memref<100000x128xf32, #tpu.memory_space<hbm>>) target(%dma_start3A_72 : memref<80x128xf32, #tpu.memory_space<vmem>>) offsets(%dma_start3A_75 : memref<80xi32, #tpu.memory_space<vmem>>) semaphore(%arg16 : memref<!tpu.dma_semaphore, #tpu.memory_space<semaphore_mem>>)
    %dma_start3A_79 = arith.constant 3 : i32
    %dma_start3A_80 = arith.constant 80 : i32
    %dma_start3A_81 = arith.constant 0 : i32
    %dma_start3A_82 = tpu.memref_slice %arg12[%dma_start3A_80, %dma_start3A_81] : memref<176x128xf32, #tpu.memory_space<vmem>> -> memref<80x128xf32, #tpu.memory_space<vmem>>
    %dma_start3A_83 = arith.constant 0 : i32
    %dma_start3A_84 = tpu.memref_slice %arg8[%dma_start3A_79, %dma_start3A_83] : memref<176x80xi32, #tpu.memory_space<vmem>> -> memref<1x80xi32, #tpu.memory_space<vmem>>
    %dma_start3A_85 = tpu.memref_squeeze %dma_start3A_84 : memref<1x80xi32, #tpu.memory_space<vmem>> -> memref<80xi32, #tpu.memory_space<vmem>>
    %dma_start3A_86 = arith.constant 0 : i32
    %dma_start3A_87 = arith.constant 0 : i32
    %dma_start3A_88 = tpu.memref_slice %arg2[%dma_start3A_86, %dma_start3A_87] : memref<100000x128xf32, #tpu.memory_space<hbm>> -> memref<100000x128xf32, #tpu.memory_space<hbm>>
    tpu.enqueue_indirect_dma source(%dma_start3A_88 : memref<100000x128xf32, #tpu.memory_space<hbm>>) target(%dma_start3A_82 : memref<80x128xf32, #tpu.memory_space<vmem>>) offsets(%dma_start3A_85 : memref<80xi32, #tpu.memory_space<vmem>>) semaphore(%arg16 : memref<!tpu.dma_semaphore, #tpu.memory_space<semaphore_mem>>)
    %dma_start3A_89 = arith.constant 1 : i32
    %dma_start3A_90 = arith.constant 160 : i32
    %dma_start3A_91 = arith.constant 0 : i32
    %dma_start3A_92 = tpu.memref_slice %arg12[%dma_start3A_90, %dma_start3A_91] : memref<176x128xf32, #tpu.memory_space<vmem>> -> memref<16x128xf32, #tpu.memory_space<vmem>>
    %dma_start3A_93 = arith.constant 0 : i32
    %dma_start3A_94 = tpu.memref_slice %arg9[%dma_start3A_89, %dma_start3A_93] : memref<88x16xi32, #tpu.memory_space<vmem>> -> memref<1x16xi32, #tpu.memory_space<vmem>>
    %dma_start3A_95 = tpu.memref_squeeze %dma_start3A_94 : memref<1x16xi32, #tpu.memory_space<vmem>> -> memref<16xi32, #tpu.memory_space<vmem>>
    %dma_start3A_96 = arith.constant 0 : i32
    %dma_start3A_97 = arith.constant 0 : i32
    %dma_start3A_98 = tpu.memref_slice %arg2[%dma_start3A_96, %dma_start3A_97] : memref<100000x128xf32, #tpu.memory_space<hbm>> -> memref<100000x128xf32, #tpu.memory_space<hbm>>
    tpu.enqueue_indirect_dma source(%dma_start3A_98 : memref<100000x128xf32, #tpu.memory_space<hbm>>) target(%dma_start3A_92 : memref<16x128xf32, #tpu.memory_space<vmem>>) offsets(%dma_start3A_95 : memref<16xi32, #tpu.memory_space<vmem>>) semaphore(%arg16 : memref<!tpu.dma_semaphore, #tpu.memory_space<semaphore_mem>>)
    %scan3A = arith.constant 0 : i32
    %scan3A_99 = arith.constant 0 : i32
    %scan3A_100 = arith.constant 16 : i32
    %scan3A_101 = arith.addi %scan3A_99, %scan3A_100 : i32
    %scan3A_102 = arith.constant 1 : i32
    scf.for %scan3A_244 = %scan3A_99 to %scan3A_101 step %scan3A_102  : i32 {
      %mul3A_245 = arith.constant 10 : i32
      %mul3A_246 = arith.muli %scan3A_244, %mul3A_245 : i32
      %add3A_247 = arith.constant 0 : i32
      %add3A_248 = arith.addi %mul3A_246, %add3A_247 : i32
      %get3A = arith.index_cast %add3A_248 : i32 to index
      %get3A_249 = arith.constant 0 : index
      %get3A_250 = tpu.vector_load %arg11[%get3A, %get3A_249] {strides = array<i32>} : memref<176x128xf32, #tpu.memory_space<vmem>>, vector<1x16xf32>,
      %get3A_251 = vector.shape_cast %get3A_250 : vector<1x16xf32> to vector<16xf32>
      %add3A_252 = arith.constant 1 : i32
      %add3A_253 = arith.addi %mul3A_246, %add3A_252 : i32
      %get3A_254 = arith.index_cast %add3A_253 : i32 to index
      %get3A_255 = arith.constant 0 : index
      %get3A_256 = tpu.vector_load %arg11[%get3A_254, %get3A_255] {strides = array<i32>} : memref<176x128xf32, #tpu.memory_space<vmem>>, vector<1x16xf32>,
      %get3A_257 = vector.shape_cast %get3A_256 : vector<1x16xf32> to vector<16xf32>
      %add3A_258 = arith.constant 2 : i32
      %add3A_259 = arith.addi %mul3A_246, %add3A_258 : i32
      %get3A_260 = arith.index_cast %add3A_259 : i32 to index
      %get3A_261 = arith.constant 0 : index
      %get3A_262 = tpu.vector_load %arg11[%get3A_260, %get3A_261] {strides = array<i32>} : memref<176x128xf32, #tpu.memory_space<vmem>>, vector<1x16xf32>,
      %get3A_263 = vector.shape_cast %get3A_262 : vector<1x16xf32> to vector<16xf32>
      %add3A_264 = arith.constant 3 : i32
      %add3A_265 = arith.addi %mul3A_246, %add3A_264 : i32
      %get3A_266 = arith.index_cast %add3A_265 : i32 to index
      %get3A_267 = arith.constant 0 : index
      %get3A_268 = tpu.vector_load %arg11[%get3A_266, %get3A_267] {strides = array<i32>} : memref<176x128xf32, #tpu.memory_space<vmem>>, vector<1x16xf32>,
      %get3A_269 = vector.shape_cast %get3A_268 : vector<1x16xf32> to vector<16xf32>
      %add3A_270 = arith.constant 4 : i32
      %add3A_271 = arith.addi %mul3A_246, %add3A_270 : i32
      %get3A_272 = arith.index_cast %add3A_271 : i32 to index
      %get3A_273 = arith.constant 0 : index
      %get3A_274 = tpu.vector_load %arg11[%get3A_272, %get3A_273] {strides = array<i32>} : memref<176x128xf32, #tpu.memory_space<vmem>>, vector<1x16xf32>,
      %get3A_275 = vector.shape_cast %get3A_274 : vector<1x16xf32> to vector<16xf32>
      %add3A_276 = arith.constant 5 : i32
      %add3A_277 = arith.addi %mul3A_246, %add3A_276 : i32
      %get3A_278 = arith.index_cast %add3A_277 : i32 to index
      %get3A_279 = arith.constant 0 : index
      %get3A_280 = tpu.vector_load %arg11[%get3A_278, %get3A_279] {strides = array<i32>} : memref<176x128xf32, #tpu.memory_space<vmem>>, vector<1x16xf32>,
      %get3A_281 = vector.shape_cast %get3A_280 : vector<1x16xf32> to vector<16xf32>
      %add3A_282 = arith.constant 6 : i32
      %add3A_283 = arith.addi %mul3A_246, %add3A_282 : i32
      %get3A_284 = arith.index_cast %add3A_283 : i32 to index
      %get3A_285 = arith.constant 0 : index
      %get3A_286 = tpu.vector_load %arg11[%get3A_284, %get3A_285] {strides = array<i32>} : memref<176x128xf32, #tpu.memory_space<vmem>>, vector<1x16xf32>,
      %get3A_287 = vector.shape_cast %get3A_286 : vector<1x16xf32> to vector<16xf32>
      %add3A_288 = arith.constant 7 : i32
      %add3A_289 = arith.addi %mul3A_246, %add3A_288 : i32
      %get3A_290 = arith.index_cast %add3A_289 : i32 to index
      %get3A_291 = arith.constant 0 : index
      %get3A_292 = tpu.vector_load %arg11[%get3A_290, %get3A_291] {strides = array<i32>} : memref<176x128xf32, #tpu.memory_space<vmem>>, vector<1x16xf32>,
      %get3A_293 = vector.shape_cast %get3A_292 : vector<1x16xf32> to vector<16xf32>
      %add3A_294 = arith.constant 8 : i32
      %add3A_295 = arith.addi %mul3A_246, %add3A_294 : i32
      %get3A_296 = arith.index_cast %add3A_295 : i32 to index
      %get3A_297 = arith.constant 0 : index
      %get3A_298 = tpu.vector_load %arg11[%get3A_296, %get3A_297] {strides = array<i32>} : memref<176x128xf32, #tpu.memory_space<vmem>>, vector<1x16xf32>,
      %get3A_299 = vector.shape_cast %get3A_298 : vector<1x16xf32> to vector<16xf32>
      %add3A_300 = arith.constant 9 : i32
      %add3A_301 = arith.addi %mul3A_246, %add3A_300 : i32
      %get3A_302 = arith.index_cast %add3A_301 : i32 to index
      %get3A_303 = arith.constant 0 : index
      %get3A_304 = tpu.vector_load %arg11[%get3A_302, %get3A_303] {strides = array<i32>} : memref<176x128xf32, #tpu.memory_space<vmem>>, vector<1x16xf32>,
      %get3A_305 = vector.shape_cast %get3A_304 : vector<1x16xf32> to vector<16xf32>
      %add3A_306 = arith.addf %get3A_251, %get3A_257 : vector<16xf32>
      %add3A_307 = arith.addf %get3A_263, %get3A_269 : vector<16xf32>
      %add3A_308 = arith.addf %get3A_275, %get3A_281 : vector<16xf32>
      %add3A_309 = arith.addf %get3A_287, %get3A_293 : vector<16xf32>
      %add3A_310 = arith.addf %get3A_299, %get3A_305 : vector<16xf32>
      %add3A_311 = arith.addf %add3A_306, %add3A_307 : vector<16xf32>
      %add3A_312 = arith.addf %add3A_308, %add3A_309 : vector<16xf32>
      %add3A_313 = arith.addf %add3A_311, %add3A_312 : vector<16xf32>
      %add3A_314 = arith.addf %add3A_313, %add3A_310 : vector<16xf32>
      %swap3A = arith.index_cast %scan3A_244 : i32 to index
      %swap3A_315 = arith.constant 0 : index
      %swap3A_316 = tpu.vector_load %arg13[%swap3A, %swap3A_315] {strides = array<i32>} : memref<16x128xf32, #tpu.memory_space<vmem>>, vector<1x16xf32>,
      %swap3A_317 = vector.shape_cast %swap3A_316 : vector<1x16xf32> to vector<16xf32>
      %swap3A_318 = vector.shape_cast %add3A_314 : vector<16xf32> to vector<1x16xf32>
      tpu.vector_store %arg13[%swap3A, %swap3A_315], %swap3A_318 {strides = array<i32>} : memref<16x128xf32, #tpu.memory_space<vmem>>, vector<1x16xf32>,
      %add3A_319 = arith.constant 0 : i32
      %add3A_320 = arith.addi %mul3A_246, %add3A_319 : i32
      %get3A_321 = arith.index_cast %add3A_320 : i32 to index
      %get3A_322 = arith.constant 16 : index
      %get3A_323 = tpu.vector_load %arg11[%get3A_321, %get3A_322] {strides = array<i32>} : memref<176x128xf32, #tpu.memory_space<vmem>>, vector<1x16xf32>,
      %get3A_324 = vector.shape_cast %get3A_323 : vector<1x16xf32> to vector<16xf32>
      %add3A_325 = arith.constant 1 : i32
      %add3A_326 = arith.addi %mul3A_246, %add3A_325 : i32
      %get3A_327 = arith.index_cast %add3A_326 : i32 to index
      %get3A_328 = arith.constant 16 : index
      %get3A_329 = tpu.vector_load %arg11[%get3A_327, %get3A_328] {strides = array<i32>} : memref<176x128xf32, #tpu.memory_space<vmem>>, vector<1x16xf32>,
      %get3A_330 = vector.shape_cast %get3A_329 : vector<1x16xf32> to vector<16xf32>
      %add3A_331 = arith.constant 2 : i32
      %add3A_332 = arith.addi %mul3A_246, %add3A_331 : i32
      %get3A_333 = arith.index_cast %add3A_332 : i32 to index
      %get3A_334 = arith.constant 16 : index
      %get3A_335 = tpu.vector_load %arg11[%get3A_333, %get3A_334] {strides = array<i32>} : memref<176x128xf32, #tpu.memory_space<vmem>>, vector<1x16xf32>,
      %get3A_336 = vector.shape_cast %get3A_335 : vector<1x16xf32> to vector<16xf32>
      %add3A_337 = arith.constant 3 : i32
      %add3A_338 = arith.addi %mul3A_246, %add3A_337 : i32
      %get3A_339 = arith.index_cast %add3A_338 : i32 to index
      %get3A_340 = arith.constant 16 : index
      %get3A_341 = tpu.vector_load %arg11[%get3A_339, %get3A_340] {strides = array<i32>} : memref<176x128xf32, #tpu.memory_space<vmem>>, vector<1x16xf32>,
      %get3A_342 = vector.shape_cast %get3A_341 : vector<1x16xf32> to vector<16xf32>
      %add3A_343 = arith.constant 4 : i32
      %add3A_344 = arith.addi %mul3A_246, %add3A_343 : i32
      %get3A_345 = arith.index_cast %add3A_344 : i32 to index
      %get3A_346 = arith.constant 16 : index
      %get3A_347 = tpu.vector_load %arg11[%get3A_345, %get3A_346] {strides = array<i32>} : memref<176x128xf32, #tpu.memory_space<vmem>>, vector<1x16xf32>,
      %get3A_348 = vector.shape_cast %get3A_347 : vector<1x16xf32> to vector<16xf32>
      %add3A_349 = arith.constant 5 : i32
      %add3A_350 = arith.addi %mul3A_246, %add3A_349 : i32
      %get3A_351 = arith.index_cast %add3A_350 : i32 to index
      %get3A_352 = arith.constant 16 : index
      %get3A_353 = tpu.vector_load %arg11[%get3A_351, %get3A_352] {strides = array<i32>} : memref<176x128xf32, #tpu.memory_space<vmem>>, vector<1x16xf32>,
      %get3A_354 = vector.shape_cast %get3A_353 : vector<1x16xf32> to vector<16xf32>
      %add3A_355 = arith.constant 6 : i32
      %add3A_356 = arith.addi %mul3A_246, %add3A_355 : i32
      %get3A_357 = arith.index_cast %add3A_356 : i32 to index
      %get3A_358 = arith.constant 16 : index
      %get3A_359 = tpu.vector_load %arg11[%get3A_357, %get3A_358] {strides = array<i32>} : memref<176x128xf32, #tpu.memory_space<vmem>>, vector<1x16xf32>,
      %get3A_360 = vector.shape_cast %get3A_359 : vector<1x16xf32> to vector<16xf32>
      %add3A_361 = arith.constant 7 : i32
      %add3A_362 = arith.addi %mul3A_246, %add3A_361 : i32
      %get3A_363 = arith.index_cast %add3A_362 : i32 to index
      %get3A_364 = arith.constant 16 : index
      %get3A_365 = tpu.vector_load %arg11[%get3A_363, %get3A_364] {strides = array<i32>} : memref<176x128xf32, #tpu.memory_space<vmem>>, vector<1x16xf32>,
      %get3A_366 = vector.shape_cast %get3A_365 : vector<1x16xf32> to vector<16xf32>
      %add3A_367 = arith.constant 8 : i32
      %add3A_368 = arith.addi %mul3A_246, %add3A_367 : i32
      %get3A_369 = arith.index_cast %add3A_368 : i32 to index
      %get3A_370 = arith.constant 16 : index
      %get3A_371 = tpu.vector_load %arg11[%get3A_369, %get3A_370] {strides = array<i32>} : memref<176x128xf32, #tpu.memory_space<vmem>>, vector<1x16xf32>,
      %get3A_372 = vector.shape_cast %get3A_371 : vector<1x16xf32> to vector<16xf32>
      %add3A_373 = arith.constant 9 : i32
      %add3A_374 = arith.addi %mul3A_246, %add3A_373 : i32
      %get3A_375 = arith.index_cast %add3A_374 : i32 to index
      %get3A_376 = arith.constant 16 : index
      %get3A_377 = tpu.vector_load %arg11[%get3A_375, %get3A_376] {strides = array<i32>} : memref<176x128xf32, #tpu.memory_space<vmem>>, vector<1x16xf32>,
      %get3A_378 = vector.shape_cast %get3A_377 : vector<1x16xf32> to vector<16xf32>
      %add3A_379 = arith.addf %get3A_324, %get3A_330 : vector<16xf32>
      %add3A_380 = arith.addf %get3A_336, %get3A_342 : vector<16xf32>
      %add3A_381 = arith.addf %get3A_348, %get3A_354 : vector<16xf32>
      %add3A_382 = arith.addf %get3A_360, %get3A_366 : vector<16xf32>
      %add3A_383 = arith.addf %get3A_372, %get3A_378 : vector<16xf32>
      %add3A_384 = arith.addf %add3A_379, %add3A_380 : vector<16xf32>
      %add3A_385 = arith.addf %add3A_381, %add3A_382 : vector<16xf32>
      %add3A_386 = arith.addf %add3A_384, %add3A_385 : vector<16xf32>
      %add3A_387 = arith.addf %add3A_386, %add3A_383 : vector<16xf32>
      %swap3A_388 = arith.index_cast %scan3A_244 : i32 to index
      %swap3A_389 = arith.constant 16 : index
      %swap3A_390 = tpu.vector_load %arg13[%swap3A_388, %swap3A_389] {strides = array<i32>} : memref<16x128xf32, #tpu.memory_space<vmem>>, vector<1x16xf32>,
      %swap3A_391 = vector.shape_cast %swap3A_390 : vector<1x16xf32> to vector<16xf32>
      %swap3A_392 = vector.shape_cast %add3A_387 : vector<16xf32> to vector<1x16xf32>
      tpu.vector_store %arg13[%swap3A_388, %swap3A_389], %swap3A_392 {strides = array<i32>} : memref<16x128xf32, #tpu.memory_space<vmem>>, vector<1x16xf32>,
      %add3A_393 = arith.constant 0 : i32
      %add3A_394 = arith.addi %mul3A_246, %add3A_393 : i32
      %get3A_395 = arith.index_cast %add3A_394 : i32 to index
      %get3A_396 = arith.constant 32 : index
      %get3A_397 = tpu.vector_load %arg11[%get3A_395, %get3A_396] {strides = array<i32>} : memref<176x128xf32, #tpu.memory_space<vmem>>, vector<1x16xf32>,
      %get3A_398 = vector.shape_cast %get3A_397 : vector<1x16xf32> to vector<16xf32>
      %add3A_399 = arith.constant 1 : i32
      %add3A_400 = arith.addi %mul3A_246, %add3A_399 : i32
      %get3A_401 = arith.index_cast %add3A_400 : i32 to index
      %get3A_402 = arith.constant 32 : index
      %get3A_403 = tpu.vector_load %arg11[%get3A_401, %get3A_402] {strides = array<i32>} : memref<176x128xf32, #tpu.memory_space<vmem>>, vector<1x16xf32>,
      %get3A_404 = vector.shape_cast %get3A_403 : vector<1x16xf32> to vector<16xf32>
      %add3A_405 = arith.constant 2 : i32
      %add3A_406 = arith.addi %mul3A_246, %add3A_405 : i32
      %get3A_407 = arith.index_cast %add3A_406 : i32 to index
      %get3A_408 = arith.constant 32 : index
      %get3A_409 = tpu.vector_load %arg11[%get3A_407, %get3A_408] {strides = array<i32>} : memref<176x128xf32, #tpu.memory_space<vmem>>, vector<1x16xf32>,
      %get3A_410 = vector.shape_cast %get3A_409 : vector<1x16xf32> to vector<16xf32>
      %add3A_411 = arith.constant 3 : i32
      %add3A_412 = arith.addi %mul3A_246, %add3A_411 : i32
      %get3A_413 = arith.index_cast %add3A_412 : i32 to index
      %get3A_414 = arith.constant 32 : index
      %get3A_415 = tpu.vector_load %arg11[%get3A_413, %get3A_414] {strides = array<i32>} : memref<176x128xf32, #tpu.memory_space<vmem>>, vector<1x16xf32>,
      %get3A_416 = vector.shape_cast %get3A_415 : vector<1x16xf32> to vector<16xf32>
      %add3A_417 = arith.constant 4 : i32
      %add3A_418 = arith.addi %mul3A_246, %add3A_417 : i32
      %get3A_419 = arith.index_cast %add3A_418 : i32 to index
      %get3A_420 = arith.constant 32 : index
      %get3A_421 = tpu.vector_load %arg11[%get3A_419, %get3A_420] {strides = array<i32>} : memref<176x128xf32, #tpu.memory_space<vmem>>, vector<1x16xf32>,
      %get3A_422 = vector.shape_cast %get3A_421 : vector<1x16xf32> to vector<16xf32>
      %add3A_423 = arith.constant 5 : i32
      %add3A_424 = arith.addi %mul3A_246, %add3A_423 : i32
      %get3A_425 = arith.index_cast %add3A_424 : i32 to index
      %get3A_426 = arith.constant 32 : index
      %get3A_427 = tpu.vector_load %arg11[%get3A_425, %get3A_426] {strides = array<i32>} : memref<176x128xf32, #tpu.memory_space<vmem>>, vector<1x16xf32>,
      %get3A_428 = vector.shape_cast %get3A_427 : vector<1x16xf32> to vector<16xf32>
      %add3A_429 = arith.constant 6 : i32
      %add3A_430 = arith.addi %mul3A_246, %add3A_429 : i32
      %get3A_431 = arith.index_cast %add3A_430 : i32 to index
      %get3A_432 = arith.constant 32 : index
      %get3A_433 = tpu.vector_load %arg11[%get3A_431, %get3A_432] {strides = array<i32>} : memref<176x128xf32, #tpu.memory_space<vmem>>, vector<1x16xf32>,
      %get3A_434 = vector.shape_cast %get3A_433 : vector<1x16xf32> to vector<16xf32>
      %add3A_435 = arith.constant 7 : i32
      %add3A_436 = arith.addi %mul3A_246, %add3A_435 : i32
      %get3A_437 = arith.index_cast %add3A_436 : i32 to index
      %get3A_438 = arith.constant 32 : index
      %get3A_439 = tpu.vector_load %arg11[%get3A_437, %get3A_438] {strides = array<i32>} : memref<176x128xf32, #tpu.memory_space<vmem>>, vector<1x16xf32>,
      %get3A_440 = vector.shape_cast %get3A_439 : vector<1x16xf32> to vector<16xf32>
      %add3A_441 = arith.constant 8 : i32
      %add3A_442 = arith.addi %mul3A_246, %add3A_441 : i32
      %get3A_443 = arith.index_cast %add3A_442 : i32 to index
      %get3A_444 = arith.constant 32 : index
      %get3A_445 = tpu.vector_load %arg11[%get3A_443, %get3A_444] {strides = array<i32>} : memref<176x128xf32, #tpu.memory_space<vmem>>, vector<1x16xf32>,
      %get3A_446 = vector.shape_cast %get3A_445 : vector<1x16xf32> to vector<16xf32>
      %add3A_447 = arith.constant 9 : i32
      %add3A_448 = arith.addi %mul3A_246, %add3A_447 : i32
      %get3A_449 = arith.index_cast %add3A_448 : i32 to index
      %get3A_450 = arith.constant 32 : index
      %get3A_451 = tpu.vector_load %arg11[%get3A_449, %get3A_450] {strides = array<i32>} : memref<176x128xf32, #tpu.memory_space<vmem>>, vector<1x16xf32>,
      %get3A_452 = vector.shape_cast %get3A_451 : vector<1x16xf32> to vector<16xf32>
      %add3A_453 = arith.addf %get3A_398, %get3A_404 : vector<16xf32>
      %add3A_454 = arith.addf %get3A_410, %get3A_416 : vector<16xf32>
      %add3A_455 = arith.addf %get3A_422, %get3A_428 : vector<16xf32>
      %add3A_456 = arith.addf %get3A_434, %get3A_440 : vector<16xf32>
      %add3A_457 = arith.addf %get3A_446, %get3A_452 : vector<16xf32>
      %add3A_458 = arith.addf %add3A_453, %add3A_454 : vector<16xf32>
      %add3A_459 = arith.addf %add3A_455, %add3A_456 : vector<16xf32>
      %add3A_460 = arith.addf %add3A_458, %add3A_459 : vector<16xf32>
      %add3A_461 = arith.addf %add3A_460, %add3A_457 : vector<16xf32>
      %swap3A_462 = arith.index_cast %scan3A_244 : i32 to index
      %swap3A_463 = arith.constant 32 : index
      %swap3A_464 = tpu.vector_load %arg13[%swap3A_462, %swap3A_463] {strides = array<i32>} : memref<16x128xf32, #tpu.memory_space<vmem>>, vector<1x16xf32>,
      %swap3A_465 = vector.shape_cast %swap3A_464 : vector<1x16xf32> to vector<16xf32>
      %swap3A_466 = vector.shape_cast %add3A_461 : vector<16xf32> to vector<1x16xf32>
      tpu.vector_store %arg13[%swap3A_462, %swap3A_463], %swap3A_466 {strides = array<i32>} : memref<16x128xf32, #tpu.memory_space<vmem>>, vector<1x16xf32>,
      %add3A_467 = arith.constant 0 : i32
      %add3A_468 = arith.addi %mul3A_246, %add3A_467 : i32
      %get3A_469 = arith.index_cast %add3A_468 : i32 to index
      %get3A_470 = arith.constant 48 : index
      %get3A_471 = tpu.vector_load %arg11[%get3A_469, %get3A_470] {strides = array<i32>} : memref<176x128xf32, #tpu.memory_space<vmem>>, vector<1x16xf32>,
      %get3A_472 = vector.shape_cast %get3A_471 : vector<1x16xf32> to vector<16xf32>
      %add3A_473 = arith.constant 1 : i32
      %add3A_474 = arith.addi %mul3A_246, %add3A_473 : i32
      %get3A_475 = arith.index_cast %add3A_474 : i32 to index
      %get3A_476 = arith.constant 48 : index
      %get3A_477 = tpu.vector_load %arg11[%get3A_475, %get3A_476] {strides = array<i32>} : memref<176x128xf32, #tpu.memory_space<vmem>>, vector<1x16xf32>,
      %get3A_478 = vector.shape_cast %get3A_477 : vector<1x16xf32> to vector<16xf32>
      %add3A_479 = arith.constant 2 : i32
      %add3A_480 = arith.addi %mul3A_246, %add3A_479 : i32
      %get3A_481 = arith.index_cast %add3A_480 : i32 to index
      %get3A_482 = arith.constant 48 : index
      %get3A_483 = tpu.vector_load %arg11[%get3A_481, %get3A_482] {strides = array<i32>} : memref<176x128xf32, #tpu.memory_space<vmem>>, vector<1x16xf32>,
      %get3A_484 = vector.shape_cast %get3A_483 : vector<1x16xf32> to vector<16xf32>
      %add3A_485 = arith.constant 3 : i32
      %add3A_486 = arith.addi %mul3A_246, %add3A_485 : i32
      %get3A_487 = arith.index_cast %add3A_486 : i32 to index
      %get3A_488 = arith.constant 48 : index
      %get3A_489 = tpu.vector_load %arg11[%get3A_487, %get3A_488] {strides = array<i32>} : memref<176x128xf32, #tpu.memory_space<vmem>>, vector<1x16xf32>,
      %get3A_490 = vector.shape_cast %get3A_489 : vector<1x16xf32> to vector<16xf32>
      %add3A_491 = arith.constant 4 : i32
      %add3A_492 = arith.addi %mul3A_246, %add3A_491 : i32
      %get3A_493 = arith.index_cast %add3A_492 : i32 to index
      %get3A_494 = arith.constant 48 : index
      %get3A_495 = tpu.vector_load %arg11[%get3A_493, %get3A_494] {strides = array<i32>} : memref<176x128xf32, #tpu.memory_space<vmem>>, vector<1x16xf32>,
      %get3A_496 = vector.shape_cast %get3A_495 : vector<1x16xf32> to vector<16xf32>
      %add3A_497 = arith.constant 5 : i32
      %add3A_498 = arith.addi %mul3A_246, %add3A_497 : i32
      %get3A_499 = arith.index_cast %add3A_498 : i32 to index
      %get3A_500 = arith.constant 48 : index
      %get3A_501 = tpu.vector_load %arg11[%get3A_499, %get3A_500] {strides = array<i32>} : memref<176x128xf32, #tpu.memory_space<vmem>>, vector<1x16xf32>,
      %get3A_502 = vector.shape_cast %get3A_501 : vector<1x16xf32> to vector<16xf32>
      %add3A_503 = arith.constant 6 : i32
      %add3A_504 = arith.addi %mul3A_246, %add3A_503 : i32
      %get3A_505 = arith.index_cast %add3A_504 : i32 to index
      %get3A_506 = arith.constant 48 : index
      %get3A_507 = tpu.vector_load %arg11[%get3A_505, %get3A_506] {strides = array<i32>} : memref<176x128xf32, #tpu.memory_space<vmem>>, vector<1x16xf32>,
      %get3A_508 = vector.shape_cast %get3A_507 : vector<1x16xf32> to vector<16xf32>
      %add3A_509 = arith.constant 7 : i32
      %add3A_510 = arith.addi %mul3A_246, %add3A_509 : i32
      %get3A_511 = arith.index_cast %add3A_510 : i32 to index
      %get3A_512 = arith.constant 48 : index
      %get3A_513 = tpu.vector_load %arg11[%get3A_511, %get3A_512] {strides = array<i32>} : memref<176x128xf32, #tpu.memory_space<vmem>>, vector<1x16xf32>,
      %get3A_514 = vector.shape_cast %get3A_513 : vector<1x16xf32> to vector<16xf32>
      %add3A_515 = arith.constant 8 : i32
      %add3A_516 = arith.addi %mul3A_246, %add3A_515 : i32
      %get3A_517 = arith.index_cast %add3A_516 : i32 to index
      %get3A_518 = arith.constant 48 : index
      %get3A_519 = tpu.vector_load %arg11[%get3A_517, %get3A_518] {strides = array<i32>} : memref<176x128xf32, #tpu.memory_space<vmem>>, vector<1x16xf32>,
      %get3A_520 = vector.shape_cast %get3A_519 : vector<1x16xf32> to vector<16xf32>
      %add3A_521 = arith.constant 9 : i32
      %add3A_522 = arith.addi %mul3A_246, %add3A_521 : i32
      %get3A_523 = arith.index_cast %add3A_522 : i32 to index
      %get3A_524 = arith.constant 48 : index
      %get3A_525 = tpu.vector_load %arg11[%get3A_523, %get3A_524] {strides = array<i32>} : memref<176x128xf32, #tpu.memory_space<vmem>>, vector<1x16xf32>,
      %get3A_526 = vector.shape_cast %get3A_525 : vector<1x16xf32> to vector<16xf32>
      %add3A_527 = arith.addf %get3A_472, %get3A_478 : vector<16xf32>
      %add3A_528 = arith.addf %get3A_484, %get3A_490 : vector<16xf32>
      %add3A_529 = arith.addf %get3A_496, %get3A_502 : vector<16xf32>
      %add3A_530 = arith.addf %get3A_508, %get3A_514 : vector<16xf32>
      %add3A_531 = arith.addf %get3A_520, %get3A_526 : vector<16xf32>
      %add3A_532 = arith.addf %add3A_527, %add3A_528 : vector<16xf32>
      %add3A_533 = arith.addf %add3A_529, %add3A_530 : vector<16xf32>
      %add3A_534 = arith.addf %add3A_532, %add3A_533 : vector<16xf32>
      %add3A_535 = arith.addf %add3A_534, %add3A_531 : vector<16xf32>
      %swap3A_536 = arith.index_cast %scan3A_244 : i32 to index
      %swap3A_537 = arith.constant 48 : index
      %swap3A_538 = tpu.vector_load %arg13[%swap3A_536, %swap3A_537] {strides = array<i32>} : memref<16x128xf32, #tpu.memory_space<vmem>>, vector<1x16xf32>,
      %swap3A_539 = vector.shape_cast %swap3A_538 : vector<1x16xf32> to vector<16xf32>
      %swap3A_540 = vector.shape_cast %add3A_535 : vector<16xf32> to vector<1x16xf32>
      tpu.vector_store %arg13[%swap3A_536, %swap3A_537], %swap3A_540 {strides = array<i32>} : memref<16x128xf32, #tpu.memory_space<vmem>>, vector<1x16xf32>,
      %add3A_541 = arith.constant 0 : i32
      %add3A_542 = arith.addi %mul3A_246, %add3A_541 : i32
      %get3A_543 = arith.index_cast %add3A_542 : i32 to index
      %get3A_544 = arith.constant 64 : index
      %get3A_545 = tpu.vector_load %arg11[%get3A_543, %get3A_544] {strides = array<i32>} : memref<176x128xf32, #tpu.memory_space<vmem>>, vector<1x16xf32>,
      %get3A_546 = vector.shape_cast %get3A_545 : vector<1x16xf32> to vector<16xf32>
      %add3A_547 = arith.constant 1 : i32
      %add3A_548 = arith.addi %mul3A_246, %add3A_547 : i32
      %get3A_549 = arith.index_cast %add3A_548 : i32 to index
      %get3A_550 = arith.constant 64 : index
      %get3A_551 = tpu.vector_load %arg11[%get3A_549, %get3A_550] {strides = array<i32>} : memref<176x128xf32, #tpu.memory_space<vmem>>, vector<1x16xf32>,
      %get3A_552 = vector.shape_cast %get3A_551 : vector<1x16xf32> to vector<16xf32>
      %add3A_553 = arith.constant 2 : i32
      %add3A_554 = arith.addi %mul3A_246, %add3A_553 : i32
      %get3A_555 = arith.index_cast %add3A_554 : i32 to index
      %get3A_556 = arith.constant 64 : index
      %get3A_557 = tpu.vector_load %arg11[%get3A_555, %get3A_556] {strides = array<i32>} : memref<176x128xf32, #tpu.memory_space<vmem>>, vector<1x16xf32>,
      %get3A_558 = vector.shape_cast %get3A_557 : vector<1x16xf32> to vector<16xf32>
      %add3A_559 = arith.constant 3 : i32
      %add3A_560 = arith.addi %mul3A_246, %add3A_559 : i32
      %get3A_561 = arith.index_cast %add3A_560 : i32 to index
      %get3A_562 = arith.constant 64 : index
      %get3A_563 = tpu.vector_load %arg11[%get3A_561, %get3A_562] {strides = array<i32>} : memref<176x128xf32, #tpu.memory_space<vmem>>, vector<1x16xf32>,
      %get3A_564 = vector.shape_cast %get3A_563 : vector<1x16xf32> to vector<16xf32>
      %add3A_565 = arith.constant 4 : i32
      %add3A_566 = arith.addi %mul3A_246, %add3A_565 : i32
      %get3A_567 = arith.index_cast %add3A_566 : i32 to index
      %get3A_568 = arith.constant 64 : index
      %get3A_569 = tpu.vector_load %arg11[%get3A_567, %get3A_568] {strides = array<i32>} : memref<176x128xf32, #tpu.memory_space<vmem>>, vector<1x16xf32>,
      %get3A_570 = vector.shape_cast %get3A_569 : vector<1x16xf32> to vector<16xf32>
      %add3A_571 = arith.constant 5 : i32
      %add3A_572 = arith.addi %mul3A_246, %add3A_571 : i32
      %get3A_573 = arith.index_cast %add3A_572 : i32 to index
      %get3A_574 = arith.constant 64 : index
      %get3A_575 = tpu.vector_load %arg11[%get3A_573, %get3A_574] {strides = array<i32>} : memref<176x128xf32, #tpu.memory_space<vmem>>, vector<1x16xf32>,
      %get3A_576 = vector.shape_cast %get3A_575 : vector<1x16xf32> to vector<16xf32>
      %add3A_577 = arith.constant 6 : i32
      %add3A_578 = arith.addi %mul3A_246, %add3A_577 : i32
      %get3A_579 = arith.index_cast %add3A_578 : i32 to index
      %get3A_580 = arith.constant 64 : index
      %get3A_581 = tpu.vector_load %arg11[%get3A_579, %get3A_580] {strides = array<i32>} : memref<176x128xf32, #tpu.memory_space<vmem>>, vector<1x16xf32>,
      %get3A_582 = vector.shape_cast %get3A_581 : vector<1x16xf32> to vector<16xf32>
      %add3A_583 = arith.constant 7 : i32
      %add3A_584 = arith.addi %mul3A_246, %add3A_583 : i32
      %get3A_585 = arith.index_cast %add3A_584 : i32 to index
      %get3A_586 = arith.constant 64 : index
      %get3A_587 = tpu.vector_load %arg11[%get3A_585, %get3A_586] {strides = array<i32>} : memref<176x128xf32, #tpu.memory_space<vmem>>, vector<1x16xf32>,
      %get3A_588 = vector.shape_cast %get3A_587 : vector<1x16xf32> to vector<16xf32>
      %add3A_589 = arith.constant 8 : i32
      %add3A_590 = arith.addi %mul3A_246, %add3A_589 : i32
      %get3A_591 = arith.index_cast %add3A_590 : i32 to index
      %get3A_592 = arith.constant 64 : index
      %get3A_593 = tpu.vector_load %arg11[%get3A_591, %get3A_592] {strides = array<i32>} : memref<176x128xf32, #tpu.memory_space<vmem>>, vector<1x16xf32>,
      %get3A_594 = vector.shape_cast %get3A_593 : vector<1x16xf32> to vector<16xf32>
      %add3A_595 = arith.constant 9 : i32
      %add3A_596 = arith.addi %mul3A_246, %add3A_595 : i32
      %get3A_597 = arith.index_cast %add3A_596 : i32 to index
      %get3A_598 = arith.constant 64 : index
      %get3A_599 = tpu.vector_load %arg11[%get3A_597, %get3A_598] {strides = array<i32>} : memref<176x128xf32, #tpu.memory_space<vmem>>, vector<1x16xf32>,
      %get3A_600 = vector.shape_cast %get3A_599 : vector<1x16xf32> to vector<16xf32>
      %add3A_601 = arith.addf %get3A_546, %get3A_552 : vector<16xf32>
      %add3A_602 = arith.addf %get3A_558, %get3A_564 : vector<16xf32>
      %add3A_603 = arith.addf %get3A_570, %get3A_576 : vector<16xf32>
      %add3A_604 = arith.addf %get3A_582, %get3A_588 : vector<16xf32>
      %add3A_605 = arith.addf %get3A_594, %get3A_600 : vector<16xf32>
      %add3A_606 = arith.addf %add3A_601, %add3A_602 : vector<16xf32>
      %add3A_607 = arith.addf %add3A_603, %add3A_604 : vector<16xf32>
      %add3A_608 = arith.addf %add3A_606, %add3A_607 : vector<16xf32>
      %add3A_609 = arith.addf %add3A_608, %add3A_605 : vector<16xf32>
      %swap3A_610 = arith.index_cast %scan3A_244 : i32 to index
      %swap3A_611 = arith.constant 64 : index
      %swap3A_612 = tpu.vector_load %arg13[%swap3A_610, %swap3A_611] {strides = array<i32>} : memref<16x128xf32, #tpu.memory_space<vmem>>, vector<1x16xf32>,
      %swap3A_613 = vector.shape_cast %swap3A_612 : vector<1x16xf32> to vector<16xf32>
      %swap3A_614 = vector.shape_cast %add3A_609 : vector<16xf32> to vector<1x16xf32>
      tpu.vector_store %arg13[%swap3A_610, %swap3A_611], %swap3A_614 {strides = array<i32>} : memref<16x128xf32, #tpu.memory_space<vmem>>, vector<1x16xf32>,
      %add3A_615 = arith.constant 0 : i32
      %add3A_616 = arith.addi %mul3A_246, %add3A_615 : i32
      %get3A_617 = arith.index_cast %add3A_616 : i32 to index
      %get3A_618 = arith.constant 80 : index
      %get3A_619 = tpu.vector_load %arg11[%get3A_617, %get3A_618] {strides = array<i32>} : memref<176x128xf32, #tpu.memory_space<vmem>>, vector<1x16xf32>,
      %get3A_620 = vector.shape_cast %get3A_619 : vector<1x16xf32> to vector<16xf32>
      %add3A_621 = arith.constant 1 : i32
      %add3A_622 = arith.addi %mul3A_246, %add3A_621 : i32
      %get3A_623 = arith.index_cast %add3A_622 : i32 to index
      %get3A_624 = arith.constant 80 : index
      %get3A_625 = tpu.vector_load %arg11[%get3A_623, %get3A_624] {strides = array<i32>} : memref<176x128xf32, #tpu.memory_space<vmem>>, vector<1x16xf32>,
      %get3A_626 = vector.shape_cast %get3A_625 : vector<1x16xf32> to vector<16xf32>
      %add3A_627 = arith.constant 2 : i32
      %add3A_628 = arith.addi %mul3A_246, %add3A_627 : i32
      %get3A_629 = arith.index_cast %add3A_628 : i32 to index
      %get3A_630 = arith.constant 80 : index
      %get3A_631 = tpu.vector_load %arg11[%get3A_629, %get3A_630] {strides = array<i32>} : memref<176x128xf32, #tpu.memory_space<vmem>>, vector<1x16xf32>,
      %get3A_632 = vector.shape_cast %get3A_631 : vector<1x16xf32> to vector<16xf32>
      %add3A_633 = arith.constant 3 : i32
      %add3A_634 = arith.addi %mul3A_246, %add3A_633 : i32
      %get3A_635 = arith.index_cast %add3A_634 : i32 to index
      %get3A_636 = arith.constant 80 : index
      %get3A_637 = tpu.vector_load %arg11[%get3A_635, %get3A_636] {strides = array<i32>} : memref<176x128xf32, #tpu.memory_space<vmem>>, vector<1x16xf32>,
      %get3A_638 = vector.shape_cast %get3A_637 : vector<1x16xf32> to vector<16xf32>
      %add3A_639 = arith.constant 4 : i32
      %add3A_640 = arith.addi %mul3A_246, %add3A_639 : i32
      %get3A_641 = arith.index_cast %add3A_640 : i32 to index
      %get3A_642 = arith.constant 80 : index
      %get3A_643 = tpu.vector_load %arg11[%get3A_641, %get3A_642] {strides = array<i32>} : memref<176x128xf32, #tpu.memory_space<vmem>>, vector<1x16xf32>,
      %get3A_644 = vector.shape_cast %get3A_643 : vector<1x16xf32> to vector<16xf32>
      %add3A_645 = arith.constant 5 : i32
      %add3A_646 = arith.addi %mul3A_246, %add3A_645 : i32
      %get3A_647 = arith.index_cast %add3A_646 : i32 to index
      %get3A_648 = arith.constant 80 : index
      %get3A_649 = tpu.vector_load %arg11[%get3A_647, %get3A_648] {strides = array<i32>} : memref<176x128xf32, #tpu.memory_space<vmem>>, vector<1x16xf32>,
      %get3A_650 = vector.shape_cast %get3A_649 : vector<1x16xf32> to vector<16xf32>
      %add3A_651 = arith.constant 6 : i32
      %add3A_652 = arith.addi %mul3A_246, %add3A_651 : i32
      %get3A_653 = arith.index_cast %add3A_652 : i32 to index
      %get3A_654 = arith.constant 80 : index
      %get3A_655 = tpu.vector_load %arg11[%get3A_653, %get3A_654] {strides = array<i32>} : memref<176x128xf32, #tpu.memory_space<vmem>>, vector<1x16xf32>,
      %get3A_656 = vector.shape_cast %get3A_655 : vector<1x16xf32> to vector<16xf32>
      %add3A_657 = arith.constant 7 : i32
      %add3A_658 = arith.addi %mul3A_246, %add3A_657 : i32
      %get3A_659 = arith.index_cast %add3A_658 : i32 to index
      %get3A_660 = arith.constant 80 : index
      %get3A_661 = tpu.vector_load %arg11[%get3A_659, %get3A_660] {strides = array<i32>} : memref<176x128xf32, #tpu.memory_space<vmem>>, vector<1x16xf32>,
      %get3A_662 = vector.shape_cast %get3A_661 : vector<1x16xf32> to vector<16xf32>
      %add3A_663 = arith.constant 8 : i32
      %add3A_664 = arith.addi %mul3A_246, %add3A_663 : i32
      %get3A_665 = arith.index_cast %add3A_664 : i32 to index
      %get3A_666 = arith.constant 80 : index
      %get3A_667 = tpu.vector_load %arg11[%get3A_665, %get3A_666] {strides = array<i32>} : memref<176x128xf32, #tpu.memory_space<vmem>>, vector<1x16xf32>,
      %get3A_668 = vector.shape_cast %get3A_667 : vector<1x16xf32> to vector<16xf32>
      %add3A_669 = arith.constant 9 : i32
      %add3A_670 = arith.addi %mul3A_246, %add3A_669 : i32
      %get3A_671 = arith.index_cast %add3A_670 : i32 to index
      %get3A_672 = arith.constant 80 : index
      %get3A_673 = tpu.vector_load %arg11[%get3A_671, %get3A_672] {strides = array<i32>} : memref<176x128xf32, #tpu.memory_space<vmem>>, vector<1x16xf32>,
      %get3A_674 = vector.shape_cast %get3A_673 : vector<1x16xf32> to vector<16xf32>
      %add3A_675 = arith.addf %get3A_620, %get3A_626 : vector<16xf32>
      %add3A_676 = arith.addf %get3A_632, %get3A_638 : vector<16xf32>
      %add3A_677 = arith.addf %get3A_644, %get3A_650 : vector<16xf32>
      %add3A_678 = arith.addf %get3A_656, %get3A_662 : vector<16xf32>
      %add3A_679 = arith.addf %get3A_668, %get3A_674 : vector<16xf32>
      %add3A_680 = arith.addf %add3A_675, %add3A_676 : vector<16xf32>
      %add3A_681 = arith.addf %add3A_677, %add3A_678 : vector<16xf32>
      %add3A_682 = arith.addf %add3A_680, %add3A_681 : vector<16xf32>
      %add3A_683 = arith.addf %add3A_682, %add3A_679 : vector<16xf32>
      %swap3A_684 = arith.index_cast %scan3A_244 : i32 to index
      %swap3A_685 = arith.constant 80 : index
      %swap3A_686 = tpu.vector_load %arg13[%swap3A_684, %swap3A_685] {strides = array<i32>} : memref<16x128xf32, #tpu.memory_space<vmem>>, vector<1x16xf32>,
      %swap3A_687 = vector.shape_cast %swap3A_686 : vector<1x16xf32> to vector<16xf32>
      %swap3A_688 = vector.shape_cast %add3A_683 : vector<16xf32> to vector<1x16xf32>
      tpu.vector_store %arg13[%swap3A_684, %swap3A_685], %swap3A_688 {strides = array<i32>} : memref<16x128xf32, #tpu.memory_space<vmem>>, vector<1x16xf32>,
      %add3A_689 = arith.constant 0 : i32
      %add3A_690 = arith.addi %mul3A_246, %add3A_689 : i32
      %get3A_691 = arith.index_cast %add3A_690 : i32 to index
      %get3A_692 = arith.constant 96 : index
      %get3A_693 = tpu.vector_load %arg11[%get3A_691, %get3A_692] {strides = array<i32>} : memref<176x128xf32, #tpu.memory_space<vmem>>, vector<1x16xf32>,
      %get3A_694 = vector.shape_cast %get3A_693 : vector<1x16xf32> to vector<16xf32>
      %add3A_695 = arith.constant 1 : i32
      %add3A_696 = arith.addi %mul3A_246, %add3A_695 : i32
      %get3A_697 = arith.index_cast %add3A_696 : i32 to index
      %get3A_698 = arith.constant 96 : index
      %get3A_699 = tpu.vector_load %arg11[%get3A_697, %get3A_698] {strides = array<i32>} : memref<176x128xf32, #tpu.memory_space<vmem>>, vector<1x16xf32>,
      %get3A_700 = vector.shape_cast %get3A_699 : vector<1x16xf32> to vector<16xf32>
      %add3A_701 = arith.constant 2 : i32
      %add3A_702 = arith.addi %mul3A_246, %add3A_701 : i32
      %get3A_703 = arith.index_cast %add3A_702 : i32 to index
      %get3A_704 = arith.constant 96 : index
      %get3A_705 = tpu.vector_load %arg11[%get3A_703, %get3A_704] {strides = array<i32>} : memref<176x128xf32, #tpu.memory_space<vmem>>, vector<1x16xf32>,
      %get3A_706 = vector.shape_cast %get3A_705 : vector<1x16xf32> to vector<16xf32>
      %add3A_707 = arith.constant 3 : i32
      %add3A_708 = arith.addi %mul3A_246, %add3A_707 : i32
      %get3A_709 = arith.index_cast %add3A_708 : i32 to index
      %get3A_710 = arith.constant 96 : index
      %get3A_711 = tpu.vector_load %arg11[%get3A_709, %get3A_710] {strides = array<i32>} : memref<176x128xf32, #tpu.memory_space<vmem>>, vector<1x16xf32>,
      %get3A_712 = vector.shape_cast %get3A_711 : vector<1x16xf32> to vector<16xf32>
      %add3A_713 = arith.constant 4 : i32
      %add3A_714 = arith.addi %mul3A_246, %add3A_713 : i32
      %get3A_715 = arith.index_cast %add3A_714 : i32 to index
      %get3A_716 = arith.constant 96 : index
      %get3A_717 = tpu.vector_load %arg11[%get3A_715, %get3A_716] {strides = array<i32>} : memref<176x128xf32, #tpu.memory_space<vmem>>, vector<1x16xf32>,
      %get3A_718 = vector.shape_cast %get3A_717 : vector<1x16xf32> to vector<16xf32>
      %add3A_719 = arith.constant 5 : i32
      %add3A_720 = arith.addi %mul3A_246, %add3A_719 : i32
      %get3A_721 = arith.index_cast %add3A_720 : i32 to index
      %get3A_722 = arith.constant 96 : index
      %get3A_723 = tpu.vector_load %arg11[%get3A_721, %get3A_722] {strides = array<i32>} : memref<176x128xf32, #tpu.memory_space<vmem>>, vector<1x16xf32>,
      %get3A_724 = vector.shape_cast %get3A_723 : vector<1x16xf32> to vector<16xf32>
      %add3A_725 = arith.constant 6 : i32
      %add3A_726 = arith.addi %mul3A_246, %add3A_725 : i32
      %get3A_727 = arith.index_cast %add3A_726 : i32 to index
      %get3A_728 = arith.constant 96 : index
      %get3A_729 = tpu.vector_load %arg11[%get3A_727, %get3A_728] {strides = array<i32>} : memref<176x128xf32, #tpu.memory_space<vmem>>, vector<1x16xf32>,
      %get3A_730 = vector.shape_cast %get3A_729 : vector<1x16xf32> to vector<16xf32>
      %add3A_731 = arith.constant 7 : i32
      %add3A_732 = arith.addi %mul3A_246, %add3A_731 : i32
      %get3A_733 = arith.index_cast %add3A_732 : i32 to index
      %get3A_734 = arith.constant 96 : index
      %get3A_735 = tpu.vector_load %arg11[%get3A_733, %get3A_734] {strides = array<i32>} : memref<176x128xf32, #tpu.memory_space<vmem>>, vector<1x16xf32>,
      %get3A_736 = vector.shape_cast %get3A_735 : vector<1x16xf32> to vector<16xf32>
      %add3A_737 = arith.constant 8 : i32
      %add3A_738 = arith.addi %mul3A_246, %add3A_737 : i32
      %get3A_739 = arith.index_cast %add3A_738 : i32 to index
      %get3A_740 = arith.constant 96 : index
      %get3A_741 = tpu.vector_load %arg11[%get3A_739, %get3A_740] {strides = array<i32>} : memref<176x128xf32, #tpu.memory_space<vmem>>, vector<1x16xf32>,
      %get3A_742 = vector.shape_cast %get3A_741 : vector<1x16xf32> to vector<16xf32>
      %add3A_743 = arith.constant 9 : i32
      %add3A_744 = arith.addi %mul3A_246, %add3A_743 : i32
      %get3A_745 = arith.index_cast %add3A_744 : i32 to index
      %get3A_746 = arith.constant 96 : index
      %get3A_747 = tpu.vector_load %arg11[%get3A_745, %get3A_746] {strides = array<i32>} : memref<176x128xf32, #tpu.memory_space<vmem>>, vector<1x16xf32>,
      %get3A_748 = vector.shape_cast %get3A_747 : vector<1x16xf32> to vector<16xf32>
      %add3A_749 = arith.addf %get3A_694, %get3A_700 : vector<16xf32>
      %add3A_750 = arith.addf %get3A_706, %get3A_712 : vector<16xf32>
      %add3A_751 = arith.addf %get3A_718, %get3A_724 : vector<16xf32>
      %add3A_752 = arith.addf %get3A_730, %get3A_736 : vector<16xf32>
      %add3A_753 = arith.addf %get3A_742, %get3A_748 : vector<16xf32>
      %add3A_754 = arith.addf %add3A_749, %add3A_750 : vector<16xf32>
      %add3A_755 = arith.addf %add3A_751, %add3A_752 : vector<16xf32>
      %add3A_756 = arith.addf %add3A_754, %add3A_755 : vector<16xf32>
      %add3A_757 = arith.addf %add3A_756, %add3A_753 : vector<16xf32>
      %swap3A_758 = arith.index_cast %scan3A_244 : i32 to index
      %swap3A_759 = arith.constant 96 : index
      %swap3A_760 = tpu.vector_load %arg13[%swap3A_758, %swap3A_759] {strides = array<i32>} : memref<16x128xf32, #tpu.memory_space<vmem>>, vector<1x16xf32>,
      %swap3A_761 = vector.shape_cast %swap3A_760 : vector<1x16xf32> to vector<16xf32>
      %swap3A_762 = vector.shape_cast %add3A_757 : vector<16xf32> to vector<1x16xf32>
      tpu.vector_store %arg13[%swap3A_758, %swap3A_759], %swap3A_762 {strides = array<i32>} : memref<16x128xf32, #tpu.memory_space<vmem>>, vector<1x16xf32>,
      %add3A_763 = arith.constant 0 : i32
      %add3A_764 = arith.addi %mul3A_246, %add3A_763 : i32
      %get3A_765 = arith.index_cast %add3A_764 : i32 to index
      %get3A_766 = arith.constant 112 : index
      %get3A_767 = tpu.vector_load %arg11[%get3A_765, %get3A_766] {strides = array<i32>} : memref<176x128xf32, #tpu.memory_space<vmem>>, vector<1x16xf32>,
      %get3A_768 = vector.shape_cast %get3A_767 : vector<1x16xf32> to vector<16xf32>
      %add3A_769 = arith.constant 1 : i32
      %add3A_770 = arith.addi %mul3A_246, %add3A_769 : i32
      %get3A_771 = arith.index_cast %add3A_770 : i32 to index
      %get3A_772 = arith.constant 112 : index
      %get3A_773 = tpu.vector_load %arg11[%get3A_771, %get3A_772] {strides = array<i32>} : memref<176x128xf32, #tpu.memory_space<vmem>>, vector<1x16xf32>,
      %get3A_774 = vector.shape_cast %get3A_773 : vector<1x16xf32> to vector<16xf32>
      %add3A_775 = arith.constant 2 : i32
      %add3A_776 = arith.addi %mul3A_246, %add3A_775 : i32
      %get3A_777 = arith.index_cast %add3A_776 : i32 to index
      %get3A_778 = arith.constant 112 : index
      %get3A_779 = tpu.vector_load %arg11[%get3A_777, %get3A_778] {strides = array<i32>} : memref<176x128xf32, #tpu.memory_space<vmem>>, vector<1x16xf32>,
      %get3A_780 = vector.shape_cast %get3A_779 : vector<1x16xf32> to vector<16xf32>
      %add3A_781 = arith.constant 3 : i32
      %add3A_782 = arith.addi %mul3A_246, %add3A_781 : i32
      %get3A_783 = arith.index_cast %add3A_782 : i32 to index
      %get3A_784 = arith.constant 112 : index
      %get3A_785 = tpu.vector_load %arg11[%get3A_783, %get3A_784] {strides = array<i32>} : memref<176x128xf32, #tpu.memory_space<vmem>>, vector<1x16xf32>,
      %get3A_786 = vector.shape_cast %get3A_785 : vector<1x16xf32> to vector<16xf32>
      %add3A_787 = arith.constant 4 : i32
      %add3A_788 = arith.addi %mul3A_246, %add3A_787 : i32
      %get3A_789 = arith.index_cast %add3A_788 : i32 to index
      %get3A_790 = arith.constant 112 : index
      %get3A_791 = tpu.vector_load %arg11[%get3A_789, %get3A_790] {strides = array<i32>} : memref<176x128xf32, #tpu.memory_space<vmem>>, vector<1x16xf32>,
      %get3A_792 = vector.shape_cast %get3A_791 : vector<1x16xf32> to vector<16xf32>
      %add3A_793 = arith.constant 5 : i32
      %add3A_794 = arith.addi %mul3A_246, %add3A_793 : i32
      %get3A_795 = arith.index_cast %add3A_794 : i32 to index
      %get3A_796 = arith.constant 112 : index
      %get3A_797 = tpu.vector_load %arg11[%get3A_795, %get3A_796] {strides = array<i32>} : memref<176x128xf32, #tpu.memory_space<vmem>>, vector<1x16xf32>,
      %get3A_798 = vector.shape_cast %get3A_797 : vector<1x16xf32> to vector<16xf32>
      %add3A_799 = arith.constant 6 : i32
      %add3A_800 = arith.addi %mul3A_246, %add3A_799 : i32
      %get3A_801 = arith.index_cast %add3A_800 : i32 to index
      %get3A_802 = arith.constant 112 : index
      %get3A_803 = tpu.vector_load %arg11[%get3A_801, %get3A_802] {strides = array<i32>} : memref<176x128xf32, #tpu.memory_space<vmem>>, vector<1x16xf32>,
      %get3A_804 = vector.shape_cast %get3A_803 : vector<1x16xf32> to vector<16xf32>
      %add3A_805 = arith.constant 7 : i32
      %add3A_806 = arith.addi %mul3A_246, %add3A_805 : i32
      %get3A_807 = arith.index_cast %add3A_806 : i32 to index
      %get3A_808 = arith.constant 112 : index
      %get3A_809 = tpu.vector_load %arg11[%get3A_807, %get3A_808] {strides = array<i32>} : memref<176x128xf32, #tpu.memory_space<vmem>>, vector<1x16xf32>,
      %get3A_810 = vector.shape_cast %get3A_809 : vector<1x16xf32> to vector<16xf32>
      %add3A_811 = arith.constant 8 : i32
      %add3A_812 = arith.addi %mul3A_246, %add3A_811 : i32
      %get3A_813 = arith.index_cast %add3A_812 : i32 to index
      %get3A_814 = arith.constant 112 : index
      %get3A_815 = tpu.vector_load %arg11[%get3A_813, %get3A_814] {strides = array<i32>} : memref<176x128xf32, #tpu.memory_space<vmem>>, vector<1x16xf32>,
      %get3A_816 = vector.shape_cast %get3A_815 : vector<1x16xf32> to vector<16xf32>
      %add3A_817 = arith.constant 9 : i32
      %add3A_818 = arith.addi %mul3A_246, %add3A_817 : i32
      %get3A_819 = arith.index_cast %add3A_818 : i32 to index
      %get3A_820 = arith.constant 112 : index
      %get3A_821 = tpu.vector_load %arg11[%get3A_819, %get3A_820] {strides = array<i32>} : memref<176x128xf32, #tpu.memory_space<vmem>>, vector<1x16xf32>,
      %get3A_822 = vector.shape_cast %get3A_821 : vector<1x16xf32> to vector<16xf32>
      %add3A_823 = arith.addf %get3A_768, %get3A_774 : vector<16xf32>
      %add3A_824 = arith.addf %get3A_780, %get3A_786 : vector<16xf32>
      %add3A_825 = arith.addf %get3A_792, %get3A_798 : vector<16xf32>
      %add3A_826 = arith.addf %get3A_804, %get3A_810 : vector<16xf32>
      %add3A_827 = arith.addf %get3A_816, %get3A_822 : vector<16xf32>
      %add3A_828 = arith.addf %add3A_823, %add3A_824 : vector<16xf32>
      %add3A_829 = arith.addf %add3A_825, %add3A_826 : vector<16xf32>
      %add3A_830 = arith.addf %add3A_828, %add3A_829 : vector<16xf32>
      %add3A_831 = arith.addf %add3A_830, %add3A_827 : vector<16xf32>
      %swap3A_832 = arith.index_cast %scan3A_244 : i32 to index
      %swap3A_833 = arith.constant 112 : index
      %swap3A_834 = tpu.vector_load %arg13[%swap3A_832, %swap3A_833] {strides = array<i32>} : memref<16x128xf32, #tpu.memory_space<vmem>>, vector<1x16xf32>,
      %swap3A_835 = vector.shape_cast %swap3A_834 : vector<1x16xf32> to vector<16xf32>
      %swap3A_836 = vector.shape_cast %add3A_831 : vector<16xf32> to vector<1x16xf32>
      tpu.vector_store %arg13[%swap3A_832, %swap3A_833], %swap3A_836 {strides = array<i32>} : memref<16x128xf32, #tpu.memory_space<vmem>>, vector<1x16xf32>,
    }
    %scan3A_103 = arith.constant 16 : i32
    %dma_start3A_104 = arith.constant 0 : i32
    %dma_start3A_105 = arith.constant 0 : i32
    %dma_start3A_106 = tpu.memref_slice %arg10[%dma_start3A_104, %dma_start3A_105] : memref<88x16xi32, #tpu.memory_space<vmem>> -> memref<1x16xi32, #tpu.memory_space<vmem>>
    %dma_start3A_107 = tpu.memref_squeeze %dma_start3A_106 : memref<1x16xi32, #tpu.memory_space<vmem>> -> memref<16xi32, #tpu.memory_space<vmem>>
    %dma_start3A_108 = arith.constant 0 : i32
    %dma_start3A_109 = arith.constant 0 : i32
    %dma_start3A_110 = tpu.memref_slice %arg7[%dma_start3A_108, %dma_start3A_109] : memref<45056x128xf32, #tpu.memory_space<hbm>> -> memref<45056x128xf32, #tpu.memory_space<hbm>>
    tpu.enqueue_indirect_dma source(%arg13 : memref<16x128xf32, #tpu.memory_space<vmem>>) target(%dma_start3A_110 : memref<45056x128xf32, #tpu.memory_space<hbm>>) offsets(%dma_start3A_107 : memref<16xi32, #tpu.memory_space<vmem>>) semaphore(%arg19 : memref<!tpu.dma_semaphore, #tpu.memory_space<semaphore_mem>>)
    %dma_wait3A_111 = arith.constant 2 : i32
    %dma_wait3A_112 = arith.constant 0 : i32
    %dma_wait3A_113 = arith.constant 0 : i32
    %dma_wait3A_114 = tpu.memref_slice %arg12[%dma_wait3A_112, %dma_wait3A_113] : memref<176x128xf32, #tpu.memory_space<vmem>> -> memref<80x128xf32, #tpu.memory_space<vmem>>
    %dma_wait3A_115 = arith.constant 0 : i32
    %dma_wait3A_116 = tpu.memref_slice %arg8[%dma_wait3A_111, %dma_wait3A_115] : memref<176x80xi32, #tpu.memory_space<vmem>> -> memref<1x80xi32, #tpu.memory_space<vmem>>
    %dma_wait3A_117 = tpu.memref_squeeze %dma_wait3A_116 : memref<1x80xi32, #tpu.memory_space<vmem>> -> memref<80xi32, #tpu.memory_space<vmem>>
    %dma_wait3A_118 = arith.constant 0 : i32
    %dma_wait3A_119 = arith.constant 0 : i32
    %dma_wait3A_120 = tpu.memref_slice %arg2[%dma_wait3A_118, %dma_wait3A_119] : memref<100000x128xf32, #tpu.memory_space<hbm>> -> memref<100000x128xf32, #tpu.memory_space<hbm>>
    tpu.wait_indirect_dma semaphore(%arg16 : memref<!tpu.dma_semaphore, #tpu.memory_space<semaphore_mem>>) src(%dma_wait3A_120 : memref<100000x128xf32, #tpu.memory_space<hbm>>) dst(%dma_wait3A_114 : memref<80x128xf32, #tpu.memory_space<vmem>>)
    %dma_wait3A_121 = arith.constant 3 : i32
    %dma_wait3A_122 = arith.constant 80 : i32
    %dma_wait3A_123 = arith.constant 0 : i32
    %dma_wait3A_124 = tpu.memref_slice %arg12[%dma_wait3A_122, %dma_wait3A_123] : memref<176x128xf32, #tpu.memory_space<vmem>> -> memref<80x128xf32, #tpu.memory_space<vmem>>
    %dma_wait3A_125 = arith.constant 0 : i32
    %dma_wait3A_126 = tpu.memref_slice %arg8[%dma_wait3A_121, %dma_wait3A_125] : memref<176x80xi32, #tpu.memory_space<vmem>> -> memref<1x80xi32, #tpu.memory_space<vmem>>
    %dma_wait3A_127 = tpu.memref_squeeze %dma_wait3A_126 : memref<1x80xi32, #tpu.memory_space<vmem>> -> memref<80xi32, #tpu.memory_space<vmem>>
    %dma_wait3A_128 = arith.constant 0 : i32
    %dma_wait3A_129 = arith.constant 0 : i32
    %dma_wait3A_130 = tpu.memref_slice %arg2[%dma_wait3A_128, %dma_wait3A_129] : memref<100000x128xf32, #tpu.memory_space<hbm>> -> memref<100000x128xf32, #tpu.memory_space<hbm>>
    tpu.wait_indirect_dma semaphore(%arg16 : memref<!tpu.dma_semaphore, #tpu.memory_space<semaphore_mem>>) src(%dma_wait3A_130 : memref<100000x128xf32, #tpu.memory_space<hbm>>) dst(%dma_wait3A_124 : memref<80x128xf32, #tpu.memory_space<vmem>>)
    %dma_wait3A_131 = arith.constant 1 : i32
    %dma_wait3A_132 = arith.constant 160 : i32
    %dma_wait3A_133 = arith.constant 0 : i32
    %dma_wait3A_134 = tpu.memref_slice %arg12[%dma_wait3A_132, %dma_wait3A_133] : memref<176x128xf32, #tpu.memory_space<vmem>> -> memref<16x128xf32, #tpu.memory_space<vmem>>
    %dma_wait3A_135 = arith.constant 0 : i32
    %dma_wait3A_136 = tpu.memref_slice %arg9[%dma_wait3A_131, %dma_wait3A_135] : memref<88x16xi32, #tpu.memory_space<vmem>> -> memref<1x16xi32, #tpu.memory_space<vmem>>
    %dma_wait3A_137 = tpu.memref_squeeze %dma_wait3A_136 : memref<1x16xi32, #tpu.memory_space<vmem>> -> memref<16xi32, #tpu.memory_space<vmem>>
    %dma_wait3A_138 = arith.constant 0 : i32
    %dma_wait3A_139 = arith.constant 0 : i32
    %dma_wait3A_140 = tpu.memref_slice %arg2[%dma_wait3A_138, %dma_wait3A_139] : memref<100000x128xf32, #tpu.memory_space<hbm>> -> memref<100000x128xf32, #tpu.memory_space<hbm>>
    tpu.wait_indirect_dma semaphore(%arg16 : memref<!tpu.dma_semaphore, #tpu.memory_space<semaphore_mem>>) src(%dma_wait3A_140 : memref<100000x128xf32, #tpu.memory_space<hbm>>) dst(%dma_wait3A_134 : memref<16x128xf32, #tpu.memory_space<vmem>>)
    %dma_start3A_141 = arith.constant 1 : i32
    %dma_start3A_142 = arith.constant 160 : i32
    %dma_start3A_143 = arith.constant 0 : i32
    %dma_start3A_144 = tpu.memref_slice %arg12[%dma_start3A_142, %dma_start3A_143] : memref<176x128xf32, #tpu.memory_space<vmem>> -> memref<16x128xf32, #tpu.memory_space<vmem>>
    %dma_start3A_145 = arith.constant 0 : i32
    %dma_start3A_146 = tpu.memref_slice %arg10[%dma_start3A_141, %dma_start3A_145] : memref<88x16xi32, #tpu.memory_space<vmem>> -> memref<1x16xi32, #tpu.memory_space<vmem>>
    %dma_start3A_147 = tpu.memref_squeeze %dma_start3A_146 : memref<1x16xi32, #tpu.memory_space<vmem>> -> memref<16xi32, #tpu.memory_space<vmem>>
    %dma_start3A_148 = arith.constant 0 : i32
    %dma_start3A_149 = arith.constant 0 : i32
    %dma_start3A_150 = tpu.memref_slice %arg6[%dma_start3A_148, %dma_start3A_149] : memref<45056x128xf32, #tpu.memory_space<hbm>> -> memref<45056x128xf32, #tpu.memory_space<hbm>>
    tpu.enqueue_indirect_dma source(%dma_start3A_144 : memref<16x128xf32, #tpu.memory_space<vmem>>) target(%dma_start3A_150 : memref<45056x128xf32, #tpu.memory_space<hbm>>) offsets(%dma_start3A_147 : memref<16xi32, #tpu.memory_space<vmem>>) semaphore(%arg18 : memref<!tpu.dma_semaphore, #tpu.memory_space<semaphore_mem>>)
    %dma_wait3A_151 = arith.constant 0 : i32
    %dma_wait3A_152 = arith.constant 160 : i32
    %dma_wait3A_153 = arith.constant 0 : i32
    %dma_wait3A_154 = tpu.memref_slice %arg11[%dma_wait3A_152, %dma_wait3A_153] : memref<176x128xf32, #tpu.memory_space<vmem>> -> memref<16x128xf32, #tpu.memory_space<vmem>>
    %dma_wait3A_155 = arith.constant 0 : i32
    %dma_wait3A_156 = tpu.memref_slice %arg10[%dma_wait3A_151, %dma_wait3A_155] : memref<88x16xi32, #tpu.memory_space<vmem>> -> memref<1x16xi32, #tpu.memory_space<vmem>>
    %dma_wait3A_157 = tpu.memref_squeeze %dma_wait3A_156 : memref<1x16xi32, #tpu.memory_space<vmem>> -> memref<16xi32, #tpu.memory_space<vmem>>
    %dma_wait3A_158 = arith.constant 0 : i32
    %dma_wait3A_159 = arith.constant 0 : i32
    %dma_wait3A_160 = tpu.memref_slice %arg6[%dma_wait3A_158, %dma_wait3A_159] : memref<45056x128xf32, #tpu.memory_space<hbm>> -> memref<45056x128xf32, #tpu.memory_space<hbm>>
    tpu.wait_indirect_dma semaphore(%arg17 : memref<!tpu.dma_semaphore, #tpu.memory_space<semaphore_mem>>) src(%dma_wait3A_154 : memref<16x128xf32, #tpu.memory_space<vmem>>) dst(%dma_wait3A_160 : memref<45056x128xf32, #tpu.memory_space<hbm>>)
    %dma_start3A_161 = arith.constant 4 : i32
    %dma_start3A_162 = arith.constant 0 : i32
    %dma_start3A_163 = arith.constant 0 : i32
    %dma_start3A_164 = tpu.memref_slice %arg11[%dma_start3A_162, %dma_start3A_163] : memref<176x128xf32, #tpu.memory_space<vmem>> -> memref<80x128xf32, #tpu.memory_space<vmem>>
    %dma_start3A_165 = arith.constant 0 : i32
    %dma_start3A_166 = tpu.memref_slice %arg8[%dma_start3A_161, %dma_start3A_165] : memref<176x80xi32, #tpu.memory_space<vmem>> -> memref<1x80xi32, #tpu.memory_space<vmem>>
    %dma_start3A_167 = tpu.memref_squeeze %dma_start3A_166 : memref<1x80xi32, #tpu.memory_space<vmem>> -> memref<80xi32, #tpu.memory_space<vmem>>
    %dma_start3A_168 = arith.constant 0 : i32
    %dma_start3A_169 = arith.constant 0 : i32
    %dma_start3A_170 = tpu.memref_slice %arg2[%dma_start3A_168, %dma_start3A_169] : memref<100000x128xf32, #tpu.memory_space<hbm>> -> memref<100000x128xf32, #tpu.memory_space<hbm>>
    tpu.enqueue_indirect_dma source(%dma_start3A_170 : memref<100000x128xf32, #tpu.memory_space<hbm>>) target(%dma_start3A_164 : memref<80x128xf32, #tpu.memory_space<vmem>>) offsets(%dma_start3A_167 : memref<80xi32, #tpu.memory_space<vmem>>) semaphore(%arg15 : memref<!tpu.dma_semaphore, #tpu.memory_space<semaphore_mem>>)
    %dma_start3A_171 = arith.constant 5 : i32
    %dma_start3A_172 = arith.constant 80 : i32
    %dma_start3A_173 = arith.constant 0 : i32
    %dma_start3A_174 = tpu.memref_slice %arg11[%dma_start3A_172, %dma_start3A_173] : memref<176x128xf32, #tpu.memory_space<vmem>> -> memref<80x128xf32, #tpu.memory_space<vmem>>
    %dma_start3A_175 = arith.constant 0 : i32
    %dma_start3A_176 = tpu.memref_slice %arg8[%dma_start3A_171, %dma_start3A_175] : memref<176x80xi32, #tpu.memory_space<vmem>> -> memref<1x80xi32, #tpu.memory_space<vmem>>
    %dma_start3A_177 = tpu.memref_squeeze %dma_start3A_176 : memref<1x80xi32, #tpu.memory_space<vmem>> -> memref<80xi32, #tpu.memory_space<vmem>>
    %dma_start3A_178 = arith.constant 0 : i32
    %dma_start3A_179 = arith.constant 0 : i32
    %dma_start3A_180 = tpu.memref_slice %arg2[%dma_start3A_178, %dma_start3A_179] : memref<100000x128xf32, #tpu.memory_space<hbm>> -> memref<100000x128xf32, #tpu.memory_space<hbm>>
    tpu.enqueue_indirect_dma source(%dma_start3A_180 : memref<100000x128xf32, #tpu.memory_space<hbm>>) target(%dma_start3A_174 : memref<80x128xf32, #tpu.memory_space<vmem>>) offsets(%dma_start3A_177 : memref<80xi32, #tpu.memory_space<vmem>>) semaphore(%arg15 : memref<!tpu.dma_semaphore, #tpu.memory_space<semaphore_mem>>)
    %dma_start3A_181 = arith.constant 2 : i32
    %dma_start3A_182 = arith.constant 160 : i32
    %dma_start3A_183 = arith.constant 0 : i32
    %dma_start3A_184 = tpu.memref_slice %arg11[%dma_start3A_182, %dma_start3A_183] : memref<176x128xf32, #tpu.memory_space<vmem>> -> memref<16x128xf32, #tpu.memory_space<vmem>>
    %dma_start3A_185 = arith.constant 0 : i32
    %dma_start3A_186 = tpu.memref_slice %arg9[%dma_start3A_181, %dma_start3A_185] : memref<88x16xi32, #tpu.memory_space<vmem>> -> memref<1x16xi32, #tpu.memory_space<vmem>>
    %dma_start3A_187 = tpu.memref_squeeze %dma_start3A_186 : memref<1x16xi32, #tpu.memory_space<vmem>> -> memref<16xi32, #tpu.memory_space<vmem>>
    %dma_start3A_188 = arith.constant 0 : i32
    %dma_start3A_189 = arith.constant 0 : i32
    %dma_start3A_190 = tpu.memref_slice %arg2[%dma_start3A_188, %dma_start3A_189] : memref<100000x128xf32, #tpu.memory_space<hbm>> -> memref<100000x128xf32, #tpu.memory_space<hbm>>
    tpu.enqueue_indirect_dma source(%dma_start3A_190 : memref<100000x128xf32, #tpu.memory_space<hbm>>) target(%dma_start3A_184 : memref<16x128xf32, #tpu.memory_space<vmem>>) offsets(%dma_start3A_187 : memref<16xi32, #tpu.memory_space<vmem>>) semaphore(%arg15 : memref<!tpu.dma_semaphore, #tpu.memory_space<semaphore_mem>>)
    %scan3A_191 = arith.constant 0 : i32
    %scan3A_192 = arith.constant 0 : i32
    %scan3A_193 = arith.constant 16 : i32
    %scan3A_194 = arith.addi %scan3A_192, %scan3A_193 : i32
    %scan3A_195 = arith.constant 1 : i32
    scf.for %scan3A_244 = %scan3A_192 to %scan3A_194 step %scan3A_195  : i32 {
      %mul3A_245 = arith.constant 10 : i32
      %mul3A_246 = arith.muli %scan3A_244, %mul3A_245 : i32
      %add3A_247 = arith.constant 0 : i32
      %add3A_248 = arith.addi %mul3A_246, %add3A_247 : i32
      %get3A = arith.index_cast %add3A_248 : i32 to index
      %get3A_249 = arith.constant 0 : index
      %get3A_250 = tpu.vector_load %arg12[%get3A, %get3A_249] {strides = array<i32>} : memref<176x128xf32, #tpu.memory_space<vmem>>, vector<1x16xf32>,
      %get3A_251 = vector.shape_cast %get3A_250 : vector<1x16xf32> to vector<16xf32>
      %add3A_252 = arith.constant 1 : i32
      %add3A_253 = arith.addi %mul3A_246, %add3A_252 : i32
      %get3A_254 = arith.index_cast %add3A_253 : i32 to index
      %get3A_255 = arith.constant 0 : index
      %get3A_256 = tpu.vector_load %arg12[%get3A_254, %get3A_255] {strides = array<i32>} : memref<176x128xf32, #tpu.memory_space<vmem>>, vector<1x16xf32>,
      %get3A_257 = vector.shape_cast %get3A_256 : vector<1x16xf32> to vector<16xf32>
      %add3A_258 = arith.constant 2 : i32
      %add3A_259 = arith.addi %mul3A_246, %add3A_258 : i32
      %get3A_260 = arith.index_cast %add3A_259 : i32 to index
      %get3A_261 = arith.constant 0 : index
      %get3A_262 = tpu.vector_load %arg12[%get3A_260, %get3A_261] {strides = array<i32>} : memref<176x128xf32, #tpu.memory_space<vmem>>, vector<1x16xf32>,
      %get3A_263 = vector.shape_cast %get3A_262 : vector<1x16xf32> to vector<16xf32>
      %add3A_264 = arith.constant 3 : i32
      %add3A_265 = arith.addi %mul3A_246, %add3A_264 : i32
      %get3A_266 = arith.index_cast %add3A_265 : i32 to index
      %get3A_267 = arith.constant 0 : index
      %get3A_268 = tpu.vector_load %arg12[%get3A_266, %get3A_267] {strides = array<i32>} : memref<176x128xf32, #tpu.memory_space<vmem>>, vector<1x16xf32>,
      %get3A_269 = vector.shape_cast %get3A_268 : vector<1x16xf32> to vector<16xf32>
      %add3A_270 = arith.constant 4 : i32
      %add3A_271 = arith.addi %mul3A_246, %add3A_270 : i32
      %get3A_272 = arith.index_cast %add3A_271 : i32 to index
      %get3A_273 = arith.constant 0 : index
      %get3A_274 = tpu.vector_load %arg12[%get3A_272, %get3A_273] {strides = array<i32>} : memref<176x128xf32, #tpu.memory_space<vmem>>, vector<1x16xf32>,
      %get3A_275 = vector.shape_cast %get3A_274 : vector<1x16xf32> to vector<16xf32>
      %add3A_276 = arith.constant 5 : i32
      %add3A_277 = arith.addi %mul3A_246, %add3A_276 : i32
      %get3A_278 = arith.index_cast %add3A_277 : i32 to index
      %get3A_279 = arith.constant 0 : index
      %get3A_280 = tpu.vector_load %arg12[%get3A_278, %get3A_279] {strides = array<i32>} : memref<176x128xf32, #tpu.memory_space<vmem>>, vector<1x16xf32>,
      %get3A_281 = vector.shape_cast %get3A_280 : vector<1x16xf32> to vector<16xf32>
      %add3A_282 = arith.constant 6 : i32
      %add3A_283 = arith.addi %mul3A_246, %add3A_282 : i32
      %get3A_284 = arith.index_cast %add3A_283 : i32 to index
      %get3A_285 = arith.constant 0 : index
      %get3A_286 = tpu.vector_load %arg12[%get3A_284, %get3A_285] {strides = array<i32>} : memref<176x128xf32, #tpu.memory_space<vmem>>, vector<1x16xf32>,
      %get3A_287 = vector.shape_cast %get3A_286 : vector<1x16xf32> to vector<16xf32>
      %add3A_288 = arith.constant 7 : i32
      %add3A_289 = arith.addi %mul3A_246, %add3A_288 : i32
      %get3A_290 = arith.index_cast %add3A_289 : i32 to index
      %get3A_291 = arith.constant 0 : index
      %get3A_292 = tpu.vector_load %arg12[%get3A_290, %get3A_291] {strides = array<i32>} : memref<176x128xf32, #tpu.memory_space<vmem>>, vector<1x16xf32>,
      %get3A_293 = vector.shape_cast %get3A_292 : vector<1x16xf32> to vector<16xf32>
      %add3A_294 = arith.constant 8 : i32
      %add3A_295 = arith.addi %mul3A_246, %add3A_294 : i32
      %get3A_296 = arith.index_cast %add3A_295 : i32 to index
      %get3A_297 = arith.constant 0 : index
      %get3A_298 = tpu.vector_load %arg12[%get3A_296, %get3A_297] {strides = array<i32>} : memref<176x128xf32, #tpu.memory_space<vmem>>, vector<1x16xf32>,
      %get3A_299 = vector.shape_cast %get3A_298 : vector<1x16xf32> to vector<16xf32>
      %add3A_300 = arith.constant 9 : i32
      %add3A_301 = arith.addi %mul3A_246, %add3A_300 : i32
      %get3A_302 = arith.index_cast %add3A_301 : i32 to index
      %get3A_303 = arith.constant 0 : index
      %get3A_304 = tpu.vector_load %arg12[%get3A_302, %get3A_303] {strides = array<i32>} : memref<176x128xf32, #tpu.memory_space<vmem>>, vector<1x16xf32>,
      %get3A_305 = vector.shape_cast %get3A_304 : vector<1x16xf32> to vector<16xf32>
      %add3A_306 = arith.addf %get3A_251, %get3A_257 : vector<16xf32>
      %add3A_307 = arith.addf %get3A_263, %get3A_269 : vector<16xf32>
      %add3A_308 = arith.addf %get3A_275, %get3A_281 : vector<16xf32>
      %add3A_309 = arith.addf %get3A_287, %get3A_293 : vector<16xf32>
      %add3A_310 = arith.addf %get3A_299, %get3A_305 : vector<16xf32>
      %add3A_311 = arith.addf %add3A_306, %add3A_307 : vector<16xf32>
      %add3A_312 = arith.addf %add3A_308, %add3A_309 : vector<16xf32>
      %add3A_313 = arith.addf %add3A_311, %add3A_312 : vector<16xf32>
      %add3A_314 = arith.addf %add3A_313, %add3A_310 : vector<16xf32>
      %swap3A = arith.index_cast %scan3A_244 : i32 to index
      %swap3A_315 = arith.constant 0 : index
      %swap3A_316 = tpu.vector_load %arg14[%swap3A, %swap3A_315] {strides = array<i32>} : memref<16x128xf32, #tpu.memory_space<vmem>>, vector<1x16xf32>,
      %swap3A_317 = vector.shape_cast %swap3A_316 : vector<1x16xf32> to vector<16xf32>
      %swap3A_318 = vector.shape_cast %add3A_314 : vector<16xf32> to vector<1x16xf32>
      tpu.vector_store %arg14[%swap3A, %swap3A_315], %swap3A_318 {strides = array<i32>} : memref<16x128xf32, #tpu.memory_space<vmem>>, vector<1x16xf32>,
      %add3A_319 = arith.constant 0 : i32
      %add3A_320 = arith.addi %mul3A_246, %add3A_319 : i32
      %get3A_321 = arith.index_cast %add3A_320 : i32 to index
      %get3A_322 = arith.constant 16 : index
      %get3A_323 = tpu.vector_load %arg12[%get3A_321, %get3A_322] {strides = array<i32>} : memref<176x128xf32, #tpu.memory_space<vmem>>, vector<1x16xf32>,
      %get3A_324 = vector.shape_cast %get3A_323 : vector<1x16xf32> to vector<16xf32>
      %add3A_325 = arith.constant 1 : i32
      %add3A_326 = arith.addi %mul3A_246, %add3A_325 : i32
      %get3A_327 = arith.index_cast %add3A_326 : i32 to index
      %get3A_328 = arith.constant 16 : index
      %get3A_329 = tpu.vector_load %arg12[%get3A_327, %get3A_328] {strides = array<i32>} : memref<176x128xf32, #tpu.memory_space<vmem>>, vector<1x16xf32>,
      %get3A_330 = vector.shape_cast %get3A_329 : vector<1x16xf32> to vector<16xf32>
      %add3A_331 = arith.constant 2 : i32
      %add3A_332 = arith.addi %mul3A_246, %add3A_331 : i32
      %get3A_333 = arith.index_cast %add3A_332 : i32 to index
      %get3A_334 = arith.constant 16 : index
      %get3A_335 = tpu.vector_load %arg12[%get3A_333, %get3A_334] {strides = array<i32>} : memref<176x128xf32, #tpu.memory_space<vmem>>, vector<1x16xf32>,
      %get3A_336 = vector.shape_cast %get3A_335 : vector<1x16xf32> to vector<16xf32>
      %add3A_337 = arith.constant 3 : i32
      %add3A_338 = arith.addi %mul3A_246, %add3A_337 : i32
      %get3A_339 = arith.index_cast %add3A_338 : i32 to index
      %get3A_340 = arith.constant 16 : index
      %get3A_341 = tpu.vector_load %arg12[%get3A_339, %get3A_340] {strides = array<i32>} : memref<176x128xf32, #tpu.memory_space<vmem>>, vector<1x16xf32>,
      %get3A_342 = vector.shape_cast %get3A_341 : vector<1x16xf32> to vector<16xf32>
      %add3A_343 = arith.constant 4 : i32
      %add3A_344 = arith.addi %mul3A_246, %add3A_343 : i32
      %get3A_345 = arith.index_cast %add3A_344 : i32 to index
      %get3A_346 = arith.constant 16 : index
      %get3A_347 = tpu.vector_load %arg12[%get3A_345, %get3A_346] {strides = array<i32>} : memref<176x128xf32, #tpu.memory_space<vmem>>, vector<1x16xf32>,
      %get3A_348 = vector.shape_cast %get3A_347 : vector<1x16xf32> to vector<16xf32>
      %add3A_349 = arith.constant 5 : i32
      %add3A_350 = arith.addi %mul3A_246, %add3A_349 : i32
      %get3A_351 = arith.index_cast %add3A_350 : i32 to index
      %get3A_352 = arith.constant 16 : index
      %get3A_353 = tpu.vector_load %arg12[%get3A_351, %get3A_352] {strides = array<i32>} : memref<176x128xf32, #tpu.memory_space<vmem>>, vector<1x16xf32>,
      %get3A_354 = vector.shape_cast %get3A_353 : vector<1x16xf32> to vector<16xf32>
      %add3A_355 = arith.constant 6 : i32
      %add3A_356 = arith.addi %mul3A_246, %add3A_355 : i32
      %get3A_357 = arith.index_cast %add3A_356 : i32 to index
      %get3A_358 = arith.constant 16 : index
      %get3A_359 = tpu.vector_load %arg12[%get3A_357, %get3A_358] {strides = array<i32>} : memref<176x128xf32, #tpu.memory_space<vmem>>, vector<1x16xf32>,
      %get3A_360 = vector.shape_cast %get3A_359 : vector<1x16xf32> to vector<16xf32>
      %add3A_361 = arith.constant 7 : i32
      %add3A_362 = arith.addi %mul3A_246, %add3A_361 : i32
      %get3A_363 = arith.index_cast %add3A_362 : i32 to index
      %get3A_364 = arith.constant 16 : index
      %get3A_365 = tpu.vector_load %arg12[%get3A_363, %get3A_364] {strides = array<i32>} : memref<176x128xf32, #tpu.memory_space<vmem>>, vector<1x16xf32>,
      %get3A_366 = vector.shape_cast %get3A_365 : vector<1x16xf32> to vector<16xf32>
      %add3A_367 = arith.constant 8 : i32
      %add3A_368 = arith.addi %mul3A_246, %add3A_367 : i32
      %get3A_369 = arith.index_cast %add3A_368 : i32 to index
      %get3A_370 = arith.constant 16 : index
      %get3A_371 = tpu.vector_load %arg12[%get3A_369, %get3A_370] {strides = array<i32>} : memref<176x128xf32, #tpu.memory_space<vmem>>, vector<1x16xf32>,
      %get3A_372 = vector.shape_cast %get3A_371 : vector<1x16xf32> to vector<16xf32>
      %add3A_373 = arith.constant 9 : i32
      %add3A_374 = arith.addi %mul3A_246, %add3A_373 : i32
      %get3A_375 = arith.index_cast %add3A_374 : i32 to index
      %get3A_376 = arith.constant 16 : index
      %get3A_377 = tpu.vector_load %arg12[%get3A_375, %get3A_376] {strides = array<i32>} : memref<176x128xf32, #tpu.memory_space<vmem>>, vector<1x16xf32>,
      %get3A_378 = vector.shape_cast %get3A_377 : vector<1x16xf32> to vector<16xf32>
      %add3A_379 = arith.addf %get3A_324, %get3A_330 : vector<16xf32>
      %add3A_380 = arith.addf %get3A_336, %get3A_342 : vector<16xf32>
      %add3A_381 = arith.addf %get3A_348, %get3A_354 : vector<16xf32>
      %add3A_382 = arith.addf %get3A_360, %get3A_366 : vector<16xf32>
      %add3A_383 = arith.addf %get3A_372, %get3A_378 : vector<16xf32>
      %add3A_384 = arith.addf %add3A_379, %add3A_380 : vector<16xf32>
      %add3A_385 = arith.addf %add3A_381, %add3A_382 : vector<16xf32>
      %add3A_386 = arith.addf %add3A_384, %add3A_385 : vector<16xf32>
      %add3A_387 = arith.addf %add3A_386, %add3A_383 : vector<16xf32>
      %swap3A_388 = arith.index_cast %scan3A_244 : i32 to index
      %swap3A_389 = arith.constant 16 : index
      %swap3A_390 = tpu.vector_load %arg14[%swap3A_388, %swap3A_389] {strides = array<i32>} : memref<16x128xf32, #tpu.memory_space<vmem>>, vector<1x16xf32>,
      %swap3A_391 = vector.shape_cast %swap3A_390 : vector<1x16xf32> to vector<16xf32>
      %swap3A_392 = vector.shape_cast %add3A_387 : vector<16xf32> to vector<1x16xf32>
      tpu.vector_store %arg14[%swap3A_388, %swap3A_389], %swap3A_392 {strides = array<i32>} : memref<16x128xf32, #tpu.memory_space<vmem>>, vector<1x16xf32>,
      %add3A_393 = arith.constant 0 : i32
      %add3A_394 = arith.addi %mul3A_246, %add3A_393 : i32
      %get3A_395 = arith.index_cast %add3A_394 : i32 to index
      %get3A_396 = arith.constant 32 : index
      %get3A_397 = tpu.vector_load %arg12[%get3A_395, %get3A_396] {strides = array<i32>} : memref<176x128xf32, #tpu.memory_space<vmem>>, vector<1x16xf32>,
      %get3A_398 = vector.shape_cast %get3A_397 : vector<1x16xf32> to vector<16xf32>
      %add3A_399 = arith.constant 1 : i32
      %add3A_400 = arith.addi %mul3A_246, %add3A_399 : i32
      %get3A_401 = arith.index_cast %add3A_400 : i32 to index
      %get3A_402 = arith.constant 32 : index
      %get3A_403 = tpu.vector_load %arg12[%get3A_401, %get3A_402] {strides = array<i32>} : memref<176x128xf32, #tpu.memory_space<vmem>>, vector<1x16xf32>,
      %get3A_404 = vector.shape_cast %get3A_403 : vector<1x16xf32> to vector<16xf32>
      %add3A_405 = arith.constant 2 : i32
      %add3A_406 = arith.addi %mul3A_246, %add3A_405 : i32
      %get3A_407 = arith.index_cast %add3A_406 : i32 to index
      %get3A_408 = arith.constant 32 : index
      %get3A_409 = tpu.vector_load %arg12[%get3A_407, %get3A_408] {strides = array<i32>} : memref<176x128xf32, #tpu.memory_space<vmem>>, vector<1x16xf32>,
      %get3A_410 = vector.shape_cast %get3A_409 : vector<1x16xf32> to vector<16xf32>
      %add3A_411 = arith.constant 3 : i32
      %add3A_412 = arith.addi %mul3A_246, %add3A_411 : i32
      %get3A_413 = arith.index_cast %add3A_412 : i32 to index
      %get3A_414 = arith.constant 32 : index
      %get3A_415 = tpu.vector_load %arg12[%get3A_413, %get3A_414] {strides = array<i32>} : memref<176x128xf32, #tpu.memory_space<vmem>>, vector<1x16xf32>,
      %get3A_416 = vector.shape_cast %get3A_415 : vector<1x16xf32> to vector<16xf32>
      %add3A_417 = arith.constant 4 : i32
      %add3A_418 = arith.addi %mul3A_246, %add3A_417 : i32
      %get3A_419 = arith.index_cast %add3A_418 : i32 to index
      %get3A_420 = arith.constant 32 : index
      %get3A_421 = tpu.vector_load %arg12[%get3A_419, %get3A_420] {strides = array<i32>} : memref<176x128xf32, #tpu.memory_space<vmem>>, vector<1x16xf32>,
      %get3A_422 = vector.shape_cast %get3A_421 : vector<1x16xf32> to vector<16xf32>
      %add3A_423 = arith.constant 5 : i32
      %add3A_424 = arith.addi %mul3A_246, %add3A_423 : i32
      %get3A_425 = arith.index_cast %add3A_424 : i32 to index
      %get3A_426 = arith.constant 32 : index
      %get3A_427 = tpu.vector_load %arg12[%get3A_425, %get3A_426] {strides = array<i32>} : memref<176x128xf32, #tpu.memory_space<vmem>>, vector<1x16xf32>,
      %get3A_428 = vector.shape_cast %get3A_427 : vector<1x16xf32> to vector<16xf32>
      %add3A_429 = arith.constant 6 : i32
      %add3A_430 = arith.addi %mul3A_246, %add3A_429 : i32
      %get3A_431 = arith.index_cast %add3A_430 : i32 to index
      %get3A_432 = arith.constant 32 : index
      %get3A_433 = tpu.vector_load %arg12[%get3A_431, %get3A_432] {strides = array<i32>} : memref<176x128xf32, #tpu.memory_space<vmem>>, vector<1x16xf32>,
      %get3A_434 = vector.shape_cast %get3A_433 : vector<1x16xf32> to vector<16xf32>
      %add3A_435 = arith.constant 7 : i32
      %add3A_436 = arith.addi %mul3A_246, %add3A_435 : i32
      %get3A_437 = arith.index_cast %add3A_436 : i32 to index
      %get3A_438 = arith.constant 32 : index
      %get3A_439 = tpu.vector_load %arg12[%get3A_437, %get3A_438] {strides = array<i32>} : memref<176x128xf32, #tpu.memory_space<vmem>>, vector<1x16xf32>,
      %get3A_440 = vector.shape_cast %get3A_439 : vector<1x16xf32> to vector<16xf32>
      %add3A_441 = arith.constant 8 : i32
      %add3A_442 = arith.addi %mul3A_246, %add3A_441 : i32
      %get3A_443 = arith.index_cast %add3A_442 : i32 to index
      %get3A_444 = arith.constant 32 : index
      %get3A_445 = tpu.vector_load %arg12[%get3A_443, %get3A_444] {strides = array<i32>} : memref<176x128xf32, #tpu.memory_space<vmem>>, vector<1x16xf32>,
      %get3A_446 = vector.shape_cast %get3A_445 : vector<1x16xf32> to vector<16xf32>
      %add3A_447 = arith.constant 9 : i32
      %add3A_448 = arith.addi %mul3A_246, %add3A_447 : i32
      %get3A_449 = arith.index_cast %add3A_448 : i32 to index
      %get3A_450 = arith.constant 32 : index
      %get3A_451 = tpu.vector_load %arg12[%get3A_449, %get3A_450] {strides = array<i32>} : memref<176x128xf32, #tpu.memory_space<vmem>>, vector<1x16xf32>,
      %get3A_452 = vector.shape_cast %get3A_451 : vector<1x16xf32> to vector<16xf32>
      %add3A_453 = arith.addf %get3A_398, %get3A_404 : vector<16xf32>
      %add3A_454 = arith.addf %get3A_410, %get3A_416 : vector<16xf32>
      %add3A_455 = arith.addf %get3A_422, %get3A_428 : vector<16xf32>
      %add3A_456 = arith.addf %get3A_434, %get3A_440 : vector<16xf32>
      %add3A_457 = arith.addf %get3A_446, %get3A_452 : vector<16xf32>
      %add3A_458 = arith.addf %add3A_453, %add3A_454 : vector<16xf32>
      %add3A_459 = arith.addf %add3A_455, %add3A_456 : vector<16xf32>
      %add3A_460 = arith.addf %add3A_458, %add3A_459 : vector<16xf32>
      %add3A_461 = arith.addf %add3A_460, %add3A_457 : vector<16xf32>
      %swap3A_462 = arith.index_cast %scan3A_244 : i32 to index
      %swap3A_463 = arith.constant 32 : index
      %swap3A_464 = tpu.vector_load %arg14[%swap3A_462, %swap3A_463] {strides = array<i32>} : memref<16x128xf32, #tpu.memory_space<vmem>>, vector<1x16xf32>,
      %swap3A_465 = vector.shape_cast %swap3A_464 : vector<1x16xf32> to vector<16xf32>
      %swap3A_466 = vector.shape_cast %add3A_461 : vector<16xf32> to vector<1x16xf32>
      tpu.vector_store %arg14[%swap3A_462, %swap3A_463], %swap3A_466 {strides = array<i32>} : memref<16x128xf32, #tpu.memory_space<vmem>>, vector<1x16xf32>,
      %add3A_467 = arith.constant 0 : i32
      %add3A_468 = arith.addi %mul3A_246, %add3A_467 : i32
      %get3A_469 = arith.index_cast %add3A_468 : i32 to index
      %get3A_470 = arith.constant 48 : index
      %get3A_471 = tpu.vector_load %arg12[%get3A_469, %get3A_470] {strides = array<i32>} : memref<176x128xf32, #tpu.memory_space<vmem>>, vector<1x16xf32>,
      %get3A_472 = vector.shape_cast %get3A_471 : vector<1x16xf32> to vector<16xf32>
      %add3A_473 = arith.constant 1 : i32
      %add3A_474 = arith.addi %mul3A_246, %add3A_473 : i32
      %get3A_475 = arith.index_cast %add3A_474 : i32 to index
      %get3A_476 = arith.constant 48 : index
      %get3A_477 = tpu.vector_load %arg12[%get3A_475, %get3A_476] {strides = array<i32>} : memref<176x128xf32, #tpu.memory_space<vmem>>, vector<1x16xf32>,
      %get3A_478 = vector.shape_cast %get3A_477 : vector<1x16xf32> to vector<16xf32>
      %add3A_479 = arith.constant 2 : i32
      %add3A_480 = arith.addi %mul3A_246, %add3A_479 : i32
      %get3A_481 = arith.index_cast %add3A_480 : i32 to index
      %get3A_482 = arith.constant 48 : index
      %get3A_483 = tpu.vector_load %arg12[%get3A_481, %get3A_482] {strides = array<i32>} : memref<176x128xf32, #tpu.memory_space<vmem>>, vector<1x16xf32>,
      %get3A_484 = vector.shape_cast %get3A_483 : vector<1x16xf32> to vector<16xf32>
      %add3A_485 = arith.constant 3 : i32
      %add3A_486 = arith.addi %mul3A_246, %add3A_485 : i32
      %get3A_487 = arith.index_cast %add3A_486 : i32 to index
      %get3A_488 = arith.constant 48 : index
      %get3A_489 = tpu.vector_load %arg12[%get3A_487, %get3A_488] {strides = array<i32>} : memref<176x128xf32, #tpu.memory_space<vmem>>, vector<1x16xf32>,
      %get3A_490 = vector.shape_cast %get3A_489 : vector<1x16xf32> to vector<16xf32>
      %add3A_491 = arith.constant 4 : i32
      %add3A_492 = arith.addi %mul3A_246, %add3A_491 : i32
      %get3A_493 = arith.index_cast %add3A_492 : i32 to index
      %get3A_494 = arith.constant 48 : index
      %get3A_495 = tpu.vector_load %arg12[%get3A_493, %get3A_494] {strides = array<i32>} : memref<176x128xf32, #tpu.memory_space<vmem>>, vector<1x16xf32>,
      %get3A_496 = vector.shape_cast %get3A_495 : vector<1x16xf32> to vector<16xf32>
      %add3A_497 = arith.constant 5 : i32
      %add3A_498 = arith.addi %mul3A_246, %add3A_497 : i32
      %get3A_499 = arith.index_cast %add3A_498 : i32 to index
      %get3A_500 = arith.constant 48 : index
      %get3A_501 = tpu.vector_load %arg12[%get3A_499, %get3A_500] {strides = array<i32>} : memref<176x128xf32, #tpu.memory_space<vmem>>, vector<1x16xf32>,
      %get3A_502 = vector.shape_cast %get3A_501 : vector<1x16xf32> to vector<16xf32>
      %add3A_503 = arith.constant 6 : i32
      %add3A_504 = arith.addi %mul3A_246, %add3A_503 : i32
      %get3A_505 = arith.index_cast %add3A_504 : i32 to index
      %get3A_506 = arith.constant 48 : index
      %get3A_507 = tpu.vector_load %arg12[%get3A_505, %get3A_506] {strides = array<i32>} : memref<176x128xf32, #tpu.memory_space<vmem>>, vector<1x16xf32>,
      %get3A_508 = vector.shape_cast %get3A_507 : vector<1x16xf32> to vector<16xf32>
      %add3A_509 = arith.constant 7 : i32
      %add3A_510 = arith.addi %mul3A_246, %add3A_509 : i32
      %get3A_511 = arith.index_cast %add3A_510 : i32 to index
      %get3A_512 = arith.constant 48 : index
      %get3A_513 = tpu.vector_load %arg12[%get3A_511, %get3A_512] {strides = array<i32>} : memref<176x128xf32, #tpu.memory_space<vmem>>, vector<1x16xf32>,
      %get3A_514 = vector.shape_cast %get3A_513 : vector<1x16xf32> to vector<16xf32>
      %add3A_515 = arith.constant 8 : i32
      %add3A_516 = arith.addi %mul3A_246, %add3A_515 : i32
      %get3A_517 = arith.index_cast %add3A_516 : i32 to index
      %get3A_518 = arith.constant 48 : index
      %get3A_519 = tpu.vector_load %arg12[%get3A_517, %get3A_518] {strides = array<i32>} : memref<176x128xf32, #tpu.memory_space<vmem>>, vector<1x16xf32>,
      %get3A_520 = vector.shape_cast %get3A_519 : vector<1x16xf32> to vector<16xf32>
      %add3A_521 = arith.constant 9 : i32
      %add3A_522 = arith.addi %mul3A_246, %add3A_521 : i32
      %get3A_523 = arith.index_cast %add3A_522 : i32 to index
      %get3A_524 = arith.constant 48 : index
      %get3A_525 = tpu.vector_load %arg12[%get3A_523, %get3A_524] {strides = array<i32>} : memref<176x128xf32, #tpu.memory_space<vmem>>, vector<1x16xf32>,
      %get3A_526 = vector.shape_cast %get3A_525 : vector<1x16xf32> to vector<16xf32>
      %add3A_527 = arith.addf %get3A_472, %get3A_478 : vector<16xf32>
      %add3A_528 = arith.addf %get3A_484, %get3A_490 : vector<16xf32>
      %add3A_529 = arith.addf %get3A_496, %get3A_502 : vector<16xf32>
      %add3A_530 = arith.addf %get3A_508, %get3A_514 : vector<16xf32>
      %add3A_531 = arith.addf %get3A_520, %get3A_526 : vector<16xf32>
      %add3A_532 = arith.addf %add3A_527, %add3A_528 : vector<16xf32>
      %add3A_533 = arith.addf %add3A_529, %add3A_530 : vector<16xf32>
      %add3A_534 = arith.addf %add3A_532, %add3A_533 : vector<16xf32>
      %add3A_535 = arith.addf %add3A_534, %add3A_531 : vector<16xf32>
      %swap3A_536 = arith.index_cast %scan3A_244 : i32 to index
      %swap3A_537 = arith.constant 48 : index
      %swap3A_538 = tpu.vector_load %arg14[%swap3A_536, %swap3A_537] {strides = array<i32>} : memref<16x128xf32, #tpu.memory_space<vmem>>, vector<1x16xf32>,
      %swap3A_539 = vector.shape_cast %swap3A_538 : vector<1x16xf32> to vector<16xf32>
      %swap3A_540 = vector.shape_cast %add3A_535 : vector<16xf32> to vector<1x16xf32>
      tpu.vector_store %arg14[%swap3A_536, %swap3A_537], %swap3A_540 {strides = array<i32>} : memref<16x128xf32, #tpu.memory_space<vmem>>, vector<1x16xf32>,
      %add3A_541 = arith.constant 0 : i32
      %add3A_542 = arith.addi %mul3A_246, %add3A_541 : i32
      %get3A_543 = arith.index_cast %add3A_542 : i32 to index
      %get3A_544 = arith.constant 64 : index
      %get3A_545 = tpu.vector_load %arg12[%get3A_543, %get3A_544] {strides = array<i32>} : memref<176x128xf32, #tpu.memory_space<vmem>>, vector<1x16xf32>,
      %get3A_546 = vector.shape_cast %get3A_545 : vector<1x16xf32> to vector<16xf32>
      %add3A_547 = arith.constant 1 : i32
      %add3A_548 = arith.addi %mul3A_246, %add3A_547 : i32
      %get3A_549 = arith.index_cast %add3A_548 : i32 to index
      %get3A_550 = arith.constant 64 : index
      %get3A_551 = tpu.vector_load %arg12[%get3A_549, %get3A_550] {strides = array<i32>} : memref<176x128xf32, #tpu.memory_space<vmem>>, vector<1x16xf32>,
      %get3A_552 = vector.shape_cast %get3A_551 : vector<1x16xf32> to vector<16xf32>
      %add3A_553 = arith.constant 2 : i32
      %add3A_554 = arith.addi %mul3A_246, %add3A_553 : i32
      %get3A_555 = arith.index_cast %add3A_554 : i32 to index
      %get3A_556 = arith.constant 64 : index
      %get3A_557 = tpu.vector_load %arg12[%get3A_555, %get3A_556] {strides = array<i32>} : memref<176x128xf32, #tpu.memory_space<vmem>>, vector<1x16xf32>,
      %get3A_558 = vector.shape_cast %get3A_557 : vector<1x16xf32> to vector<16xf32>
      %add3A_559 = arith.constant 3 : i32
      %add3A_560 = arith.addi %mul3A_246, %add3A_559 : i32
      %get3A_561 = arith.index_cast %add3A_560 : i32 to index
      %get3A_562 = arith.constant 64 : index
      %get3A_563 = tpu.vector_load %arg12[%get3A_561, %get3A_562] {strides = array<i32>} : memref<176x128xf32, #tpu.memory_space<vmem>>, vector<1x16xf32>,
      %get3A_564 = vector.shape_cast %get3A_563 : vector<1x16xf32> to vector<16xf32>
      %add3A_565 = arith.constant 4 : i32
      %add3A_566 = arith.addi %mul3A_246, %add3A_565 : i32
      %get3A_567 = arith.index_cast %add3A_566 : i32 to index
      %get3A_568 = arith.constant 64 : index
      %get3A_569 = tpu.vector_load %arg12[%get3A_567, %get3A_568] {strides = array<i32>} : memref<176x128xf32, #tpu.memory_space<vmem>>, vector<1x16xf32>,
      %get3A_570 = vector.shape_cast %get3A_569 : vector<1x16xf32> to vector<16xf32>
      %add3A_571 = arith.constant 5 : i32
      %add3A_572 = arith.addi %mul3A_246, %add3A_571 : i32
      %get3A_573 = arith.index_cast %add3A_572 : i32 to index
      %get3A_574 = arith.constant 64 : index
      %get3A_575 = tpu.vector_load %arg12[%get3A_573, %get3A_574] {strides = array<i32>} : memref<176x128xf32, #tpu.memory_space<vmem>>, vector<1x16xf32>,
      %get3A_576 = vector.shape_cast %get3A_575 : vector<1x16xf32> to vector<16xf32>
      %add3A_577 = arith.constant 6 : i32
      %add3A_578 = arith.addi %mul3A_246, %add3A_577 : i32
      %get3A_579 = arith.index_cast %add3A_578 : i32 to index
      %get3A_580 = arith.constant 64 : index
      %get3A_581 = tpu.vector_load %arg12[%get3A_579, %get3A_580] {strides = array<i32>} : memref<176x128xf32, #tpu.memory_space<vmem>>, vector<1x16xf32>,
      %get3A_582 = vector.shape_cast %get3A_581 : vector<1x16xf32> to vector<16xf32>
      %add3A_583 = arith.constant 7 : i32
      %add3A_584 = arith.addi %mul3A_246, %add3A_583 : i32
      %get3A_585 = arith.index_cast %add3A_584 : i32 to index
      %get3A_586 = arith.constant 64 : index
      %get3A_587 = tpu.vector_load %arg12[%get3A_585, %get3A_586] {strides = array<i32>} : memref<176x128xf32, #tpu.memory_space<vmem>>, vector<1x16xf32>,
      %get3A_588 = vector.shape_cast %get3A_587 : vector<1x16xf32> to vector<16xf32>
      %add3A_589 = arith.constant 8 : i32
      %add3A_590 = arith.addi %mul3A_246, %add3A_589 : i32
      %get3A_591 = arith.index_cast %add3A_590 : i32 to index
      %get3A_592 = arith.constant 64 : index
      %get3A_593 = tpu.vector_load %arg12[%get3A_591, %get3A_592] {strides = array<i32>} : memref<176x128xf32, #tpu.memory_space<vmem>>, vector<1x16xf32>,
      %get3A_594 = vector.shape_cast %get3A_593 : vector<1x16xf32> to vector<16xf32>
      %add3A_595 = arith.constant 9 : i32
      %add3A_596 = arith.addi %mul3A_246, %add3A_595 : i32
      %get3A_597 = arith.index_cast %add3A_596 : i32 to index
      %get3A_598 = arith.constant 64 : index
      %get3A_599 = tpu.vector_load %arg12[%get3A_597, %get3A_598] {strides = array<i32>} : memref<176x128xf32, #tpu.memory_space<vmem>>, vector<1x16xf32>,
      %get3A_600 = vector.shape_cast %get3A_599 : vector<1x16xf32> to vector<16xf32>
      %add3A_601 = arith.addf %get3A_546, %get3A_552 : vector<16xf32>
      %add3A_602 = arith.addf %get3A_558, %get3A_564 : vector<16xf32>
      %add3A_603 = arith.addf %get3A_570, %get3A_576 : vector<16xf32>
      %add3A_604 = arith.addf %get3A_582, %get3A_588 : vector<16xf32>
      %add3A_605 = arith.addf %get3A_594, %get3A_600 : vector<16xf32>
      %add3A_606 = arith.addf %add3A_601, %add3A_602 : vector<16xf32>
      %add3A_607 = arith.addf %add3A_603, %add3A_604 : vector<16xf32>
      %add3A_608 = arith.addf %add3A_606, %add3A_607 : vector<16xf32>
      %add3A_609 = arith.addf %add3A_608, %add3A_605 : vector<16xf32>
      %swap3A_610 = arith.index_cast %scan3A_244 : i32 to index
      %swap3A_611 = arith.constant 64 : index
      %swap3A_612 = tpu.vector_load %arg14[%swap3A_610, %swap3A_611] {strides = array<i32>} : memref<16x128xf32, #tpu.memory_space<vmem>>, vector<1x16xf32>,
      %swap3A_613 = vector.shape_cast %swap3A_612 : vector<1x16xf32> to vector<16xf32>
      %swap3A_614 = vector.shape_cast %add3A_609 : vector<16xf32> to vector<1x16xf32>
      tpu.vector_store %arg14[%swap3A_610, %swap3A_611], %swap3A_614 {strides = array<i32>} : memref<16x128xf32, #tpu.memory_space<vmem>>, vector<1x16xf32>,
      %add3A_615 = arith.constant 0 : i32
      %add3A_616 = arith.addi %mul3A_246, %add3A_615 : i32
      %get3A_617 = arith.index_cast %add3A_616 : i32 to index
      %get3A_618 = arith.constant 80 : index
      %get3A_619 = tpu.vector_load %arg12[%get3A_617, %get3A_618] {strides = array<i32>} : memref<176x128xf32, #tpu.memory_space<vmem>>, vector<1x16xf32>,
      %get3A_620 = vector.shape_cast %get3A_619 : vector<1x16xf32> to vector<16xf32>
      %add3A_621 = arith.constant 1 : i32
      %add3A_622 = arith.addi %mul3A_246, %add3A_621 : i32
      %get3A_623 = arith.index_cast %add3A_622 : i32 to index
      %get3A_624 = arith.constant 80 : index
      %get3A_625 = tpu.vector_load %arg12[%get3A_623, %get3A_624] {strides = array<i32>} : memref<176x128xf32, #tpu.memory_space<vmem>>, vector<1x16xf32>,
      %get3A_626 = vector.shape_cast %get3A_625 : vector<1x16xf32> to vector<16xf32>
      %add3A_627 = arith.constant 2 : i32
      %add3A_628 = arith.addi %mul3A_246, %add3A_627 : i32
      %get3A_629 = arith.index_cast %add3A_628 : i32 to index
      %get3A_630 = arith.constant 80 : index
      %get3A_631 = tpu.vector_load %arg12[%get3A_629, %get3A_630] {strides = array<i32>} : memref<176x128xf32, #tpu.memory_space<vmem>>, vector<1x16xf32>,
      %get3A_632 = vector.shape_cast %get3A_631 : vector<1x16xf32> to vector<16xf32>
      %add3A_633 = arith.constant 3 : i32
      %add3A_634 = arith.addi %mul3A_246, %add3A_633 : i32
      %get3A_635 = arith.index_cast %add3A_634 : i32 to index
      %get3A_636 = arith.constant 80 : index
      %get3A_637 = tpu.vector_load %arg12[%get3A_635, %get3A_636] {strides = array<i32>} : memref<176x128xf32, #tpu.memory_space<vmem>>, vector<1x16xf32>,
      %get3A_638 = vector.shape_cast %get3A_637 : vector<1x16xf32> to vector<16xf32>
      %add3A_639 = arith.constant 4 : i32
      %add3A_640 = arith.addi %mul3A_246, %add3A_639 : i32
      %get3A_641 = arith.index_cast %add3A_640 : i32 to index
      %get3A_642 = arith.constant 80 : index
      %get3A_643 = tpu.vector_load %arg12[%get3A_641, %get3A_642] {strides = array<i32>} : memref<176x128xf32, #tpu.memory_space<vmem>>, vector<1x16xf32>,
      %get3A_644 = vector.shape_cast %get3A_643 : vector<1x16xf32> to vector<16xf32>
      %add3A_645 = arith.constant 5 : i32
      %add3A_646 = arith.addi %mul3A_246, %add3A_645 : i32
      %get3A_647 = arith.index_cast %add3A_646 : i32 to index
      %get3A_648 = arith.constant 80 : index
      %get3A_649 = tpu.vector_load %arg12[%get3A_647, %get3A_648] {strides = array<i32>} : memref<176x128xf32, #tpu.memory_space<vmem>>, vector<1x16xf32>,
      %get3A_650 = vector.shape_cast %get3A_649 : vector<1x16xf32> to vector<16xf32>
      %add3A_651 = arith.constant 6 : i32
      %add3A_652 = arith.addi %mul3A_246, %add3A_651 : i32
      %get3A_653 = arith.index_cast %add3A_652 : i32 to index
      %get3A_654 = arith.constant 80 : index
      %get3A_655 = tpu.vector_load %arg12[%get3A_653, %get3A_654] {strides = array<i32>} : memref<176x128xf32, #tpu.memory_space<vmem>>, vector<1x16xf32>,
      %get3A_656 = vector.shape_cast %get3A_655 : vector<1x16xf32> to vector<16xf32>
      %add3A_657 = arith.constant 7 : i32
      %add3A_658 = arith.addi %mul3A_246, %add3A_657 : i32
      %get3A_659 = arith.index_cast %add3A_658 : i32 to index
      %get3A_660 = arith.constant 80 : index
      %get3A_661 = tpu.vector_load %arg12[%get3A_659, %get3A_660] {strides = array<i32>} : memref<176x128xf32, #tpu.memory_space<vmem>>, vector<1x16xf32>,
      %get3A_662 = vector.shape_cast %get3A_661 : vector<1x16xf32> to vector<16xf32>
      %add3A_663 = arith.constant 8 : i32
      %add3A_664 = arith.addi %mul3A_246, %add3A_663 : i32
      %get3A_665 = arith.index_cast %add3A_664 : i32 to index
      %get3A_666 = arith.constant 80 : index
      %get3A_667 = tpu.vector_load %arg12[%get3A_665, %get3A_666] {strides = array<i32>} : memref<176x128xf32, #tpu.memory_space<vmem>>, vector<1x16xf32>,
      %get3A_668 = vector.shape_cast %get3A_667 : vector<1x16xf32> to vector<16xf32>
      %add3A_669 = arith.constant 9 : i32
      %add3A_670 = arith.addi %mul3A_246, %add3A_669 : i32
      %get3A_671 = arith.index_cast %add3A_670 : i32 to index
      %get3A_672 = arith.constant 80 : index
      %get3A_673 = tpu.vector_load %arg12[%get3A_671, %get3A_672] {strides = array<i32>} : memref<176x128xf32, #tpu.memory_space<vmem>>, vector<1x16xf32>,
      %get3A_674 = vector.shape_cast %get3A_673 : vector<1x16xf32> to vector<16xf32>
      %add3A_675 = arith.addf %get3A_620, %get3A_626 : vector<16xf32>
      %add3A_676 = arith.addf %get3A_632, %get3A_638 : vector<16xf32>
      %add3A_677 = arith.addf %get3A_644, %get3A_650 : vector<16xf32>
      %add3A_678 = arith.addf %get3A_656, %get3A_662 : vector<16xf32>
      %add3A_679 = arith.addf %get3A_668, %get3A_674 : vector<16xf32>
      %add3A_680 = arith.addf %add3A_675, %add3A_676 : vector<16xf32>
      %add3A_681 = arith.addf %add3A_677, %add3A_678 : vector<16xf32>
      %add3A_682 = arith.addf %add3A_680, %add3A_681 : vector<16xf32>
      %add3A_683 = arith.addf %add3A_682, %add3A_679 : vector<16xf32>
      %swap3A_684 = arith.index_cast %scan3A_244 : i32 to index
      %swap3A_685 = arith.constant 80 : index
      %swap3A_686 = tpu.vector_load %arg14[%swap3A_684, %swap3A_685] {strides = array<i32>} : memref<16x128xf32, #tpu.memory_space<vmem>>, vector<1x16xf32>,
      %swap3A_687 = vector.shape_cast %swap3A_686 : vector<1x16xf32> to vector<16xf32>
      %swap3A_688 = vector.shape_cast %add3A_683 : vector<16xf32> to vector<1x16xf32>
      tpu.vector_store %arg14[%swap3A_684, %swap3A_685], %swap3A_688 {strides = array<i32>} : memref<16x128xf32, #tpu.memory_space<vmem>>, vector<1x16xf32>,
      %add3A_689 = arith.constant 0 : i32
      %add3A_690 = arith.addi %mul3A_246, %add3A_689 : i32
      %get3A_691 = arith.index_cast %add3A_690 : i32 to index
      %get3A_692 = arith.constant 96 : index
      %get3A_693 = tpu.vector_load %arg12[%get3A_691, %get3A_692] {strides = array<i32>} : memref<176x128xf32, #tpu.memory_space<vmem>>, vector<1x16xf32>,
      %get3A_694 = vector.shape_cast %get3A_693 : vector<1x16xf32> to vector<16xf32>
      %add3A_695 = arith.constant 1 : i32
      %add3A_696 = arith.addi %mul3A_246, %add3A_695 : i32
      %get3A_697 = arith.index_cast %add3A_696 : i32 to index
      %get3A_698 = arith.constant 96 : index
      %get3A_699 = tpu.vector_load %arg12[%get3A_697, %get3A_698] {strides = array<i32>} : memref<176x128xf32, #tpu.memory_space<vmem>>, vector<1x16xf32>,
      %get3A_700 = vector.shape_cast %get3A_699 : vector<1x16xf32> to vector<16xf32>
      %add3A_701 = arith.constant 2 : i32
      %add3A_702 = arith.addi %mul3A_246, %add3A_701 : i32
      %get3A_703 = arith.index_cast %add3A_702 : i32 to index
      %get3A_704 = arith.constant 96 : index
      %get3A_705 = tpu.vector_load %arg12[%get3A_703, %get3A_704] {strides = array<i32>} : memref<176x128xf32, #tpu.memory_space<vmem>>, vector<1x16xf32>,
      %get3A_706 = vector.shape_cast %get3A_705 : vector<1x16xf32> to vector<16xf32>
      %add3A_707 = arith.constant 3 : i32
      %add3A_708 = arith.addi %mul3A_246, %add3A_707 : i32
      %get3A_709 = arith.index_cast %add3A_708 : i32 to index
      %get3A_710 = arith.constant 96 : index
      %get3A_711 = tpu.vector_load %arg12[%get3A_709, %get3A_710] {strides = array<i32>} : memref<176x128xf32, #tpu.memory_space<vmem>>, vector<1x16xf32>,
      %get3A_712 = vector.shape_cast %get3A_711 : vector<1x16xf32> to vector<16xf32>
      %add3A_713 = arith.constant 4 : i32
      %add3A_714 = arith.addi %mul3A_246, %add3A_713 : i32
      %get3A_715 = arith.index_cast %add3A_714 : i32 to index
      %get3A_716 = arith.constant 96 : index
      %get3A_717 = tpu.vector_load %arg12[%get3A_715, %get3A_716] {strides = array<i32>} : memref<176x128xf32, #tpu.memory_space<vmem>>, vector<1x16xf32>,
      %get3A_718 = vector.shape_cast %get3A_717 : vector<1x16xf32> to vector<16xf32>
      %add3A_719 = arith.constant 5 : i32
      %add3A_720 = arith.addi %mul3A_246, %add3A_719 : i32
      %get3A_721 = arith.index_cast %add3A_720 : i32 to index
      %get3A_722 = arith.constant 96 : index
      %get3A_723 = tpu.vector_load %arg12[%get3A_721, %get3A_722] {strides = array<i32>} : memref<176x128xf32, #tpu.memory_space<vmem>>, vector<1x16xf32>,
      %get3A_724 = vector.shape_cast %get3A_723 : vector<1x16xf32> to vector<16xf32>
      %add3A_725 = arith.constant 6 : i32
      %add3A_726 = arith.addi %mul3A_246, %add3A_725 : i32
      %get3A_727 = arith.index_cast %add3A_726 : i32 to index
      %get3A_728 = arith.constant 96 : index
      %get3A_729 = tpu.vector_load %arg12[%get3A_727, %get3A_728] {strides = array<i32>} : memref<176x128xf32, #tpu.memory_space<vmem>>, vector<1x16xf32>,
      %get3A_730 = vector.shape_cast %get3A_729 : vector<1x16xf32> to vector<16xf32>
      %add3A_731 = arith.constant 7 : i32
      %add3A_732 = arith.addi %mul3A_246, %add3A_731 : i32
      %get3A_733 = arith.index_cast %add3A_732 : i32 to index
      %get3A_734 = arith.constant 96 : index
      %get3A_735 = tpu.vector_load %arg12[%get3A_733, %get3A_734] {strides = array<i32>} : memref<176x128xf32, #tpu.memory_space<vmem>>, vector<1x16xf32>,
      %get3A_736 = vector.shape_cast %get3A_735 : vector<1x16xf32> to vector<16xf32>
      %add3A_737 = arith.constant 8 : i32
      %add3A_738 = arith.addi %mul3A_246, %add3A_737 : i32
      %get3A_739 = arith.index_cast %add3A_738 : i32 to index
      %get3A_740 = arith.constant 96 : index
      %get3A_741 = tpu.vector_load %arg12[%get3A_739, %get3A_740] {strides = array<i32>} : memref<176x128xf32, #tpu.memory_space<vmem>>, vector<1x16xf32>,
      %get3A_742 = vector.shape_cast %get3A_741 : vector<1x16xf32> to vector<16xf32>
      %add3A_743 = arith.constant 9 : i32
      %add3A_744 = arith.addi %mul3A_246, %add3A_743 : i32
      %get3A_745 = arith.index_cast %add3A_744 : i32 to index
      %get3A_746 = arith.constant 96 : index
      %get3A_747 = tpu.vector_load %arg12[%get3A_745, %get3A_746] {strides = array<i32>} : memref<176x128xf32, #tpu.memory_space<vmem>>, vector<1x16xf32>,
      %get3A_748 = vector.shape_cast %get3A_747 : vector<1x16xf32> to vector<16xf32>
      %add3A_749 = arith.addf %get3A_694, %get3A_700 : vector<16xf32>
      %add3A_750 = arith.addf %get3A_706, %get3A_712 : vector<16xf32>
      %add3A_751 = arith.addf %get3A_718, %get3A_724 : vector<16xf32>
      %add3A_752 = arith.addf %get3A_730, %get3A_736 : vector<16xf32>
      %add3A_753 = arith.addf %get3A_742, %get3A_748 : vector<16xf32>
      %add3A_754 = arith.addf %add3A_749, %add3A_750 : vector<16xf32>
      %add3A_755 = arith.addf %add3A_751, %add3A_752 : vector<16xf32>
      %add3A_756 = arith.addf %add3A_754, %add3A_755 : vector<16xf32>
      %add3A_757 = arith.addf %add3A_756, %add3A_753 : vector<16xf32>
      %swap3A_758 = arith.index_cast %scan3A_244 : i32 to index
      %swap3A_759 = arith.constant 96 : index
      %swap3A_760 = tpu.vector_load %arg14[%swap3A_758, %swap3A_759] {strides = array<i32>} : memref<16x128xf32, #tpu.memory_space<vmem>>, vector<1x16xf32>,
      %swap3A_761 = vector.shape_cast %swap3A_760 : vector<1x16xf32> to vector<16xf32>
      %swap3A_762 = vector.shape_cast %add3A_757 : vector<16xf32> to vector<1x16xf32>
      tpu.vector_store %arg14[%swap3A_758, %swap3A_759], %swap3A_762 {strides = array<i32>} : memref<16x128xf32, #tpu.memory_space<vmem>>, vector<1x16xf32>,
      %add3A_763 = arith.constant 0 : i32
      %add3A_764 = arith.addi %mul3A_246, %add3A_763 : i32
      %get3A_765 = arith.index_cast %add3A_764 : i32 to index
      %get3A_766 = arith.constant 112 : index
      %get3A_767 = tpu.vector_load %arg12[%get3A_765, %get3A_766] {strides = array<i32>} : memref<176x128xf32, #tpu.memory_space<vmem>>, vector<1x16xf32>,
      %get3A_768 = vector.shape_cast %get3A_767 : vector<1x16xf32> to vector<16xf32>
      %add3A_769 = arith.constant 1 : i32
      %add3A_770 = arith.addi %mul3A_246, %add3A_769 : i32
      %get3A_771 = arith.index_cast %add3A_770 : i32 to index
      %get3A_772 = arith.constant 112 : index
      %get3A_773 = tpu.vector_load %arg12[%get3A_771, %get3A_772] {strides = array<i32>} : memref<176x128xf32, #tpu.memory_space<vmem>>, vector<1x16xf32>,
      %get3A_774 = vector.shape_cast %get3A_773 : vector<1x16xf32> to vector<16xf32>
      %add3A_775 = arith.constant 2 : i32
      %add3A_776 = arith.addi %mul3A_246, %add3A_775 : i32
      %get3A_777 = arith.index_cast %add3A_776 : i32 to index
      %get3A_778 = arith.constant 112 : index
      %get3A_779 = tpu.vector_load %arg12[%get3A_777, %get3A_778] {strides = array<i32>} : memref<176x128xf32, #tpu.memory_space<vmem>>, vector<1x16xf32>,
      %get3A_780 = vector.shape_cast %get3A_779 : vector<1x16xf32> to vector<16xf32>
      %add3A_781 = arith.constant 3 : i32
      %add3A_782 = arith.addi %mul3A_246, %add3A_781 : i32
      %get3A_783 = arith.index_cast %add3A_782 : i32 to index
      %get3A_784 = arith.constant 112 : index
      %get3A_785 = tpu.vector_load %arg12[%get3A_783, %get3A_784] {strides = array<i32>} : memref<176x128xf32, #tpu.memory_space<vmem>>, vector<1x16xf32>,
      %get3A_786 = vector.shape_cast %get3A_785 : vector<1x16xf32> to vector<16xf32>
      %add3A_787 = arith.constant 4 : i32
      %add3A_788 = arith.addi %mul3A_246, %add3A_787 : i32
      %get3A_789 = arith.index_cast %add3A_788 : i32 to index
      %get3A_790 = arith.constant 112 : index
      %get3A_791 = tpu.vector_load %arg12[%get3A_789, %get3A_790] {strides = array<i32>} : memref<176x128xf32, #tpu.memory_space<vmem>>, vector<1x16xf32>,
      %get3A_792 = vector.shape_cast %get3A_791 : vector<1x16xf32> to vector<16xf32>
      %add3A_793 = arith.constant 5 : i32
      %add3A_794 = arith.addi %mul3A_246, %add3A_793 : i32
      %get3A_795 = arith.index_cast %add3A_794 : i32 to index
      %get3A_796 = arith.constant 112 : index
      %get3A_797 = tpu.vector_load %arg12[%get3A_795, %get3A_796] {strides = array<i32>} : memref<176x128xf32, #tpu.memory_space<vmem>>, vector<1x16xf32>,
      %get3A_798 = vector.shape_cast %get3A_797 : vector<1x16xf32> to vector<16xf32>
      %add3A_799 = arith.constant 6 : i32
      %add3A_800 = arith.addi %mul3A_246, %add3A_799 : i32
      %get3A_801 = arith.index_cast %add3A_800 : i32 to index
      %get3A_802 = arith.constant 112 : index
      %get3A_803 = tpu.vector_load %arg12[%get3A_801, %get3A_802] {strides = array<i32>} : memref<176x128xf32, #tpu.memory_space<vmem>>, vector<1x16xf32>,
      %get3A_804 = vector.shape_cast %get3A_803 : vector<1x16xf32> to vector<16xf32>
      %add3A_805 = arith.constant 7 : i32
      %add3A_806 = arith.addi %mul3A_246, %add3A_805 : i32
      %get3A_807 = arith.index_cast %add3A_806 : i32 to index
      %get3A_808 = arith.constant 112 : index
      %get3A_809 = tpu.vector_load %arg12[%get3A_807, %get3A_808] {strides = array<i32>} : memref<176x128xf32, #tpu.memory_space<vmem>>, vector<1x16xf32>,
      %get3A_810 = vector.shape_cast %get3A_809 : vector<1x16xf32> to vector<16xf32>
      %add3A_811 = arith.constant 8 : i32
      %add3A_812 = arith.addi %mul3A_246, %add3A_811 : i32
      %get3A_813 = arith.index_cast %add3A_812 : i32 to index
      %get3A_814 = arith.constant 112 : index
      %get3A_815 = tpu.vector_load %arg12[%get3A_813, %get3A_814] {strides = array<i32>} : memref<176x128xf32, #tpu.memory_space<vmem>>, vector<1x16xf32>,
      %get3A_816 = vector.shape_cast %get3A_815 : vector<1x16xf32> to vector<16xf32>
      %add3A_817 = arith.constant 9 : i32
      %add3A_818 = arith.addi %mul3A_246, %add3A_817 : i32
      %get3A_819 = arith.index_cast %add3A_818 : i32 to index
      %get3A_820 = arith.constant 112 : index
      %get3A_821 = tpu.vector_load %arg12[%get3A_819, %get3A_820] {strides = array<i32>} : memref<176x128xf32, #tpu.memory_space<vmem>>, vector<1x16xf32>,
      %get3A_822 = vector.shape_cast %get3A_821 : vector<1x16xf32> to vector<16xf32>
      %add3A_823 = arith.addf %get3A_768, %get3A_774 : vector<16xf32>
      %add3A_824 = arith.addf %get3A_780, %get3A_786 : vector<16xf32>
      %add3A_825 = arith.addf %get3A_792, %get3A_798 : vector<16xf32>
      %add3A_826 = arith.addf %get3A_804, %get3A_810 : vector<16xf32>
      %add3A_827 = arith.addf %get3A_816, %get3A_822 : vector<16xf32>
      %add3A_828 = arith.addf %add3A_823, %add3A_824 : vector<16xf32>
      %add3A_829 = arith.addf %add3A_825, %add3A_826 : vector<16xf32>
      %add3A_830 = arith.addf %add3A_828, %add3A_829 : vector<16xf32>
      %add3A_831 = arith.addf %add3A_830, %add3A_827 : vector<16xf32>
      %swap3A_832 = arith.index_cast %scan3A_244 : i32 to index
      %swap3A_833 = arith.constant 112 : index
      %swap3A_834 = tpu.vector_load %arg14[%swap3A_832, %swap3A_833] {strides = array<i32>} : memref<16x128xf32, #tpu.memory_space<vmem>>, vector<1x16xf32>,
      %swap3A_835 = vector.shape_cast %swap3A_834 : vector<1x16xf32> to vector<16xf32>
      %swap3A_836 = vector.shape_cast %add3A_831 : vector<16xf32> to vector<1x16xf32>
      tpu.vector_store %arg14[%swap3A_832, %swap3A_833], %swap3A_836 {strides = array<i32>} : memref<16x128xf32, #tpu.memory_space<vmem>>, vector<1x16xf32>,
    }
    %scan3A_196 = arith.constant 16 : i32
    %dma_start3A_197 = arith.constant 1 : i32
    %dma_start3A_198 = arith.constant 0 : i32
    %dma_start3A_199 = tpu.memref_slice %arg10[%dma_start3A_197, %dma_start3A_198] : memref<88x16xi32, #tpu.memory_space<vmem>> -> memref<1x16xi32, #tpu.memory_space<vmem>>
    %dma_start3A_200 = tpu.memref_squeeze %dma_start3A_199 : memref<1x16xi32, #tpu.memory_space<vmem>> -> memref<16xi32, #tpu.memory_space<vmem>>
    %dma_start3A_201 = arith.constant 0 : i32
    %dma_start3A_202 = arith.constant 0 : i32
    %dma_start3A_203 = tpu.memref_slice %arg7[%dma_start3A_201, %dma_start3A_202] : memref<45056x128xf32, #tpu.memory_space<hbm>> -> memref<45056x128xf32, #tpu.memory_space<hbm>>
    tpu.enqueue_indirect_dma source(%arg14 : memref<16x128xf32, #tpu.memory_space<vmem>>) target(%dma_start3A_203 : memref<45056x128xf32, #tpu.memory_space<hbm>>) offsets(%dma_start3A_200 : memref<16xi32, #tpu.memory_space<vmem>>) semaphore(%arg20 : memref<!tpu.dma_semaphore, #tpu.memory_space<semaphore_mem>>)
    %scan3A_204 = arith.constant 0 : i32
    %scan3A_205 = arith.constant 1 : i32
    %scan3A_206 = arith.constant 43 : i32
    %scan3A_207 = arith.addi %scan3A_205, %scan3A_206 : i32
    %scan3A_208 = arith.constant 1 : i32
    scf.for %scan3A_244 = %scan3A_205 to %scan3A_207 step %scan3A_208  : i32 {
      %mul3A_245 = arith.constant 2 : i32
      %mul3A_246 = arith.muli %scan3A_244, %mul3A_245 : i32
      %mul3A_247 = arith.constant 2 : i32
      %mul3A_248 = arith.muli %mul3A_246, %mul3A_247 : i32
      %add3A_249 = arith.constant 0 : i32
      %add3A_250 = arith.addi %mul3A_248, %add3A_249 : i32
      %dma_wait3A_251 = arith.constant 0 : i32
      %dma_wait3A_252 = arith.constant 0 : i32
      %dma_wait3A_253 = tpu.memref_slice %arg11[%dma_wait3A_251, %dma_wait3A_252] : memref<176x128xf32, #tpu.memory_space<vmem>> -> memref<80x128xf32, #tpu.memory_space<vmem>>
      %dma_wait3A_254 = arith.constant 0 : i32
      %dma_wait3A_255 = tpu.memref_slice %arg8[%add3A_250, %dma_wait3A_254] : memref<176x80xi32, #tpu.memory_space<vmem>> -> memref<1x80xi32, #tpu.memory_space<vmem>>
      %dma_wait3A_256 = tpu.memref_squeeze %dma_wait3A_255 : memref<1x80xi32, #tpu.memory_space<vmem>> -> memref<80xi32, #tpu.memory_space<vmem>>
      %dma_wait3A_257 = arith.constant 0 : i32
      %dma_wait3A_258 = arith.constant 0 : i32
      %dma_wait3A_259 = tpu.memref_slice %arg2[%dma_wait3A_257, %dma_wait3A_258] : memref<100000x128xf32, #tpu.memory_space<hbm>> -> memref<100000x128xf32, #tpu.memory_space<hbm>>
      tpu.wait_indirect_dma semaphore(%arg15 : memref<!tpu.dma_semaphore, #tpu.memory_space<semaphore_mem>>) src(%dma_wait3A_259 : memref<100000x128xf32, #tpu.memory_space<hbm>>) dst(%dma_wait3A_253 : memref<80x128xf32, #tpu.memory_space<vmem>>)
      %mul3A_260 = arith.constant 2 : i32
      %mul3A_261 = arith.muli %mul3A_246, %mul3A_260 : i32
      %add3A_262 = arith.constant 1 : i32
      %add3A_263 = arith.addi %mul3A_261, %add3A_262 : i32
      %dma_wait3A_264 = arith.constant 80 : i32
      %dma_wait3A_265 = arith.constant 0 : i32
      %dma_wait3A_266 = tpu.memref_slice %arg11[%dma_wait3A_264, %dma_wait3A_265] : memref<176x128xf32, #tpu.memory_space<vmem>> -> memref<80x128xf32, #tpu.memory_space<vmem>>
      %dma_wait3A_267 = arith.constant 0 : i32
      %dma_wait3A_268 = tpu.memref_slice %arg8[%add3A_263, %dma_wait3A_267] : memref<176x80xi32, #tpu.memory_space<vmem>> -> memref<1x80xi32, #tpu.memory_space<vmem>>
      %dma_wait3A_269 = tpu.memref_squeeze %dma_wait3A_268 : memref<1x80xi32, #tpu.memory_space<vmem>> -> memref<80xi32, #tpu.memory_space<vmem>>
      %dma_wait3A_270 = arith.constant 0 : i32
      %dma_wait3A_271 = arith.constant 0 : i32
      %dma_wait3A_272 = tpu.memref_slice %arg2[%dma_wait3A_270, %dma_wait3A_271] : memref<100000x128xf32, #tpu.memory_space<hbm>> -> memref<100000x128xf32, #tpu.memory_space<hbm>>
      tpu.wait_indirect_dma semaphore(%arg15 : memref<!tpu.dma_semaphore, #tpu.memory_space<semaphore_mem>>) src(%dma_wait3A_272 : memref<100000x128xf32, #tpu.memory_space<hbm>>) dst(%dma_wait3A_266 : memref<80x128xf32, #tpu.memory_space<vmem>>)
      %dma_wait3A_273 = arith.constant 160 : i32
      %dma_wait3A_274 = arith.constant 0 : i32
      %dma_wait3A_275 = tpu.memref_slice %arg11[%dma_wait3A_273, %dma_wait3A_274] : memref<176x128xf32, #tpu.memory_space<vmem>> -> memref<16x128xf32, #tpu.memory_space<vmem>>
      %dma_wait3A_276 = arith.constant 0 : i32
      %dma_wait3A_277 = tpu.memref_slice %arg9[%mul3A_246, %dma_wait3A_276] : memref<88x16xi32, #tpu.memory_space<vmem>> -> memref<1x16xi32, #tpu.memory_space<vmem>>
      %dma_wait3A_278 = tpu.memref_squeeze %dma_wait3A_277 : memref<1x16xi32, #tpu.memory_space<vmem>> -> memref<16xi32, #tpu.memory_space<vmem>>
      %dma_wait3A_279 = arith.constant 0 : i32
      %dma_wait3A_280 = arith.constant 0 : i32
      %dma_wait3A_281 = tpu.memref_slice %arg2[%dma_wait3A_279, %dma_wait3A_280] : memref<100000x128xf32, #tpu.memory_space<hbm>> -> memref<100000x128xf32, #tpu.memory_space<hbm>>
      tpu.wait_indirect_dma semaphore(%arg15 : memref<!tpu.dma_semaphore, #tpu.memory_space<semaphore_mem>>) src(%dma_wait3A_281 : memref<100000x128xf32, #tpu.memory_space<hbm>>) dst(%dma_wait3A_275 : memref<16x128xf32, #tpu.memory_space<vmem>>)
      %dma_start3A_282 = arith.constant 160 : i32
      %dma_start3A_283 = arith.constant 0 : i32
      %dma_start3A_284 = tpu.memref_slice %arg11[%dma_start3A_282, %dma_start3A_283] : memref<176x128xf32, #tpu.memory_space<vmem>> -> memref<16x128xf32, #tpu.memory_space<vmem>>
      %dma_start3A_285 = arith.constant 0 : i32
      %dma_start3A_286 = tpu.memref_slice %arg10[%mul3A_246, %dma_start3A_285] : memref<88x16xi32, #tpu.memory_space<vmem>> -> memref<1x16xi32, #tpu.memory_space<vmem>>
      %dma_start3A_287 = tpu.memref_squeeze %dma_start3A_286 : memref<1x16xi32, #tpu.memory_space<vmem>> -> memref<16xi32, #tpu.memory_space<vmem>>
      %dma_start3A_288 = arith.constant 0 : i32
      %dma_start3A_289 = arith.constant 0 : i32
      %dma_start3A_290 = tpu.memref_slice %arg6[%dma_start3A_288, %dma_start3A_289] : memref<45056x128xf32, #tpu.memory_space<hbm>> -> memref<45056x128xf32, #tpu.memory_space<hbm>>
      tpu.enqueue_indirect_dma source(%dma_start3A_284 : memref<16x128xf32, #tpu.memory_space<vmem>>) target(%dma_start3A_290 : memref<45056x128xf32, #tpu.memory_space<hbm>>) offsets(%dma_start3A_287 : memref<16xi32, #tpu.memory_space<vmem>>) semaphore(%arg17 : memref<!tpu.dma_semaphore, #tpu.memory_space<semaphore_mem>>)
      %dma_wait3A_291 = arith.constant 0 : i32
      %dma_wait3A_292 = arith.constant 160 : i32
      %dma_wait3A_293 = arith.constant 0 : i32
      %dma_wait3A_294 = tpu.memref_slice %arg12[%dma_wait3A_292, %dma_wait3A_293] : memref<176x128xf32, #tpu.memory_space<vmem>> -> memref<16x128xf32, #tpu.memory_space<vmem>>
      %dma_wait3A_295 = arith.constant 0 : i32
      %dma_wait3A_296 = tpu.memref_slice %arg10[%dma_wait3A_291, %dma_wait3A_295] : memref<88x16xi32, #tpu.memory_space<vmem>> -> memref<1x16xi32, #tpu.memory_space<vmem>>
      %dma_wait3A_297 = tpu.memref_squeeze %dma_wait3A_296 : memref<1x16xi32, #tpu.memory_space<vmem>> -> memref<16xi32, #tpu.memory_space<vmem>>
      %dma_wait3A_298 = arith.constant 0 : i32
      %dma_wait3A_299 = arith.constant 0 : i32
      %dma_wait3A_300 = tpu.memref_slice %arg6[%dma_wait3A_298, %dma_wait3A_299] : memref<45056x128xf32, #tpu.memory_space<hbm>> -> memref<45056x128xf32, #tpu.memory_space<hbm>>
      tpu.wait_indirect_dma semaphore(%arg18 : memref<!tpu.dma_semaphore, #tpu.memory_space<semaphore_mem>>) src(%dma_wait3A_294 : memref<16x128xf32, #tpu.memory_space<vmem>>) dst(%dma_wait3A_300 : memref<45056x128xf32, #tpu.memory_space<hbm>>)
      %add3A_301 = arith.constant 1 : i32
      %add3A_302 = arith.addi %mul3A_246, %add3A_301 : i32
      %mul3A_303 = arith.constant 2 : i32
      %mul3A_304 = arith.muli %add3A_302, %mul3A_303 : i32
      %add3A_305 = arith.constant 0 : i32
      %add3A_306 = arith.addi %mul3A_304, %add3A_305 : i32
      %dma_start3A_307 = arith.constant 0 : i32
      %dma_start3A_308 = arith.constant 0 : i32
      %dma_start3A_309 = tpu.memref_slice %arg12[%dma_start3A_307, %dma_start3A_308] : memref<176x128xf32, #tpu.memory_space<vmem>> -> memref<80x128xf32, #tpu.memory_space<vmem>>
      %dma_start3A_310 = arith.constant 0 : i32
      %dma_start3A_311 = tpu.memref_slice %arg8[%add3A_306, %dma_start3A_310] : memref<176x80xi32, #tpu.memory_space<vmem>> -> memref<1x80xi32, #tpu.memory_space<vmem>>
      %dma_start3A_312 = tpu.memref_squeeze %dma_start3A_311 : memref<1x80xi32, #tpu.memory_space<vmem>> -> memref<80xi32, #tpu.memory_space<vmem>>
      %dma_start3A_313 = arith.constant 0 : i32
      %dma_start3A_314 = arith.constant 0 : i32
      %dma_start3A_315 = tpu.memref_slice %arg2[%dma_start3A_313, %dma_start3A_314] : memref<100000x128xf32, #tpu.memory_space<hbm>> -> memref<100000x128xf32, #tpu.memory_space<hbm>>
      tpu.enqueue_indirect_dma source(%dma_start3A_315 : memref<100000x128xf32, #tpu.memory_space<hbm>>) target(%dma_start3A_309 : memref<80x128xf32, #tpu.memory_space<vmem>>) offsets(%dma_start3A_312 : memref<80xi32, #tpu.memory_space<vmem>>) semaphore(%arg16 : memref<!tpu.dma_semaphore, #tpu.memory_space<semaphore_mem>>)
      %mul3A_316 = arith.constant 2 : i32
      %mul3A_317 = arith.muli %add3A_302, %mul3A_316 : i32
      %add3A_318 = arith.constant 1 : i32
      %add3A_319 = arith.addi %mul3A_317, %add3A_318 : i32
      %dma_start3A_320 = arith.constant 80 : i32
      %dma_start3A_321 = arith.constant 0 : i32
      %dma_start3A_322 = tpu.memref_slice %arg12[%dma_start3A_320, %dma_start3A_321] : memref<176x128xf32, #tpu.memory_space<vmem>> -> memref<80x128xf32, #tpu.memory_space<vmem>>
      %dma_start3A_323 = arith.constant 0 : i32
      %dma_start3A_324 = tpu.memref_slice %arg8[%add3A_319, %dma_start3A_323] : memref<176x80xi32, #tpu.memory_space<vmem>> -> memref<1x80xi32, #tpu.memory_space<vmem>>
      %dma_start3A_325 = tpu.memref_squeeze %dma_start3A_324 : memref<1x80xi32, #tpu.memory_space<vmem>> -> memref<80xi32, #tpu.memory_space<vmem>>
      %dma_start3A_326 = arith.constant 0 : i32
      %dma_start3A_327 = arith.constant 0 : i32
      %dma_start3A_328 = tpu.memref_slice %arg2[%dma_start3A_326, %dma_start3A_327] : memref<100000x128xf32, #tpu.memory_space<hbm>> -> memref<100000x128xf32, #tpu.memory_space<hbm>>
      tpu.enqueue_indirect_dma source(%dma_start3A_328 : memref<100000x128xf32, #tpu.memory_space<hbm>>) target(%dma_start3A_322 : memref<80x128xf32, #tpu.memory_space<vmem>>) offsets(%dma_start3A_325 : memref<80xi32, #tpu.memory_space<vmem>>) semaphore(%arg16 : memref<!tpu.dma_semaphore, #tpu.memory_space<semaphore_mem>>)
      %dma_start3A_329 = arith.constant 160 : i32
      %dma_start3A_330 = arith.constant 0 : i32
      %dma_start3A_331 = tpu.memref_slice %arg12[%dma_start3A_329, %dma_start3A_330] : memref<176x128xf32, #tpu.memory_space<vmem>> -> memref<16x128xf32, #tpu.memory_space<vmem>>
      %dma_start3A_332 = arith.constant 0 : i32
      %dma_start3A_333 = tpu.memref_slice %arg9[%add3A_302, %dma_start3A_332] : memref<88x16xi32, #tpu.memory_space<vmem>> -> memref<1x16xi32, #tpu.memory_space<vmem>>
      %dma_start3A_334 = tpu.memref_squeeze %dma_start3A_333 : memref<1x16xi32, #tpu.memory_space<vmem>> -> memref<16xi32, #tpu.memory_space<vmem>>
      %dma_start3A_335 = arith.constant 0 : i32
      %dma_start3A_336 = arith.constant 0 : i32
      %dma_start3A_337 = tpu.memref_slice %arg2[%dma_start3A_335, %dma_start3A_336] : memref<100000x128xf32, #tpu.memory_space<hbm>> -> memref<100000x128xf32, #tpu.memory_space<hbm>>
      tpu.enqueue_indirect_dma source(%dma_start3A_337 : memref<100000x128xf32, #tpu.memory_space<hbm>>) target(%dma_start3A_331 : memref<16x128xf32, #tpu.memory_space<vmem>>) offsets(%dma_start3A_334 : memref<16xi32, #tpu.memory_space<vmem>>) semaphore(%arg16 : memref<!tpu.dma_semaphore, #tpu.memory_space<semaphore_mem>>)
      %dma_wait3A_338 = arith.constant 0 : i32
      %dma_wait3A_339 = arith.constant 0 : i32
      %dma_wait3A_340 = tpu.memref_slice %arg10[%dma_wait3A_338, %dma_wait3A_339] : memref<88x16xi32, #tpu.memory_space<vmem>> -> memref<1x16xi32, #tpu.memory_space<vmem>>
      %dma_wait3A_341 = tpu.memref_squeeze %dma_wait3A_340 : memref<1x16xi32, #tpu.memory_space<vmem>> -> memref<16xi32, #tpu.memory_space<vmem>>
      %dma_wait3A_342 = arith.constant 0 : i32
      %dma_wait3A_343 = arith.constant 0 : i32
      %dma_wait3A_344 = tpu.memref_slice %arg7[%dma_wait3A_342, %dma_wait3A_343] : memref<45056x128xf32, #tpu.memory_space<hbm>> -> memref<45056x128xf32, #tpu.memory_space<hbm>>
      tpu.wait_indirect_dma semaphore(%arg19 : memref<!tpu.dma_semaphore, #tpu.memory_space<semaphore_mem>>) src(%arg13 : memref<16x128xf32, #tpu.memory_space<vmem>>) dst(%dma_wait3A_344 : memref<45056x128xf32, #tpu.memory_space<hbm>>)
      %scan3A_345 = arith.constant 0 : i32
      %scan3A_346 = arith.constant 0 : i32
      %scan3A_347 = arith.constant 16 : i32
      %scan3A_348 = arith.addi %scan3A_346, %scan3A_347 : i32
      %scan3A_349 = arith.constant 1 : i32
      scf.for %scan3A_424 = %scan3A_346 to %scan3A_348 step %scan3A_349  : i32 {
        %mul3A_425 = arith.constant 10 : i32
        %mul3A_426 = arith.muli %scan3A_424, %mul3A_425 : i32
        %add3A_427 = arith.constant 0 : i32
        %add3A_428 = arith.addi %mul3A_426, %add3A_427 : i32
        %get3A = arith.index_cast %add3A_428 : i32 to index
        %get3A_429 = arith.constant 0 : index
        %get3A_430 = tpu.vector_load %arg11[%get3A, %get3A_429] {strides = array<i32>} : memref<176x128xf32, #tpu.memory_space<vmem>>, vector<1x16xf32>,
        %get3A_431 = vector.shape_cast %get3A_430 : vector<1x16xf32> to vector<16xf32>
        %add3A_432 = arith.constant 1 : i32
        %add3A_433 = arith.addi %mul3A_426, %add3A_432 : i32
        %get3A_434 = arith.index_cast %add3A_433 : i32 to index
        %get3A_435 = arith.constant 0 : index
        %get3A_436 = tpu.vector_load %arg11[%get3A_434, %get3A_435] {strides = array<i32>} : memref<176x128xf32, #tpu.memory_space<vmem>>, vector<1x16xf32>,
        %get3A_437 = vector.shape_cast %get3A_436 : vector<1x16xf32> to vector<16xf32>
        %add3A_438 = arith.constant 2 : i32
        %add3A_439 = arith.addi %mul3A_426, %add3A_438 : i32
        %get3A_440 = arith.index_cast %add3A_439 : i32 to index
        %get3A_441 = arith.constant 0 : index
        %get3A_442 = tpu.vector_load %arg11[%get3A_440, %get3A_441] {strides = array<i32>} : memref<176x128xf32, #tpu.memory_space<vmem>>, vector<1x16xf32>,
        %get3A_443 = vector.shape_cast %get3A_442 : vector<1x16xf32> to vector<16xf32>
        %add3A_444 = arith.constant 3 : i32
        %add3A_445 = arith.addi %mul3A_426, %add3A_444 : i32
        %get3A_446 = arith.index_cast %add3A_445 : i32 to index
        %get3A_447 = arith.constant 0 : index
        %get3A_448 = tpu.vector_load %arg11[%get3A_446, %get3A_447] {strides = array<i32>} : memref<176x128xf32, #tpu.memory_space<vmem>>, vector<1x16xf32>,
        %get3A_449 = vector.shape_cast %get3A_448 : vector<1x16xf32> to vector<16xf32>
        %add3A_450 = arith.constant 4 : i32
        %add3A_451 = arith.addi %mul3A_426, %add3A_450 : i32
        %get3A_452 = arith.index_cast %add3A_451 : i32 to index
        %get3A_453 = arith.constant 0 : index
        %get3A_454 = tpu.vector_load %arg11[%get3A_452, %get3A_453] {strides = array<i32>} : memref<176x128xf32, #tpu.memory_space<vmem>>, vector<1x16xf32>,
        %get3A_455 = vector.shape_cast %get3A_454 : vector<1x16xf32> to vector<16xf32>
        %add3A_456 = arith.constant 5 : i32
        %add3A_457 = arith.addi %mul3A_426, %add3A_456 : i32
        %get3A_458 = arith.index_cast %add3A_457 : i32 to index
        %get3A_459 = arith.constant 0 : index
        %get3A_460 = tpu.vector_load %arg11[%get3A_458, %get3A_459] {strides = array<i32>} : memref<176x128xf32, #tpu.memory_space<vmem>>, vector<1x16xf32>,
        %get3A_461 = vector.shape_cast %get3A_460 : vector<1x16xf32> to vector<16xf32>
        %add3A_462 = arith.constant 6 : i32
        %add3A_463 = arith.addi %mul3A_426, %add3A_462 : i32
        %get3A_464 = arith.index_cast %add3A_463 : i32 to index
        %get3A_465 = arith.constant 0 : index
        %get3A_466 = tpu.vector_load %arg11[%get3A_464, %get3A_465] {strides = array<i32>} : memref<176x128xf32, #tpu.memory_space<vmem>>, vector<1x16xf32>,
        %get3A_467 = vector.shape_cast %get3A_466 : vector<1x16xf32> to vector<16xf32>
        %add3A_468 = arith.constant 7 : i32
        %add3A_469 = arith.addi %mul3A_426, %add3A_468 : i32
        %get3A_470 = arith.index_cast %add3A_469 : i32 to index
        %get3A_471 = arith.constant 0 : index
        %get3A_472 = tpu.vector_load %arg11[%get3A_470, %get3A_471] {strides = array<i32>} : memref<176x128xf32, #tpu.memory_space<vmem>>, vector<1x16xf32>,
        %get3A_473 = vector.shape_cast %get3A_472 : vector<1x16xf32> to vector<16xf32>
        %add3A_474 = arith.constant 8 : i32
        %add3A_475 = arith.addi %mul3A_426, %add3A_474 : i32
        %get3A_476 = arith.index_cast %add3A_475 : i32 to index
        %get3A_477 = arith.constant 0 : index
        %get3A_478 = tpu.vector_load %arg11[%get3A_476, %get3A_477] {strides = array<i32>} : memref<176x128xf32, #tpu.memory_space<vmem>>, vector<1x16xf32>,
        %get3A_479 = vector.shape_cast %get3A_478 : vector<1x16xf32> to vector<16xf32>
        %add3A_480 = arith.constant 9 : i32
        %add3A_481 = arith.addi %mul3A_426, %add3A_480 : i32
        %get3A_482 = arith.index_cast %add3A_481 : i32 to index
        %get3A_483 = arith.constant 0 : index
        %get3A_484 = tpu.vector_load %arg11[%get3A_482, %get3A_483] {strides = array<i32>} : memref<176x128xf32, #tpu.memory_space<vmem>>, vector<1x16xf32>,
        %get3A_485 = vector.shape_cast %get3A_484 : vector<1x16xf32> to vector<16xf32>
        %add3A_486 = arith.addf %get3A_431, %get3A_437 : vector<16xf32>
        %add3A_487 = arith.addf %get3A_443, %get3A_449 : vector<16xf32>
        %add3A_488 = arith.addf %get3A_455, %get3A_461 : vector<16xf32>
        %add3A_489 = arith.addf %get3A_467, %get3A_473 : vector<16xf32>
        %add3A_490 = arith.addf %get3A_479, %get3A_485 : vector<16xf32>
        %add3A_491 = arith.addf %add3A_486, %add3A_487 : vector<16xf32>
        %add3A_492 = arith.addf %add3A_488, %add3A_489 : vector<16xf32>
        %add3A_493 = arith.addf %add3A_491, %add3A_492 : vector<16xf32>
        %add3A_494 = arith.addf %add3A_493, %add3A_490 : vector<16xf32>
        %swap3A = arith.index_cast %scan3A_424 : i32 to index
        %swap3A_495 = arith.constant 0 : index
        %swap3A_496 = tpu.vector_load %arg13[%swap3A, %swap3A_495] {strides = array<i32>} : memref<16x128xf32, #tpu.memory_space<vmem>>, vector<1x16xf32>,
        %swap3A_497 = vector.shape_cast %swap3A_496 : vector<1x16xf32> to vector<16xf32>
        %swap3A_498 = vector.shape_cast %add3A_494 : vector<16xf32> to vector<1x16xf32>
        tpu.vector_store %arg13[%swap3A, %swap3A_495], %swap3A_498 {strides = array<i32>} : memref<16x128xf32, #tpu.memory_space<vmem>>, vector<1x16xf32>,
        %add3A_499 = arith.constant 0 : i32
        %add3A_500 = arith.addi %mul3A_426, %add3A_499 : i32
        %get3A_501 = arith.index_cast %add3A_500 : i32 to index
        %get3A_502 = arith.constant 16 : index
        %get3A_503 = tpu.vector_load %arg11[%get3A_501, %get3A_502] {strides = array<i32>} : memref<176x128xf32, #tpu.memory_space<vmem>>, vector<1x16xf32>,
        %get3A_504 = vector.shape_cast %get3A_503 : vector<1x16xf32> to vector<16xf32>
        %add3A_505 = arith.constant 1 : i32
        %add3A_506 = arith.addi %mul3A_426, %add3A_505 : i32
        %get3A_507 = arith.index_cast %add3A_506 : i32 to index
        %get3A_508 = arith.constant 16 : index
        %get3A_509 = tpu.vector_load %arg11[%get3A_507, %get3A_508] {strides = array<i32>} : memref<176x128xf32, #tpu.memory_space<vmem>>, vector<1x16xf32>,
        %get3A_510 = vector.shape_cast %get3A_509 : vector<1x16xf32> to vector<16xf32>
        %add3A_511 = arith.constant 2 : i32
        %add3A_512 = arith.addi %mul3A_426, %add3A_511 : i32
        %get3A_513 = arith.index_cast %add3A_512 : i32 to index
        %get3A_514 = arith.constant 16 : index
        %get3A_515 = tpu.vector_load %arg11[%get3A_513, %get3A_514] {strides = array<i32>} : memref<176x128xf32, #tpu.memory_space<vmem>>, vector<1x16xf32>,
        %get3A_516 = vector.shape_cast %get3A_515 : vector<1x16xf32> to vector<16xf32>
        %add3A_517 = arith.constant 3 : i32
        %add3A_518 = arith.addi %mul3A_426, %add3A_517 : i32
        %get3A_519 = arith.index_cast %add3A_518 : i32 to index
        %get3A_520 = arith.constant 16 : index
        %get3A_521 = tpu.vector_load %arg11[%get3A_519, %get3A_520] {strides = array<i32>} : memref<176x128xf32, #tpu.memory_space<vmem>>, vector<1x16xf32>,
        %get3A_522 = vector.shape_cast %get3A_521 : vector<1x16xf32> to vector<16xf32>
        %add3A_523 = arith.constant 4 : i32
        %add3A_524 = arith.addi %mul3A_426, %add3A_523 : i32
        %get3A_525 = arith.index_cast %add3A_524 : i32 to index
        %get3A_526 = arith.constant 16 : index
        %get3A_527 = tpu.vector_load %arg11[%get3A_525, %get3A_526] {strides = array<i32>} : memref<176x128xf32, #tpu.memory_space<vmem>>, vector<1x16xf32>,
        %get3A_528 = vector.shape_cast %get3A_527 : vector<1x16xf32> to vector<16xf32>
        %add3A_529 = arith.constant 5 : i32
        %add3A_530 = arith.addi %mul3A_426, %add3A_529 : i32
        %get3A_531 = arith.index_cast %add3A_530 : i32 to index
        %get3A_532 = arith.constant 16 : index
        %get3A_533 = tpu.vector_load %arg11[%get3A_531, %get3A_532] {strides = array<i32>} : memref<176x128xf32, #tpu.memory_space<vmem>>, vector<1x16xf32>,
        %get3A_534 = vector.shape_cast %get3A_533 : vector<1x16xf32> to vector<16xf32>
        %add3A_535 = arith.constant 6 : i32
        %add3A_536 = arith.addi %mul3A_426, %add3A_535 : i32
        %get3A_537 = arith.index_cast %add3A_536 : i32 to index
        %get3A_538 = arith.constant 16 : index
        %get3A_539 = tpu.vector_load %arg11[%get3A_537, %get3A_538] {strides = array<i32>} : memref<176x128xf32, #tpu.memory_space<vmem>>, vector<1x16xf32>,
        %get3A_540 = vector.shape_cast %get3A_539 : vector<1x16xf32> to vector<16xf32>
        %add3A_541 = arith.constant 7 : i32
        %add3A_542 = arith.addi %mul3A_426, %add3A_541 : i32
        %get3A_543 = arith.index_cast %add3A_542 : i32 to index
        %get3A_544 = arith.constant 16 : index
        %get3A_545 = tpu.vector_load %arg11[%get3A_543, %get3A_544] {strides = array<i32>} : memref<176x128xf32, #tpu.memory_space<vmem>>, vector<1x16xf32>,
        %get3A_546 = vector.shape_cast %get3A_545 : vector<1x16xf32> to vector<16xf32>
        %add3A_547 = arith.constant 8 : i32
        %add3A_548 = arith.addi %mul3A_426, %add3A_547 : i32
        %get3A_549 = arith.index_cast %add3A_548 : i32 to index
        %get3A_550 = arith.constant 16 : index
        %get3A_551 = tpu.vector_load %arg11[%get3A_549, %get3A_550] {strides = array<i32>} : memref<176x128xf32, #tpu.memory_space<vmem>>, vector<1x16xf32>,
        %get3A_552 = vector.shape_cast %get3A_551 : vector<1x16xf32> to vector<16xf32>
        %add3A_553 = arith.constant 9 : i32
        %add3A_554 = arith.addi %mul3A_426, %add3A_553 : i32
        %get3A_555 = arith.index_cast %add3A_554 : i32 to index
        %get3A_556 = arith.constant 16 : index
        %get3A_557 = tpu.vector_load %arg11[%get3A_555, %get3A_556] {strides = array<i32>} : memref<176x128xf32, #tpu.memory_space<vmem>>, vector<1x16xf32>,
        %get3A_558 = vector.shape_cast %get3A_557 : vector<1x16xf32> to vector<16xf32>
        %add3A_559 = arith.addf %get3A_504, %get3A_510 : vector<16xf32>
        %add3A_560 = arith.addf %get3A_516, %get3A_522 : vector<16xf32>
        %add3A_561 = arith.addf %get3A_528, %get3A_534 : vector<16xf32>
        %add3A_562 = arith.addf %get3A_540, %get3A_546 : vector<16xf32>
        %add3A_563 = arith.addf %get3A_552, %get3A_558 : vector<16xf32>
        %add3A_564 = arith.addf %add3A_559, %add3A_560 : vector<16xf32>
        %add3A_565 = arith.addf %add3A_561, %add3A_562 : vector<16xf32>
        %add3A_566 = arith.addf %add3A_564, %add3A_565 : vector<16xf32>
        %add3A_567 = arith.addf %add3A_566, %add3A_563 : vector<16xf32>
        %swap3A_568 = arith.index_cast %scan3A_424 : i32 to index
        %swap3A_569 = arith.constant 16 : index
        %swap3A_570 = tpu.vector_load %arg13[%swap3A_568, %swap3A_569] {strides = array<i32>} : memref<16x128xf32, #tpu.memory_space<vmem>>, vector<1x16xf32>,
        %swap3A_571 = vector.shape_cast %swap3A_570 : vector<1x16xf32> to vector<16xf32>
        %swap3A_572 = vector.shape_cast %add3A_567 : vector<16xf32> to vector<1x16xf32>
        tpu.vector_store %arg13[%swap3A_568, %swap3A_569], %swap3A_572 {strides = array<i32>} : memref<16x128xf32, #tpu.memory_space<vmem>>, vector<1x16xf32>,
        %add3A_573 = arith.constant 0 : i32
        %add3A_574 = arith.addi %mul3A_426, %add3A_573 : i32
        %get3A_575 = arith.index_cast %add3A_574 : i32 to index
        %get3A_576 = arith.constant 32 : index
        %get3A_577 = tpu.vector_load %arg11[%get3A_575, %get3A_576] {strides = array<i32>} : memref<176x128xf32, #tpu.memory_space<vmem>>, vector<1x16xf32>,
        %get3A_578 = vector.shape_cast %get3A_577 : vector<1x16xf32> to vector<16xf32>
        %add3A_579 = arith.constant 1 : i32
        %add3A_580 = arith.addi %mul3A_426, %add3A_579 : i32
        %get3A_581 = arith.index_cast %add3A_580 : i32 to index
        %get3A_582 = arith.constant 32 : index
        %get3A_583 = tpu.vector_load %arg11[%get3A_581, %get3A_582] {strides = array<i32>} : memref<176x128xf32, #tpu.memory_space<vmem>>, vector<1x16xf32>,
        %get3A_584 = vector.shape_cast %get3A_583 : vector<1x16xf32> to vector<16xf32>
        %add3A_585 = arith.constant 2 : i32
        %add3A_586 = arith.addi %mul3A_426, %add3A_585 : i32
        %get3A_587 = arith.index_cast %add3A_586 : i32 to index
        %get3A_588 = arith.constant 32 : index
        %get3A_589 = tpu.vector_load %arg11[%get3A_587, %get3A_588] {strides = array<i32>} : memref<176x128xf32, #tpu.memory_space<vmem>>, vector<1x16xf32>,
        %get3A_590 = vector.shape_cast %get3A_589 : vector<1x16xf32> to vector<16xf32>
        %add3A_591 = arith.constant 3 : i32
        %add3A_592 = arith.addi %mul3A_426, %add3A_591 : i32
        %get3A_593 = arith.index_cast %add3A_592 : i32 to index
        %get3A_594 = arith.constant 32 : index
        %get3A_595 = tpu.vector_load %arg11[%get3A_593, %get3A_594] {strides = array<i32>} : memref<176x128xf32, #tpu.memory_space<vmem>>, vector<1x16xf32>,
        %get3A_596 = vector.shape_cast %get3A_595 : vector<1x16xf32> to vector<16xf32>
        %add3A_597 = arith.constant 4 : i32
        %add3A_598 = arith.addi %mul3A_426, %add3A_597 : i32
        %get3A_599 = arith.index_cast %add3A_598 : i32 to index
        %get3A_600 = arith.constant 32 : index
        %get3A_601 = tpu.vector_load %arg11[%get3A_599, %get3A_600] {strides = array<i32>} : memref<176x128xf32, #tpu.memory_space<vmem>>, vector<1x16xf32>,
        %get3A_602 = vector.shape_cast %get3A_601 : vector<1x16xf32> to vector<16xf32>
        %add3A_603 = arith.constant 5 : i32
        %add3A_604 = arith.addi %mul3A_426, %add3A_603 : i32
        %get3A_605 = arith.index_cast %add3A_604 : i32 to index
        %get3A_606 = arith.constant 32 : index
        %get3A_607 = tpu.vector_load %arg11[%get3A_605, %get3A_606] {strides = array<i32>} : memref<176x128xf32, #tpu.memory_space<vmem>>, vector<1x16xf32>,
        %get3A_608 = vector.shape_cast %get3A_607 : vector<1x16xf32> to vector<16xf32>
        %add3A_609 = arith.constant 6 : i32
        %add3A_610 = arith.addi %mul3A_426, %add3A_609 : i32
        %get3A_611 = arith.index_cast %add3A_610 : i32 to index
        %get3A_612 = arith.constant 32 : index
        %get3A_613 = tpu.vector_load %arg11[%get3A_611, %get3A_612] {strides = array<i32>} : memref<176x128xf32, #tpu.memory_space<vmem>>, vector<1x16xf32>,
        %get3A_614 = vector.shape_cast %get3A_613 : vector<1x16xf32> to vector<16xf32>
        %add3A_615 = arith.constant 7 : i32
        %add3A_616 = arith.addi %mul3A_426, %add3A_615 : i32
        %get3A_617 = arith.index_cast %add3A_616 : i32 to index
        %get3A_618 = arith.constant 32 : index
        %get3A_619 = tpu.vector_load %arg11[%get3A_617, %get3A_618] {strides = array<i32>} : memref<176x128xf32, #tpu.memory_space<vmem>>, vector<1x16xf32>,
        %get3A_620 = vector.shape_cast %get3A_619 : vector<1x16xf32> to vector<16xf32>
        %add3A_621 = arith.constant 8 : i32
        %add3A_622 = arith.addi %mul3A_426, %add3A_621 : i32
        %get3A_623 = arith.index_cast %add3A_622 : i32 to index
        %get3A_624 = arith.constant 32 : index
        %get3A_625 = tpu.vector_load %arg11[%get3A_623, %get3A_624] {strides = array<i32>} : memref<176x128xf32, #tpu.memory_space<vmem>>, vector<1x16xf32>,
        %get3A_626 = vector.shape_cast %get3A_625 : vector<1x16xf32> to vector<16xf32>
        %add3A_627 = arith.constant 9 : i32
        %add3A_628 = arith.addi %mul3A_426, %add3A_627 : i32
        %get3A_629 = arith.index_cast %add3A_628 : i32 to index
        %get3A_630 = arith.constant 32 : index
        %get3A_631 = tpu.vector_load %arg11[%get3A_629, %get3A_630] {strides = array<i32>} : memref<176x128xf32, #tpu.memory_space<vmem>>, vector<1x16xf32>,
        %get3A_632 = vector.shape_cast %get3A_631 : vector<1x16xf32> to vector<16xf32>
        %add3A_633 = arith.addf %get3A_578, %get3A_584 : vector<16xf32>
        %add3A_634 = arith.addf %get3A_590, %get3A_596 : vector<16xf32>
        %add3A_635 = arith.addf %get3A_602, %get3A_608 : vector<16xf32>
        %add3A_636 = arith.addf %get3A_614, %get3A_620 : vector<16xf32>
        %add3A_637 = arith.addf %get3A_626, %get3A_632 : vector<16xf32>
        %add3A_638 = arith.addf %add3A_633, %add3A_634 : vector<16xf32>
        %add3A_639 = arith.addf %add3A_635, %add3A_636 : vector<16xf32>
        %add3A_640 = arith.addf %add3A_638, %add3A_639 : vector<16xf32>
        %add3A_641 = arith.addf %add3A_640, %add3A_637 : vector<16xf32>
        %swap3A_642 = arith.index_cast %scan3A_424 : i32 to index
        %swap3A_643 = arith.constant 32 : index
        %swap3A_644 = tpu.vector_load %arg13[%swap3A_642, %swap3A_643] {strides = array<i32>} : memref<16x128xf32, #tpu.memory_space<vmem>>, vector<1x16xf32>,
        %swap3A_645 = vector.shape_cast %swap3A_644 : vector<1x16xf32> to vector<16xf32>
        %swap3A_646 = vector.shape_cast %add3A_641 : vector<16xf32> to vector<1x16xf32>
        tpu.vector_store %arg13[%swap3A_642, %swap3A_643], %swap3A_646 {strides = array<i32>} : memref<16x128xf32, #tpu.memory_space<vmem>>, vector<1x16xf32>,
        %add3A_647 = arith.constant 0 : i32
        %add3A_648 = arith.addi %mul3A_426, %add3A_647 : i32
        %get3A_649 = arith.index_cast %add3A_648 : i32 to index
        %get3A_650 = arith.constant 48 : index
        %get3A_651 = tpu.vector_load %arg11[%get3A_649, %get3A_650] {strides = array<i32>} : memref<176x128xf32, #tpu.memory_space<vmem>>, vector<1x16xf32>,
        %get3A_652 = vector.shape_cast %get3A_651 : vector<1x16xf32> to vector<16xf32>
        %add3A_653 = arith.constant 1 : i32
        %add3A_654 = arith.addi %mul3A_426, %add3A_653 : i32
        %get3A_655 = arith.index_cast %add3A_654 : i32 to index
        %get3A_656 = arith.constant 48 : index
        %get3A_657 = tpu.vector_load %arg11[%get3A_655, %get3A_656] {strides = array<i32>} : memref<176x128xf32, #tpu.memory_space<vmem>>, vector<1x16xf32>,
        %get3A_658 = vector.shape_cast %get3A_657 : vector<1x16xf32> to vector<16xf32>
        %add3A_659 = arith.constant 2 : i32
        %add3A_660 = arith.addi %mul3A_426, %add3A_659 : i32
        %get3A_661 = arith.index_cast %add3A_660 : i32 to index
        %get3A_662 = arith.constant 48 : index
        %get3A_663 = tpu.vector_load %arg11[%get3A_661, %get3A_662] {strides = array<i32>} : memref<176x128xf32, #tpu.memory_space<vmem>>, vector<1x16xf32>,
        %get3A_664 = vector.shape_cast %get3A_663 : vector<1x16xf32> to vector<16xf32>
        %add3A_665 = arith.constant 3 : i32
        %add3A_666 = arith.addi %mul3A_426, %add3A_665 : i32
        %get3A_667 = arith.index_cast %add3A_666 : i32 to index
        %get3A_668 = arith.constant 48 : index
        %get3A_669 = tpu.vector_load %arg11[%get3A_667, %get3A_668] {strides = array<i32>} : memref<176x128xf32, #tpu.memory_space<vmem>>, vector<1x16xf32>,
        %get3A_670 = vector.shape_cast %get3A_669 : vector<1x16xf32> to vector<16xf32>
        %add3A_671 = arith.constant 4 : i32
        %add3A_672 = arith.addi %mul3A_426, %add3A_671 : i32
        %get3A_673 = arith.index_cast %add3A_672 : i32 to index
        %get3A_674 = arith.constant 48 : index
        %get3A_675 = tpu.vector_load %arg11[%get3A_673, %get3A_674] {strides = array<i32>} : memref<176x128xf32, #tpu.memory_space<vmem>>, vector<1x16xf32>,
        %get3A_676 = vector.shape_cast %get3A_675 : vector<1x16xf32> to vector<16xf32>
        %add3A_677 = arith.constant 5 : i32
        %add3A_678 = arith.addi %mul3A_426, %add3A_677 : i32
        %get3A_679 = arith.index_cast %add3A_678 : i32 to index
        %get3A_680 = arith.constant 48 : index
        %get3A_681 = tpu.vector_load %arg11[%get3A_679, %get3A_680] {strides = array<i32>} : memref<176x128xf32, #tpu.memory_space<vmem>>, vector<1x16xf32>,
        %get3A_682 = vector.shape_cast %get3A_681 : vector<1x16xf32> to vector<16xf32>
        %add3A_683 = arith.constant 6 : i32
        %add3A_684 = arith.addi %mul3A_426, %add3A_683 : i32
        %get3A_685 = arith.index_cast %add3A_684 : i32 to index
        %get3A_686 = arith.constant 48 : index
        %get3A_687 = tpu.vector_load %arg11[%get3A_685, %get3A_686] {strides = array<i32>} : memref<176x128xf32, #tpu.memory_space<vmem>>, vector<1x16xf32>,
        %get3A_688 = vector.shape_cast %get3A_687 : vector<1x16xf32> to vector<16xf32>
        %add3A_689 = arith.constant 7 : i32
        %add3A_690 = arith.addi %mul3A_426, %add3A_689 : i32
        %get3A_691 = arith.index_cast %add3A_690 : i32 to index
        %get3A_692 = arith.constant 48 : index
        %get3A_693 = tpu.vector_load %arg11[%get3A_691, %get3A_692] {strides = array<i32>} : memref<176x128xf32, #tpu.memory_space<vmem>>, vector<1x16xf32>,
        %get3A_694 = vector.shape_cast %get3A_693 : vector<1x16xf32> to vector<16xf32>
        %add3A_695 = arith.constant 8 : i32
        %add3A_696 = arith.addi %mul3A_426, %add3A_695 : i32
        %get3A_697 = arith.index_cast %add3A_696 : i32 to index
        %get3A_698 = arith.constant 48 : index
        %get3A_699 = tpu.vector_load %arg11[%get3A_697, %get3A_698] {strides = array<i32>} : memref<176x128xf32, #tpu.memory_space<vmem>>, vector<1x16xf32>,
        %get3A_700 = vector.shape_cast %get3A_699 : vector<1x16xf32> to vector<16xf32>
        %add3A_701 = arith.constant 9 : i32
        %add3A_702 = arith.addi %mul3A_426, %add3A_701 : i32
        %get3A_703 = arith.index_cast %add3A_702 : i32 to index
        %get3A_704 = arith.constant 48 : index
        %get3A_705 = tpu.vector_load %arg11[%get3A_703, %get3A_704] {strides = array<i32>} : memref<176x128xf32, #tpu.memory_space<vmem>>, vector<1x16xf32>,
        %get3A_706 = vector.shape_cast %get3A_705 : vector<1x16xf32> to vector<16xf32>
        %add3A_707 = arith.addf %get3A_652, %get3A_658 : vector<16xf32>
        %add3A_708 = arith.addf %get3A_664, %get3A_670 : vector<16xf32>
        %add3A_709 = arith.addf %get3A_676, %get3A_682 : vector<16xf32>
        %add3A_710 = arith.addf %get3A_688, %get3A_694 : vector<16xf32>
        %add3A_711 = arith.addf %get3A_700, %get3A_706 : vector<16xf32>
        %add3A_712 = arith.addf %add3A_707, %add3A_708 : vector<16xf32>
        %add3A_713 = arith.addf %add3A_709, %add3A_710 : vector<16xf32>
        %add3A_714 = arith.addf %add3A_712, %add3A_713 : vector<16xf32>
        %add3A_715 = arith.addf %add3A_714, %add3A_711 : vector<16xf32>
        %swap3A_716 = arith.index_cast %scan3A_424 : i32 to index
        %swap3A_717 = arith.constant 48 : index
        %swap3A_718 = tpu.vector_load %arg13[%swap3A_716, %swap3A_717] {strides = array<i32>} : memref<16x128xf32, #tpu.memory_space<vmem>>, vector<1x16xf32>,
        %swap3A_719 = vector.shape_cast %swap3A_718 : vector<1x16xf32> to vector<16xf32>
        %swap3A_720 = vector.shape_cast %add3A_715 : vector<16xf32> to vector<1x16xf32>
        tpu.vector_store %arg13[%swap3A_716, %swap3A_717], %swap3A_720 {strides = array<i32>} : memref<16x128xf32, #tpu.memory_space<vmem>>, vector<1x16xf32>,
        %add3A_721 = arith.constant 0 : i32
        %add3A_722 = arith.addi %mul3A_426, %add3A_721 : i32
        %get3A_723 = arith.index_cast %add3A_722 : i32 to index
        %get3A_724 = arith.constant 64 : index
        %get3A_725 = tpu.vector_load %arg11[%get3A_723, %get3A_724] {strides = array<i32>} : memref<176x128xf32, #tpu.memory_space<vmem>>, vector<1x16xf32>,
        %get3A_726 = vector.shape_cast %get3A_725 : vector<1x16xf32> to vector<16xf32>
        %add3A_727 = arith.constant 1 : i32
        %add3A_728 = arith.addi %mul3A_426, %add3A_727 : i32
        %get3A_729 = arith.index_cast %add3A_728 : i32 to index
        %get3A_730 = arith.constant 64 : index
        %get3A_731 = tpu.vector_load %arg11[%get3A_729, %get3A_730] {strides = array<i32>} : memref<176x128xf32, #tpu.memory_space<vmem>>, vector<1x16xf32>,
        %get3A_732 = vector.shape_cast %get3A_731 : vector<1x16xf32> to vector<16xf32>
        %add3A_733 = arith.constant 2 : i32
        %add3A_734 = arith.addi %mul3A_426, %add3A_733 : i32
        %get3A_735 = arith.index_cast %add3A_734 : i32 to index
        %get3A_736 = arith.constant 64 : index
        %get3A_737 = tpu.vector_load %arg11[%get3A_735, %get3A_736] {strides = array<i32>} : memref<176x128xf32, #tpu.memory_space<vmem>>, vector<1x16xf32>,
        %get3A_738 = vector.shape_cast %get3A_737 : vector<1x16xf32> to vector<16xf32>
        %add3A_739 = arith.constant 3 : i32
        %add3A_740 = arith.addi %mul3A_426, %add3A_739 : i32
        %get3A_741 = arith.index_cast %add3A_740 : i32 to index
        %get3A_742 = arith.constant 64 : index
        %get3A_743 = tpu.vector_load %arg11[%get3A_741, %get3A_742] {strides = array<i32>} : memref<176x128xf32, #tpu.memory_space<vmem>>, vector<1x16xf32>,
        %get3A_744 = vector.shape_cast %get3A_743 : vector<1x16xf32> to vector<16xf32>
        %add3A_745 = arith.constant 4 : i32
        %add3A_746 = arith.addi %mul3A_426, %add3A_745 : i32
        %get3A_747 = arith.index_cast %add3A_746 : i32 to index
        %get3A_748 = arith.constant 64 : index
        %get3A_749 = tpu.vector_load %arg11[%get3A_747, %get3A_748] {strides = array<i32>} : memref<176x128xf32, #tpu.memory_space<vmem>>, vector<1x16xf32>,
        %get3A_750 = vector.shape_cast %get3A_749 : vector<1x16xf32> to vector<16xf32>
        %add3A_751 = arith.constant 5 : i32
        %add3A_752 = arith.addi %mul3A_426, %add3A_751 : i32
        %get3A_753 = arith.index_cast %add3A_752 : i32 to index
        %get3A_754 = arith.constant 64 : index
        %get3A_755 = tpu.vector_load %arg11[%get3A_753, %get3A_754] {strides = array<i32>} : memref<176x128xf32, #tpu.memory_space<vmem>>, vector<1x16xf32>,
        %get3A_756 = vector.shape_cast %get3A_755 : vector<1x16xf32> to vector<16xf32>
        %add3A_757 = arith.constant 6 : i32
        %add3A_758 = arith.addi %mul3A_426, %add3A_757 : i32
        %get3A_759 = arith.index_cast %add3A_758 : i32 to index
        %get3A_760 = arith.constant 64 : index
        %get3A_761 = tpu.vector_load %arg11[%get3A_759, %get3A_760] {strides = array<i32>} : memref<176x128xf32, #tpu.memory_space<vmem>>, vector<1x16xf32>,
        %get3A_762 = vector.shape_cast %get3A_761 : vector<1x16xf32> to vector<16xf32>
        %add3A_763 = arith.constant 7 : i32
        %add3A_764 = arith.addi %mul3A_426, %add3A_763 : i32
        %get3A_765 = arith.index_cast %add3A_764 : i32 to index
        %get3A_766 = arith.constant 64 : index
        %get3A_767 = tpu.vector_load %arg11[%get3A_765, %get3A_766] {strides = array<i32>} : memref<176x128xf32, #tpu.memory_space<vmem>>, vector<1x16xf32>,
        %get3A_768 = vector.shape_cast %get3A_767 : vector<1x16xf32> to vector<16xf32>
        %add3A_769 = arith.constant 8 : i32
        %add3A_770 = arith.addi %mul3A_426, %add3A_769 : i32
        %get3A_771 = arith.index_cast %add3A_770 : i32 to index
        %get3A_772 = arith.constant 64 : index
        %get3A_773 = tpu.vector_load %arg11[%get3A_771, %get3A_772] {strides = array<i32>} : memref<176x128xf32, #tpu.memory_space<vmem>>, vector<1x16xf32>,
        %get3A_774 = vector.shape_cast %get3A_773 : vector<1x16xf32> to vector<16xf32>
        %add3A_775 = arith.constant 9 : i32
        %add3A_776 = arith.addi %mul3A_426, %add3A_775 : i32
        %get3A_777 = arith.index_cast %add3A_776 : i32 to index
        %get3A_778 = arith.constant 64 : index
        %get3A_779 = tpu.vector_load %arg11[%get3A_777, %get3A_778] {strides = array<i32>} : memref<176x128xf32, #tpu.memory_space<vmem>>, vector<1x16xf32>,
        %get3A_780 = vector.shape_cast %get3A_779 : vector<1x16xf32> to vector<16xf32>
        %add3A_781 = arith.addf %get3A_726, %get3A_732 : vector<16xf32>
        %add3A_782 = arith.addf %get3A_738, %get3A_744 : vector<16xf32>
        %add3A_783 = arith.addf %get3A_750, %get3A_756 : vector<16xf32>
        %add3A_784 = arith.addf %get3A_762, %get3A_768 : vector<16xf32>
        %add3A_785 = arith.addf %get3A_774, %get3A_780 : vector<16xf32>
        %add3A_786 = arith.addf %add3A_781, %add3A_782 : vector<16xf32>
        %add3A_787 = arith.addf %add3A_783, %add3A_784 : vector<16xf32>
        %add3A_788 = arith.addf %add3A_786, %add3A_787 : vector<16xf32>
        %add3A_789 = arith.addf %add3A_788, %add3A_785 : vector<16xf32>
        %swap3A_790 = arith.index_cast %scan3A_424 : i32 to index
        %swap3A_791 = arith.constant 64 : index
        %swap3A_792 = tpu.vector_load %arg13[%swap3A_790, %swap3A_791] {strides = array<i32>} : memref<16x128xf32, #tpu.memory_space<vmem>>, vector<1x16xf32>,
        %swap3A_793 = vector.shape_cast %swap3A_792 : vector<1x16xf32> to vector<16xf32>
        %swap3A_794 = vector.shape_cast %add3A_789 : vector<16xf32> to vector<1x16xf32>
        tpu.vector_store %arg13[%swap3A_790, %swap3A_791], %swap3A_794 {strides = array<i32>} : memref<16x128xf32, #tpu.memory_space<vmem>>, vector<1x16xf32>,
        %add3A_795 = arith.constant 0 : i32
        %add3A_796 = arith.addi %mul3A_426, %add3A_795 : i32
        %get3A_797 = arith.index_cast %add3A_796 : i32 to index
        %get3A_798 = arith.constant 80 : index
        %get3A_799 = tpu.vector_load %arg11[%get3A_797, %get3A_798] {strides = array<i32>} : memref<176x128xf32, #tpu.memory_space<vmem>>, vector<1x16xf32>,
        %get3A_800 = vector.shape_cast %get3A_799 : vector<1x16xf32> to vector<16xf32>
        %add3A_801 = arith.constant 1 : i32
        %add3A_802 = arith.addi %mul3A_426, %add3A_801 : i32
        %get3A_803 = arith.index_cast %add3A_802 : i32 to index
        %get3A_804 = arith.constant 80 : index
        %get3A_805 = tpu.vector_load %arg11[%get3A_803, %get3A_804] {strides = array<i32>} : memref<176x128xf32, #tpu.memory_space<vmem>>, vector<1x16xf32>,
        %get3A_806 = vector.shape_cast %get3A_805 : vector<1x16xf32> to vector<16xf32>
        %add3A_807 = arith.constant 2 : i32
        %add3A_808 = arith.addi %mul3A_426, %add3A_807 : i32
        %get3A_809 = arith.index_cast %add3A_808 : i32 to index
        %get3A_810 = arith.constant 80 : index
        %get3A_811 = tpu.vector_load %arg11[%get3A_809, %get3A_810] {strides = array<i32>} : memref<176x128xf32, #tpu.memory_space<vmem>>, vector<1x16xf32>,
        %get3A_812 = vector.shape_cast %get3A_811 : vector<1x16xf32> to vector<16xf32>
        %add3A_813 = arith.constant 3 : i32
        %add3A_814 = arith.addi %mul3A_426, %add3A_813 : i32
        %get3A_815 = arith.index_cast %add3A_814 : i32 to index
        %get3A_816 = arith.constant 80 : index
        %get3A_817 = tpu.vector_load %arg11[%get3A_815, %get3A_816] {strides = array<i32>} : memref<176x128xf32, #tpu.memory_space<vmem>>, vector<1x16xf32>,
        %get3A_818 = vector.shape_cast %get3A_817 : vector<1x16xf32> to vector<16xf32>
        %add3A_819 = arith.constant 4 : i32
        %add3A_820 = arith.addi %mul3A_426, %add3A_819 : i32
        %get3A_821 = arith.index_cast %add3A_820 : i32 to index
        %get3A_822 = arith.constant 80 : index
        %get3A_823 = tpu.vector_load %arg11[%get3A_821, %get3A_822] {strides = array<i32>} : memref<176x128xf32, #tpu.memory_space<vmem>>, vector<1x16xf32>,
        %get3A_824 = vector.shape_cast %get3A_823 : vector<1x16xf32> to vector<16xf32>
        %add3A_825 = arith.constant 5 : i32
        %add3A_826 = arith.addi %mul3A_426, %add3A_825 : i32
        %get3A_827 = arith.index_cast %add3A_826 : i32 to index
        %get3A_828 = arith.constant 80 : index
        %get3A_829 = tpu.vector_load %arg11[%get3A_827, %get3A_828] {strides = array<i32>} : memref<176x128xf32, #tpu.memory_space<vmem>>, vector<1x16xf32>,
        %get3A_830 = vector.shape_cast %get3A_829 : vector<1x16xf32> to vector<16xf32>
        %add3A_831 = arith.constant 6 : i32
        %add3A_832 = arith.addi %mul3A_426, %add3A_831 : i32
        %get3A_833 = arith.index_cast %add3A_832 : i32 to index
        %get3A_834 = arith.constant 80 : index
        %get3A_835 = tpu.vector_load %arg11[%get3A_833, %get3A_834] {strides = array<i32>} : memref<176x128xf32, #tpu.memory_space<vmem>>, vector<1x16xf32>,
        %get3A_836 = vector.shape_cast %get3A_835 : vector<1x16xf32> to vector<16xf32>
        %add3A_837 = arith.constant 7 : i32
        %add3A_838 = arith.addi %mul3A_426, %add3A_837 : i32
        %get3A_839 = arith.index_cast %add3A_838 : i32 to index
        %get3A_840 = arith.constant 80 : index
        %get3A_841 = tpu.vector_load %arg11[%get3A_839, %get3A_840] {strides = array<i32>} : memref<176x128xf32, #tpu.memory_space<vmem>>, vector<1x16xf32>,
        %get3A_842 = vector.shape_cast %get3A_841 : vector<1x16xf32> to vector<16xf32>
        %add3A_843 = arith.constant 8 : i32
        %add3A_844 = arith.addi %mul3A_426, %add3A_843 : i32
        %get3A_845 = arith.index_cast %add3A_844 : i32 to index
        %get3A_846 = arith.constant 80 : index
        %get3A_847 = tpu.vector_load %arg11[%get3A_845, %get3A_846] {strides = array<i32>} : memref<176x128xf32, #tpu.memory_space<vmem>>, vector<1x16xf32>,
        %get3A_848 = vector.shape_cast %get3A_847 : vector<1x16xf32> to vector<16xf32>
        %add3A_849 = arith.constant 9 : i32
        %add3A_850 = arith.addi %mul3A_426, %add3A_849 : i32
        %get3A_851 = arith.index_cast %add3A_850 : i32 to index
        %get3A_852 = arith.constant 80 : index
        %get3A_853 = tpu.vector_load %arg11[%get3A_851, %get3A_852] {strides = array<i32>} : memref<176x128xf32, #tpu.memory_space<vmem>>, vector<1x16xf32>,
        %get3A_854 = vector.shape_cast %get3A_853 : vector<1x16xf32> to vector<16xf32>
        %add3A_855 = arith.addf %get3A_800, %get3A_806 : vector<16xf32>
        %add3A_856 = arith.addf %get3A_812, %get3A_818 : vector<16xf32>
        %add3A_857 = arith.addf %get3A_824, %get3A_830 : vector<16xf32>
        %add3A_858 = arith.addf %get3A_836, %get3A_842 : vector<16xf32>
        %add3A_859 = arith.addf %get3A_848, %get3A_854 : vector<16xf32>
        %add3A_860 = arith.addf %add3A_855, %add3A_856 : vector<16xf32>
        %add3A_861 = arith.addf %add3A_857, %add3A_858 : vector<16xf32>
        %add3A_862 = arith.addf %add3A_860, %add3A_861 : vector<16xf32>
        %add3A_863 = arith.addf %add3A_862, %add3A_859 : vector<16xf32>
        %swap3A_864 = arith.index_cast %scan3A_424 : i32 to index
        %swap3A_865 = arith.constant 80 : index
        %swap3A_866 = tpu.vector_load %arg13[%swap3A_864, %swap3A_865] {strides = array<i32>} : memref<16x128xf32, #tpu.memory_space<vmem>>, vector<1x16xf32>,
        %swap3A_867 = vector.shape_cast %swap3A_866 : vector<1x16xf32> to vector<16xf32>
        %swap3A_868 = vector.shape_cast %add3A_863 : vector<16xf32> to vector<1x16xf32>
        tpu.vector_store %arg13[%swap3A_864, %swap3A_865], %swap3A_868 {strides = array<i32>} : memref<16x128xf32, #tpu.memory_space<vmem>>, vector<1x16xf32>,
        %add3A_869 = arith.constant 0 : i32
        %add3A_870 = arith.addi %mul3A_426, %add3A_869 : i32
        %get3A_871 = arith.index_cast %add3A_870 : i32 to index
        %get3A_872 = arith.constant 96 : index
        %get3A_873 = tpu.vector_load %arg11[%get3A_871, %get3A_872] {strides = array<i32>} : memref<176x128xf32, #tpu.memory_space<vmem>>, vector<1x16xf32>,
        %get3A_874 = vector.shape_cast %get3A_873 : vector<1x16xf32> to vector<16xf32>
        %add3A_875 = arith.constant 1 : i32
        %add3A_876 = arith.addi %mul3A_426, %add3A_875 : i32
        %get3A_877 = arith.index_cast %add3A_876 : i32 to index
        %get3A_878 = arith.constant 96 : index
        %get3A_879 = tpu.vector_load %arg11[%get3A_877, %get3A_878] {strides = array<i32>} : memref<176x128xf32, #tpu.memory_space<vmem>>, vector<1x16xf32>,
        %get3A_880 = vector.shape_cast %get3A_879 : vector<1x16xf32> to vector<16xf32>
        %add3A_881 = arith.constant 2 : i32
        %add3A_882 = arith.addi %mul3A_426, %add3A_881 : i32
        %get3A_883 = arith.index_cast %add3A_882 : i32 to index
        %get3A_884 = arith.constant 96 : index
        %get3A_885 = tpu.vector_load %arg11[%get3A_883, %get3A_884] {strides = array<i32>} : memref<176x128xf32, #tpu.memory_space<vmem>>, vector<1x16xf32>,
        %get3A_886 = vector.shape_cast %get3A_885 : vector<1x16xf32> to vector<16xf32>
        %add3A_887 = arith.constant 3 : i32
        %add3A_888 = arith.addi %mul3A_426, %add3A_887 : i32
        %get3A_889 = arith.index_cast %add3A_888 : i32 to index
        %get3A_890 = arith.constant 96 : index
        %get3A_891 = tpu.vector_load %arg11[%get3A_889, %get3A_890] {strides = array<i32>} : memref<176x128xf32, #tpu.memory_space<vmem>>, vector<1x16xf32>,
        %get3A_892 = vector.shape_cast %get3A_891 : vector<1x16xf32> to vector<16xf32>
        %add3A_893 = arith.constant 4 : i32
        %add3A_894 = arith.addi %mul3A_426, %add3A_893 : i32
        %get3A_895 = arith.index_cast %add3A_894 : i32 to index
        %get3A_896 = arith.constant 96 : index
        %get3A_897 = tpu.vector_load %arg11[%get3A_895, %get3A_896] {strides = array<i32>} : memref<176x128xf32, #tpu.memory_space<vmem>>, vector<1x16xf32>,
        %get3A_898 = vector.shape_cast %get3A_897 : vector<1x16xf32> to vector<16xf32>
        %add3A_899 = arith.constant 5 : i32
        %add3A_900 = arith.addi %mul3A_426, %add3A_899 : i32
        %get3A_901 = arith.index_cast %add3A_900 : i32 to index
        %get3A_902 = arith.constant 96 : index
        %get3A_903 = tpu.vector_load %arg11[%get3A_901, %get3A_902] {strides = array<i32>} : memref<176x128xf32, #tpu.memory_space<vmem>>, vector<1x16xf32>,
        %get3A_904 = vector.shape_cast %get3A_903 : vector<1x16xf32> to vector<16xf32>
        %add3A_905 = arith.constant 6 : i32
        %add3A_906 = arith.addi %mul3A_426, %add3A_905 : i32
        %get3A_907 = arith.index_cast %add3A_906 : i32 to index
        %get3A_908 = arith.constant 96 : index
        %get3A_909 = tpu.vector_load %arg11[%get3A_907, %get3A_908] {strides = array<i32>} : memref<176x128xf32, #tpu.memory_space<vmem>>, vector<1x16xf32>,
        %get3A_910 = vector.shape_cast %get3A_909 : vector<1x16xf32> to vector<16xf32>
        %add3A_911 = arith.constant 7 : i32
        %add3A_912 = arith.addi %mul3A_426, %add3A_911 : i32
        %get3A_913 = arith.index_cast %add3A_912 : i32 to index
        %get3A_914 = arith.constant 96 : index
        %get3A_915 = tpu.vector_load %arg11[%get3A_913, %get3A_914] {strides = array<i32>} : memref<176x128xf32, #tpu.memory_space<vmem>>, vector<1x16xf32>,
        %get3A_916 = vector.shape_cast %get3A_915 : vector<1x16xf32> to vector<16xf32>
        %add3A_917 = arith.constant 8 : i32
        %add3A_918 = arith.addi %mul3A_426, %add3A_917 : i32
        %get3A_919 = arith.index_cast %add3A_918 : i32 to index
        %get3A_920 = arith.constant 96 : index
        %get3A_921 = tpu.vector_load %arg11[%get3A_919, %get3A_920] {strides = array<i32>} : memref<176x128xf32, #tpu.memory_space<vmem>>, vector<1x16xf32>,
        %get3A_922 = vector.shape_cast %get3A_921 : vector<1x16xf32> to vector<16xf32>
        %add3A_923 = arith.constant 9 : i32
        %add3A_924 = arith.addi %mul3A_426, %add3A_923 : i32
        %get3A_925 = arith.index_cast %add3A_924 : i32 to index
        %get3A_926 = arith.constant 96 : index
        %get3A_927 = tpu.vector_load %arg11[%get3A_925, %get3A_926] {strides = array<i32>} : memref<176x128xf32, #tpu.memory_space<vmem>>, vector<1x16xf32>,
        %get3A_928 = vector.shape_cast %get3A_927 : vector<1x16xf32> to vector<16xf32>
        %add3A_929 = arith.addf %get3A_874, %get3A_880 : vector<16xf32>
        %add3A_930 = arith.addf %get3A_886, %get3A_892 : vector<16xf32>
        %add3A_931 = arith.addf %get3A_898, %get3A_904 : vector<16xf32>
        %add3A_932 = arith.addf %get3A_910, %get3A_916 : vector<16xf32>
        %add3A_933 = arith.addf %get3A_922, %get3A_928 : vector<16xf32>
        %add3A_934 = arith.addf %add3A_929, %add3A_930 : vector<16xf32>
        %add3A_935 = arith.addf %add3A_931, %add3A_932 : vector<16xf32>
        %add3A_936 = arith.addf %add3A_934, %add3A_935 : vector<16xf32>
        %add3A_937 = arith.addf %add3A_936, %add3A_933 : vector<16xf32>
        %swap3A_938 = arith.index_cast %scan3A_424 : i32 to index
        %swap3A_939 = arith.constant 96 : index
        %swap3A_940 = tpu.vector_load %arg13[%swap3A_938, %swap3A_939] {strides = array<i32>} : memref<16x128xf32, #tpu.memory_space<vmem>>, vector<1x16xf32>,
        %swap3A_941 = vector.shape_cast %swap3A_940 : vector<1x16xf32> to vector<16xf32>
        %swap3A_942 = vector.shape_cast %add3A_937 : vector<16xf32> to vector<1x16xf32>
        tpu.vector_store %arg13[%swap3A_938, %swap3A_939], %swap3A_942 {strides = array<i32>} : memref<16x128xf32, #tpu.memory_space<vmem>>, vector<1x16xf32>,
        %add3A_943 = arith.constant 0 : i32
        %add3A_944 = arith.addi %mul3A_426, %add3A_943 : i32
        %get3A_945 = arith.index_cast %add3A_944 : i32 to index
        %get3A_946 = arith.constant 112 : index
        %get3A_947 = tpu.vector_load %arg11[%get3A_945, %get3A_946] {strides = array<i32>} : memref<176x128xf32, #tpu.memory_space<vmem>>, vector<1x16xf32>,
        %get3A_948 = vector.shape_cast %get3A_947 : vector<1x16xf32> to vector<16xf32>
        %add3A_949 = arith.constant 1 : i32
        %add3A_950 = arith.addi %mul3A_426, %add3A_949 : i32
        %get3A_951 = arith.index_cast %add3A_950 : i32 to index
        %get3A_952 = arith.constant 112 : index
        %get3A_953 = tpu.vector_load %arg11[%get3A_951, %get3A_952] {strides = array<i32>} : memref<176x128xf32, #tpu.memory_space<vmem>>, vector<1x16xf32>,
        %get3A_954 = vector.shape_cast %get3A_953 : vector<1x16xf32> to vector<16xf32>
        %add3A_955 = arith.constant 2 : i32
        %add3A_956 = arith.addi %mul3A_426, %add3A_955 : i32
        %get3A_957 = arith.index_cast %add3A_956 : i32 to index
        %get3A_958 = arith.constant 112 : index
        %get3A_959 = tpu.vector_load %arg11[%get3A_957, %get3A_958] {strides = array<i32>} : memref<176x128xf32, #tpu.memory_space<vmem>>, vector<1x16xf32>,
        %get3A_960 = vector.shape_cast %get3A_959 : vector<1x16xf32> to vector<16xf32>
        %add3A_961 = arith.constant 3 : i32
        %add3A_962 = arith.addi %mul3A_426, %add3A_961 : i32
        %get3A_963 = arith.index_cast %add3A_962 : i32 to index
        %get3A_964 = arith.constant 112 : index
        %get3A_965 = tpu.vector_load %arg11[%get3A_963, %get3A_964] {strides = array<i32>} : memref<176x128xf32, #tpu.memory_space<vmem>>, vector<1x16xf32>,
        %get3A_966 = vector.shape_cast %get3A_965 : vector<1x16xf32> to vector<16xf32>
        %add3A_967 = arith.constant 4 : i32
        %add3A_968 = arith.addi %mul3A_426, %add3A_967 : i32
        %get3A_969 = arith.index_cast %add3A_968 : i32 to index
        %get3A_970 = arith.constant 112 : index
        %get3A_971 = tpu.vector_load %arg11[%get3A_969, %get3A_970] {strides = array<i32>} : memref<176x128xf32, #tpu.memory_space<vmem>>, vector<1x16xf32>,
        %get3A_972 = vector.shape_cast %get3A_971 : vector<1x16xf32> to vector<16xf32>
        %add3A_973 = arith.constant 5 : i32
        %add3A_974 = arith.addi %mul3A_426, %add3A_973 : i32
        %get3A_975 = arith.index_cast %add3A_974 : i32 to index
        %get3A_976 = arith.constant 112 : index
        %get3A_977 = tpu.vector_load %arg11[%get3A_975, %get3A_976] {strides = array<i32>} : memref<176x128xf32, #tpu.memory_space<vmem>>, vector<1x16xf32>,
        %get3A_978 = vector.shape_cast %get3A_977 : vector<1x16xf32> to vector<16xf32>
        %add3A_979 = arith.constant 6 : i32
        %add3A_980 = arith.addi %mul3A_426, %add3A_979 : i32
        %get3A_981 = arith.index_cast %add3A_980 : i32 to index
        %get3A_982 = arith.constant 112 : index
        %get3A_983 = tpu.vector_load %arg11[%get3A_981, %get3A_982] {strides = array<i32>} : memref<176x128xf32, #tpu.memory_space<vmem>>, vector<1x16xf32>,
        %get3A_984 = vector.shape_cast %get3A_983 : vector<1x16xf32> to vector<16xf32>
        %add3A_985 = arith.constant 7 : i32
        %add3A_986 = arith.addi %mul3A_426, %add3A_985 : i32
        %get3A_987 = arith.index_cast %add3A_986 : i32 to index
        %get3A_988 = arith.constant 112 : index
        %get3A_989 = tpu.vector_load %arg11[%get3A_987, %get3A_988] {strides = array<i32>} : memref<176x128xf32, #tpu.memory_space<vmem>>, vector<1x16xf32>,
        %get3A_990 = vector.shape_cast %get3A_989 : vector<1x16xf32> to vector<16xf32>
        %add3A_991 = arith.constant 8 : i32
        %add3A_992 = arith.addi %mul3A_426, %add3A_991 : i32
        %get3A_993 = arith.index_cast %add3A_992 : i32 to index
        %get3A_994 = arith.constant 112 : index
        %get3A_995 = tpu.vector_load %arg11[%get3A_993, %get3A_994] {strides = array<i32>} : memref<176x128xf32, #tpu.memory_space<vmem>>, vector<1x16xf32>,
        %get3A_996 = vector.shape_cast %get3A_995 : vector<1x16xf32> to vector<16xf32>
        %add3A_997 = arith.constant 9 : i32
        %add3A_998 = arith.addi %mul3A_426, %add3A_997 : i32
        %get3A_999 = arith.index_cast %add3A_998 : i32 to index
        %get3A_1000 = arith.constant 112 : index
        %get3A_1001 = tpu.vector_load %arg11[%get3A_999, %get3A_1000] {strides = array<i32>} : memref<176x128xf32, #tpu.memory_space<vmem>>, vector<1x16xf32>,
        %get3A_1002 = vector.shape_cast %get3A_1001 : vector<1x16xf32> to vector<16xf32>
        %add3A_1003 = arith.addf %get3A_948, %get3A_954 : vector<16xf32>
        %add3A_1004 = arith.addf %get3A_960, %get3A_966 : vector<16xf32>
        %add3A_1005 = arith.addf %get3A_972, %get3A_978 : vector<16xf32>
        %add3A_1006 = arith.addf %get3A_984, %get3A_990 : vector<16xf32>
        %add3A_1007 = arith.addf %get3A_996, %get3A_1002 : vector<16xf32>
        %add3A_1008 = arith.addf %add3A_1003, %add3A_1004 : vector<16xf32>
        %add3A_1009 = arith.addf %add3A_1005, %add3A_1006 : vector<16xf32>
        %add3A_1010 = arith.addf %add3A_1008, %add3A_1009 : vector<16xf32>
        %add3A_1011 = arith.addf %add3A_1010, %add3A_1007 : vector<16xf32>
        %swap3A_1012 = arith.index_cast %scan3A_424 : i32 to index
        %swap3A_1013 = arith.constant 112 : index
        %swap3A_1014 = tpu.vector_load %arg13[%swap3A_1012, %swap3A_1013] {strides = array<i32>} : memref<16x128xf32, #tpu.memory_space<vmem>>, vector<1x16xf32>,
        %swap3A_1015 = vector.shape_cast %swap3A_1014 : vector<1x16xf32> to vector<16xf32>
        %swap3A_1016 = vector.shape_cast %add3A_1011 : vector<16xf32> to vector<1x16xf32>
        tpu.vector_store %arg13[%swap3A_1012, %swap3A_1013], %swap3A_1016 {strides = array<i32>} : memref<16x128xf32, #tpu.memory_space<vmem>>, vector<1x16xf32>,
      }
      %scan3A_350 = arith.constant 16 : i32
      %dma_start3A_351 = arith.constant 0 : i32
      %dma_start3A_352 = tpu.memref_slice %arg10[%mul3A_246, %dma_start3A_351] : memref<88x16xi32, #tpu.memory_space<vmem>> -> memref<1x16xi32, #tpu.memory_space<vmem>>
      %dma_start3A_353 = tpu.memref_squeeze %dma_start3A_352 : memref<1x16xi32, #tpu.memory_space<vmem>> -> memref<16xi32, #tpu.memory_space<vmem>>
      %dma_start3A_354 = arith.constant 0 : i32
      %dma_start3A_355 = arith.constant 0 : i32
      %dma_start3A_356 = tpu.memref_slice %arg7[%dma_start3A_354, %dma_start3A_355] : memref<45056x128xf32, #tpu.memory_space<hbm>> -> memref<45056x128xf32, #tpu.memory_space<hbm>>
      tpu.enqueue_indirect_dma source(%arg13 : memref<16x128xf32, #tpu.memory_space<vmem>>) target(%dma_start3A_356 : memref<45056x128xf32, #tpu.memory_space<hbm>>) offsets(%dma_start3A_353 : memref<16xi32, #tpu.memory_space<vmem>>) semaphore(%arg19 : memref<!tpu.dma_semaphore, #tpu.memory_space<semaphore_mem>>)
      %add3A_357 = arith.constant 1 : i32
      %add3A_358 = arith.addi %mul3A_246, %add3A_357 : i32
      %lt3A = arith.constant 43 : i32
      %lt3A_359 = arith.cmpi slt, %scan3A_244, %lt3A : i32
      %mul3A_360 = arith.constant 2 : i32
      %mul3A_361 = arith.muli %add3A_358, %mul3A_360 : i32
      %add3A_362 = arith.constant 0 : i32
      %add3A_363 = arith.addi %mul3A_361, %add3A_362 : i32
      %dma_wait3A_364 = arith.constant 0 : i32
      %dma_wait3A_365 = arith.constant 0 : i32
      %dma_wait3A_366 = tpu.memref_slice %arg12[%dma_wait3A_364, %dma_wait3A_365] : memref<176x128xf32, #tpu.memory_space<vmem>> -> memref<80x128xf32, #tpu.memory_space<vmem>>
      %dma_wait3A_367 = arith.constant 0 : i32
      %dma_wait3A_368 = tpu.memref_slice %arg8[%add3A_363, %dma_wait3A_367] : memref<176x80xi32, #tpu.memory_space<vmem>> -> memref<1x80xi32, #tpu.memory_space<vmem>>
      %dma_wait3A_369 = tpu.memref_squeeze %dma_wait3A_368 : memref<1x80xi32, #tpu.memory_space<vmem>> -> memref<80xi32, #tpu.memory_space<vmem>>
      %dma_wait3A_370 = arith.constant 0 : i32
      %dma_wait3A_371 = arith.constant 0 : i32
      %dma_wait3A_372 = tpu.memref_slice %arg2[%dma_wait3A_370, %dma_wait3A_371] : memref<100000x128xf32, #tpu.memory_space<hbm>> -> memref<100000x128xf32, #tpu.memory_space<hbm>>
      tpu.wait_indirect_dma semaphore(%arg16 : memref<!tpu.dma_semaphore, #tpu.memory_space<semaphore_mem>>) src(%dma_wait3A_372 : memref<100000x128xf32, #tpu.memory_space<hbm>>) dst(%dma_wait3A_366 : memref<80x128xf32, #tpu.memory_space<vmem>>)
      %mul3A_373 = arith.constant 2 : i32
      %mul3A_374 = arith.muli %add3A_358, %mul3A_373 : i32
      %add3A_375 = arith.constant 1 : i32
      %add3A_376 = arith.addi %mul3A_374, %add3A_375 : i32
      %dma_wait3A_377 = arith.constant 80 : i32
      %dma_wait3A_378 = arith.constant 0 : i32
      %dma_wait3A_379 = tpu.memref_slice %arg12[%dma_wait3A_377, %dma_wait3A_378] : memref<176x128xf32, #tpu.memory_space<vmem>> -> memref<80x128xf32, #tpu.memory_space<vmem>>
      %dma_wait3A_380 = arith.constant 0 : i32
      %dma_wait3A_381 = tpu.memref_slice %arg8[%add3A_376, %dma_wait3A_380] : memref<176x80xi32, #tpu.memory_space<vmem>> -> memref<1x80xi32, #tpu.memory_space<vmem>>
      %dma_wait3A_382 = tpu.memref_squeeze %dma_wait3A_381 : memref<1x80xi32, #tpu.memory_space<vmem>> -> memref<80xi32, #tpu.memory_space<vmem>>
      %dma_wait3A_383 = arith.constant 0 : i32
      %dma_wait3A_384 = arith.constant 0 : i32
      %dma_wait3A_385 = tpu.memref_slice %arg2[%dma_wait3A_383, %dma_wait3A_384] : memref<100000x128xf32, #tpu.memory_space<hbm>> -> memref<100000x128xf32, #tpu.memory_space<hbm>>
      tpu.wait_indirect_dma semaphore(%arg16 : memref<!tpu.dma_semaphore, #tpu.memory_space<semaphore_mem>>) src(%dma_wait3A_385 : memref<100000x128xf32, #tpu.memory_space<hbm>>) dst(%dma_wait3A_379 : memref<80x128xf32, #tpu.memory_space<vmem>>)
      %dma_wait3A_386 = arith.constant 160 : i32
      %dma_wait3A_387 = arith.constant 0 : i32
      %dma_wait3A_388 = tpu.memref_slice %arg12[%dma_wait3A_386, %dma_wait3A_387] : memref<176x128xf32, #tpu.memory_space<vmem>> -> memref<16x128xf32, #tpu.memory_space<vmem>>
      %dma_wait3A_389 = arith.constant 0 : i32
      %dma_wait3A_390 = tpu.memref_slice %arg9[%add3A_358, %dma_wait3A_389] : memref<88x16xi32, #tpu.memory_space<vmem>> -> memref<1x16xi32, #tpu.memory_space<vmem>>
      %dma_wait3A_391 = tpu.memref_squeeze %dma_wait3A_390 : memref<1x16xi32, #tpu.memory_space<vmem>> -> memref<16xi32, #tpu.memory_space<vmem>>
      %dma_wait3A_392 = arith.constant 0 : i32
      %dma_wait3A_393 = arith.constant 0 : i32
      %dma_wait3A_394 = tpu.memref_slice %arg2[%dma_wait3A_392, %dma_wait3A_393] : memref<100000x128xf32, #tpu.memory_space<hbm>> -> memref<100000x128xf32, #tpu.memory_space<hbm>>
      tpu.wait_indirect_dma semaphore(%arg16 : memref<!tpu.dma_semaphore, #tpu.memory_space<semaphore_mem>>) src(%dma_wait3A_394 : memref<100000x128xf32, #tpu.memory_space<hbm>>) dst(%dma_wait3A_388 : memref<16x128xf32, #tpu.memory_space<vmem>>)
      %dma_start3A_395 = arith.constant 160 : i32
      %dma_start3A_396 = arith.constant 0 : i32
      %dma_start3A_397 = tpu.memref_slice %arg12[%dma_start3A_395, %dma_start3A_396] : memref<176x128xf32, #tpu.memory_space<vmem>> -> memref<16x128xf32, #tpu.memory_space<vmem>>
      %dma_start3A_398 = arith.constant 0 : i32
      %dma_start3A_399 = tpu.memref_slice %arg10[%add3A_358, %dma_start3A_398] : memref<88x16xi32, #tpu.memory_space<vmem>> -> memref<1x16xi32, #tpu.memory_space<vmem>>
      %dma_start3A_400 = tpu.memref_squeeze %dma_start3A_399 : memref<1x16xi32, #tpu.memory_space<vmem>> -> memref<16xi32, #tpu.memory_space<vmem>>
      %dma_start3A_401 = arith.constant 0 : i32
      %dma_start3A_402 = arith.constant 0 : i32
      %dma_start3A_403 = tpu.memref_slice %arg6[%dma_start3A_401, %dma_start3A_402] : memref<45056x128xf32, #tpu.memory_space<hbm>> -> memref<45056x128xf32, #tpu.memory_space<hbm>>
      tpu.enqueue_indirect_dma source(%dma_start3A_397 : memref<16x128xf32, #tpu.memory_space<vmem>>) target(%dma_start3A_403 : memref<45056x128xf32, #tpu.memory_space<hbm>>) offsets(%dma_start3A_400 : memref<16xi32, #tpu.memory_space<vmem>>) semaphore(%arg18 : memref<!tpu.dma_semaphore, #tpu.memory_space<semaphore_mem>>)
      %convert_element_type3A = arith.extui %lt3A_359 : i1 to i32
      %cond3A = arith.constant 0 : i32
      %cond3A_404 = arith.cmpi ne, %convert_element_type3A, %cond3A : i32
      scf.if %cond3A_404 {
        %dma_wait3A_424 = arith.constant 0 : i32
        %dma_wait3A_425 = arith.constant 160 : i32
        %dma_wait3A_426 = arith.constant 0 : i32
        %dma_wait3A_427 = tpu.memref_slice %arg11[%dma_wait3A_425, %dma_wait3A_426] : memref<176x128xf32, #tpu.memory_space<vmem>> -> memref<16x128xf32, #tpu.memory_space<vmem>>
        %dma_wait3A_428 = arith.constant 0 : i32
        %dma_wait3A_429 = tpu.memref_slice %arg10[%dma_wait3A_424, %dma_wait3A_428] : memref<88x16xi32, #tpu.memory_space<vmem>> -> memref<1x16xi32, #tpu.memory_space<vmem>>
        %dma_wait3A_430 = tpu.memref_squeeze %dma_wait3A_429 : memref<1x16xi32, #tpu.memory_space<vmem>> -> memref<16xi32, #tpu.memory_space<vmem>>
        %dma_wait3A_431 = arith.constant 0 : i32
        %dma_wait3A_432 = arith.constant 0 : i32
        %dma_wait3A_433 = tpu.memref_slice %arg6[%dma_wait3A_431, %dma_wait3A_432] : memref<45056x128xf32, #tpu.memory_space<hbm>> -> memref<45056x128xf32, #tpu.memory_space<hbm>>
        tpu.wait_indirect_dma semaphore(%arg17 : memref<!tpu.dma_semaphore, #tpu.memory_space<semaphore_mem>>) src(%dma_wait3A_427 : memref<16x128xf32, #tpu.memory_space<vmem>>) dst(%dma_wait3A_433 : memref<45056x128xf32, #tpu.memory_space<hbm>>)
        %add3A_434 = arith.constant 1 : i32
        %add3A_435 = arith.addi %add3A_358, %add3A_434 : i32
        %mul3A_436 = arith.constant 2 : i32
        %mul3A_437 = arith.muli %add3A_435, %mul3A_436 : i32
        %add3A_438 = arith.constant 0 : i32
        %add3A_439 = arith.addi %mul3A_437, %add3A_438 : i32
        %dma_start3A_440 = arith.constant 0 : i32
        %dma_start3A_441 = arith.constant 0 : i32
        %dma_start3A_442 = tpu.memref_slice %arg11[%dma_start3A_440, %dma_start3A_441] : memref<176x128xf32, #tpu.memory_space<vmem>> -> memref<80x128xf32, #tpu.memory_space<vmem>>
        %dma_start3A_443 = arith.constant 0 : i32
        %dma_start3A_444 = tpu.memref_slice %arg8[%add3A_439, %dma_start3A_443] : memref<176x80xi32, #tpu.memory_space<vmem>> -> memref<1x80xi32, #tpu.memory_space<vmem>>
        %dma_start3A_445 = tpu.memref_squeeze %dma_start3A_444 : memref<1x80xi32, #tpu.memory_space<vmem>> -> memref<80xi32, #tpu.memory_space<vmem>>
        %dma_start3A_446 = arith.constant 0 : i32
        %dma_start3A_447 = arith.constant 0 : i32
        %dma_start3A_448 = tpu.memref_slice %arg2[%dma_start3A_446, %dma_start3A_447] : memref<100000x128xf32, #tpu.memory_space<hbm>> -> memref<100000x128xf32, #tpu.memory_space<hbm>>
        tpu.enqueue_indirect_dma source(%dma_start3A_448 : memref<100000x128xf32, #tpu.memory_space<hbm>>) target(%dma_start3A_442 : memref<80x128xf32, #tpu.memory_space<vmem>>) offsets(%dma_start3A_445 : memref<80xi32, #tpu.memory_space<vmem>>) semaphore(%arg15 : memref<!tpu.dma_semaphore, #tpu.memory_space<semaphore_mem>>)
        %mul3A_449 = arith.constant 2 : i32
        %mul3A_450 = arith.muli %add3A_435, %mul3A_449 : i32
        %add3A_451 = arith.constant 1 : i32
        %add3A_452 = arith.addi %mul3A_450, %add3A_451 : i32
        %dma_start3A_453 = arith.constant 80 : i32
        %dma_start3A_454 = arith.constant 0 : i32
        %dma_start3A_455 = tpu.memref_slice %arg11[%dma_start3A_453, %dma_start3A_454] : memref<176x128xf32, #tpu.memory_space<vmem>> -> memref<80x128xf32, #tpu.memory_space<vmem>>
        %dma_start3A_456 = arith.constant 0 : i32
        %dma_start3A_457 = tpu.memref_slice %arg8[%add3A_452, %dma_start3A_456] : memref<176x80xi32, #tpu.memory_space<vmem>> -> memref<1x80xi32, #tpu.memory_space<vmem>>
        %dma_start3A_458 = tpu.memref_squeeze %dma_start3A_457 : memref<1x80xi32, #tpu.memory_space<vmem>> -> memref<80xi32, #tpu.memory_space<vmem>>
        %dma_start3A_459 = arith.constant 0 : i32
        %dma_start3A_460 = arith.constant 0 : i32
        %dma_start3A_461 = tpu.memref_slice %arg2[%dma_start3A_459, %dma_start3A_460] : memref<100000x128xf32, #tpu.memory_space<hbm>> -> memref<100000x128xf32, #tpu.memory_space<hbm>>
        tpu.enqueue_indirect_dma source(%dma_start3A_461 : memref<100000x128xf32, #tpu.memory_space<hbm>>) target(%dma_start3A_455 : memref<80x128xf32, #tpu.memory_space<vmem>>) offsets(%dma_start3A_458 : memref<80xi32, #tpu.memory_space<vmem>>) semaphore(%arg15 : memref<!tpu.dma_semaphore, #tpu.memory_space<semaphore_mem>>)
        %dma_start3A_462 = arith.constant 160 : i32
        %dma_start3A_463 = arith.constant 0 : i32
        %dma_start3A_464 = tpu.memref_slice %arg11[%dma_start3A_462, %dma_start3A_463] : memref<176x128xf32, #tpu.memory_space<vmem>> -> memref<16x128xf32, #tpu.memory_space<vmem>>
        %dma_start3A_465 = arith.constant 0 : i32
        %dma_start3A_466 = tpu.memref_slice %arg9[%add3A_435, %dma_start3A_465] : memref<88x16xi32, #tpu.memory_space<vmem>> -> memref<1x16xi32, #tpu.memory_space<vmem>>
        %dma_start3A_467 = tpu.memref_squeeze %dma_start3A_466 : memref<1x16xi32, #tpu.memory_space<vmem>> -> memref<16xi32, #tpu.memory_space<vmem>>
        %dma_start3A_468 = arith.constant 0 : i32
        %dma_start3A_469 = arith.constant 0 : i32
        %dma_start3A_470 = tpu.memref_slice %arg2[%dma_start3A_468, %dma_start3A_469] : memref<100000x128xf32, #tpu.memory_space<hbm>> -> memref<100000x128xf32, #tpu.memory_space<hbm>>
        tpu.enqueue_indirect_dma source(%dma_start3A_470 : memref<100000x128xf32, #tpu.memory_space<hbm>>) target(%dma_start3A_464 : memref<16x128xf32, #tpu.memory_space<vmem>>) offsets(%dma_start3A_467 : memref<16xi32, #tpu.memory_space<vmem>>) semaphore(%arg15 : memref<!tpu.dma_semaphore, #tpu.memory_space<semaphore_mem>>)
      } else {
      }
      %dma_wait3A_405 = arith.constant 0 : i32
      %dma_wait3A_406 = arith.constant 0 : i32
      %dma_wait3A_407 = tpu.memref_slice %arg10[%dma_wait3A_405, %dma_wait3A_406] : memref<88x16xi32, #tpu.memory_space<vmem>> -> memref<1x16xi32, #tpu.memory_space<vmem>>
      %dma_wait3A_408 = tpu.memref_squeeze %dma_wait3A_407 : memref<1x16xi32, #tpu.memory_space<vmem>> -> memref<16xi32, #tpu.memory_space<vmem>>
      %dma_wait3A_409 = arith.constant 0 : i32
      %dma_wait3A_410 = arith.constant 0 : i32
      %dma_wait3A_411 = tpu.memref_slice %arg7[%dma_wait3A_409, %dma_wait3A_410] : memref<45056x128xf32, #tpu.memory_space<hbm>> -> memref<45056x128xf32, #tpu.memory_space<hbm>>
      tpu.wait_indirect_dma semaphore(%arg20 : memref<!tpu.dma_semaphore, #tpu.memory_space<semaphore_mem>>) src(%arg14 : memref<16x128xf32, #tpu.memory_space<vmem>>) dst(%dma_wait3A_411 : memref<45056x128xf32, #tpu.memory_space<hbm>>)
      %scan3A_412 = arith.constant 0 : i32
      %scan3A_413 = arith.constant 0 : i32
      %scan3A_414 = arith.constant 16 : i32
      %scan3A_415 = arith.addi %scan3A_413, %scan3A_414 : i32
      %scan3A_416 = arith.constant 1 : i32
      scf.for %scan3A_424 = %scan3A_413 to %scan3A_415 step %scan3A_416  : i32 {
        %mul3A_425 = arith.constant 10 : i32
        %mul3A_426 = arith.muli %scan3A_424, %mul3A_425 : i32
        %add3A_427 = arith.constant 0 : i32
        %add3A_428 = arith.addi %mul3A_426, %add3A_427 : i32
        %get3A = arith.index_cast %add3A_428 : i32 to index
        %get3A_429 = arith.constant 0 : index
        %get3A_430 = tpu.vector_load %arg12[%get3A, %get3A_429] {strides = array<i32>} : memref<176x128xf32, #tpu.memory_space<vmem>>, vector<1x16xf32>,
        %get3A_431 = vector.shape_cast %get3A_430 : vector<1x16xf32> to vector<16xf32>
        %add3A_432 = arith.constant 1 : i32
        %add3A_433 = arith.addi %mul3A_426, %add3A_432 : i32
        %get3A_434 = arith.index_cast %add3A_433 : i32 to index
        %get3A_435 = arith.constant 0 : index
        %get3A_436 = tpu.vector_load %arg12[%get3A_434, %get3A_435] {strides = array<i32>} : memref<176x128xf32, #tpu.memory_space<vmem>>, vector<1x16xf32>,
        %get3A_437 = vector.shape_cast %get3A_436 : vector<1x16xf32> to vector<16xf32>
        %add3A_438 = arith.constant 2 : i32
        %add3A_439 = arith.addi %mul3A_426, %add3A_438 : i32
        %get3A_440 = arith.index_cast %add3A_439 : i32 to index
        %get3A_441 = arith.constant 0 : index
        %get3A_442 = tpu.vector_load %arg12[%get3A_440, %get3A_441] {strides = array<i32>} : memref<176x128xf32, #tpu.memory_space<vmem>>, vector<1x16xf32>,
        %get3A_443 = vector.shape_cast %get3A_442 : vector<1x16xf32> to vector<16xf32>
        %add3A_444 = arith.constant 3 : i32
        %add3A_445 = arith.addi %mul3A_426, %add3A_444 : i32
        %get3A_446 = arith.index_cast %add3A_445 : i32 to index
        %get3A_447 = arith.constant 0 : index
        %get3A_448 = tpu.vector_load %arg12[%get3A_446, %get3A_447] {strides = array<i32>} : memref<176x128xf32, #tpu.memory_space<vmem>>, vector<1x16xf32>,
        %get3A_449 = vector.shape_cast %get3A_448 : vector<1x16xf32> to vector<16xf32>
        %add3A_450 = arith.constant 4 : i32
        %add3A_451 = arith.addi %mul3A_426, %add3A_450 : i32
        %get3A_452 = arith.index_cast %add3A_451 : i32 to index
        %get3A_453 = arith.constant 0 : index
        %get3A_454 = tpu.vector_load %arg12[%get3A_452, %get3A_453] {strides = array<i32>} : memref<176x128xf32, #tpu.memory_space<vmem>>, vector<1x16xf32>,
        %get3A_455 = vector.shape_cast %get3A_454 : vector<1x16xf32> to vector<16xf32>
        %add3A_456 = arith.constant 5 : i32
        %add3A_457 = arith.addi %mul3A_426, %add3A_456 : i32
        %get3A_458 = arith.index_cast %add3A_457 : i32 to index
        %get3A_459 = arith.constant 0 : index
        %get3A_460 = tpu.vector_load %arg12[%get3A_458, %get3A_459] {strides = array<i32>} : memref<176x128xf32, #tpu.memory_space<vmem>>, vector<1x16xf32>,
        %get3A_461 = vector.shape_cast %get3A_460 : vector<1x16xf32> to vector<16xf32>
        %add3A_462 = arith.constant 6 : i32
        %add3A_463 = arith.addi %mul3A_426, %add3A_462 : i32
        %get3A_464 = arith.index_cast %add3A_463 : i32 to index
        %get3A_465 = arith.constant 0 : index
        %get3A_466 = tpu.vector_load %arg12[%get3A_464, %get3A_465] {strides = array<i32>} : memref<176x128xf32, #tpu.memory_space<vmem>>, vector<1x16xf32>,
        %get3A_467 = vector.shape_cast %get3A_466 : vector<1x16xf32> to vector<16xf32>
        %add3A_468 = arith.constant 7 : i32
        %add3A_469 = arith.addi %mul3A_426, %add3A_468 : i32
        %get3A_470 = arith.index_cast %add3A_469 : i32 to index
        %get3A_471 = arith.constant 0 : index
        %get3A_472 = tpu.vector_load %arg12[%get3A_470, %get3A_471] {strides = array<i32>} : memref<176x128xf32, #tpu.memory_space<vmem>>, vector<1x16xf32>,
        %get3A_473 = vector.shape_cast %get3A_472 : vector<1x16xf32> to vector<16xf32>
        %add3A_474 = arith.constant 8 : i32
        %add3A_475 = arith.addi %mul3A_426, %add3A_474 : i32
        %get3A_476 = arith.index_cast %add3A_475 : i32 to index
        %get3A_477 = arith.constant 0 : index
        %get3A_478 = tpu.vector_load %arg12[%get3A_476, %get3A_477] {strides = array<i32>} : memref<176x128xf32, #tpu.memory_space<vmem>>, vector<1x16xf32>,
        %get3A_479 = vector.shape_cast %get3A_478 : vector<1x16xf32> to vector<16xf32>
        %add3A_480 = arith.constant 9 : i32
        %add3A_481 = arith.addi %mul3A_426, %add3A_480 : i32
        %get3A_482 = arith.index_cast %add3A_481 : i32 to index
        %get3A_483 = arith.constant 0 : index
        %get3A_484 = tpu.vector_load %arg12[%get3A_482, %get3A_483] {strides = array<i32>} : memref<176x128xf32, #tpu.memory_space<vmem>>, vector<1x16xf32>,
        %get3A_485 = vector.shape_cast %get3A_484 : vector<1x16xf32> to vector<16xf32>
        %add3A_486 = arith.addf %get3A_431, %get3A_437 : vector<16xf32>
        %add3A_487 = arith.addf %get3A_443, %get3A_449 : vector<16xf32>
        %add3A_488 = arith.addf %get3A_455, %get3A_461 : vector<16xf32>
        %add3A_489 = arith.addf %get3A_467, %get3A_473 : vector<16xf32>
        %add3A_490 = arith.addf %get3A_479, %get3A_485 : vector<16xf32>
        %add3A_491 = arith.addf %add3A_486, %add3A_487 : vector<16xf32>
        %add3A_492 = arith.addf %add3A_488, %add3A_489 : vector<16xf32>
        %add3A_493 = arith.addf %add3A_491, %add3A_492 : vector<16xf32>
        %add3A_494 = arith.addf %add3A_493, %add3A_490 : vector<16xf32>
        %swap3A = arith.index_cast %scan3A_424 : i32 to index
        %swap3A_495 = arith.constant 0 : index
        %swap3A_496 = tpu.vector_load %arg14[%swap3A, %swap3A_495] {strides = array<i32>} : memref<16x128xf32, #tpu.memory_space<vmem>>, vector<1x16xf32>,
        %swap3A_497 = vector.shape_cast %swap3A_496 : vector<1x16xf32> to vector<16xf32>
        %swap3A_498 = vector.shape_cast %add3A_494 : vector<16xf32> to vector<1x16xf32>
        tpu.vector_store %arg14[%swap3A, %swap3A_495], %swap3A_498 {strides = array<i32>} : memref<16x128xf32, #tpu.memory_space<vmem>>, vector<1x16xf32>,
        %add3A_499 = arith.constant 0 : i32
        %add3A_500 = arith.addi %mul3A_426, %add3A_499 : i32
        %get3A_501 = arith.index_cast %add3A_500 : i32 to index
        %get3A_502 = arith.constant 16 : index
        %get3A_503 = tpu.vector_load %arg12[%get3A_501, %get3A_502] {strides = array<i32>} : memref<176x128xf32, #tpu.memory_space<vmem>>, vector<1x16xf32>,
        %get3A_504 = vector.shape_cast %get3A_503 : vector<1x16xf32> to vector<16xf32>
        %add3A_505 = arith.constant 1 : i32
        %add3A_506 = arith.addi %mul3A_426, %add3A_505 : i32
        %get3A_507 = arith.index_cast %add3A_506 : i32 to index
        %get3A_508 = arith.constant 16 : index
        %get3A_509 = tpu.vector_load %arg12[%get3A_507, %get3A_508] {strides = array<i32>} : memref<176x128xf32, #tpu.memory_space<vmem>>, vector<1x16xf32>,
        %get3A_510 = vector.shape_cast %get3A_509 : vector<1x16xf32> to vector<16xf32>
        %add3A_511 = arith.constant 2 : i32
        %add3A_512 = arith.addi %mul3A_426, %add3A_511 : i32
        %get3A_513 = arith.index_cast %add3A_512 : i32 to index
        %get3A_514 = arith.constant 16 : index
        %get3A_515 = tpu.vector_load %arg12[%get3A_513, %get3A_514] {strides = array<i32>} : memref<176x128xf32, #tpu.memory_space<vmem>>, vector<1x16xf32>,
        %get3A_516 = vector.shape_cast %get3A_515 : vector<1x16xf32> to vector<16xf32>
        %add3A_517 = arith.constant 3 : i32
        %add3A_518 = arith.addi %mul3A_426, %add3A_517 : i32
        %get3A_519 = arith.index_cast %add3A_518 : i32 to index
        %get3A_520 = arith.constant 16 : index
        %get3A_521 = tpu.vector_load %arg12[%get3A_519, %get3A_520] {strides = array<i32>} : memref<176x128xf32, #tpu.memory_space<vmem>>, vector<1x16xf32>,
        %get3A_522 = vector.shape_cast %get3A_521 : vector<1x16xf32> to vector<16xf32>
        %add3A_523 = arith.constant 4 : i32
        %add3A_524 = arith.addi %mul3A_426, %add3A_523 : i32
        %get3A_525 = arith.index_cast %add3A_524 : i32 to index
        %get3A_526 = arith.constant 16 : index
        %get3A_527 = tpu.vector_load %arg12[%get3A_525, %get3A_526] {strides = array<i32>} : memref<176x128xf32, #tpu.memory_space<vmem>>, vector<1x16xf32>,
        %get3A_528 = vector.shape_cast %get3A_527 : vector<1x16xf32> to vector<16xf32>
        %add3A_529 = arith.constant 5 : i32
        %add3A_530 = arith.addi %mul3A_426, %add3A_529 : i32
        %get3A_531 = arith.index_cast %add3A_530 : i32 to index
        %get3A_532 = arith.constant 16 : index
        %get3A_533 = tpu.vector_load %arg12[%get3A_531, %get3A_532] {strides = array<i32>} : memref<176x128xf32, #tpu.memory_space<vmem>>, vector<1x16xf32>,
        %get3A_534 = vector.shape_cast %get3A_533 : vector<1x16xf32> to vector<16xf32>
        %add3A_535 = arith.constant 6 : i32
        %add3A_536 = arith.addi %mul3A_426, %add3A_535 : i32
        %get3A_537 = arith.index_cast %add3A_536 : i32 to index
        %get3A_538 = arith.constant 16 : index
        %get3A_539 = tpu.vector_load %arg12[%get3A_537, %get3A_538] {strides = array<i32>} : memref<176x128xf32, #tpu.memory_space<vmem>>, vector<1x16xf32>,
        %get3A_540 = vector.shape_cast %get3A_539 : vector<1x16xf32> to vector<16xf32>
        %add3A_541 = arith.constant 7 : i32
        %add3A_542 = arith.addi %mul3A_426, %add3A_541 : i32
        %get3A_543 = arith.index_cast %add3A_542 : i32 to index
        %get3A_544 = arith.constant 16 : index
        %get3A_545 = tpu.vector_load %arg12[%get3A_543, %get3A_544] {strides = array<i32>} : memref<176x128xf32, #tpu.memory_space<vmem>>, vector<1x16xf32>,
        %get3A_546 = vector.shape_cast %get3A_545 : vector<1x16xf32> to vector<16xf32>
        %add3A_547 = arith.constant 8 : i32
        %add3A_548 = arith.addi %mul3A_426, %add3A_547 : i32
        %get3A_549 = arith.index_cast %add3A_548 : i32 to index
        %get3A_550 = arith.constant 16 : index
        %get3A_551 = tpu.vector_load %arg12[%get3A_549, %get3A_550] {strides = array<i32>} : memref<176x128xf32, #tpu.memory_space<vmem>>, vector<1x16xf32>,
        %get3A_552 = vector.shape_cast %get3A_551 : vector<1x16xf32> to vector<16xf32>
        %add3A_553 = arith.constant 9 : i32
        %add3A_554 = arith.addi %mul3A_426, %add3A_553 : i32
        %get3A_555 = arith.index_cast %add3A_554 : i32 to index
        %get3A_556 = arith.constant 16 : index
        %get3A_557 = tpu.vector_load %arg12[%get3A_555, %get3A_556] {strides = array<i32>} : memref<176x128xf32, #tpu.memory_space<vmem>>, vector<1x16xf32>,
        %get3A_558 = vector.shape_cast %get3A_557 : vector<1x16xf32> to vector<16xf32>
        %add3A_559 = arith.addf %get3A_504, %get3A_510 : vector<16xf32>
        %add3A_560 = arith.addf %get3A_516, %get3A_522 : vector<16xf32>
        %add3A_561 = arith.addf %get3A_528, %get3A_534 : vector<16xf32>
        %add3A_562 = arith.addf %get3A_540, %get3A_546 : vector<16xf32>
        %add3A_563 = arith.addf %get3A_552, %get3A_558 : vector<16xf32>
        %add3A_564 = arith.addf %add3A_559, %add3A_560 : vector<16xf32>
        %add3A_565 = arith.addf %add3A_561, %add3A_562 : vector<16xf32>
        %add3A_566 = arith.addf %add3A_564, %add3A_565 : vector<16xf32>
        %add3A_567 = arith.addf %add3A_566, %add3A_563 : vector<16xf32>
        %swap3A_568 = arith.index_cast %scan3A_424 : i32 to index
        %swap3A_569 = arith.constant 16 : index
        %swap3A_570 = tpu.vector_load %arg14[%swap3A_568, %swap3A_569] {strides = array<i32>} : memref<16x128xf32, #tpu.memory_space<vmem>>, vector<1x16xf32>,
        %swap3A_571 = vector.shape_cast %swap3A_570 : vector<1x16xf32> to vector<16xf32>
        %swap3A_572 = vector.shape_cast %add3A_567 : vector<16xf32> to vector<1x16xf32>
        tpu.vector_store %arg14[%swap3A_568, %swap3A_569], %swap3A_572 {strides = array<i32>} : memref<16x128xf32, #tpu.memory_space<vmem>>, vector<1x16xf32>,
        %add3A_573 = arith.constant 0 : i32
        %add3A_574 = arith.addi %mul3A_426, %add3A_573 : i32
        %get3A_575 = arith.index_cast %add3A_574 : i32 to index
        %get3A_576 = arith.constant 32 : index
        %get3A_577 = tpu.vector_load %arg12[%get3A_575, %get3A_576] {strides = array<i32>} : memref<176x128xf32, #tpu.memory_space<vmem>>, vector<1x16xf32>,
        %get3A_578 = vector.shape_cast %get3A_577 : vector<1x16xf32> to vector<16xf32>
        %add3A_579 = arith.constant 1 : i32
        %add3A_580 = arith.addi %mul3A_426, %add3A_579 : i32
        %get3A_581 = arith.index_cast %add3A_580 : i32 to index
        %get3A_582 = arith.constant 32 : index
        %get3A_583 = tpu.vector_load %arg12[%get3A_581, %get3A_582] {strides = array<i32>} : memref<176x128xf32, #tpu.memory_space<vmem>>, vector<1x16xf32>,
        %get3A_584 = vector.shape_cast %get3A_583 : vector<1x16xf32> to vector<16xf32>
        %add3A_585 = arith.constant 2 : i32
        %add3A_586 = arith.addi %mul3A_426, %add3A_585 : i32
        %get3A_587 = arith.index_cast %add3A_586 : i32 to index
        %get3A_588 = arith.constant 32 : index
        %get3A_589 = tpu.vector_load %arg12[%get3A_587, %get3A_588] {strides = array<i32>} : memref<176x128xf32, #tpu.memory_space<vmem>>, vector<1x16xf32>,
        %get3A_590 = vector.shape_cast %get3A_589 : vector<1x16xf32> to vector<16xf32>
        %add3A_591 = arith.constant 3 : i32
        %add3A_592 = arith.addi %mul3A_426, %add3A_591 : i32
        %get3A_593 = arith.index_cast %add3A_592 : i32 to index
        %get3A_594 = arith.constant 32 : index
        %get3A_595 = tpu.vector_load %arg12[%get3A_593, %get3A_594] {strides = array<i32>} : memref<176x128xf32, #tpu.memory_space<vmem>>, vector<1x16xf32>,
        %get3A_596 = vector.shape_cast %get3A_595 : vector<1x16xf32> to vector<16xf32>
        %add3A_597 = arith.constant 4 : i32
        %add3A_598 = arith.addi %mul3A_426, %add3A_597 : i32
        %get3A_599 = arith.index_cast %add3A_598 : i32 to index
        %get3A_600 = arith.constant 32 : index
        %get3A_601 = tpu.vector_load %arg12[%get3A_599, %get3A_600] {strides = array<i32>} : memref<176x128xf32, #tpu.memory_space<vmem>>, vector<1x16xf32>,
        %get3A_602 = vector.shape_cast %get3A_601 : vector<1x16xf32> to vector<16xf32>
        %add3A_603 = arith.constant 5 : i32
        %add3A_604 = arith.addi %mul3A_426, %add3A_603 : i32
        %get3A_605 = arith.index_cast %add3A_604 : i32 to index
        %get3A_606 = arith.constant 32 : index
        %get3A_607 = tpu.vector_load %arg12[%get3A_605, %get3A_606] {strides = array<i32>} : memref<176x128xf32, #tpu.memory_space<vmem>>, vector<1x16xf32>,
        %get3A_608 = vector.shape_cast %get3A_607 : vector<1x16xf32> to vector<16xf32>
        %add3A_609 = arith.constant 6 : i32
        %add3A_610 = arith.addi %mul3A_426, %add3A_609 : i32
        %get3A_611 = arith.index_cast %add3A_610 : i32 to index
        %get3A_612 = arith.constant 32 : index
        %get3A_613 = tpu.vector_load %arg12[%get3A_611, %get3A_612] {strides = array<i32>} : memref<176x128xf32, #tpu.memory_space<vmem>>, vector<1x16xf32>,
        %get3A_614 = vector.shape_cast %get3A_613 : vector<1x16xf32> to vector<16xf32>
        %add3A_615 = arith.constant 7 : i32
        %add3A_616 = arith.addi %mul3A_426, %add3A_615 : i32
        %get3A_617 = arith.index_cast %add3A_616 : i32 to index
        %get3A_618 = arith.constant 32 : index
        %get3A_619 = tpu.vector_load %arg12[%get3A_617, %get3A_618] {strides = array<i32>} : memref<176x128xf32, #tpu.memory_space<vmem>>, vector<1x16xf32>,
        %get3A_620 = vector.shape_cast %get3A_619 : vector<1x16xf32> to vector<16xf32>
        %add3A_621 = arith.constant 8 : i32
        %add3A_622 = arith.addi %mul3A_426, %add3A_621 : i32
        %get3A_623 = arith.index_cast %add3A_622 : i32 to index
        %get3A_624 = arith.constant 32 : index
        %get3A_625 = tpu.vector_load %arg12[%get3A_623, %get3A_624] {strides = array<i32>} : memref<176x128xf32, #tpu.memory_space<vmem>>, vector<1x16xf32>,
        %get3A_626 = vector.shape_cast %get3A_625 : vector<1x16xf32> to vector<16xf32>
        %add3A_627 = arith.constant 9 : i32
        %add3A_628 = arith.addi %mul3A_426, %add3A_627 : i32
        %get3A_629 = arith.index_cast %add3A_628 : i32 to index
        %get3A_630 = arith.constant 32 : index
        %get3A_631 = tpu.vector_load %arg12[%get3A_629, %get3A_630] {strides = array<i32>} : memref<176x128xf32, #tpu.memory_space<vmem>>, vector<1x16xf32>,
        %get3A_632 = vector.shape_cast %get3A_631 : vector<1x16xf32> to vector<16xf32>
        %add3A_633 = arith.addf %get3A_578, %get3A_584 : vector<16xf32>
        %add3A_634 = arith.addf %get3A_590, %get3A_596 : vector<16xf32>
        %add3A_635 = arith.addf %get3A_602, %get3A_608 : vector<16xf32>
        %add3A_636 = arith.addf %get3A_614, %get3A_620 : vector<16xf32>
        %add3A_637 = arith.addf %get3A_626, %get3A_632 : vector<16xf32>
        %add3A_638 = arith.addf %add3A_633, %add3A_634 : vector<16xf32>
        %add3A_639 = arith.addf %add3A_635, %add3A_636 : vector<16xf32>
        %add3A_640 = arith.addf %add3A_638, %add3A_639 : vector<16xf32>
        %add3A_641 = arith.addf %add3A_640, %add3A_637 : vector<16xf32>
        %swap3A_642 = arith.index_cast %scan3A_424 : i32 to index
        %swap3A_643 = arith.constant 32 : index
        %swap3A_644 = tpu.vector_load %arg14[%swap3A_642, %swap3A_643] {strides = array<i32>} : memref<16x128xf32, #tpu.memory_space<vmem>>, vector<1x16xf32>,
        %swap3A_645 = vector.shape_cast %swap3A_644 : vector<1x16xf32> to vector<16xf32>
        %swap3A_646 = vector.shape_cast %add3A_641 : vector<16xf32> to vector<1x16xf32>
        tpu.vector_store %arg14[%swap3A_642, %swap3A_643], %swap3A_646 {strides = array<i32>} : memref<16x128xf32, #tpu.memory_space<vmem>>, vector<1x16xf32>,
        %add3A_647 = arith.constant 0 : i32
        %add3A_648 = arith.addi %mul3A_426, %add3A_647 : i32
        %get3A_649 = arith.index_cast %add3A_648 : i32 to index
        %get3A_650 = arith.constant 48 : index
        %get3A_651 = tpu.vector_load %arg12[%get3A_649, %get3A_650] {strides = array<i32>} : memref<176x128xf32, #tpu.memory_space<vmem>>, vector<1x16xf32>,
        %get3A_652 = vector.shape_cast %get3A_651 : vector<1x16xf32> to vector<16xf32>
        %add3A_653 = arith.constant 1 : i32
        %add3A_654 = arith.addi %mul3A_426, %add3A_653 : i32
        %get3A_655 = arith.index_cast %add3A_654 : i32 to index
        %get3A_656 = arith.constant 48 : index
        %get3A_657 = tpu.vector_load %arg12[%get3A_655, %get3A_656] {strides = array<i32>} : memref<176x128xf32, #tpu.memory_space<vmem>>, vector<1x16xf32>,
        %get3A_658 = vector.shape_cast %get3A_657 : vector<1x16xf32> to vector<16xf32>
        %add3A_659 = arith.constant 2 : i32
        %add3A_660 = arith.addi %mul3A_426, %add3A_659 : i32
        %get3A_661 = arith.index_cast %add3A_660 : i32 to index
        %get3A_662 = arith.constant 48 : index
        %get3A_663 = tpu.vector_load %arg12[%get3A_661, %get3A_662] {strides = array<i32>} : memref<176x128xf32, #tpu.memory_space<vmem>>, vector<1x16xf32>,
        %get3A_664 = vector.shape_cast %get3A_663 : vector<1x16xf32> to vector<16xf32>
        %add3A_665 = arith.constant 3 : i32
        %add3A_666 = arith.addi %mul3A_426, %add3A_665 : i32
        %get3A_667 = arith.index_cast %add3A_666 : i32 to index
        %get3A_668 = arith.constant 48 : index
        %get3A_669 = tpu.vector_load %arg12[%get3A_667, %get3A_668] {strides = array<i32>} : memref<176x128xf32, #tpu.memory_space<vmem>>, vector<1x16xf32>,
        %get3A_670 = vector.shape_cast %get3A_669 : vector<1x16xf32> to vector<16xf32>
        %add3A_671 = arith.constant 4 : i32
        %add3A_672 = arith.addi %mul3A_426, %add3A_671 : i32
        %get3A_673 = arith.index_cast %add3A_672 : i32 to index
        %get3A_674 = arith.constant 48 : index
        %get3A_675 = tpu.vector_load %arg12[%get3A_673, %get3A_674] {strides = array<i32>} : memref<176x128xf32, #tpu.memory_space<vmem>>, vector<1x16xf32>,
        %get3A_676 = vector.shape_cast %get3A_675 : vector<1x16xf32> to vector<16xf32>
        %add3A_677 = arith.constant 5 : i32
        %add3A_678 = arith.addi %mul3A_426, %add3A_677 : i32
        %get3A_679 = arith.index_cast %add3A_678 : i32 to index
        %get3A_680 = arith.constant 48 : index
        %get3A_681 = tpu.vector_load %arg12[%get3A_679, %get3A_680] {strides = array<i32>} : memref<176x128xf32, #tpu.memory_space<vmem>>, vector<1x16xf32>,
        %get3A_682 = vector.shape_cast %get3A_681 : vector<1x16xf32> to vector<16xf32>
        %add3A_683 = arith.constant 6 : i32
        %add3A_684 = arith.addi %mul3A_426, %add3A_683 : i32
        %get3A_685 = arith.index_cast %add3A_684 : i32 to index
        %get3A_686 = arith.constant 48 : index
        %get3A_687 = tpu.vector_load %arg12[%get3A_685, %get3A_686] {strides = array<i32>} : memref<176x128xf32, #tpu.memory_space<vmem>>, vector<1x16xf32>,
        %get3A_688 = vector.shape_cast %get3A_687 : vector<1x16xf32> to vector<16xf32>
        %add3A_689 = arith.constant 7 : i32
        %add3A_690 = arith.addi %mul3A_426, %add3A_689 : i32
        %get3A_691 = arith.index_cast %add3A_690 : i32 to index
        %get3A_692 = arith.constant 48 : index
        %get3A_693 = tpu.vector_load %arg12[%get3A_691, %get3A_692] {strides = array<i32>} : memref<176x128xf32, #tpu.memory_space<vmem>>, vector<1x16xf32>,
        %get3A_694 = vector.shape_cast %get3A_693 : vector<1x16xf32> to vector<16xf32>
        %add3A_695 = arith.constant 8 : i32
        %add3A_696 = arith.addi %mul3A_426, %add3A_695 : i32
        %get3A_697 = arith.index_cast %add3A_696 : i32 to index
        %get3A_698 = arith.constant 48 : index
        %get3A_699 = tpu.vector_load %arg12[%get3A_697, %get3A_698] {strides = array<i32>} : memref<176x128xf32, #tpu.memory_space<vmem>>, vector<1x16xf32>,
        %get3A_700 = vector.shape_cast %get3A_699 : vector<1x16xf32> to vector<16xf32>
        %add3A_701 = arith.constant 9 : i32
        %add3A_702 = arith.addi %mul3A_426, %add3A_701 : i32
        %get3A_703 = arith.index_cast %add3A_702 : i32 to index
        %get3A_704 = arith.constant 48 : index
        %get3A_705 = tpu.vector_load %arg12[%get3A_703, %get3A_704] {strides = array<i32>} : memref<176x128xf32, #tpu.memory_space<vmem>>, vector<1x16xf32>,
        %get3A_706 = vector.shape_cast %get3A_705 : vector<1x16xf32> to vector<16xf32>
        %add3A_707 = arith.addf %get3A_652, %get3A_658 : vector<16xf32>
        %add3A_708 = arith.addf %get3A_664, %get3A_670 : vector<16xf32>
        %add3A_709 = arith.addf %get3A_676, %get3A_682 : vector<16xf32>
        %add3A_710 = arith.addf %get3A_688, %get3A_694 : vector<16xf32>
        %add3A_711 = arith.addf %get3A_700, %get3A_706 : vector<16xf32>
        %add3A_712 = arith.addf %add3A_707, %add3A_708 : vector<16xf32>
        %add3A_713 = arith.addf %add3A_709, %add3A_710 : vector<16xf32>
        %add3A_714 = arith.addf %add3A_712, %add3A_713 : vector<16xf32>
        %add3A_715 = arith.addf %add3A_714, %add3A_711 : vector<16xf32>
        %swap3A_716 = arith.index_cast %scan3A_424 : i32 to index
        %swap3A_717 = arith.constant 48 : index
        %swap3A_718 = tpu.vector_load %arg14[%swap3A_716, %swap3A_717] {strides = array<i32>} : memref<16x128xf32, #tpu.memory_space<vmem>>, vector<1x16xf32>,
        %swap3A_719 = vector.shape_cast %swap3A_718 : vector<1x16xf32> to vector<16xf32>
        %swap3A_720 = vector.shape_cast %add3A_715 : vector<16xf32> to vector<1x16xf32>
        tpu.vector_store %arg14[%swap3A_716, %swap3A_717], %swap3A_720 {strides = array<i32>} : memref<16x128xf32, #tpu.memory_space<vmem>>, vector<1x16xf32>,
        %add3A_721 = arith.constant 0 : i32
        %add3A_722 = arith.addi %mul3A_426, %add3A_721 : i32
        %get3A_723 = arith.index_cast %add3A_722 : i32 to index
        %get3A_724 = arith.constant 64 : index
        %get3A_725 = tpu.vector_load %arg12[%get3A_723, %get3A_724] {strides = array<i32>} : memref<176x128xf32, #tpu.memory_space<vmem>>, vector<1x16xf32>,
        %get3A_726 = vector.shape_cast %get3A_725 : vector<1x16xf32> to vector<16xf32>
        %add3A_727 = arith.constant 1 : i32
        %add3A_728 = arith.addi %mul3A_426, %add3A_727 : i32
        %get3A_729 = arith.index_cast %add3A_728 : i32 to index
        %get3A_730 = arith.constant 64 : index
        %get3A_731 = tpu.vector_load %arg12[%get3A_729, %get3A_730] {strides = array<i32>} : memref<176x128xf32, #tpu.memory_space<vmem>>, vector<1x16xf32>,
        %get3A_732 = vector.shape_cast %get3A_731 : vector<1x16xf32> to vector<16xf32>
        %add3A_733 = arith.constant 2 : i32
        %add3A_734 = arith.addi %mul3A_426, %add3A_733 : i32
        %get3A_735 = arith.index_cast %add3A_734 : i32 to index
        %get3A_736 = arith.constant 64 : index
        %get3A_737 = tpu.vector_load %arg12[%get3A_735, %get3A_736] {strides = array<i32>} : memref<176x128xf32, #tpu.memory_space<vmem>>, vector<1x16xf32>,
        %get3A_738 = vector.shape_cast %get3A_737 : vector<1x16xf32> to vector<16xf32>
        %add3A_739 = arith.constant 3 : i32
        %add3A_740 = arith.addi %mul3A_426, %add3A_739 : i32
        %get3A_741 = arith.index_cast %add3A_740 : i32 to index
        %get3A_742 = arith.constant 64 : index
        %get3A_743 = tpu.vector_load %arg12[%get3A_741, %get3A_742] {strides = array<i32>} : memref<176x128xf32, #tpu.memory_space<vmem>>, vector<1x16xf32>,
        %get3A_744 = vector.shape_cast %get3A_743 : vector<1x16xf32> to vector<16xf32>
        %add3A_745 = arith.constant 4 : i32
        %add3A_746 = arith.addi %mul3A_426, %add3A_745 : i32
        %get3A_747 = arith.index_cast %add3A_746 : i32 to index
        %get3A_748 = arith.constant 64 : index
        %get3A_749 = tpu.vector_load %arg12[%get3A_747, %get3A_748] {strides = array<i32>} : memref<176x128xf32, #tpu.memory_space<vmem>>, vector<1x16xf32>,
        %get3A_750 = vector.shape_cast %get3A_749 : vector<1x16xf32> to vector<16xf32>
        %add3A_751 = arith.constant 5 : i32
        %add3A_752 = arith.addi %mul3A_426, %add3A_751 : i32
        %get3A_753 = arith.index_cast %add3A_752 : i32 to index
        %get3A_754 = arith.constant 64 : index
        %get3A_755 = tpu.vector_load %arg12[%get3A_753, %get3A_754] {strides = array<i32>} : memref<176x128xf32, #tpu.memory_space<vmem>>, vector<1x16xf32>,
        %get3A_756 = vector.shape_cast %get3A_755 : vector<1x16xf32> to vector<16xf32>
        %add3A_757 = arith.constant 6 : i32
        %add3A_758 = arith.addi %mul3A_426, %add3A_757 : i32
        %get3A_759 = arith.index_cast %add3A_758 : i32 to index
        %get3A_760 = arith.constant 64 : index
        %get3A_761 = tpu.vector_load %arg12[%get3A_759, %get3A_760] {strides = array<i32>} : memref<176x128xf32, #tpu.memory_space<vmem>>, vector<1x16xf32>,
        %get3A_762 = vector.shape_cast %get3A_761 : vector<1x16xf32> to vector<16xf32>
        %add3A_763 = arith.constant 7 : i32
        %add3A_764 = arith.addi %mul3A_426, %add3A_763 : i32
        %get3A_765 = arith.index_cast %add3A_764 : i32 to index
        %get3A_766 = arith.constant 64 : index
        %get3A_767 = tpu.vector_load %arg12[%get3A_765, %get3A_766] {strides = array<i32>} : memref<176x128xf32, #tpu.memory_space<vmem>>, vector<1x16xf32>,
        %get3A_768 = vector.shape_cast %get3A_767 : vector<1x16xf32> to vector<16xf32>
        %add3A_769 = arith.constant 8 : i32
        %add3A_770 = arith.addi %mul3A_426, %add3A_769 : i32
        %get3A_771 = arith.index_cast %add3A_770 : i32 to index
        %get3A_772 = arith.constant 64 : index
        %get3A_773 = tpu.vector_load %arg12[%get3A_771, %get3A_772] {strides = array<i32>} : memref<176x128xf32, #tpu.memory_space<vmem>>, vector<1x16xf32>,
        %get3A_774 = vector.shape_cast %get3A_773 : vector<1x16xf32> to vector<16xf32>
        %add3A_775 = arith.constant 9 : i32
        %add3A_776 = arith.addi %mul3A_426, %add3A_775 : i32
        %get3A_777 = arith.index_cast %add3A_776 : i32 to index
        %get3A_778 = arith.constant 64 : index
        %get3A_779 = tpu.vector_load %arg12[%get3A_777, %get3A_778] {strides = array<i32>} : memref<176x128xf32, #tpu.memory_space<vmem>>, vector<1x16xf32>,
        %get3A_780 = vector.shape_cast %get3A_779 : vector<1x16xf32> to vector<16xf32>
        %add3A_781 = arith.addf %get3A_726, %get3A_732 : vector<16xf32>
        %add3A_782 = arith.addf %get3A_738, %get3A_744 : vector<16xf32>
        %add3A_783 = arith.addf %get3A_750, %get3A_756 : vector<16xf32>
        %add3A_784 = arith.addf %get3A_762, %get3A_768 : vector<16xf32>
        %add3A_785 = arith.addf %get3A_774, %get3A_780 : vector<16xf32>
        %add3A_786 = arith.addf %add3A_781, %add3A_782 : vector<16xf32>
        %add3A_787 = arith.addf %add3A_783, %add3A_784 : vector<16xf32>
        %add3A_788 = arith.addf %add3A_786, %add3A_787 : vector<16xf32>
        %add3A_789 = arith.addf %add3A_788, %add3A_785 : vector<16xf32>
        %swap3A_790 = arith.index_cast %scan3A_424 : i32 to index
        %swap3A_791 = arith.constant 64 : index
        %swap3A_792 = tpu.vector_load %arg14[%swap3A_790, %swap3A_791] {strides = array<i32>} : memref<16x128xf32, #tpu.memory_space<vmem>>, vector<1x16xf32>,
        %swap3A_793 = vector.shape_cast %swap3A_792 : vector<1x16xf32> to vector<16xf32>
        %swap3A_794 = vector.shape_cast %add3A_789 : vector<16xf32> to vector<1x16xf32>
        tpu.vector_store %arg14[%swap3A_790, %swap3A_791], %swap3A_794 {strides = array<i32>} : memref<16x128xf32, #tpu.memory_space<vmem>>, vector<1x16xf32>,
        %add3A_795 = arith.constant 0 : i32
        %add3A_796 = arith.addi %mul3A_426, %add3A_795 : i32
        %get3A_797 = arith.index_cast %add3A_796 : i32 to index
        %get3A_798 = arith.constant 80 : index
        %get3A_799 = tpu.vector_load %arg12[%get3A_797, %get3A_798] {strides = array<i32>} : memref<176x128xf32, #tpu.memory_space<vmem>>, vector<1x16xf32>,
        %get3A_800 = vector.shape_cast %get3A_799 : vector<1x16xf32> to vector<16xf32>
        %add3A_801 = arith.constant 1 : i32
        %add3A_802 = arith.addi %mul3A_426, %add3A_801 : i32
        %get3A_803 = arith.index_cast %add3A_802 : i32 to index
        %get3A_804 = arith.constant 80 : index
        %get3A_805 = tpu.vector_load %arg12[%get3A_803, %get3A_804] {strides = array<i32>} : memref<176x128xf32, #tpu.memory_space<vmem>>, vector<1x16xf32>,
        %get3A_806 = vector.shape_cast %get3A_805 : vector<1x16xf32> to vector<16xf32>
        %add3A_807 = arith.constant 2 : i32
        %add3A_808 = arith.addi %mul3A_426, %add3A_807 : i32
        %get3A_809 = arith.index_cast %add3A_808 : i32 to index
        %get3A_810 = arith.constant 80 : index
        %get3A_811 = tpu.vector_load %arg12[%get3A_809, %get3A_810] {strides = array<i32>} : memref<176x128xf32, #tpu.memory_space<vmem>>, vector<1x16xf32>,
        %get3A_812 = vector.shape_cast %get3A_811 : vector<1x16xf32> to vector<16xf32>
        %add3A_813 = arith.constant 3 : i32
        %add3A_814 = arith.addi %mul3A_426, %add3A_813 : i32
        %get3A_815 = arith.index_cast %add3A_814 : i32 to index
        %get3A_816 = arith.constant 80 : index
        %get3A_817 = tpu.vector_load %arg12[%get3A_815, %get3A_816] {strides = array<i32>} : memref<176x128xf32, #tpu.memory_space<vmem>>, vector<1x16xf32>,
        %get3A_818 = vector.shape_cast %get3A_817 : vector<1x16xf32> to vector<16xf32>
        %add3A_819 = arith.constant 4 : i32
        %add3A_820 = arith.addi %mul3A_426, %add3A_819 : i32
        %get3A_821 = arith.index_cast %add3A_820 : i32 to index
        %get3A_822 = arith.constant 80 : index
        %get3A_823 = tpu.vector_load %arg12[%get3A_821, %get3A_822] {strides = array<i32>} : memref<176x128xf32, #tpu.memory_space<vmem>>, vector<1x16xf32>,
        %get3A_824 = vector.shape_cast %get3A_823 : vector<1x16xf32> to vector<16xf32>
        %add3A_825 = arith.constant 5 : i32
        %add3A_826 = arith.addi %mul3A_426, %add3A_825 : i32
        %get3A_827 = arith.index_cast %add3A_826 : i32 to index
        %get3A_828 = arith.constant 80 : index
        %get3A_829 = tpu.vector_load %arg12[%get3A_827, %get3A_828] {strides = array<i32>} : memref<176x128xf32, #tpu.memory_space<vmem>>, vector<1x16xf32>,
        %get3A_830 = vector.shape_cast %get3A_829 : vector<1x16xf32> to vector<16xf32>
        %add3A_831 = arith.constant 6 : i32
        %add3A_832 = arith.addi %mul3A_426, %add3A_831 : i32
        %get3A_833 = arith.index_cast %add3A_832 : i32 to index
        %get3A_834 = arith.constant 80 : index
        %get3A_835 = tpu.vector_load %arg12[%get3A_833, %get3A_834] {strides = array<i32>} : memref<176x128xf32, #tpu.memory_space<vmem>>, vector<1x16xf32>,
        %get3A_836 = vector.shape_cast %get3A_835 : vector<1x16xf32> to vector<16xf32>
        %add3A_837 = arith.constant 7 : i32
        %add3A_838 = arith.addi %mul3A_426, %add3A_837 : i32
        %get3A_839 = arith.index_cast %add3A_838 : i32 to index
        %get3A_840 = arith.constant 80 : index
        %get3A_841 = tpu.vector_load %arg12[%get3A_839, %get3A_840] {strides = array<i32>} : memref<176x128xf32, #tpu.memory_space<vmem>>, vector<1x16xf32>,
        %get3A_842 = vector.shape_cast %get3A_841 : vector<1x16xf32> to vector<16xf32>
        %add3A_843 = arith.constant 8 : i32
        %add3A_844 = arith.addi %mul3A_426, %add3A_843 : i32
        %get3A_845 = arith.index_cast %add3A_844 : i32 to index
        %get3A_846 = arith.constant 80 : index
        %get3A_847 = tpu.vector_load %arg12[%get3A_845, %get3A_846] {strides = array<i32>} : memref<176x128xf32, #tpu.memory_space<vmem>>, vector<1x16xf32>,
        %get3A_848 = vector.shape_cast %get3A_847 : vector<1x16xf32> to vector<16xf32>
        %add3A_849 = arith.constant 9 : i32
        %add3A_850 = arith.addi %mul3A_426, %add3A_849 : i32
        %get3A_851 = arith.index_cast %add3A_850 : i32 to index
        %get3A_852 = arith.constant 80 : index
        %get3A_853 = tpu.vector_load %arg12[%get3A_851, %get3A_852] {strides = array<i32>} : memref<176x128xf32, #tpu.memory_space<vmem>>, vector<1x16xf32>,
        %get3A_854 = vector.shape_cast %get3A_853 : vector<1x16xf32> to vector<16xf32>
        %add3A_855 = arith.addf %get3A_800, %get3A_806 : vector<16xf32>
        %add3A_856 = arith.addf %get3A_812, %get3A_818 : vector<16xf32>
        %add3A_857 = arith.addf %get3A_824, %get3A_830 : vector<16xf32>
        %add3A_858 = arith.addf %get3A_836, %get3A_842 : vector<16xf32>
        %add3A_859 = arith.addf %get3A_848, %get3A_854 : vector<16xf32>
        %add3A_860 = arith.addf %add3A_855, %add3A_856 : vector<16xf32>
        %add3A_861 = arith.addf %add3A_857, %add3A_858 : vector<16xf32>
        %add3A_862 = arith.addf %add3A_860, %add3A_861 : vector<16xf32>
        %add3A_863 = arith.addf %add3A_862, %add3A_859 : vector<16xf32>
        %swap3A_864 = arith.index_cast %scan3A_424 : i32 to index
        %swap3A_865 = arith.constant 80 : index
        %swap3A_866 = tpu.vector_load %arg14[%swap3A_864, %swap3A_865] {strides = array<i32>} : memref<16x128xf32, #tpu.memory_space<vmem>>, vector<1x16xf32>,
        %swap3A_867 = vector.shape_cast %swap3A_866 : vector<1x16xf32> to vector<16xf32>
        %swap3A_868 = vector.shape_cast %add3A_863 : vector<16xf32> to vector<1x16xf32>
        tpu.vector_store %arg14[%swap3A_864, %swap3A_865], %swap3A_868 {strides = array<i32>} : memref<16x128xf32, #tpu.memory_space<vmem>>, vector<1x16xf32>,
        %add3A_869 = arith.constant 0 : i32
        %add3A_870 = arith.addi %mul3A_426, %add3A_869 : i32
        %get3A_871 = arith.index_cast %add3A_870 : i32 to index
        %get3A_872 = arith.constant 96 : index
        %get3A_873 = tpu.vector_load %arg12[%get3A_871, %get3A_872] {strides = array<i32>} : memref<176x128xf32, #tpu.memory_space<vmem>>, vector<1x16xf32>,
        %get3A_874 = vector.shape_cast %get3A_873 : vector<1x16xf32> to vector<16xf32>
        %add3A_875 = arith.constant 1 : i32
        %add3A_876 = arith.addi %mul3A_426, %add3A_875 : i32
        %get3A_877 = arith.index_cast %add3A_876 : i32 to index
        %get3A_878 = arith.constant 96 : index
        %get3A_879 = tpu.vector_load %arg12[%get3A_877, %get3A_878] {strides = array<i32>} : memref<176x128xf32, #tpu.memory_space<vmem>>, vector<1x16xf32>,
        %get3A_880 = vector.shape_cast %get3A_879 : vector<1x16xf32> to vector<16xf32>
        %add3A_881 = arith.constant 2 : i32
        %add3A_882 = arith.addi %mul3A_426, %add3A_881 : i32
        %get3A_883 = arith.index_cast %add3A_882 : i32 to index
        %get3A_884 = arith.constant 96 : index
        %get3A_885 = tpu.vector_load %arg12[%get3A_883, %get3A_884] {strides = array<i32>} : memref<176x128xf32, #tpu.memory_space<vmem>>, vector<1x16xf32>,
        %get3A_886 = vector.shape_cast %get3A_885 : vector<1x16xf32> to vector<16xf32>
        %add3A_887 = arith.constant 3 : i32
        %add3A_888 = arith.addi %mul3A_426, %add3A_887 : i32
        %get3A_889 = arith.index_cast %add3A_888 : i32 to index
        %get3A_890 = arith.constant 96 : index
        %get3A_891 = tpu.vector_load %arg12[%get3A_889, %get3A_890] {strides = array<i32>} : memref<176x128xf32, #tpu.memory_space<vmem>>, vector<1x16xf32>,
        %get3A_892 = vector.shape_cast %get3A_891 : vector<1x16xf32> to vector<16xf32>
        %add3A_893 = arith.constant 4 : i32
        %add3A_894 = arith.addi %mul3A_426, %add3A_893 : i32
        %get3A_895 = arith.index_cast %add3A_894 : i32 to index
        %get3A_896 = arith.constant 96 : index
        %get3A_897 = tpu.vector_load %arg12[%get3A_895, %get3A_896] {strides = array<i32>} : memref<176x128xf32, #tpu.memory_space<vmem>>, vector<1x16xf32>,
        %get3A_898 = vector.shape_cast %get3A_897 : vector<1x16xf32> to vector<16xf32>
        %add3A_899 = arith.constant 5 : i32
        %add3A_900 = arith.addi %mul3A_426, %add3A_899 : i32
        %get3A_901 = arith.index_cast %add3A_900 : i32 to index
        %get3A_902 = arith.constant 96 : index
        %get3A_903 = tpu.vector_load %arg12[%get3A_901, %get3A_902] {strides = array<i32>} : memref<176x128xf32, #tpu.memory_space<vmem>>, vector<1x16xf32>,
        %get3A_904 = vector.shape_cast %get3A_903 : vector<1x16xf32> to vector<16xf32>
        %add3A_905 = arith.constant 6 : i32
        %add3A_906 = arith.addi %mul3A_426, %add3A_905 : i32
        %get3A_907 = arith.index_cast %add3A_906 : i32 to index
        %get3A_908 = arith.constant 96 : index
        %get3A_909 = tpu.vector_load %arg12[%get3A_907, %get3A_908] {strides = array<i32>} : memref<176x128xf32, #tpu.memory_space<vmem>>, vector<1x16xf32>,
        %get3A_910 = vector.shape_cast %get3A_909 : vector<1x16xf32> to vector<16xf32>
        %add3A_911 = arith.constant 7 : i32
        %add3A_912 = arith.addi %mul3A_426, %add3A_911 : i32
        %get3A_913 = arith.index_cast %add3A_912 : i32 to index
        %get3A_914 = arith.constant 96 : index
        %get3A_915 = tpu.vector_load %arg12[%get3A_913, %get3A_914] {strides = array<i32>} : memref<176x128xf32, #tpu.memory_space<vmem>>, vector<1x16xf32>,
        %get3A_916 = vector.shape_cast %get3A_915 : vector<1x16xf32> to vector<16xf32>
        %add3A_917 = arith.constant 8 : i32
        %add3A_918 = arith.addi %mul3A_426, %add3A_917 : i32
        %get3A_919 = arith.index_cast %add3A_918 : i32 to index
        %get3A_920 = arith.constant 96 : index
        %get3A_921 = tpu.vector_load %arg12[%get3A_919, %get3A_920] {strides = array<i32>} : memref<176x128xf32, #tpu.memory_space<vmem>>, vector<1x16xf32>,
        %get3A_922 = vector.shape_cast %get3A_921 : vector<1x16xf32> to vector<16xf32>
        %add3A_923 = arith.constant 9 : i32
        %add3A_924 = arith.addi %mul3A_426, %add3A_923 : i32
        %get3A_925 = arith.index_cast %add3A_924 : i32 to index
        %get3A_926 = arith.constant 96 : index
        %get3A_927 = tpu.vector_load %arg12[%get3A_925, %get3A_926] {strides = array<i32>} : memref<176x128xf32, #tpu.memory_space<vmem>>, vector<1x16xf32>,
        %get3A_928 = vector.shape_cast %get3A_927 : vector<1x16xf32> to vector<16xf32>
        %add3A_929 = arith.addf %get3A_874, %get3A_880 : vector<16xf32>
        %add3A_930 = arith.addf %get3A_886, %get3A_892 : vector<16xf32>
        %add3A_931 = arith.addf %get3A_898, %get3A_904 : vector<16xf32>
        %add3A_932 = arith.addf %get3A_910, %get3A_916 : vector<16xf32>
        %add3A_933 = arith.addf %get3A_922, %get3A_928 : vector<16xf32>
        %add3A_934 = arith.addf %add3A_929, %add3A_930 : vector<16xf32>
        %add3A_935 = arith.addf %add3A_931, %add3A_932 : vector<16xf32>
        %add3A_936 = arith.addf %add3A_934, %add3A_935 : vector<16xf32>
        %add3A_937 = arith.addf %add3A_936, %add3A_933 : vector<16xf32>
        %swap3A_938 = arith.index_cast %scan3A_424 : i32 to index
        %swap3A_939 = arith.constant 96 : index
        %swap3A_940 = tpu.vector_load %arg14[%swap3A_938, %swap3A_939] {strides = array<i32>} : memref<16x128xf32, #tpu.memory_space<vmem>>, vector<1x16xf32>,
        %swap3A_941 = vector.shape_cast %swap3A_940 : vector<1x16xf32> to vector<16xf32>
        %swap3A_942 = vector.shape_cast %add3A_937 : vector<16xf32> to vector<1x16xf32>
        tpu.vector_store %arg14[%swap3A_938, %swap3A_939], %swap3A_942 {strides = array<i32>} : memref<16x128xf32, #tpu.memory_space<vmem>>, vector<1x16xf32>,
        %add3A_943 = arith.constant 0 : i32
        %add3A_944 = arith.addi %mul3A_426, %add3A_943 : i32
        %get3A_945 = arith.index_cast %add3A_944 : i32 to index
        %get3A_946 = arith.constant 112 : index
        %get3A_947 = tpu.vector_load %arg12[%get3A_945, %get3A_946] {strides = array<i32>} : memref<176x128xf32, #tpu.memory_space<vmem>>, vector<1x16xf32>,
        %get3A_948 = vector.shape_cast %get3A_947 : vector<1x16xf32> to vector<16xf32>
        %add3A_949 = arith.constant 1 : i32
        %add3A_950 = arith.addi %mul3A_426, %add3A_949 : i32
        %get3A_951 = arith.index_cast %add3A_950 : i32 to index
        %get3A_952 = arith.constant 112 : index
        %get3A_953 = tpu.vector_load %arg12[%get3A_951, %get3A_952] {strides = array<i32>} : memref<176x128xf32, #tpu.memory_space<vmem>>, vector<1x16xf32>,
        %get3A_954 = vector.shape_cast %get3A_953 : vector<1x16xf32> to vector<16xf32>
        %add3A_955 = arith.constant 2 : i32
        %add3A_956 = arith.addi %mul3A_426, %add3A_955 : i32
        %get3A_957 = arith.index_cast %add3A_956 : i32 to index
        %get3A_958 = arith.constant 112 : index
        %get3A_959 = tpu.vector_load %arg12[%get3A_957, %get3A_958] {strides = array<i32>} : memref<176x128xf32, #tpu.memory_space<vmem>>, vector<1x16xf32>,
        %get3A_960 = vector.shape_cast %get3A_959 : vector<1x16xf32> to vector<16xf32>
        %add3A_961 = arith.constant 3 : i32
        %add3A_962 = arith.addi %mul3A_426, %add3A_961 : i32
        %get3A_963 = arith.index_cast %add3A_962 : i32 to index
        %get3A_964 = arith.constant 112 : index
        %get3A_965 = tpu.vector_load %arg12[%get3A_963, %get3A_964] {strides = array<i32>} : memref<176x128xf32, #tpu.memory_space<vmem>>, vector<1x16xf32>,
        %get3A_966 = vector.shape_cast %get3A_965 : vector<1x16xf32> to vector<16xf32>
        %add3A_967 = arith.constant 4 : i32
        %add3A_968 = arith.addi %mul3A_426, %add3A_967 : i32
        %get3A_969 = arith.index_cast %add3A_968 : i32 to index
        %get3A_970 = arith.constant 112 : index
        %get3A_971 = tpu.vector_load %arg12[%get3A_969, %get3A_970] {strides = array<i32>} : memref<176x128xf32, #tpu.memory_space<vmem>>, vector<1x16xf32>,
        %get3A_972 = vector.shape_cast %get3A_971 : vector<1x16xf32> to vector<16xf32>
        %add3A_973 = arith.constant 5 : i32
        %add3A_974 = arith.addi %mul3A_426, %add3A_973 : i32
        %get3A_975 = arith.index_cast %add3A_974 : i32 to index
        %get3A_976 = arith.constant 112 : index
        %get3A_977 = tpu.vector_load %arg12[%get3A_975, %get3A_976] {strides = array<i32>} : memref<176x128xf32, #tpu.memory_space<vmem>>, vector<1x16xf32>,
        %get3A_978 = vector.shape_cast %get3A_977 : vector<1x16xf32> to vector<16xf32>
        %add3A_979 = arith.constant 6 : i32
        %add3A_980 = arith.addi %mul3A_426, %add3A_979 : i32
        %get3A_981 = arith.index_cast %add3A_980 : i32 to index
        %get3A_982 = arith.constant 112 : index
        %get3A_983 = tpu.vector_load %arg12[%get3A_981, %get3A_982] {strides = array<i32>} : memref<176x128xf32, #tpu.memory_space<vmem>>, vector<1x16xf32>,
        %get3A_984 = vector.shape_cast %get3A_983 : vector<1x16xf32> to vector<16xf32>
        %add3A_985 = arith.constant 7 : i32
        %add3A_986 = arith.addi %mul3A_426, %add3A_985 : i32
        %get3A_987 = arith.index_cast %add3A_986 : i32 to index
        %get3A_988 = arith.constant 112 : index
        %get3A_989 = tpu.vector_load %arg12[%get3A_987, %get3A_988] {strides = array<i32>} : memref<176x128xf32, #tpu.memory_space<vmem>>, vector<1x16xf32>,
        %get3A_990 = vector.shape_cast %get3A_989 : vector<1x16xf32> to vector<16xf32>
        %add3A_991 = arith.constant 8 : i32
        %add3A_992 = arith.addi %mul3A_426, %add3A_991 : i32
        %get3A_993 = arith.index_cast %add3A_992 : i32 to index
        %get3A_994 = arith.constant 112 : index
        %get3A_995 = tpu.vector_load %arg12[%get3A_993, %get3A_994] {strides = array<i32>} : memref<176x128xf32, #tpu.memory_space<vmem>>, vector<1x16xf32>,
        %get3A_996 = vector.shape_cast %get3A_995 : vector<1x16xf32> to vector<16xf32>
        %add3A_997 = arith.constant 9 : i32
        %add3A_998 = arith.addi %mul3A_426, %add3A_997 : i32
        %get3A_999 = arith.index_cast %add3A_998 : i32 to index
        %get3A_1000 = arith.constant 112 : index
        %get3A_1001 = tpu.vector_load %arg12[%get3A_999, %get3A_1000] {strides = array<i32>} : memref<176x128xf32, #tpu.memory_space<vmem>>, vector<1x16xf32>,
        %get3A_1002 = vector.shape_cast %get3A_1001 : vector<1x16xf32> to vector<16xf32>
        %add3A_1003 = arith.addf %get3A_948, %get3A_954 : vector<16xf32>
        %add3A_1004 = arith.addf %get3A_960, %get3A_966 : vector<16xf32>
        %add3A_1005 = arith.addf %get3A_972, %get3A_978 : vector<16xf32>
        %add3A_1006 = arith.addf %get3A_984, %get3A_990 : vector<16xf32>
        %add3A_1007 = arith.addf %get3A_996, %get3A_1002 : vector<16xf32>
        %add3A_1008 = arith.addf %add3A_1003, %add3A_1004 : vector<16xf32>
        %add3A_1009 = arith.addf %add3A_1005, %add3A_1006 : vector<16xf32>
        %add3A_1010 = arith.addf %add3A_1008, %add3A_1009 : vector<16xf32>
        %add3A_1011 = arith.addf %add3A_1010, %add3A_1007 : vector<16xf32>
        %swap3A_1012 = arith.index_cast %scan3A_424 : i32 to index
        %swap3A_1013 = arith.constant 112 : index
        %swap3A_1014 = tpu.vector_load %arg14[%swap3A_1012, %swap3A_1013] {strides = array<i32>} : memref<16x128xf32, #tpu.memory_space<vmem>>, vector<1x16xf32>,
        %swap3A_1015 = vector.shape_cast %swap3A_1014 : vector<1x16xf32> to vector<16xf32>
        %swap3A_1016 = vector.shape_cast %add3A_1011 : vector<16xf32> to vector<1x16xf32>
        tpu.vector_store %arg14[%swap3A_1012, %swap3A_1013], %swap3A_1016 {strides = array<i32>} : memref<16x128xf32, #tpu.memory_space<vmem>>, vector<1x16xf32>,
      }
      %scan3A_417 = arith.constant 16 : i32
      %dma_start3A_418 = arith.constant 0 : i32
      %dma_start3A_419 = tpu.memref_slice %arg10[%add3A_358, %dma_start3A_418] : memref<88x16xi32, #tpu.memory_space<vmem>> -> memref<1x16xi32, #tpu.memory_space<vmem>>
      %dma_start3A_420 = tpu.memref_squeeze %dma_start3A_419 : memref<1x16xi32, #tpu.memory_space<vmem>> -> memref<16xi32, #tpu.memory_space<vmem>>
      %dma_start3A_421 = arith.constant 0 : i32
      %dma_start3A_422 = arith.constant 0 : i32
      %dma_start3A_423 = tpu.memref_slice %arg7[%dma_start3A_421, %dma_start3A_422] : memref<45056x128xf32, #tpu.memory_space<hbm>> -> memref<45056x128xf32, #tpu.memory_space<hbm>>
      tpu.enqueue_indirect_dma source(%arg14 : memref<16x128xf32, #tpu.memory_space<vmem>>) target(%dma_start3A_423 : memref<45056x128xf32, #tpu.memory_space<hbm>>) offsets(%dma_start3A_420 : memref<16xi32, #tpu.memory_space<vmem>>) semaphore(%arg20 : memref<!tpu.dma_semaphore, #tpu.memory_space<semaphore_mem>>)
    }
    %scan3A_209 = arith.constant 43 : i32
    %dma_wait3A_210 = arith.constant 0 : i32
    %dma_wait3A_211 = arith.constant 160 : i32
    %dma_wait3A_212 = arith.constant 0 : i32
    %dma_wait3A_213 = tpu.memref_slice %arg11[%dma_wait3A_211, %dma_wait3A_212] : memref<176x128xf32, #tpu.memory_space<vmem>> -> memref<16x128xf32, #tpu.memory_space<vmem>>
    %dma_wait3A_214 = arith.constant 0 : i32
    %dma_wait3A_215 = tpu.memref_slice %arg10[%dma_wait3A_210, %dma_wait3A_214] : memref<88x16xi32, #tpu.memory_space<vmem>> -> memref<1x16xi32, #tpu.memory_space<vmem>>
    %dma_wait3A_216 = tpu.memref_squeeze %dma_wait3A_215 : memref<1x16xi32, #tpu.memory_space<vmem>> -> memref<16xi32, #tpu.memory_space<vmem>>
    %dma_wait3A_217 = arith.constant 0 : i32
    %dma_wait3A_218 = arith.constant 0 : i32
    %dma_wait3A_219 = tpu.memref_slice %arg6[%dma_wait3A_217, %dma_wait3A_218] : memref<45056x128xf32, #tpu.memory_space<hbm>> -> memref<45056x128xf32, #tpu.memory_space<hbm>>
    tpu.wait_indirect_dma semaphore(%arg17 : memref<!tpu.dma_semaphore, #tpu.memory_space<semaphore_mem>>) src(%dma_wait3A_213 : memref<16x128xf32, #tpu.memory_space<vmem>>) dst(%dma_wait3A_219 : memref<45056x128xf32, #tpu.memory_space<hbm>>)
    %dma_wait3A_220 = arith.constant 0 : i32
    %dma_wait3A_221 = arith.constant 160 : i32
    %dma_wait3A_222 = arith.constant 0 : i32
    %dma_wait3A_223 = tpu.memref_slice %arg12[%dma_wait3A_221, %dma_wait3A_222] : memref<176x128xf32, #tpu.memory_space<vmem>> -> memref<16x128xf32, #tpu.memory_space<vmem>>
    %dma_wait3A_224 = arith.constant 0 : i32
    %dma_wait3A_225 = tpu.memref_slice %arg10[%dma_wait3A_220, %dma_wait3A_224] : memref<88x16xi32, #tpu.memory_space<vmem>> -> memref<1x16xi32, #tpu.memory_space<vmem>>
    %dma_wait3A_226 = tpu.memref_squeeze %dma_wait3A_225 : memref<1x16xi32, #tpu.memory_space<vmem>> -> memref<16xi32, #tpu.memory_space<vmem>>
    %dma_wait3A_227 = arith.constant 0 : i32
    %dma_wait3A_228 = arith.constant 0 : i32
    %dma_wait3A_229 = tpu.memref_slice %arg6[%dma_wait3A_227, %dma_wait3A_228] : memref<45056x128xf32, #tpu.memory_space<hbm>> -> memref<45056x128xf32, #tpu.memory_space<hbm>>
    tpu.wait_indirect_dma semaphore(%arg18 : memref<!tpu.dma_semaphore, #tpu.memory_space<semaphore_mem>>) src(%dma_wait3A_223 : memref<16x128xf32, #tpu.memory_space<vmem>>) dst(%dma_wait3A_229 : memref<45056x128xf32, #tpu.memory_space<hbm>>)
    %dma_wait3A_230 = arith.constant 0 : i32
    %dma_wait3A_231 = arith.constant 0 : i32
    %dma_wait3A_232 = tpu.memref_slice %arg10[%dma_wait3A_230, %dma_wait3A_231] : memref<88x16xi32, #tpu.memory_space<vmem>> -> memref<1x16xi32, #tpu.memory_space<vmem>>
    %dma_wait3A_233 = tpu.memref_squeeze %dma_wait3A_232 : memref<1x16xi32, #tpu.memory_space<vmem>> -> memref<16xi32, #tpu.memory_space<vmem>>
    %dma_wait3A_234 = arith.constant 0 : i32
    %dma_wait3A_235 = arith.constant 0 : i32
    %dma_wait3A_236 = tpu.memref_slice %arg7[%dma_wait3A_234, %dma_wait3A_235] : memref<45056x128xf32, #tpu.memory_space<hbm>> -> memref<45056x128xf32, #tpu.memory_space<hbm>>
    tpu.wait_indirect_dma semaphore(%arg19 : memref<!tpu.dma_semaphore, #tpu.memory_space<semaphore_mem>>) src(%arg13 : memref<16x128xf32, #tpu.memory_space<vmem>>) dst(%dma_wait3A_236 : memref<45056x128xf32, #tpu.memory_space<hbm>>)
    %dma_wait3A_237 = arith.constant 0 : i32
    %dma_wait3A_238 = arith.constant 0 : i32
    %dma_wait3A_239 = tpu.memref_slice %arg10[%dma_wait3A_237, %dma_wait3A_238] : memref<88x16xi32, #tpu.memory_space<vmem>> -> memref<1x16xi32, #tpu.memory_space<vmem>>
    %dma_wait3A_240 = tpu.memref_squeeze %dma_wait3A_239 : memref<1x16xi32, #tpu.memory_space<vmem>> -> memref<16xi32, #tpu.memory_space<vmem>>
    %dma_wait3A_241 = arith.constant 0 : i32
    %dma_wait3A_242 = arith.constant 0 : i32
    %dma_wait3A_243 = tpu.memref_slice %arg7[%dma_wait3A_241, %dma_wait3A_242] : memref<45056x128xf32, #tpu.memory_space<hbm>> -> memref<45056x128xf32, #tpu.memory_space<hbm>>
    tpu.wait_indirect_dma semaphore(%arg20 : memref<!tpu.dma_semaphore, #tpu.memory_space<semaphore_mem>>) src(%arg14 : memref<16x128xf32, #tpu.memory_space<vmem>>) dst(%dma_wait3A_243 : memref<45056x128xf32, #tpu.memory_space<hbm>>)
    return
  }
}

module attributes {stable_mosaic.version = 14 : i64} {
  func.func @_tc_sage(%arg0: i32, %arg1: memref<11x512x128xf32, #tpu.memory_space<vmem>>, %arg2: memref<11x512x128xf32, #tpu.memory_space<vmem>>, %arg3: memref<128x128xf32, #tpu.memory_space<vmem>>, %arg4: memref<128x128xf32, #tpu.memory_space<vmem>>, %arg5: memref<128x128xf32, #tpu.memory_space<vmem>>, %arg6: memref<128x128xf32, #tpu.memory_space<vmem>>, %arg7: memref<512x128xf32, #tpu.memory_space<vmem>>) attributes {dimension_semantics = [#tpu.dimension_semantics<arbitrary>], iteration_bounds = array<i64: 8>, scalar_prefetch = 0 : i64, scratch_operands = 0 : i64, tpu.core_type = #tpu.core_type<tc>, window_params = [{transform_indices = @transform_0, window_bounds = array<i64: 11, 512, 128>}, {transform_indices = @transform_1, window_bounds = array<i64: 11, 512, 128>}, {pipeline_mode = #tpu.pipeline_mode<synchronous>, transform_indices = @transform_2, window_bounds = array<i64: 128, 128>}, {pipeline_mode = #tpu.pipeline_mode<synchronous>, transform_indices = @transform_3, window_bounds = array<i64: 128, 128>}, {pipeline_mode = #tpu.pipeline_mode<synchronous>, transform_indices = @transform_4, window_bounds = array<i64: 128, 128>}, {pipeline_mode = #tpu.pipeline_mode<synchronous>, transform_indices = @transform_5, window_bounds = array<i64: 128, 128>}, {transform_indices = @transform_6, window_bounds = array<i64: 512, 128>}]} {
    %get3A = arith.constant 0 : index
    %get3A_0 = arith.constant 0 : index
    %get3A_1 = arith.constant 0 : index
    %get3A_2 = vector.load %arg1[%get3A, %get3A_0, %get3A_1] : memref<11x512x128xf32, #tpu.memory_space<vmem>>, vector<1x512x128xf32>
    %get3A_3 = vector.shape_cast %get3A_2 : vector<1x512x128xf32> to vector<512x128xf32>
    %get3A_4 = arith.constant 0 : index
    %get3A_5 = arith.constant 0 : index
    %get3A_6 = vector.load %arg3[%get3A_4, %get3A_5] : memref<128x128xf32, #tpu.memory_space<vmem>>, vector<128x128xf32>
    %dot_general3A = arith.constant dense<0.000000e+00> : vector<512x128xf32>
    %dot_general3A_7 = tpu.matmul %get3A_3, %get3A_6, %dot_general3A {dimension_numbers = #tpu.dot_dimension_numbers<[1], [0], [0], [1], [0, 0, 1, 1], [], []>, transpose_lhs_hint = false} : vector<512x128xf32>, vector<128x128xf32>, vector<512x128xf32> -> vector<512x128xf32>
    %get3A_8 = arith.constant 0 : index
    %get3A_9 = arith.constant 0 : index
    %get3A_10 = arith.constant 0 : index
    %get3A_11 = vector.load %arg2[%get3A_8, %get3A_9, %get3A_10] : memref<11x512x128xf32, #tpu.memory_space<vmem>>, vector<1x512x128xf32>
    %get3A_12 = vector.shape_cast %get3A_11 : vector<1x512x128xf32> to vector<512x128xf32>
    %get3A_13 = arith.constant 0 : index
    %get3A_14 = arith.constant 0 : index
    %get3A_15 = vector.load %arg4[%get3A_13, %get3A_14] : memref<128x128xf32, #tpu.memory_space<vmem>>, vector<128x128xf32>
    %dot_general3A_16 = arith.constant dense<0.000000e+00> : vector<512x128xf32>
    %dot_general3A_17 = tpu.matmul %get3A_12, %get3A_15, %dot_general3A_16 {dimension_numbers = #tpu.dot_dimension_numbers<[1], [0], [0], [1], [0, 0, 1, 1], [], []>, transpose_lhs_hint = false} : vector<512x128xf32>, vector<128x128xf32>, vector<512x128xf32> -> vector<512x128xf32>
    %add3A = arith.addf %dot_general3A_7, %dot_general3A_17 : vector<512x128xf32>
    %max3A = arith.constant 0.000000e+00 : f32
    %max3A_18 = vector.broadcast %max3A : f32 to vector<512x128xf32>
    %max3A_19 = arith.maximumf %add3A, %max3A_18 : vector<512x128xf32>
    %broadcast_in_dim3A = arith.constant 0.000000e+00 : f32
    %broadcast_in_dim3A_20 = vector.broadcast %broadcast_in_dim3A : f32 to vector<512x128xf32>
    %get3A_21 = arith.constant 1 : index
    %get3A_22 = arith.constant 0 : index
    %get3A_23 = arith.constant 0 : index
    %get3A_24 = vector.load %arg1[%get3A_21, %get3A_22, %get3A_23] : memref<11x512x128xf32, #tpu.memory_space<vmem>>, vector<1x512x128xf32>
    %get3A_25 = vector.shape_cast %get3A_24 : vector<1x512x128xf32> to vector<512x128xf32>
    %get3A_26 = arith.constant 0 : index
    %get3A_27 = arith.constant 0 : index
    %get3A_28 = vector.load %arg3[%get3A_26, %get3A_27] : memref<128x128xf32, #tpu.memory_space<vmem>>, vector<128x128xf32>
    %dot_general3A_29 = arith.constant dense<0.000000e+00> : vector<512x128xf32>
    %dot_general3A_30 = tpu.matmul %get3A_25, %get3A_28, %dot_general3A_29 {dimension_numbers = #tpu.dot_dimension_numbers<[1], [0], [0], [1], [0, 0, 1, 1], [], []>, transpose_lhs_hint = false} : vector<512x128xf32>, vector<128x128xf32>, vector<512x128xf32> -> vector<512x128xf32>
    %get3A_31 = arith.constant 1 : index
    %get3A_32 = arith.constant 0 : index
    %get3A_33 = arith.constant 0 : index
    %get3A_34 = vector.load %arg2[%get3A_31, %get3A_32, %get3A_33] : memref<11x512x128xf32, #tpu.memory_space<vmem>>, vector<1x512x128xf32>
    %get3A_35 = vector.shape_cast %get3A_34 : vector<1x512x128xf32> to vector<512x128xf32>
    %get3A_36 = arith.constant 0 : index
    %get3A_37 = arith.constant 0 : index
    %get3A_38 = vector.load %arg4[%get3A_36, %get3A_37] : memref<128x128xf32, #tpu.memory_space<vmem>>, vector<128x128xf32>
    %dot_general3A_39 = arith.constant dense<0.000000e+00> : vector<512x128xf32>
    %dot_general3A_40 = tpu.matmul %get3A_35, %get3A_38, %dot_general3A_39 {dimension_numbers = #tpu.dot_dimension_numbers<[1], [0], [0], [1], [0, 0, 1, 1], [], []>, transpose_lhs_hint = false} : vector<512x128xf32>, vector<128x128xf32>, vector<512x128xf32> -> vector<512x128xf32>
    %add3A_41 = arith.addf %dot_general3A_30, %dot_general3A_40 : vector<512x128xf32>
    %max3A_42 = arith.constant 0.000000e+00 : f32
    %max3A_43 = vector.broadcast %max3A_42 : f32 to vector<512x128xf32>
    %max3A_44 = arith.maximumf %add3A_41, %max3A_43 : vector<512x128xf32>
    %add3A_45 = arith.addf %broadcast_in_dim3A_20, %max3A_44 : vector<512x128xf32>
    %get3A_46 = arith.constant 2 : index
    %get3A_47 = arith.constant 0 : index
    %get3A_48 = arith.constant 0 : index
    %get3A_49 = vector.load %arg1[%get3A_46, %get3A_47, %get3A_48] : memref<11x512x128xf32, #tpu.memory_space<vmem>>, vector<1x512x128xf32>
    %get3A_50 = vector.shape_cast %get3A_49 : vector<1x512x128xf32> to vector<512x128xf32>
    %get3A_51 = arith.constant 0 : index
    %get3A_52 = arith.constant 0 : index
    %get3A_53 = vector.load %arg3[%get3A_51, %get3A_52] : memref<128x128xf32, #tpu.memory_space<vmem>>, vector<128x128xf32>
    %dot_general3A_54 = arith.constant dense<0.000000e+00> : vector<512x128xf32>
    %dot_general3A_55 = tpu.matmul %get3A_50, %get3A_53, %dot_general3A_54 {dimension_numbers = #tpu.dot_dimension_numbers<[1], [0], [0], [1], [0, 0, 1, 1], [], []>, transpose_lhs_hint = false} : vector<512x128xf32>, vector<128x128xf32>, vector<512x128xf32> -> vector<512x128xf32>
    %get3A_56 = arith.constant 2 : index
    %get3A_57 = arith.constant 0 : index
    %get3A_58 = arith.constant 0 : index
    %get3A_59 = vector.load %arg2[%get3A_56, %get3A_57, %get3A_58] : memref<11x512x128xf32, #tpu.memory_space<vmem>>, vector<1x512x128xf32>
    %get3A_60 = vector.shape_cast %get3A_59 : vector<1x512x128xf32> to vector<512x128xf32>
    %get3A_61 = arith.constant 0 : index
    %get3A_62 = arith.constant 0 : index
    %get3A_63 = vector.load %arg4[%get3A_61, %get3A_62] : memref<128x128xf32, #tpu.memory_space<vmem>>, vector<128x128xf32>
    %dot_general3A_64 = arith.constant dense<0.000000e+00> : vector<512x128xf32>
    %dot_general3A_65 = tpu.matmul %get3A_60, %get3A_63, %dot_general3A_64 {dimension_numbers = #tpu.dot_dimension_numbers<[1], [0], [0], [1], [0, 0, 1, 1], [], []>, transpose_lhs_hint = false} : vector<512x128xf32>, vector<128x128xf32>, vector<512x128xf32> -> vector<512x128xf32>
    %add3A_66 = arith.addf %dot_general3A_55, %dot_general3A_65 : vector<512x128xf32>
    %max3A_67 = arith.constant 0.000000e+00 : f32
    %max3A_68 = vector.broadcast %max3A_67 : f32 to vector<512x128xf32>
    %max3A_69 = arith.maximumf %add3A_66, %max3A_68 : vector<512x128xf32>
    %add3A_70 = arith.addf %add3A_45, %max3A_69 : vector<512x128xf32>
    %get3A_71 = arith.constant 3 : index
    %get3A_72 = arith.constant 0 : index
    %get3A_73 = arith.constant 0 : index
    %get3A_74 = vector.load %arg1[%get3A_71, %get3A_72, %get3A_73] : memref<11x512x128xf32, #tpu.memory_space<vmem>>, vector<1x512x128xf32>
    %get3A_75 = vector.shape_cast %get3A_74 : vector<1x512x128xf32> to vector<512x128xf32>
    %get3A_76 = arith.constant 0 : index
    %get3A_77 = arith.constant 0 : index
    %get3A_78 = vector.load %arg3[%get3A_76, %get3A_77] : memref<128x128xf32, #tpu.memory_space<vmem>>, vector<128x128xf32>
    %dot_general3A_79 = arith.constant dense<0.000000e+00> : vector<512x128xf32>
    %dot_general3A_80 = tpu.matmul %get3A_75, %get3A_78, %dot_general3A_79 {dimension_numbers = #tpu.dot_dimension_numbers<[1], [0], [0], [1], [0, 0, 1, 1], [], []>, transpose_lhs_hint = false} : vector<512x128xf32>, vector<128x128xf32>, vector<512x128xf32> -> vector<512x128xf32>
    %get3A_81 = arith.constant 3 : index
    %get3A_82 = arith.constant 0 : index
    %get3A_83 = arith.constant 0 : index
    %get3A_84 = vector.load %arg2[%get3A_81, %get3A_82, %get3A_83] : memref<11x512x128xf32, #tpu.memory_space<vmem>>, vector<1x512x128xf32>
    %get3A_85 = vector.shape_cast %get3A_84 : vector<1x512x128xf32> to vector<512x128xf32>
    %get3A_86 = arith.constant 0 : index
    %get3A_87 = arith.constant 0 : index
    %get3A_88 = vector.load %arg4[%get3A_86, %get3A_87] : memref<128x128xf32, #tpu.memory_space<vmem>>, vector<128x128xf32>
    %dot_general3A_89 = arith.constant dense<0.000000e+00> : vector<512x128xf32>
    %dot_general3A_90 = tpu.matmul %get3A_85, %get3A_88, %dot_general3A_89 {dimension_numbers = #tpu.dot_dimension_numbers<[1], [0], [0], [1], [0, 0, 1, 1], [], []>, transpose_lhs_hint = false} : vector<512x128xf32>, vector<128x128xf32>, vector<512x128xf32> -> vector<512x128xf32>
    %add3A_91 = arith.addf %dot_general3A_80, %dot_general3A_90 : vector<512x128xf32>
    %max3A_92 = arith.constant 0.000000e+00 : f32
    %max3A_93 = vector.broadcast %max3A_92 : f32 to vector<512x128xf32>
    %max3A_94 = arith.maximumf %add3A_91, %max3A_93 : vector<512x128xf32>
    %add3A_95 = arith.addf %add3A_70, %max3A_94 : vector<512x128xf32>
    %get3A_96 = arith.constant 4 : index
    %get3A_97 = arith.constant 0 : index
    %get3A_98 = arith.constant 0 : index
    %get3A_99 = vector.load %arg1[%get3A_96, %get3A_97, %get3A_98] : memref<11x512x128xf32, #tpu.memory_space<vmem>>, vector<1x512x128xf32>
    %get3A_100 = vector.shape_cast %get3A_99 : vector<1x512x128xf32> to vector<512x128xf32>
    %get3A_101 = arith.constant 0 : index
    %get3A_102 = arith.constant 0 : index
    %get3A_103 = vector.load %arg3[%get3A_101, %get3A_102] : memref<128x128xf32, #tpu.memory_space<vmem>>, vector<128x128xf32>
    %dot_general3A_104 = arith.constant dense<0.000000e+00> : vector<512x128xf32>
    %dot_general3A_105 = tpu.matmul %get3A_100, %get3A_103, %dot_general3A_104 {dimension_numbers = #tpu.dot_dimension_numbers<[1], [0], [0], [1], [0, 0, 1, 1], [], []>, transpose_lhs_hint = false} : vector<512x128xf32>, vector<128x128xf32>, vector<512x128xf32> -> vector<512x128xf32>
    %get3A_106 = arith.constant 4 : index
    %get3A_107 = arith.constant 0 : index
    %get3A_108 = arith.constant 0 : index
    %get3A_109 = vector.load %arg2[%get3A_106, %get3A_107, %get3A_108] : memref<11x512x128xf32, #tpu.memory_space<vmem>>, vector<1x512x128xf32>
    %get3A_110 = vector.shape_cast %get3A_109 : vector<1x512x128xf32> to vector<512x128xf32>
    %get3A_111 = arith.constant 0 : index
    %get3A_112 = arith.constant 0 : index
    %get3A_113 = vector.load %arg4[%get3A_111, %get3A_112] : memref<128x128xf32, #tpu.memory_space<vmem>>, vector<128x128xf32>
    %dot_general3A_114 = arith.constant dense<0.000000e+00> : vector<512x128xf32>
    %dot_general3A_115 = tpu.matmul %get3A_110, %get3A_113, %dot_general3A_114 {dimension_numbers = #tpu.dot_dimension_numbers<[1], [0], [0], [1], [0, 0, 1, 1], [], []>, transpose_lhs_hint = false} : vector<512x128xf32>, vector<128x128xf32>, vector<512x128xf32> -> vector<512x128xf32>
    %add3A_116 = arith.addf %dot_general3A_105, %dot_general3A_115 : vector<512x128xf32>
    %max3A_117 = arith.constant 0.000000e+00 : f32
    %max3A_118 = vector.broadcast %max3A_117 : f32 to vector<512x128xf32>
    %max3A_119 = arith.maximumf %add3A_116, %max3A_118 : vector<512x128xf32>
    %add3A_120 = arith.addf %add3A_95, %max3A_119 : vector<512x128xf32>
    %get3A_121 = arith.constant 5 : index
    %get3A_122 = arith.constant 0 : index
    %get3A_123 = arith.constant 0 : index
    %get3A_124 = vector.load %arg1[%get3A_121, %get3A_122, %get3A_123] : memref<11x512x128xf32, #tpu.memory_space<vmem>>, vector<1x512x128xf32>
    %get3A_125 = vector.shape_cast %get3A_124 : vector<1x512x128xf32> to vector<512x128xf32>
    %get3A_126 = arith.constant 0 : index
    %get3A_127 = arith.constant 0 : index
    %get3A_128 = vector.load %arg3[%get3A_126, %get3A_127] : memref<128x128xf32, #tpu.memory_space<vmem>>, vector<128x128xf32>
    %dot_general3A_129 = arith.constant dense<0.000000e+00> : vector<512x128xf32>
    %dot_general3A_130 = tpu.matmul %get3A_125, %get3A_128, %dot_general3A_129 {dimension_numbers = #tpu.dot_dimension_numbers<[1], [0], [0], [1], [0, 0, 1, 1], [], []>, transpose_lhs_hint = false} : vector<512x128xf32>, vector<128x128xf32>, vector<512x128xf32> -> vector<512x128xf32>
    %get3A_131 = arith.constant 5 : index
    %get3A_132 = arith.constant 0 : index
    %get3A_133 = arith.constant 0 : index
    %get3A_134 = vector.load %arg2[%get3A_131, %get3A_132, %get3A_133] : memref<11x512x128xf32, #tpu.memory_space<vmem>>, vector<1x512x128xf32>
    %get3A_135 = vector.shape_cast %get3A_134 : vector<1x512x128xf32> to vector<512x128xf32>
    %get3A_136 = arith.constant 0 : index
    %get3A_137 = arith.constant 0 : index
    %get3A_138 = vector.load %arg4[%get3A_136, %get3A_137] : memref<128x128xf32, #tpu.memory_space<vmem>>, vector<128x128xf32>
    %dot_general3A_139 = arith.constant dense<0.000000e+00> : vector<512x128xf32>
    %dot_general3A_140 = tpu.matmul %get3A_135, %get3A_138, %dot_general3A_139 {dimension_numbers = #tpu.dot_dimension_numbers<[1], [0], [0], [1], [0, 0, 1, 1], [], []>, transpose_lhs_hint = false} : vector<512x128xf32>, vector<128x128xf32>, vector<512x128xf32> -> vector<512x128xf32>
    %add3A_141 = arith.addf %dot_general3A_130, %dot_general3A_140 : vector<512x128xf32>
    %max3A_142 = arith.constant 0.000000e+00 : f32
    %max3A_143 = vector.broadcast %max3A_142 : f32 to vector<512x128xf32>
    %max3A_144 = arith.maximumf %add3A_141, %max3A_143 : vector<512x128xf32>
    %add3A_145 = arith.addf %add3A_120, %max3A_144 : vector<512x128xf32>
    %get3A_146 = arith.constant 6 : index
    %get3A_147 = arith.constant 0 : index
    %get3A_148 = arith.constant 0 : index
    %get3A_149 = vector.load %arg1[%get3A_146, %get3A_147, %get3A_148] : memref<11x512x128xf32, #tpu.memory_space<vmem>>, vector<1x512x128xf32>
    %get3A_150 = vector.shape_cast %get3A_149 : vector<1x512x128xf32> to vector<512x128xf32>
    %get3A_151 = arith.constant 0 : index
    %get3A_152 = arith.constant 0 : index
    %get3A_153 = vector.load %arg3[%get3A_151, %get3A_152] : memref<128x128xf32, #tpu.memory_space<vmem>>, vector<128x128xf32>
    %dot_general3A_154 = arith.constant dense<0.000000e+00> : vector<512x128xf32>
    %dot_general3A_155 = tpu.matmul %get3A_150, %get3A_153, %dot_general3A_154 {dimension_numbers = #tpu.dot_dimension_numbers<[1], [0], [0], [1], [0, 0, 1, 1], [], []>, transpose_lhs_hint = false} : vector<512x128xf32>, vector<128x128xf32>, vector<512x128xf32> -> vector<512x128xf32>
    %get3A_156 = arith.constant 6 : index
    %get3A_157 = arith.constant 0 : index
    %get3A_158 = arith.constant 0 : index
    %get3A_159 = vector.load %arg2[%get3A_156, %get3A_157, %get3A_158] : memref<11x512x128xf32, #tpu.memory_space<vmem>>, vector<1x512x128xf32>
    %get3A_160 = vector.shape_cast %get3A_159 : vector<1x512x128xf32> to vector<512x128xf32>
    %get3A_161 = arith.constant 0 : index
    %get3A_162 = arith.constant 0 : index
    %get3A_163 = vector.load %arg4[%get3A_161, %get3A_162] : memref<128x128xf32, #tpu.memory_space<vmem>>, vector<128x128xf32>
    %dot_general3A_164 = arith.constant dense<0.000000e+00> : vector<512x128xf32>
    %dot_general3A_165 = tpu.matmul %get3A_160, %get3A_163, %dot_general3A_164 {dimension_numbers = #tpu.dot_dimension_numbers<[1], [0], [0], [1], [0, 0, 1, 1], [], []>, transpose_lhs_hint = false} : vector<512x128xf32>, vector<128x128xf32>, vector<512x128xf32> -> vector<512x128xf32>
    %add3A_166 = arith.addf %dot_general3A_155, %dot_general3A_165 : vector<512x128xf32>
    %max3A_167 = arith.constant 0.000000e+00 : f32
    %max3A_168 = vector.broadcast %max3A_167 : f32 to vector<512x128xf32>
    %max3A_169 = arith.maximumf %add3A_166, %max3A_168 : vector<512x128xf32>
    %add3A_170 = arith.addf %add3A_145, %max3A_169 : vector<512x128xf32>
    %get3A_171 = arith.constant 7 : index
    %get3A_172 = arith.constant 0 : index
    %get3A_173 = arith.constant 0 : index
    %get3A_174 = vector.load %arg1[%get3A_171, %get3A_172, %get3A_173] : memref<11x512x128xf32, #tpu.memory_space<vmem>>, vector<1x512x128xf32>
    %get3A_175 = vector.shape_cast %get3A_174 : vector<1x512x128xf32> to vector<512x128xf32>
    %get3A_176 = arith.constant 0 : index
    %get3A_177 = arith.constant 0 : index
    %get3A_178 = vector.load %arg3[%get3A_176, %get3A_177] : memref<128x128xf32, #tpu.memory_space<vmem>>, vector<128x128xf32>
    %dot_general3A_179 = arith.constant dense<0.000000e+00> : vector<512x128xf32>
    %dot_general3A_180 = tpu.matmul %get3A_175, %get3A_178, %dot_general3A_179 {dimension_numbers = #tpu.dot_dimension_numbers<[1], [0], [0], [1], [0, 0, 1, 1], [], []>, transpose_lhs_hint = false} : vector<512x128xf32>, vector<128x128xf32>, vector<512x128xf32> -> vector<512x128xf32>
    %get3A_181 = arith.constant 7 : index
    %get3A_182 = arith.constant 0 : index
    %get3A_183 = arith.constant 0 : index
    %get3A_184 = vector.load %arg2[%get3A_181, %get3A_182, %get3A_183] : memref<11x512x128xf32, #tpu.memory_space<vmem>>, vector<1x512x128xf32>
    %get3A_185 = vector.shape_cast %get3A_184 : vector<1x512x128xf32> to vector<512x128xf32>
    %get3A_186 = arith.constant 0 : index
    %get3A_187 = arith.constant 0 : index
    %get3A_188 = vector.load %arg4[%get3A_186, %get3A_187] : memref<128x128xf32, #tpu.memory_space<vmem>>, vector<128x128xf32>
    %dot_general3A_189 = arith.constant dense<0.000000e+00> : vector<512x128xf32>
    %dot_general3A_190 = tpu.matmul %get3A_185, %get3A_188, %dot_general3A_189 {dimension_numbers = #tpu.dot_dimension_numbers<[1], [0], [0], [1], [0, 0, 1, 1], [], []>, transpose_lhs_hint = false} : vector<512x128xf32>, vector<128x128xf32>, vector<512x128xf32> -> vector<512x128xf32>
    %add3A_191 = arith.addf %dot_general3A_180, %dot_general3A_190 : vector<512x128xf32>
    %max3A_192 = arith.constant 0.000000e+00 : f32
    %max3A_193 = vector.broadcast %max3A_192 : f32 to vector<512x128xf32>
    %max3A_194 = arith.maximumf %add3A_191, %max3A_193 : vector<512x128xf32>
    %add3A_195 = arith.addf %add3A_170, %max3A_194 : vector<512x128xf32>
    %get3A_196 = arith.constant 8 : index
    %get3A_197 = arith.constant 0 : index
    %get3A_198 = arith.constant 0 : index
    %get3A_199 = vector.load %arg1[%get3A_196, %get3A_197, %get3A_198] : memref<11x512x128xf32, #tpu.memory_space<vmem>>, vector<1x512x128xf32>
    %get3A_200 = vector.shape_cast %get3A_199 : vector<1x512x128xf32> to vector<512x128xf32>
    %get3A_201 = arith.constant 0 : index
    %get3A_202 = arith.constant 0 : index
    %get3A_203 = vector.load %arg3[%get3A_201, %get3A_202] : memref<128x128xf32, #tpu.memory_space<vmem>>, vector<128x128xf32>
    %dot_general3A_204 = arith.constant dense<0.000000e+00> : vector<512x128xf32>
    %dot_general3A_205 = tpu.matmul %get3A_200, %get3A_203, %dot_general3A_204 {dimension_numbers = #tpu.dot_dimension_numbers<[1], [0], [0], [1], [0, 0, 1, 1], [], []>, transpose_lhs_hint = false} : vector<512x128xf32>, vector<128x128xf32>, vector<512x128xf32> -> vector<512x128xf32>
    %get3A_206 = arith.constant 8 : index
    %get3A_207 = arith.constant 0 : index
    %get3A_208 = arith.constant 0 : index
    %get3A_209 = vector.load %arg2[%get3A_206, %get3A_207, %get3A_208] : memref<11x512x128xf32, #tpu.memory_space<vmem>>, vector<1x512x128xf32>
    %get3A_210 = vector.shape_cast %get3A_209 : vector<1x512x128xf32> to vector<512x128xf32>
    %get3A_211 = arith.constant 0 : index
    %get3A_212 = arith.constant 0 : index
    %get3A_213 = vector.load %arg4[%get3A_211, %get3A_212] : memref<128x128xf32, #tpu.memory_space<vmem>>, vector<128x128xf32>
    %dot_general3A_214 = arith.constant dense<0.000000e+00> : vector<512x128xf32>
    %dot_general3A_215 = tpu.matmul %get3A_210, %get3A_213, %dot_general3A_214 {dimension_numbers = #tpu.dot_dimension_numbers<[1], [0], [0], [1], [0, 0, 1, 1], [], []>, transpose_lhs_hint = false} : vector<512x128xf32>, vector<128x128xf32>, vector<512x128xf32> -> vector<512x128xf32>
    %add3A_216 = arith.addf %dot_general3A_205, %dot_general3A_215 : vector<512x128xf32>
    %max3A_217 = arith.constant 0.000000e+00 : f32
    %max3A_218 = vector.broadcast %max3A_217 : f32 to vector<512x128xf32>
    %max3A_219 = arith.maximumf %add3A_216, %max3A_218 : vector<512x128xf32>
    %add3A_220 = arith.addf %add3A_195, %max3A_219 : vector<512x128xf32>
    %get3A_221 = arith.constant 9 : index
    %get3A_222 = arith.constant 0 : index
    %get3A_223 = arith.constant 0 : index
    %get3A_224 = vector.load %arg1[%get3A_221, %get3A_222, %get3A_223] : memref<11x512x128xf32, #tpu.memory_space<vmem>>, vector<1x512x128xf32>
    %get3A_225 = vector.shape_cast %get3A_224 : vector<1x512x128xf32> to vector<512x128xf32>
    %get3A_226 = arith.constant 0 : index
    %get3A_227 = arith.constant 0 : index
    %get3A_228 = vector.load %arg3[%get3A_226, %get3A_227] : memref<128x128xf32, #tpu.memory_space<vmem>>, vector<128x128xf32>
    %dot_general3A_229 = arith.constant dense<0.000000e+00> : vector<512x128xf32>
    %dot_general3A_230 = tpu.matmul %get3A_225, %get3A_228, %dot_general3A_229 {dimension_numbers = #tpu.dot_dimension_numbers<[1], [0], [0], [1], [0, 0, 1, 1], [], []>, transpose_lhs_hint = false} : vector<512x128xf32>, vector<128x128xf32>, vector<512x128xf32> -> vector<512x128xf32>
    %get3A_231 = arith.constant 9 : index
    %get3A_232 = arith.constant 0 : index
    %get3A_233 = arith.constant 0 : index
    %get3A_234 = vector.load %arg2[%get3A_231, %get3A_232, %get3A_233] : memref<11x512x128xf32, #tpu.memory_space<vmem>>, vector<1x512x128xf32>
    %get3A_235 = vector.shape_cast %get3A_234 : vector<1x512x128xf32> to vector<512x128xf32>
    %get3A_236 = arith.constant 0 : index
    %get3A_237 = arith.constant 0 : index
    %get3A_238 = vector.load %arg4[%get3A_236, %get3A_237] : memref<128x128xf32, #tpu.memory_space<vmem>>, vector<128x128xf32>
    %dot_general3A_239 = arith.constant dense<0.000000e+00> : vector<512x128xf32>
    %dot_general3A_240 = tpu.matmul %get3A_235, %get3A_238, %dot_general3A_239 {dimension_numbers = #tpu.dot_dimension_numbers<[1], [0], [0], [1], [0, 0, 1, 1], [], []>, transpose_lhs_hint = false} : vector<512x128xf32>, vector<128x128xf32>, vector<512x128xf32> -> vector<512x128xf32>
    %add3A_241 = arith.addf %dot_general3A_230, %dot_general3A_240 : vector<512x128xf32>
    %max3A_242 = arith.constant 0.000000e+00 : f32
    %max3A_243 = vector.broadcast %max3A_242 : f32 to vector<512x128xf32>
    %max3A_244 = arith.maximumf %add3A_241, %max3A_243 : vector<512x128xf32>
    %add3A_245 = arith.addf %add3A_220, %max3A_244 : vector<512x128xf32>
    %get3A_246 = arith.constant 10 : index
    %get3A_247 = arith.constant 0 : index
    %get3A_248 = arith.constant 0 : index
    %get3A_249 = vector.load %arg1[%get3A_246, %get3A_247, %get3A_248] : memref<11x512x128xf32, #tpu.memory_space<vmem>>, vector<1x512x128xf32>
    %get3A_250 = vector.shape_cast %get3A_249 : vector<1x512x128xf32> to vector<512x128xf32>
    %get3A_251 = arith.constant 0 : index
    %get3A_252 = arith.constant 0 : index
    %get3A_253 = vector.load %arg3[%get3A_251, %get3A_252] : memref<128x128xf32, #tpu.memory_space<vmem>>, vector<128x128xf32>
    %dot_general3A_254 = arith.constant dense<0.000000e+00> : vector<512x128xf32>
    %dot_general3A_255 = tpu.matmul %get3A_250, %get3A_253, %dot_general3A_254 {dimension_numbers = #tpu.dot_dimension_numbers<[1], [0], [0], [1], [0, 0, 1, 1], [], []>, transpose_lhs_hint = false} : vector<512x128xf32>, vector<128x128xf32>, vector<512x128xf32> -> vector<512x128xf32>
    %get3A_256 = arith.constant 10 : index
    %get3A_257 = arith.constant 0 : index
    %get3A_258 = arith.constant 0 : index
    %get3A_259 = vector.load %arg2[%get3A_256, %get3A_257, %get3A_258] : memref<11x512x128xf32, #tpu.memory_space<vmem>>, vector<1x512x128xf32>
    %get3A_260 = vector.shape_cast %get3A_259 : vector<1x512x128xf32> to vector<512x128xf32>
    %get3A_261 = arith.constant 0 : index
    %get3A_262 = arith.constant 0 : index
    %get3A_263 = vector.load %arg4[%get3A_261, %get3A_262] : memref<128x128xf32, #tpu.memory_space<vmem>>, vector<128x128xf32>
    %dot_general3A_264 = arith.constant dense<0.000000e+00> : vector<512x128xf32>
    %dot_general3A_265 = tpu.matmul %get3A_260, %get3A_263, %dot_general3A_264 {dimension_numbers = #tpu.dot_dimension_numbers<[1], [0], [0], [1], [0, 0, 1, 1], [], []>, transpose_lhs_hint = false} : vector<512x128xf32>, vector<128x128xf32>, vector<512x128xf32> -> vector<512x128xf32>
    %add3A_266 = arith.addf %dot_general3A_255, %dot_general3A_265 : vector<512x128xf32>
    %max3A_267 = arith.constant 0.000000e+00 : f32
    %max3A_268 = vector.broadcast %max3A_267 : f32 to vector<512x128xf32>
    %max3A_269 = arith.maximumf %add3A_266, %max3A_268 : vector<512x128xf32>
    %add3A_270 = arith.addf %add3A_245, %max3A_269 : vector<512x128xf32>
    %get3A_271 = arith.constant 0 : index
    %get3A_272 = arith.constant 0 : index
    %get3A_273 = vector.load %arg5[%get3A_271, %get3A_272] : memref<128x128xf32, #tpu.memory_space<vmem>>, vector<128x128xf32>
    %dot_general3A_274 = arith.constant dense<0.000000e+00> : vector<512x128xf32>
    %dot_general3A_275 = tpu.matmul %max3A_19, %get3A_273, %dot_general3A_274 {dimension_numbers = #tpu.dot_dimension_numbers<[1], [0], [0], [1], [0, 0, 1, 1], [], []>, transpose_lhs_hint = false} : vector<512x128xf32>, vector<128x128xf32>, vector<512x128xf32> -> vector<512x128xf32>
    %get3A_276 = arith.constant 0 : index
    %get3A_277 = arith.constant 0 : index
    %get3A_278 = vector.load %arg6[%get3A_276, %get3A_277] : memref<128x128xf32, #tpu.memory_space<vmem>>, vector<128x128xf32>
    %dot_general3A_279 = arith.constant dense<0.000000e+00> : vector<512x128xf32>
    %dot_general3A_280 = tpu.matmul %add3A_270, %get3A_278, %dot_general3A_279 {dimension_numbers = #tpu.dot_dimension_numbers<[1], [0], [0], [1], [0, 0, 1, 1], [], []>, transpose_lhs_hint = false} : vector<512x128xf32>, vector<128x128xf32>, vector<512x128xf32> -> vector<512x128xf32>
    %add3A_281 = arith.addf %dot_general3A_275, %dot_general3A_280 : vector<512x128xf32>
    %max3A_282 = arith.constant 0.000000e+00 : f32
    %max3A_283 = vector.broadcast %max3A_282 : f32 to vector<512x128xf32>
    %max3A_284 = arith.maximumf %add3A_281, %max3A_283 : vector<512x128xf32>
    %swap3A = arith.constant 0 : index
    %swap3A_285 = arith.constant 0 : index
    %swap3A_286 = vector.load %arg7[%swap3A, %swap3A_285] : memref<512x128xf32, #tpu.memory_space<vmem>>, vector<512x128xf32>
    tpu.vector_store %arg7[%swap3A, %swap3A_285], %max3A_284 {strides = array<i32>} : memref<512x128xf32, #tpu.memory_space<vmem>>, vector<512x128xf32>,
    return
  }
  func.func @transform_0(%arg0: i32) -> (i32, i32, i32) {
    %c0_i32 = arith.constant 0 : i32
    %c0_i32_0 = arith.constant 0 : i32
    %c0_i32_1 = arith.constant 0 : i32
    return %c0_i32, %arg0, %c0_i32_0 : i32, i32, i32
  }
  func.func @transform_1(%arg0: i32) -> (i32, i32, i32) {
    %c0_i32 = arith.constant 0 : i32
    %c0_i32_0 = arith.constant 0 : i32
    %c0_i32_1 = arith.constant 0 : i32
    return %c0_i32, %arg0, %c0_i32_0 : i32, i32, i32
  }
  func.func @transform_2(%arg0: i32) -> (i32, i32) {
    %c0_i32 = arith.constant 0 : i32
    %c0_i32_0 = arith.constant 0 : i32
    %c0_i32_1 = arith.constant 0 : i32
    return %c0_i32, %c0_i32_0 : i32, i32
  }
  func.func @transform_3(%arg0: i32) -> (i32, i32) {
    %c0_i32 = arith.constant 0 : i32
    %c0_i32_0 = arith.constant 0 : i32
    %c0_i32_1 = arith.constant 0 : i32
    return %c0_i32, %c0_i32_0 : i32, i32
  }
  func.func @transform_4(%arg0: i32) -> (i32, i32) {
    %c0_i32 = arith.constant 0 : i32
    %c0_i32_0 = arith.constant 0 : i32
    %c0_i32_1 = arith.constant 0 : i32
    return %c0_i32, %c0_i32_0 : i32, i32
  }
  func.func @transform_5(%arg0: i32) -> (i32, i32) {
    %c0_i32 = arith.constant 0 : i32
    %c0_i32_0 = arith.constant 0 : i32
    %c0_i32_1 = arith.constant 0 : i32
    return %c0_i32, %c0_i32_0 : i32, i32
  }
  func.func @transform_6(%arg0: i32) -> (i32, i32) {
    %c0_i32 = arith.constant 0 : i32
    %c0_i32_0 = arith.constant 0 : i32
    return %arg0, %c0_i32 : i32, i32
  }
}

</mosaic_0001>

<sc_bundles>
// kernel: kernel.4.cloned.1.call-start
scs
__scs_entry_jumppad:
0x0: {  	(pc) =	sbr.rel $0x88, $3  }
0x1: {  	(tag) =	ssettag $0x0;
	lr =	simm.s32 $0x1  }
0x2: {  	[smem:$0x3F9C] =	sst lr;
	_ =	strace $0xD0000000  }
0x3: {  	_ = 	snop  }
0x4: {  	_ = 	snop  }
0x5: {  	_ = 	snop  }
0x6: {  	_ = 	snop  }
0x7: {  	_ = 	snop  }
__scs_overlays_trampoline_lowered:
0x8: {  	[smem:$0x3FAB] =	sst s0  }
0x9: {  	[smem:$0x3FAC] =	sst s1  }
0xa: {  	[smem:$0x3FAD] =	sst s2  }
0xb: {  	[smem:$0x3FAE] =	sst s3  }
0xc: {  	[smem:$0x3FAF] =	sst s4  }
0xd: {  	[smem:$0x3FB0] =	sst s5  }
0xe: {  	[smem:$0x3FB1] =	sst s6  }
0xf: {  	[smem:$0x3FB2] =	sst s7  }
0x10: {  	[smem:$0x3FB3] =	sst s8  }
0x11: {  	[smem:$0x3FB4] =	sst s9;
	s0 =	simm.s32 @!p0 $0x0  }
0x12: {  	s1 =	sld [smem:$0x3F9A];
	s0 =	simm.s32 @p0 $0x1  }
0x13: {  	[smem:$0x3FB5] =	sst s0;
	s0 =	simm.s32 @!p1 $0x0  }
0x14: {  	s2 =	sld [smem:$0x3F99];
	s0 =	simm.s32 @p1 $0x1  }
0x15: {  	[smem:$0x3FB6] =	sst s0;
	s0 =	simm.s32 @!p2 $0x0  }
0x16: {  	s3 =	sld [smem:$0x3FDB];
	s0 =	simm.s32 @p2 $0x1  }
0x17: {  	s4 =	simm.s32 $0x1BF5;
	[smem:$0x3FB8] =	sst s0  }
0x18: {  	s0 =	sld [smem:$0x3F9B];
	_ =	swait.ge [sflag:s4], $0x0  }
0x19: {  	s7 =	sld [smem:$0x3F9C]  }
0x1a: {  	s8 =	sadd.s32 $0xFFFFE003, lr  }
0x1b: {  	s9 =	sadd.s32 $0xFFFFFEF7, lr;
	s5 =	simm.s32 $0xFFFFFFFF;
	p2 =	slt.u32 s8, $0xFFFFF086  }
0x1c: {  	p1 =	slt.u32 s9, $0xF7A;
	s5 =	simm.s32 @!p2 $0x0  }
0x1d: {  	s5 =	simm.s32 @p1 $0x1;
	p0 =	seq.s32 s7, s2  }
0x1e: {  	s7 =	smul.u32 @!p0 $0xF7A, s2;
	p2 =	seq.s32 @!p0 s5, $0x0  }
0x1f: {  	s9 =	smul.u32 $0xF7A, s1;
	s8 =	simm.s32 @!p0 $0x1BF5;
	p2 =	por !p2, p0  }
0x20: {  	[sflag:s8] =	ssyncset.s32 @!p0 $0xFFFFF086;
	s6 =	sadd.s32 @!p0 s3, s7;
	s7 =	simm.s32 @!p0 $0x108  }
0x21: {  	s3 =	sadd.s32 s3, s9;
	s6 =	sadd.s32 @!p0 $0x88, s6;
	s7 =	simm.s32 @p2 $0x1082  }
0x22: {  	[simem:s7], [sflag:s8] =	dma.local @!p0 [hbm:s6], $0xF7A  }
0x23: {  	s9 =	sor.u32 $0xD0000000, s2;
	s6 =	simm.s32 $0x108;
	_ =	swait.ge @!p0 [sflag:s8], $0x0  }
0x24: {  	s3 =	sadd.s32 $0x88, s3;
	s6 =	simm.s32 @!p1 $0x1082;
	[sflag:s4] =	ssyncset.s32 $0xFFFFF086  }
0x25: {  	[simem:s6], [sflag:s4] =	dma.local [hbm:s3], $0xF7A  }
0x26: {  	[smem:$0x3F9C] =	sst s1;
	(tag) =	ssettag s2;
	_ =	strace s9  }
0x27: {  	s1 =	sld [smem:$0x3FAC]  }
0x28: {  	s2 =	sld [smem:$0x3FAD]  }
0x29: {  	s4 =	sld [smem:$0x3FAF]  }
0x2a: {  	p0 =	seq.s32 s5, $0x0;
	s5 =	sld [smem:$0x3FB0]  }
0x2b: {  	s6 =	sld [smem:$0x3FB1]  }
0x2c: {  	s7 =	sld [smem:$0x3FB2]  }
0x2d: {  	s3 =	simm.s32 $0x108;
	s8 =	sld [smem:$0x3FB3]  }
0x2e: {  	s3 =	simm.s32 @!p0 $0x1082;
	s9 =	sld [smem:$0x3FB4]  }
0x2f: {  	lr =	sadd.s32 s0, s3;
	s0 =	sld [smem:$0x3FAB]  }
0x30: {  	s3 =	sld [smem:$0x3FAE]  }
0x31: {  	[smem:$0x3FB7] =	sst s10  }
0x32: {  	s10 =	sld [smem:$0x3FB5];
	_ =	sdelay $0x3  }
0x33: {  	p0 =	seq.s32 s10, $0x1;
	s10 =	sld [smem:$0x3FB7];
	_ =	sdelay $0x3  }
0x34: {  	[smem:$0x3FB7] =	sst s10  }
0x35: {  	s10 =	sld [smem:$0x3FB6];
	_ =	sdelay $0x3  }
0x36: {  	p1 =	seq.s32 s10, $0x1;
	s10 =	sld [smem:$0x3FB7];
	_ =	sdelay $0x3  }
0x37: {  	[smem:$0x3FB7] =	sst s10  }
0x38: {  	s10 =	sld [smem:$0x3FB8]  }
0x39: {  	_ = 	snop;
	(pc) =	sbr.ind lr, $3  }
0x3a: {  	_ = 	snop  }
0x3b: {  	_ = 	snop  }
0x3c: {  	p2 =	seq.s32 s10, $0x1;
	s10 =	sld [smem:$0x3FB7]  }
0x3d: {  	_ =	shalt  }
0x3e: {  	_ =	shalt  }
0x3f: {  	_ =	shalt  }
0x40: {  	_ =	shalt  }
0x41: {  	_ =	shalt  }
0x42: {  	_ =	shalt  }
0x43: {  	_ =	shalt  }
0x44: {  	_ =	shalt  }
0x45: {  	_ =	shalt  }
0x46: {  	_ =	shalt  }
0x47: {  	_ =	shalt  }
0x48: {  	_ =	shalt  }
0x49: {  	_ =	shalt  }
0x4a: {  	_ =	shalt  }
0x4b: {  	_ =	shalt  }
0x4c: {  	_ =	shalt  }
0x4d: {  	_ =	shalt  }
0x4e: {  	_ =	shalt  }
0x4f: {  	_ =	shalt  }
0x50: {  	_ =	shalt  }
0x51: {  	_ =	shalt  }
0x52: {  	_ =	shalt  }
0x53: {  	_ =	shalt  }
0x54: {  	_ =	shalt  }
0x55: {  	_ =	shalt  }
0x56: {  	_ =	shalt  }
0x57: {  	_ =	shalt  }
0x58: {  	_ =	shalt  }
0x59: {  	_ =	shalt  }
0x5a: {  	_ =	shalt  }
0x5b: {  	_ =	shalt  }
0x5c: {  	_ =	shalt  }
0x5d: {  	_ =	shalt  }
0x5e: {  	_ =	shalt  }
0x5f: {  	_ =	shalt  }
0x60: {  	_ =	shalt  }
0x61: {  	_ =	shalt  }
0x62: {  	_ =	shalt  }
0x63: {  	_ =	shalt  }
0x64: {  	_ =	shalt  }
0x65: {  	_ =	shalt  }
0x66: {  	_ =	shalt  }
0x67: {  	_ =	shalt  }
0x68: {  	_ =	shalt  }
0x69: {  	_ =	shalt  }
0x6a: {  	_ =	shalt  }
0x6b: {  	_ =	shalt  }
0x6c: {  	_ =	shalt  }
0x6d: {  	_ =	shalt  }
0x6e: {  	_ =	shalt  }
0x6f: {  	_ =	shalt  }
0x70: {  	_ =	shalt  }
0x71: {  	_ =	shalt  }
0x72: {  	_ =	shalt  }
0x73: {  	_ =	shalt  }
0x74: {  	_ =	shalt  }
0x75: {  	_ =	shalt  }
0x76: {  	_ =	shalt  }
0x77: {  	_ =	shalt  }
0x78: {  	_ =	shalt  }
0x79: {  	_ =	shalt  }
0x7a: {  	_ =	shalt  }
0x7b: {  	_ =	shalt  }
0x7c: {  	_ =	shalt  }
0x7d: {  	_ =	shalt  }
0x7e: {  	_ =	shalt  }
0x7f: {  	_ =	shalt  }
0x80: {  	_ =	shalt  }
0x81: {  	_ =	shalt  }
0x82: {  	_ =	shalt  }
0x83: {  	_ =	shalt  }
0x84: {  	_ =	shalt  }
0x85: {  	_ =	shalt  }
0x86: {  	_ =	shalt  }
0x87: {  	_ =	shalt  }
.Lfunc_end0:
.L_simem_size_0:
called_computation_lowered:
.L_overlay_start_0:
0x88: {  	s2 =	sld [smem:$0x3FD9]  }
0x89: {  	s3 =	sld [smem:$0x3FFE];
	_ =	sdelay $0x1  }
0x8a: {  	s1 =	srdreg.scid  }
0x8b: {  	s0 =	sand.u32 $0x1, s1  }
0x8c: {  	s17 =	sshll.u32 s0, $0xA;
	s2 =	sadd.s32 s3, s2  }
0x8d: {  	s2 =	sadd.s32 s2, s17  }
0x8e: {  	[smem:$0x3FC3] =	sst s2  }
0x8f: {  	_ = 	snop  }
0x90: {  	s2 =	sld [smem:$0x3FC9]  }
0x91: {  	s18 =	sld [smem:$0x3FD0];
	(tm) =	ssettm $0x1  }
0x92: {  	s4 =	sld [smem:$0x3FFB];
	_ =	sdelay $0x3  }
0x93: {  	_ =	strace s4  }
0x94: {  	s4 =	sld [smem:$0x3FFC];
	_ =	sdelay $0x3  }
0x95: {  	_ =	strace s4  }
0x96: {  	s4 =	sld [smem:$0x3FFD];
	_ =	sdelay $0x3  }
0x97: {  	_ =	strace s4  }
0x98: {  	_ =	strace $0x8FFFFFFF  }
0x99: {  	s19 =	sld [smem:$0x3FDB];
	_ =	sdelay $0x1  }
0x9a: {  	s5 =	simm.s32 $_scs_section_size  }
0x9b: {  	s6 =	simm.s32 $_size__tile_overlayer_lowered;
	s7 =	simm.s32 $_tile_overlayer_lowered  }
0x9c: {  	s22 =	simm.s32 $0x1BFF;
	s21 =	sshll.u32 s7, $0x1;
	s4 =	sadd.s32 s5, s19  }
0x9d: {  	s8 =	simm.s32 $0x0;
	s20 =	sshll.u32 s6, $0x1;
	s6 =	sadd.s32 s21, s4  }
0x9e: {  	[timem:s8], [sflag:s22] =	dma.local [hbm:s6], s20  }
0x9f: {  	_ =	swait.ge [sflag:s22], s20  }
0xa0: {  	s5 =	ssub.s32 $0x0, s20;
	[sflag:s22] =	ssyncset.done $0x0  }
0xa1: {  	[sflag:s22] =	ssyncadd.s32 s5;
	_ =	sdelay $0x1  }
0xa2: {  	s23 =	simm.s32 $0x1B8B  }
0xa3: {  	_ =	swait.ge [sflag:s23], $0x1  }
0xa4: {  	[sflag:s23] =	ssyncset.done $0x0  }
0xa5: {  	s25 =	simm.s32 $0x1B8E;
	s24 =	sld [smem:$0x3FFE];
	[sflag:s23] =	ssyncadd.s32 $0xFFFFFFFF  }
0xa6: {  	s26 =	simm.s32 $execute0_lowered;
	[smem:$0x3FD2] =	sst s25  }
0xa7: {  	s6 =	sshll.u32 s26, $0x1;
	_ =	strace $0x80000046;
	[dreg:$0x1] =	wrdreg $0xFFFFFFFF  }
0xa8: {  	s28 =	simm.s32 $_size_execute0_lowered;
	s4 =	sadd.s32 s4, s6;
	[dreg:$0x0] =	wrdreg $0x0  }
0xa9: {  	s6 =	sshll.u32 s28, $0x1;
	[dreg:$0x2] =	wrdreg s4  }
0xaa: {  	[dreg:$0x3] =	wrdreg s6  }
0xab: {  	[dreg:$0x4] =	wrdreg $0xC0  }
0xac: {  	_ =	task [dreg:s8], $0x5FFFF  }
0xad: {  	[dreg:$0x1] =	wrdreg $0xFFFFFFFF  }
0xae: {  	[dreg:$0x0] =	wrdreg $0x60  }
0xaf: {  	[dreg:$0x2] =	wrdreg s2  }
0xb0: {  	[dreg:$0x3] =	wrdreg s24  }
0xb1: {  	[dreg:$0x4] =	wrdreg s18  }
0xb2: {  	[dreg:$0x5] =	wrdreg $0x9  }
0xb3: {  	_ =	task.clear_ibuf [dreg:s8], $0x6FFFF;
	_ =	strace $0x90000046  }
0xb4: {  	s29 =	simm.s32 $0x9;
	_ =	strace $0x80000048  }
0xb5: {  	_ =	swait.ge [sflag:s29], $0x1  }
0xb6: {  	[sflag:s29] =	ssyncadd.s32 $0xFFFFFFFF  }
0xb7: {  	_ =	strace $0x90000048  }
0xb8: {  	_ =	sfence  }
0xb9: {  	s30 =	sld [smem:$0x0];
	_ =	sdelay $0x2  }
0xba: {  	s31 =	sshll.u32 s1, $0xD;
	s1 =	sshrl.u32 s1, $0x2  }
0xbb: {  	s3 =	sand.u32 $0x4000, s31;
	s1 =	sadd.s32 s1, s30  }
0xbc: {  	s0 =	sor.u32 s3, s0;
	s1 =	sshll.u32 s1, $0x11  }
0xbd: {  	s0 =	sor.u32 s1, s0  }
0xbe: {  	s0 =	sadd.s32 $0x8F2B, s0  }
0xbf: {  	[sflag:s0] =	ssyncadd.remote.s32 $0x1  }
0xc0: {  	_ =	sfence.sel $0xFFFF  }
0xc1: {  	[dreg:$0x0] =	wrdreg $0xFFFFFFFF;
	(pc) =	sbr.abs _section_cstart, $3  }
0xc2: {  	[dreg:$0x1] =	wrdreg $0xFFFFFFFF  }
0xc3: {  	_ =	task.clear_ibuf [dreg:s8], $0x2FFFF;
	_ =	strace $0x9FFFFFFF  }
0xc4: {  	(tm) =	ssettm $0x7FFFFFFF  }
0xc5: {  	_ =	shalt  }
tec
execute0_lowered:
.L_overlay_start_1:
0x0: {  	(tag) =	ssettag $0x1  }
0x1: {  	s1 =	rddreg [dreg:$0x0]  }
0x2: {  	s0 =	srdreg.scid;
	s2 =	rddreg [dreg:$0x1]  }
0x3: {  	s3 =	stileid.u32;
	s6 =	rddreg [dreg:$0x2]  }
0x4: {  	s10 =	simm.s32 $0x7;
	s12 =	simm.s32 $0x8400;
	s13 =	simm.s32 $0x50  }
0x5: {  	s14 =	simm.s32 $0xD800;
	s17 =	simm.s32 $0x10;
	s18 =	simm.s32 $0x10000  }
0x6: {  	s19 =	simm.s32 $0x1;
	s21 =	simm.s32 $0x10800;
	s23 =	simm.s32 $0x13000  }
0x7: {  	s28 =	simm.s32 $0x2;
	s16 =	simm.s32 $0x8480;
	s30 =	simm.s32 $0x3  }
0x8: {  	s15 =	simm.s32 $0x16800;
	s0 =	sand.u32 $0x1, s0;
	s3 =	sshll.u32 s3, $0x1  }
0x9: {  	s20 =	simm.s32 $0x4;
	s22 =	simm.s32 $0x5;
	s4 =	sor.u32 s0, s3  }
0xa: {  	s31 =	simm.s32 $0x0;
	s3 =	simm.s32 $0x0;
	s5 =	smul.u32 $0xB00, s4  }
0xb: {  	s0 =	ssub.s32 $0x2, s0;
	[smem:$0x7FF] =	sst s3;
	s7 =	smul.u32 $0x580, s4  }
0xc: {  	s4 =	sadd.s32 $0x22600, s2;
	s24 =	sshrl.u32 s0, $0x1;
	_ =	strace $0x80000047  }
0xd: {  	s0 =	ssub.s32 s0, s24;
	s24 =	simm.s32 $0x6;
	s8 =	sadd.s32 s5, s2  }
0xe: {  	s9 =	sadd.s32 s7, s2;
	s5 =	sadd.s32 $0xD2600, s2;
	s26 =	sadd.s32 s6, s7  }
0xf: {  	s25 =	sadd.s32 $0x1600, s8;
	[dreg:$0x5] =	wrdreg s26;
	s29 =	sadd.s32 $0x17600, s9  }
0x10: {  	s9 =	smax.u32 s0, $0x1;
	s8 =	simm.s32 $0xB000;
	[dreg:$0x4] =	wrdreg s25  }
0x11: {  	s26 =	simm.s32 $0x16000;
	[dreg:$0x6] =	wrdreg s29;
	s25 =	simm.s32 $0x15800  }
.LBB2_1:
0x12: {  	s0 =	rddreg [dreg:$0x4]  }
0x13: {  	[tilespmem:s3], [sflag:$0x7] =	stream.linear.gather [hbm4b:s0+s3], $0x5800, $0x38;
	[tilespmem:$0x17000] =	vst v63  }
0x14: {  	_ =	swait.ge [sflag:s10], $0x5800  }
0x15: {  	[sflag:s10] =	ssyncset.done $0x0  }
0x16: {  	s2 =	simm.s32 $0x5800;
	s11 =	rddreg [dreg:$0x5];
	[sflag:s10] =	ssyncadd.s32 $0xFFFFA800  }
0x17: {  	[tilespmem:s2], [sflag:$0x7] =	stream.linear.gather [hbm4b:s11+s3], $0x2C00, $0x38;
	[tilespmem:$0x17000] =	vst v63  }
0x18: {  	_ =	swait.ge [sflag:s10], $0x2C00  }
0x19: {  	[sflag:s10] =	ssyncset.done $0x0  }
0x1a: {  	s29 =	rddreg [dreg:$0x6];
	[sflag:s10] =	ssyncadd.s32 $0xFFFFD400  }
0x1b: {  	[tilespmem:s12], [sflag:$0x7] =	stream.linear.gather [hbm4b:s29+s3], $0x2C00, $0x38;
	[tilespmem:$0x17000] =	vst v63  }
0x1c: {  	_ =	swait.ge [sflag:s10], $0x2C00  }
0x1d: {  	[sflag:s10] =	ssyncset.done $0x0  }
0x1e: {  	[sflag:s10] =	ssyncadd.s32 $0xFFFFD400  }
0x1f: {  	[tilespmem:s8], [sflag:$0x1] =	stream.indirect.gather [hbm4b:s1+s13], $0x80, s3, s13, $0xb8;
	[tilespmem:$0x17000] =	vst v63  }
0x20: {  	s6 =	simm.s32 $0x80  }
0x21: {  	[tilespmem:s14], [sflag:$0x1] =	stream.indirect.gather [hbm4b:s1+s13], $0x80, s6, s13, $0xb8;
	[tilespmem:$0x17000] =	vst v63  }
0x22: {  	_ = 	snop  }
0x23: {  	[tilespmem:s18], [sflag:$0x1] =	stream.indirect.gather [hbm4b:s1+s17], $0x80, s2, s17, $0xb8;
	[tilespmem:$0x17000] =	vst v63  }
0x24: {  	_ =	swait.ge [sflag:s19], $0x2800  }
0x25: {  	[sflag:s19] =	ssyncset.done $0x0  }
0x26: {  	[sflag:s19] =	ssyncadd.s32 $0xFFFFD800  }
0x27: {  	_ =	swait.ge [sflag:s19], $0x2800  }
0x28: {  	[sflag:s19] =	ssyncset.done $0x0  }
0x29: {  	[sflag:s19] =	ssyncadd.s32 $0xFFFFD800  }
0x2a: {  	_ =	swait.ge [sflag:s19], $0x800  }
0x2b: {  	[sflag:s19] =	ssyncset.done $0x0  }
0x2c: {  	[sflag:s19] =	ssyncadd.s32 $0xFFFFF800  }
0x2d: {  	[hbm4b:s4+s17] =	stream.indirect.scatter [tilespmem:s18], [sflag:$0x3], $0x80, s12, s17, $0xb8;
	[tilespmem:$0x17000] =	vst v63  }
0x2e: {  	s7 =	simm.s32 $0x100  }
0x2f: {  	[tilespmem:s21], [sflag:$0x2] =	stream.indirect.gather [hbm4b:s1+s13], $0x80, s7, s13, $0xb8;
	[tilespmem:$0x17000] =	vst v63  }
0x30: {  	s11 =	simm.s32 $0x180  }
0x31: {  	[tilespmem:s23], [sflag:$0x2] =	stream.indirect.gather [hbm4b:s1+s13], $0x80, s11, s13, $0xb8;
	[tilespmem:$0x17000] =	vst v63  }
0x32: {  	s0 =	simm.s32 $0xB280;
	s29 =	simm.s32 $0x5880  }
0x33: {  	[tilespmem:s25], [sflag:$0x2] =	stream.indirect.gather [hbm4b:s1+s17], $0x80, s29, s17, $0xb8;
	[tilespmem:$0x17000] =	vst v63  }
0x34: {  	v0 =	vld [tilespmem:s0+$0xFFFFFD80]  }
0x35: {  	v1 =	vld [tilespmem:s0+$0x100]  }
0x36: {  	v2 =	vld [tilespmem:s0+$0x80]  }
0x37: {  	v3 =	vld [tilespmem:s0+$0x0]  }
0x38: {  	v4 =	vld [tilespmem:s0+$0xFFFFFF80]  }
0x39: {  	v5 =	vld [tilespmem:s0+$0xFFFFFF00]  }
0x3a: {  	v6 =	vld [tilespmem:s0+$0xFFFFFE80]  }
0x3b: {  	v7 =	vld [tilespmem:s0+$0xFFFFFE00];
	_ =	sdelay $0x2  }
0x3c: {  	v8 =	vld [tilespmem:s0+$0x200]  }
0x3d: {  	v1 =	vadd.f32 v1, v2;
	v2 =	vadd.f32 v3, v4;
	v3 =	vld [tilespmem:s0+$0x180]  }
0x3e: {  	v4 =	vadd.f32 v5, v6;
	v0 =	vadd.f32 v7, v0;
	_ =	sdelay $0x1  }
0x3f: {  	v0 =	vadd.f32 v4, v0;
	v1 =	vadd.f32 v1, v2;
	_ =	sdelay $0x1  }
0x40: {  	v0 =	vadd.f32 v1, v0;
	v2 =	vadd.f32 v8, v3;
	_ =	sdelay $0x1  }
0x41: {  	v0 =	vadd.f32 v2, v0  }
0x42: {  	s2 =	simm.s32 $0x0  }
0x43: {  	[tilespmem:s2+$0x16000] =	vst v0  }
0x44: {  	v0 =	vld [tilespmem:s0+$0x110]  }
0x45: {  	v1 =	vld [tilespmem:s0+$0xFFFFFF10]  }
0x46: {  	v2 =	vld [tilespmem:s0+$0x10]  }
0x47: {  	v3 =	vld [tilespmem:s0+$0xFFFFFE90]  }
0x48: {  	v4 =	vld [tilespmem:s0+$0xFFFFFD90]  }
0x49: {  	v5 =	vld [tilespmem:s0+$0x90]  }
0x4a: {  	v6 =	vld [tilespmem:s0+$0xFFFFFE10]  }
0x4b: {  	v7 =	vld [tilespmem:s0+$0xFFFFFF90];
	_ =	sdelay $0x2  }
0x4c: {  	v59 =	vld [tilespmem:s0+$0x210]  }
0x4d: {  	v1 =	vadd.f32 v1, v3;
	v0 =	vadd.f32 v0, v5;
	v3 =	vld [tilespmem:s0+$0x190]  }
0x4e: {  	v4 =	vadd.f32 v6, v4;
	v2 =	vadd.f32 v2, v7;
	_ =	sdelay $0x1  }
0x4f: {  	v1 =	vadd.f32 v1, v4;
	v0 =	vadd.f32 v0, v2;
	_ =	sdelay $0x1  }
0x50: {  	v0 =	vadd.f32 v0, v1;
	v2 =	vadd.f32 v59, v3;
	_ =	sdelay $0x1  }
0x51: {  	v0 =	vadd.f32 v2, v0;
	_ =	sdelay $0x1  }
0x52: {  	[tilespmem:s2+$0x16010] =	vst v0  }
0x53: {  	v0 =	vld [tilespmem:s0+$0x120]  }
0x54: {  	v1 =	vld [tilespmem:s0+$0xA0]  }
0x55: {  	v2 =	vld [tilespmem:s0+$0xFFFFFFA0]  }
0x56: {  	v3 =	vld [tilespmem:s0+$0x20]  }
0x57: {  	v4 =	vld [tilespmem:s0+$0xFFFFFF20]  }
0x58: {  	v5 =	vld [tilespmem:s0+$0xFFFFFDA0]  }
0x59: {  	v6 =	vld [tilespmem:s0+$0xFFFFFEA0]  }
0x5a: {  	v7 =	vld [tilespmem:s0+$0xFFFFFE20];
	_ =	sdelay $0x2  }
0x5b: {  	v60 =	vld [tilespmem:s0+$0x1A0]  }
0x5c: {  	v0 =	vadd.f32 v0, v1;
	v1 =	vadd.f32 v3, v2;
	v2 =	vld [tilespmem:s0+$0x220]  }
0x5d: {  	v3 =	vadd.f32 v4, v6;
	v4 =	vadd.f32 v7, v5;
	_ =	sdelay $0x1  }
0x5e: {  	v0 =	vadd.f32 v0, v1;
	v1 =	vadd.f32 v3, v4;
	_ =	sdelay $0x1  }
0x5f: {  	v0 =	vadd.f32 v0, v1;
	v2 =	vadd.f32 v2, v60;
	_ =	sdelay $0x1  }
0x60: {  	v0 =	vadd.f32 v2, v0;
	_ =	sdelay $0x1  }
0x61: {  	[tilespmem:s2+$0x16020] =	vst v0  }
0x62: {  	v0 =	vld [tilespmem:s0+$0x130]  }
0x63: {  	v1 =	vld [tilespmem:s0+$0xB0]  }
0x64: {  	v2 =	vld [tilespmem:s0+$0xFFFFFE30]  }
0x65: {  	v3 =	vld [tilespmem:s0+$0xFFFFFEB0]  }
0x66: {  	v4 =	vld [tilespmem:s0+$0x30]  }
0x67: {  	v5 =	vld [tilespmem:s0+$0xFFFFFFB0]  }
0x68: {  	v6 =	vld [tilespmem:s0+$0xFFFFFF30]  }
0x69: {  	v7 =	vld [tilespmem:s0+$0xFFFFFDB0];
	_ =	sdelay $0x2  }
0x6a: {  	v61 =	vld [tilespmem:s0+$0x230]  }
0x6b: {  	v0 =	vadd.f32 v0, v1;
	v1 =	vld [tilespmem:s0+$0x1B0];
	v3 =	vadd.f32 v6, v3  }
0x6c: {  	v4 =	vadd.f32 v4, v5;
	v2 =	vadd.f32 v2, v7;
	_ =	sdelay $0x1  }
0x6d: {  	v0 =	vadd.f32 v0, v4;
	v2 =	vadd.f32 v3, v2;
	_ =	sdelay $0x1  }
0x6e: {  	v0 =	vadd.f32 v0, v2;
	v1 =	vadd.f32 v61, v1;
	_ =	sdelay $0x1  }
0x6f: {  	v0 =	vadd.f32 v1, v0;
	_ =	sdelay $0x1  }
0x70: {  	[tilespmem:s2+$0x16030] =	vst v0  }
0x71: {  	v0 =	vld [tilespmem:s0+$0xFFFFFE40]  }
0x72: {  	v1 =	vld [tilespmem:s0+$0x140]  }
0x73: {  	v2 =	vld [tilespmem:s0+$0xC0]  }
0x74: {  	v3 =	vld [tilespmem:s0+$0xFFFFFF40]  }
0x75: {  	v4 =	vld [tilespmem:s0+$0xFFFFFDC0]  }
0x76: {  	v5 =	vld [tilespmem:s0+$0xFFFFFFC0]  }
0x77: {  	v6 =	vld [tilespmem:s0+$0x40]  }
0x78: {  	v7 =	vld [tilespmem:s0+$0xFFFFFEC0];
	_ =	sdelay $0x2  }
0x79: {  	v62 =	vld [tilespmem:s0+$0x240]  }
0x7a: {  	v1 =	vadd.f32 v1, v2;
	v0 =	vadd.f32 v0, v4;
	v2 =	vld [tilespmem:s0+$0x1C0]  }
0x7b: {  	v4 =	vadd.f32 v6, v5;
	v3 =	vadd.f32 v3, v7;
	_ =	sdelay $0x1  }
0x7c: {  	v1 =	vadd.f32 v1, v4;
	v0 =	vadd.f32 v3, v0;
	_ =	sdelay $0x1  }
0x7d: {  	v0 =	vadd.f32 v1, v0;
	v2 =	vadd.f32 v62, v2;
	_ =	sdelay $0x1  }
0x7e: {  	v0 =	vadd.f32 v2, v0;
	_ =	sdelay $0x1  }
0x7f: {  	[tilespmem:s2+$0x16040] =	vst v0  }
0x80: {  	v1 =	vld [tilespmem:s0+$0x50]  }
0x81: {  	v0 =	vld [tilespmem:s0+$0xFFFFFE50]  }
0x82: {  	v2 =	vld [tilespmem:s0+$0xFFFFFED0]  }
0x83: {  	v3 =	vld [tilespmem:s0+$0xFFFFFDD0]  }
0x84: {  	v4 =	vld [tilespmem:s0+$0xFFFFFF50]  }
0x85: {  	v5 =	vld [tilespmem:s0+$0xFFFFFFD0]  }
0x86: {  	v6 =	vld [tilespmem:s0+$0xD0]  }
0x87: {  	v7 =	vld [tilespmem:s0+$0x150];
	_ =	sdelay $0x2  }
0x88: {  	v63 =	vadd.f32 v0, v3;
	v2 =	vadd.f32 v4, v2  }
0x89: {  	v0 =	vld [tilespmem:s0+$0x1D0];
	v3 =	vadd.f32 v1, v5  }
0x8a: {  	s6 =	simm.s32 $0x200;
	s11 =	simm.s32 $0xB280;
	v1 =	vld [tilespmem:s0+$0x250];
	v4 =	vadd.f32 v7, v6;
	v2 =	vadd.f32 v2, v63  }
.LBB2_2:
0x8b: {  	p0 =	sne.s32 s6, $0x1E00  }
0x8c: {  	s0 =	sadd.s32 $0x500, s0;
	s7 =	smov.u32 s6;
	s6 =	sadd.s32 $0x200, s6  }
0x8d: {  	_ =	sdelay $0x1  }
0x8e: {  	v3 =	vadd.f32 v4, v3;
	_ =	sdelay $0x1  }
0x8f: {  	v0 =	vadd.f32 v1, v0;
	v1 =	vadd.f32 v3, v2;
	_ =	sdelay $0x1  }
0x90: {  	v0 =	vadd.f32 v0, v1;
	_ =	sdelay $0x1  }
0x91: {  	[tilespmem:s2+$0x16050] =	vst v0  }
0x92: {  	v0 =	vld [tilespmem:s11+$0x160]  }
0x93: {  	v1 =	vld [tilespmem:s11+$0xFFFFFF60]  }
0x94: {  	v2 =	vld [tilespmem:s11+$0x60]  }
0x95: {  	v3 =	vld [tilespmem:s11+$0xFFFFFEE0]  }
0x96: {  	v4 =	vld [tilespmem:s11+$0xFFFFFDE0]  }
0x97: {  	v5 =	vld [tilespmem:s11+$0xE0]  }
0x98: {  	v6 =	vld [tilespmem:s11+$0xFFFFFFE0]  }
0x99: {  	v7 =	vld [tilespmem:s11+$0xFFFFFE60]  }
0x9a: {  	v8 =	vld [tilespmem:s11+$0x1E0]  }
0x9b: {  	v9 =	vld [tilespmem:s11+$0x260]  }
0x9c: {  	v1 =	vadd.f32 v1, v3;
	v0 =	vadd.f32 v0, v5  }
0x9d: {  	v2 =	vadd.f32 v2, v6  }
0x9e: {  	v3 =	vadd.f32 v7, v4;
	_ =	sdelay $0x1  }
0x9f: {  	v0 =	vadd.f32 v0, v2;
	v1 =	vadd.f32 v1, v3;
	_ =	sdelay $0x1  }
0xa0: {  	v2 =	vadd.f32 v9, v8;
	v0 =	vadd.f32 v0, v1;
	_ =	sdelay $0x1  }
0xa1: {  	v0 =	vadd.f32 v2, v0;
	_ =	sdelay $0x1  }
0xa2: {  	[tilespmem:s2+$0x16060] =	vst v0  }
0xa3: {  	v0 =	vld [tilespmem:s11+$0x170]  }
0xa4: {  	v1 =	vld [tilespmem:s11+$0xFFFFFE70]  }
0xa5: {  	v2 =	vld [tilespmem:s11+$0xFFFFFDF0]  }
0xa6: {  	v3 =	vld [tilespmem:s11+$0xFFFFFF70]  }
0xa7: {  	v4 =	vld [tilespmem:s11+$0xF0]  }
0xa8: {  	v5 =	vld [tilespmem:s11+$0x70]  }
0xa9: {  	v6 =	vld [tilespmem:s11+$0xFFFFFEF0]  }
0xaa: {  	v7 =	vld [tilespmem:s11+$0xFFFFFFF0];
	v1 =	vadd.f32 v1, v2  }
0xab: {  	v2 =	vld [tilespmem:s11+$0x1F0]  }
0xac: {  	v8 =	vld [tilespmem:s11+$0x270];
	s11 =	smov.u32 s0  }
0xad: {  	v0 =	vadd.f32 v0, v4  }
0xae: {  	v3 =	vadd.f32 v3, v6  }
0xaf: {  	v4 =	vadd.f32 v5, v7  }
0xb0: {  	v1 =	vadd.f32 v3, v1  }
0xb1: {  	v2 =	vadd.f32 v8, v2;
	v0 =	vadd.f32 v0, v4;
	_ =	sdelay $0x1  }
0xb2: {  	v0 =	vadd.f32 v0, v1;
	_ =	sdelay $0x1  }
0xb3: {  	v0 =	vadd.f32 v2, v0;
	_ =	sdelay $0x1  }
0xb4: {  	[tilespmem:s2+$0x16070] =	vst v0  }
0xb5: {  	v0 =	vld [tilespmem:s0+$0xFFFFFD80]  }
0xb6: {  	v1 =	vld [tilespmem:s0+$0x100]  }
0xb7: {  	v2 =	vld [tilespmem:s0+$0x80]  }
0xb8: {  	v3 =	vld [tilespmem:s0+$0x0]  }
0xb9: {  	v4 =	vld [tilespmem:s0+$0xFFFFFF80]  }
0xba: {  	v5 =	vld [tilespmem:s0+$0xFFFFFF00]  }
0xbb: {  	v6 =	vld [tilespmem:s0+$0xFFFFFE80]  }
0xbc: {  	v7 =	vld [tilespmem:s0+$0xFFFFFE00];
	v1 =	vadd.f32 v1, v2;
	_ =	sdelay $0x1  }
0xbd: {  	v2 =	vadd.f32 v3, v4  }
0xbe: {  	v3 =	vld [tilespmem:s0+$0x200]  }
0xbf: {  	v4 =	vld [tilespmem:s0+$0x180];
	v5 =	vadd.f32 v5, v6  }
0xc0: {  	v0 =	vadd.f32 v7, v0;
	_ =	sdelay $0x1  }
0xc1: {  	v1 =	vadd.f32 v1, v2;
	v0 =	vadd.f32 v5, v0;
	_ =	sdelay $0x1  }
0xc2: {  	v2 =	vadd.f32 v3, v4;
	v0 =	vadd.f32 v1, v0;
	_ =	sdelay $0x1  }
0xc3: {  	v0 =	vadd.f32 v2, v0  }
0xc4: {  	s2 =	sshra.s32 s7, $0x2  }
0xc5: {  	[tilespmem:s2+$0x16000] =	vst v0  }
0xc6: {  	v0 =	vld [tilespmem:s0+$0x110]  }
0xc7: {  	v1 =	vld [tilespmem:s0+$0xFFFFFF10]  }
0xc8: {  	v2 =	vld [tilespmem:s0+$0x10]  }
0xc9: {  	v3 =	vld [tilespmem:s0+$0xFFFFFE90]  }
0xca: {  	v4 =	vld [tilespmem:s0+$0xFFFFFD90]  }
0xcb: {  	v5 =	vld [tilespmem:s0+$0x90]  }
0xcc: {  	v6 =	vld [tilespmem:s0+$0xFFFFFE10]  }
0xcd: {  	v7 =	vld [tilespmem:s0+$0xFFFFFF90];
	_ =	sdelay $0x2  }
0xce: {  	v1 =	vadd.f32 v1, v3;
	v8 =	vld [tilespmem:s0+$0x210];
	v0 =	vadd.f32 v0, v5  }
0xcf: {  	v3 =	vld [tilespmem:s0+$0x190];
	v4 =	vadd.f32 v6, v4  }
0xd0: {  	v2 =	vadd.f32 v2, v7  }
0xd1: {  	v1 =	vadd.f32 v1, v4  }
0xd2: {  	v0 =	vadd.f32 v0, v2;
	_ =	sdelay $0x1  }
0xd3: {  	v2 =	vadd.f32 v8, v3;
	v0 =	vadd.f32 v0, v1;
	_ =	sdelay $0x1  }
0xd4: {  	v0 =	vadd.f32 v2, v0;
	_ =	sdelay $0x1  }
0xd5: {  	[tilespmem:s2+$0x16010] =	vst v0  }
0xd6: {  	v0 =	vld [tilespmem:s0+$0x120]  }
0xd7: {  	v1 =	vld [tilespmem:s0+$0xA0]  }
0xd8: {  	v2 =	vld [tilespmem:s0+$0xFFFFFFA0]  }
0xd9: {  	v3 =	vld [tilespmem:s0+$0x20]  }
0xda: {  	v4 =	vld [tilespmem:s0+$0xFFFFFF20]  }
0xdb: {  	v5 =	vld [tilespmem:s0+$0xFFFFFDA0]  }
0xdc: {  	v6 =	vld [tilespmem:s0+$0xFFFFFEA0];
	v0 =	vadd.f32 v0, v1  }
0xdd: {  	v1 =	vld [tilespmem:s0+$0xFFFFFE20]  }
0xde: {  	v7 =	vld [tilespmem:s0+$0x1A0];
	v2 =	vadd.f32 v3, v2  }
0xdf: {  	v3 =	vld [tilespmem:s0+$0x220];
	_ =	sdelay $0x1  }
0xe0: {  	v4 =	vadd.f32 v4, v6  }
0xe1: {  	v1 =	vadd.f32 v1, v5  }
0xe2: {  	v0 =	vadd.f32 v0, v2  }
0xe3: {  	v2 =	vadd.f32 v3, v7;
	v1 =	vadd.f32 v4, v1;
	_ =	sdelay $0x1  }
0xe4: {  	v0 =	vadd.f32 v0, v1;
	_ =	sdelay $0x1  }
0xe5: {  	v0 =	vadd.f32 v2, v0;
	_ =	sdelay $0x1  }
0xe6: {  	[tilespmem:s2+$0x16020] =	vst v0  }
0xe7: {  	v0 =	vld [tilespmem:s0+$0x130]  }
0xe8: {  	v1 =	vld [tilespmem:s0+$0xB0]  }
0xe9: {  	v2 =	vld [tilespmem:s0+$0xFFFFFE30]  }
0xea: {  	v3 =	vld [tilespmem:s0+$0xFFFFFEB0]  }
0xeb: {  	v4 =	vld [tilespmem:s0+$0x30]  }
0xec: {  	v5 =	vld [tilespmem:s0+$0xFFFFFFB0]  }
0xed: {  	v6 =	vld [tilespmem:s0+$0xFFFFFF30];
	v0 =	vadd.f32 v0, v1  }
0xee: {  	v1 =	vld [tilespmem:s0+$0xFFFFFDB0];
	_ =	sdelay $0x2  }
0xef: {  	v7 =	vld [tilespmem:s0+$0x230]  }
0xf0: {  	v4 =	vadd.f32 v4, v5;
	v8 =	vld [tilespmem:s0+$0x1B0];
	v3 =	vadd.f32 v6, v3  }
0xf1: {  	v1 =	vadd.f32 v2, v1  }
0xf2: {  	v0 =	vadd.f32 v0, v4  }
0xf3: {  	v1 =	vadd.f32 v3, v1;
	_ =	sdelay $0x1  }
0xf4: {  	v2 =	vadd.f32 v7, v8;
	v0 =	vadd.f32 v0, v1;
	_ =	sdelay $0x1  }
0xf5: {  	v0 =	vadd.f32 v2, v0;
	_ =	sdelay $0x1  }
0xf6: {  	[tilespmem:s2+$0x16030] =	vst v0  }
0xf7: {  	v0 =	vld [tilespmem:s0+$0xFFFFFE40]  }
0xf8: {  	v1 =	vld [tilespmem:s0+$0x140]  }
0xf9: {  	v2 =	vld [tilespmem:s0+$0xC0]  }
0xfa: {  	v3 =	vld [tilespmem:s0+$0xFFFFFF40]  }
0xfb: {  	v4 =	vld [tilespmem:s0+$0xFFFFFDC0]  }
0xfc: {  	v5 =	vld [tilespmem:s0+$0xFFFFFFC0]  }
0xfd: {  	v6 =	vld [tilespmem:s0+$0x40]  }
0xfe: {  	v7 =	vld [tilespmem:s0+$0xFFFFFEC0]  }
0xff: {  	v1 =	vadd.f32 v1, v2;
	_ =	sdelay $0x1  }
0x100: {  	v0 =	vadd.f32 v0, v4;
	v2 =	vld [tilespmem:s0+$0x240]  }
0x101: {  	v4 =	vld [tilespmem:s0+$0x1C0];
	v5 =	vadd.f32 v6, v5  }
0x102: {  	v3 =	vadd.f32 v3, v7  }
0x103: {  	v1 =	vadd.f32 v1, v5  }
0x104: {  	v0 =	vadd.f32 v3, v0;
	_ =	sdelay $0x1  }
0x105: {  	v2 =	vadd.f32 v2, v4;
	v0 =	vadd.f32 v1, v0;
	_ =	sdelay $0x1  }
0x106: {  	v0 =	vadd.f32 v2, v0;
	_ =	sdelay $0x1  }
0x107: {  	[tilespmem:s2+$0x16040] =	vst v0  }
0x108: {  	v2 =	vld [tilespmem:s0+$0x50]  }
0x109: {  	v1 =	vld [tilespmem:s0+$0xFFFFFE50]  }
0x10a: {  	v3 =	vld [tilespmem:s0+$0xFFFFFED0]  }
0x10b: {  	v4 =	vld [tilespmem:s0+$0xFFFFFDD0]  }
0x10c: {  	v5 =	vld [tilespmem:s0+$0xFFFFFF50]  }
0x10d: {  	v6 =	vld [tilespmem:s0+$0xFFFFFFD0]  }
0x10e: {  	v7 =	vld [tilespmem:s0+$0xD0]  }
0x10f: {  	v8 =	vld [tilespmem:s0+$0x150]  }
.Ltmp0:
0x110: {  	v0 =	vld [tilespmem:s0+$0x1D0];
	v4 =	vadd.f32 v1, v4;
	(pc) =	sbr.rel @p0 .LBB2_2-.Ltmp0, $4  }
0x111: {  	v1 =	vld [tilespmem:s0+$0x250];
	v5 =	vadd.f32 v5, v3  }
0x112: {  	v3 =	vadd.f32 v2, v6  }
0x113: {  	v2 =	vadd.f32 v5, v4  }
0x114: {  	v4 =	vadd.f32 v8, v7  }
0x115: {  	_ = 	snop  }
0x116: {  	v3 =	vadd.f32 v4, v3;
	_ =	sdelay $0x1  }
0x117: {  	v0 =	vadd.f32 v1, v0;
	v1 =	vadd.f32 v3, v2;
	_ =	sdelay $0x1  }
0x118: {  	v0 =	vadd.f32 v0, v1;
	_ =	sdelay $0x1  }
0x119: {  	[tilespmem:s2+$0x16050] =	vst v0  }
0x11a: {  	v0 =	vld [tilespmem:s11+$0x160]  }
0x11b: {  	v1 =	vld [tilespmem:s11+$0xFFFFFF60]  }
0x11c: {  	v2 =	vld [tilespmem:s11+$0x60]  }
0x11d: {  	v3 =	vld [tilespmem:s11+$0xFFFFFEE0]  }
0x11e: {  	v4 =	vld [tilespmem:s11+$0xFFFFFDE0]  }
0x11f: {  	v5 =	vld [tilespmem:s11+$0xE0]  }
0x120: {  	v6 =	vld [tilespmem:s11+$0xFFFFFFE0]  }
0x121: {  	v7 =	vld [tilespmem:s11+$0xFFFFFE60];
	_ =	sdelay $0x2  }
0x122: {  	v8 =	vld [tilespmem:s11+$0x1E0]  }
0x123: {  	v9 =	vld [tilespmem:s11+$0x260];
	v1 =	vadd.f32 v1, v3;
	v0 =	vadd.f32 v0, v5  }
0x124: {  	v2 =	vadd.f32 v2, v6;
	v3 =	vadd.f32 v7, v4;
	_ =	sdelay $0x1  }
0x125: {  	v1 =	vadd.f32 v1, v3;
	v0 =	vadd.f32 v0, v2;
	_ =	sdelay $0x1  }
0x126: {  	v2 =	vadd.f32 v9, v8;
	v0 =	vadd.f32 v0, v1;
	_ =	sdelay $0x1  }
0x127: {  	v0 =	vadd.f32 v2, v0;
	_ =	sdelay $0x1  }
0x128: {  	[tilespmem:s2+$0x16060] =	vst v0  }
0x129: {  	v0 =	vld [tilespmem:s11+$0x170]  }
0x12a: {  	v1 =	vld [tilespmem:s11+$0xFFFFFE70]  }
0x12b: {  	v2 =	vld [tilespmem:s11+$0xFFFFFDF0]  }
0x12c: {  	v3 =	vld [tilespmem:s11+$0xFFFFFF70]  }
0x12d: {  	v4 =	vld [tilespmem:s11+$0xF0]  }
0x12e: {  	v5 =	vld [tilespmem:s11+$0x70]  }
0x12f: {  	v6 =	vld [tilespmem:s11+$0xFFFFFEF0]  }
0x130: {  	v7 =	vld [tilespmem:s11+$0xFFFFFFF0];
	_ =	sdelay $0x2  }
0x131: {  	v57 =	vld [tilespmem:s11+$0x1F0]  }
0x132: {  	v1 =	vadd.f32 v1, v2;
	v2 =	vld [tilespmem:s11+$0x270];
	v0 =	vadd.f32 v0, v4  }
0x133: {  	v3 =	vadd.f32 v3, v6;
	v4 =	vadd.f32 v5, v7;
	_ =	sdelay $0x1  }
0x134: {  	v1 =	vadd.f32 v3, v1;
	v0 =	vadd.f32 v0, v4;
	_ =	sdelay $0x1  }
0x135: {  	v0 =	vadd.f32 v0, v1;
	v2 =	vadd.f32 v2, v57;
	_ =	sdelay $0x1  }
0x136: {  	v0 =	vadd.f32 v2, v0;
	_ =	sdelay $0x1  }
0x137: {  	[tilespmem:s2+$0x16070] =	vst v0  }
0x138: {  	[hbm4b:s5+s17] =	stream.indirect.scatter [tilespmem:s26], [sflag:$0x5], $0x80, s12, s17, $0xb8;
	[tilespmem:$0x17000] =	vst v63  }
0x139: {  	_ =	swait.ge [sflag:s28], $0x2800  }
0x13a: {  	[sflag:s28] =	ssyncset.done $0x0  }
0x13b: {  	[sflag:s28] =	ssyncadd.s32 $0xFFFFD800  }
0x13c: {  	_ =	swait.ge [sflag:s28], $0x2800  }
0x13d: {  	[sflag:s28] =	ssyncset.done $0x0  }
0x13e: {  	[sflag:s28] =	ssyncadd.s32 $0xFFFFD800  }
0x13f: {  	_ =	swait.ge [sflag:s28], $0x800  }
0x140: {  	[sflag:s28] =	ssyncset.done $0x0  }
0x141: {  	[sflag:s28] =	ssyncadd.s32 $0xFFFFF800  }
0x142: {  	[hbm4b:s4+s17] =	stream.indirect.scatter [tilespmem:s25], [sflag:$0x4], $0x80, s16, s17, $0xb8;
	[tilespmem:$0x17000] =	vst v63  }
0x143: {  	_ =	swait.ge [sflag:s30], $0x800  }
0x144: {  	[sflag:s30] =	ssyncset.done $0x0  }
0x145: {  	s0 =	simm.s32 $0x200;
	[sflag:s30] =	ssyncadd.s32 $0xFFFFF800  }
0x146: {  	[tilespmem:s8], [sflag:$0x1] =	stream.indirect.gather [hbm4b:s1+s13], $0x80, s0, s13, $0xb8;
	[tilespmem:$0x17000] =	vst v63  }
0x147: {  	s11 =	simm.s32 $0x280  }
0x148: {  	[tilespmem:s14], [sflag:$0x1] =	stream.indirect.gather [hbm4b:s1+s13], $0x80, s11, s13, $0xb8;
	[tilespmem:$0x17000] =	vst v63  }
0x149: {  	s29 =	simm.s32 $0x5900;
	s0 =	simm.s32 $0x10A80  }
0x14a: {  	[tilespmem:s18], [sflag:$0x1] =	stream.indirect.gather [hbm4b:s1+s17], $0x80, s29, s17, $0xb8;
	[tilespmem:$0x17000] =	vst v63  }
0x14b: {  	v0 =	vld [tilespmem:s0+$0xFFFFFD80]  }
0x14c: {  	v1 =	vld [tilespmem:s0+$0x100]  }
0x14d: {  	v2 =	vld [tilespmem:s0+$0x80]  }
0x14e: {  	v3 =	vld [tilespmem:s0+$0x0]  }
0x14f: {  	v4 =	vld [tilespmem:s0+$0xFFFFFF80]  }
0x150: {  	v5 =	vld [tilespmem:s0+$0xFFFFFF00]  }
0x151: {  	v6 =	vld [tilespmem:s0+$0xFFFFFE80]  }
0x152: {  	v7 =	vld [tilespmem:s0+$0xFFFFFE00];
	_ =	sdelay $0x2  }
0x153: {  	v58 =	vld [tilespmem:s0+$0x200]  }
0x154: {  	v1 =	vadd.f32 v1, v2;
	v2 =	vadd.f32 v3, v4;
	v3 =	vld [tilespmem:s0+$0x180]  }
0x155: {  	v4 =	vadd.f32 v5, v6;
	v0 =	vadd.f32 v7, v0;
	_ =	sdelay $0x1  }
0x156: {  	v0 =	vadd.f32 v4, v0;
	v1 =	vadd.f32 v1, v2;
	_ =	sdelay $0x1  }
0x157: {  	v0 =	vadd.f32 v1, v0;
	v2 =	vadd.f32 v58, v3;
	_ =	sdelay $0x1  }
0x158: {  	v0 =	vadd.f32 v2, v0  }
0x159: {  	s2 =	simm.s32 $0x0  }
0x15a: {  	[tilespmem:s2+$0x16800] =	vst v0  }
0x15b: {  	v0 =	vld [tilespmem:s0+$0x110]  }
0x15c: {  	v1 =	vld [tilespmem:s0+$0xFFFFFF10]  }
0x15d: {  	v2 =	vld [tilespmem:s0+$0x10]  }
0x15e: {  	v3 =	vld [tilespmem:s0+$0xFFFFFE90]  }
0x15f: {  	v4 =	vld [tilespmem:s0+$0xFFFFFD90]  }
0x160: {  	v5 =	vld [tilespmem:s0+$0x90]  }
0x161: {  	v6 =	vld [tilespmem:s0+$0xFFFFFE10]  }
0x162: {  	v7 =	vld [tilespmem:s0+$0xFFFFFF90];
	_ =	sdelay $0x2  }
0x163: {  	v59 =	vld [tilespmem:s0+$0x210]  }
0x164: {  	v1 =	vadd.f32 v1, v3;
	v0 =	vadd.f32 v0, v5;
	v3 =	vld [tilespmem:s0+$0x190]  }
0x165: {  	v4 =	vadd.f32 v6, v4;
	v2 =	vadd.f32 v2, v7;
	_ =	sdelay $0x1  }
0x166: {  	v1 =	vadd.f32 v1, v4;
	v0 =	vadd.f32 v0, v2;
	_ =	sdelay $0x1  }
0x167: {  	v0 =	vadd.f32 v0, v1;
	v2 =	vadd.f32 v59, v3;
	_ =	sdelay $0x1  }
0x168: {  	v0 =	vadd.f32 v2, v0;
	_ =	sdelay $0x1  }
0x169: {  	[tilespmem:s2+$0x16810] =	vst v0  }
0x16a: {  	v0 =	vld [tilespmem:s0+$0x120]  }
0x16b: {  	v1 =	vld [tilespmem:s0+$0xA0]  }
0x16c: {  	v2 =	vld [tilespmem:s0+$0xFFFFFFA0]  }
0x16d: {  	v3 =	vld [tilespmem:s0+$0x20]  }
0x16e: {  	v4 =	vld [tilespmem:s0+$0xFFFFFF20]  }
0x16f: {  	v5 =	vld [tilespmem:s0+$0xFFFFFDA0]  }
0x170: {  	v6 =	vld [tilespmem:s0+$0xFFFFFEA0]  }
0x171: {  	v7 =	vld [tilespmem:s0+$0xFFFFFE20];
	_ =	sdelay $0x2  }
0x172: {  	v60 =	vld [tilespmem:s0+$0x1A0]  }
0x173: {  	v0 =	vadd.f32 v0, v1;
	v1 =	vadd.f32 v3, v2;
	v2 =	vld [tilespmem:s0+$0x220]  }
0x174: {  	v3 =	vadd.f32 v4, v6;
	v4 =	vadd.f32 v7, v5;
	_ =	sdelay $0x1  }
0x175: {  	v0 =	vadd.f32 v0, v1;
	v1 =	vadd.f32 v3, v4;
	_ =	sdelay $0x1  }
0x176: {  	v0 =	vadd.f32 v0, v1;
	v2 =	vadd.f32 v2, v60;
	_ =	sdelay $0x1  }
0x177: {  	v0 =	vadd.f32 v2, v0;
	_ =	sdelay $0x1  }
0x178: {  	[tilespmem:s2+$0x16820] =	vst v0  }
0x179: {  	v0 =	vld [tilespmem:s0+$0x130]  }
0x17a: {  	v1 =	vld [tilespmem:s0+$0xB0]  }
0x17b: {  	v2 =	vld [tilespmem:s0+$0xFFFFFE30]  }
0x17c: {  	v3 =	vld [tilespmem:s0+$0xFFFFFEB0]  }
0x17d: {  	v4 =	vld [tilespmem:s0+$0x30]  }
0x17e: {  	v5 =	vld [tilespmem:s0+$0xFFFFFFB0]  }
0x17f: {  	v6 =	vld [tilespmem:s0+$0xFFFFFF30]  }
0x180: {  	v7 =	vld [tilespmem:s0+$0xFFFFFDB0];
	_ =	sdelay $0x2  }
0x181: {  	v61 =	vld [tilespmem:s0+$0x230]  }
0x182: {  	v0 =	vadd.f32 v0, v1;
	v1 =	vld [tilespmem:s0+$0x1B0];
	v3 =	vadd.f32 v6, v3  }
0x183: {  	v4 =	vadd.f32 v4, v5;
	v2 =	vadd.f32 v2, v7;
	_ =	sdelay $0x1  }
0x184: {  	v0 =	vadd.f32 v0, v4;
	v2 =	vadd.f32 v3, v2;
	_ =	sdelay $0x1  }
0x185: {  	v0 =	vadd.f32 v0, v2;
	v1 =	vadd.f32 v61, v1;
	_ =	sdelay $0x1  }
0x186: {  	v0 =	vadd.f32 v1, v0;
	_ =	sdelay $0x1  }
0x187: {  	[tilespmem:s2+$0x16830] =	vst v0  }
0x188: {  	v0 =	vld [tilespmem:s0+$0xFFFFFE40]  }
0x189: {  	v1 =	vld [tilespmem:s0+$0x140]  }
0x18a: {  	v2 =	vld [tilespmem:s0+$0xC0]  }
0x18b: {  	v3 =	vld [tilespmem:s0+$0xFFFFFF40]  }
0x18c: {  	v4 =	vld [tilespmem:s0+$0xFFFFFDC0]  }
0x18d: {  	v5 =	vld [tilespmem:s0+$0xFFFFFFC0]  }
0x18e: {  	v6 =	vld [tilespmem:s0+$0x40]  }
0x18f: {  	v7 =	vld [tilespmem:s0+$0xFFFFFEC0];
	_ =	sdelay $0x2  }
0x190: {  	v62 =	vld [tilespmem:s0+$0x240]  }
0x191: {  	v1 =	vadd.f32 v1, v2;
	v0 =	vadd.f32 v0, v4;
	v2 =	vld [tilespmem:s0+$0x1C0]  }
0x192: {  	v4 =	vadd.f32 v6, v5;
	v3 =	vadd.f32 v3, v7;
	_ =	sdelay $0x1  }
0x193: {  	v1 =	vadd.f32 v1, v4;
	v0 =	vadd.f32 v3, v0;
	_ =	sdelay $0x1  }
0x194: {  	v0 =	vadd.f32 v1, v0;
	v2 =	vadd.f32 v62, v2;
	_ =	sdelay $0x1  }
0x195: {  	v0 =	vadd.f32 v2, v0;
	_ =	sdelay $0x1  }
0x196: {  	[tilespmem:s2+$0x16840] =	vst v0  }
0x197: {  	v1 =	vld [tilespmem:s0+$0x50]  }
0x198: {  	v0 =	vld [tilespmem:s0+$0xFFFFFE50]  }
0x199: {  	v2 =	vld [tilespmem:s0+$0xFFFFFED0]  }
0x19a: {  	v3 =	vld [tilespmem:s0+$0xFFFFFDD0]  }
0x19b: {  	v4 =	vld [tilespmem:s0+$0xFFFFFF50]  }
0x19c: {  	v5 =	vld [tilespmem:s0+$0xFFFFFFD0]  }
0x19d: {  	v6 =	vld [tilespmem:s0+$0xD0]  }
0x19e: {  	v7 =	vld [tilespmem:s0+$0x150];
	_ =	sdelay $0x2  }
0x19f: {  	v63 =	vadd.f32 v0, v3;
	v2 =	vadd.f32 v4, v2  }
0x1a0: {  	v0 =	vld [tilespmem:s0+$0x1D0];
	v3 =	vadd.f32 v1, v5  }
0x1a1: {  	s6 =	simm.s32 $0x200;
	s11 =	simm.s32 $0x10A80;
	v1 =	vld [tilespmem:s0+$0x250];
	v4 =	vadd.f32 v7, v6;
	v2 =	vadd.f32 v2, v63  }
.LBB2_4:
0x1a2: {  	p0 =	sne.s32 s6, $0x1E00  }
0x1a3: {  	s0 =	sadd.s32 $0x500, s0;
	s7 =	smov.u32 s6;
	s6 =	sadd.s32 $0x200, s6  }
0x1a4: {  	_ =	sdelay $0x1  }
0x1a5: {  	v3 =	vadd.f32 v4, v3;
	_ =	sdelay $0x1  }
0x1a6: {  	v0 =	vadd.f32 v1, v0;
	v1 =	vadd.f32 v3, v2;
	_ =	sdelay $0x1  }
0x1a7: {  	v0 =	vadd.f32 v0, v1;
	_ =	sdelay $0x1  }
0x1a8: {  	[tilespmem:s2+$0x16850] =	vst v0  }
0x1a9: {  	v0 =	vld [tilespmem:s11+$0x160]  }
0x1aa: {  	v1 =	vld [tilespmem:s11+$0xFFFFFF60]  }
0x1ab: {  	v2 =	vld [tilespmem:s11+$0x60]  }
0x1ac: {  	v3 =	vld [tilespmem:s11+$0xFFFFFEE0]  }
0x1ad: {  	v4 =	vld [tilespmem:s11+$0xFFFFFDE0]  }
0x1ae: {  	v5 =	vld [tilespmem:s11+$0xE0]  }
0x1af: {  	v6 =	vld [tilespmem:s11+$0xFFFFFFE0]  }
0x1b0: {  	v7 =	vld [tilespmem:s11+$0xFFFFFE60]  }
0x1b1: {  	v8 =	vld [tilespmem:s11+$0x1E0]  }
0x1b2: {  	v9 =	vld [tilespmem:s11+$0x260]  }
0x1b3: {  	v1 =	vadd.f32 v1, v3;
	v0 =	vadd.f32 v0, v5  }
0x1b4: {  	v2 =	vadd.f32 v2, v6  }
0x1b5: {  	v3 =	vadd.f32 v7, v4;
	_ =	sdelay $0x1  }
0x1b6: {  	v0 =	vadd.f32 v0, v2;
	v1 =	vadd.f32 v1, v3;
	_ =	sdelay $0x1  }
0x1b7: {  	v2 =	vadd.f32 v9, v8;
	v0 =	vadd.f32 v0, v1;
	_ =	sdelay $0x1  }
0x1b8: {  	v0 =	vadd.f32 v2, v0;
	_ =	sdelay $0x1  }
0x1b9: {  	[tilespmem:s2+$0x16860] =	vst v0  }
0x1ba: {  	v0 =	vld [tilespmem:s11+$0x170]  }
0x1bb: {  	v1 =	vld [tilespmem:s11+$0xFFFFFE70]  }
0x1bc: {  	v2 =	vld [tilespmem:s11+$0xFFFFFDF0]  }
0x1bd: {  	v3 =	vld [tilespmem:s11+$0xFFFFFF70]  }
0x1be: {  	v4 =	vld [tilespmem:s11+$0xF0]  }
0x1bf: {  	v5 =	vld [tilespmem:s11+$0x70]  }
0x1c0: {  	v6 =	vld [tilespmem:s11+$0xFFFFFEF0]  }
0x1c1: {  	v7 =	vld [tilespmem:s11+$0xFFFFFFF0];
	v1 =	vadd.f32 v1, v2  }
0x1c2: {  	v2 =	vld [tilespmem:s11+$0x1F0]  }
0x1c3: {  	v8 =	vld [tilespmem:s11+$0x270];
	s11 =	smov.u32 s0  }
0x1c4: {  	v0 =	vadd.f32 v0, v4  }
0x1c5: {  	v3 =	vadd.f32 v3, v6  }
0x1c6: {  	v4 =	vadd.f32 v5, v7  }
0x1c7: {  	v1 =	vadd.f32 v3, v1  }
0x1c8: {  	v2 =	vadd.f32 v8, v2;
	v0 =	vadd.f32 v0, v4;
	_ =	sdelay $0x1  }
0x1c9: {  	v0 =	vadd.f32 v0, v1;
	_ =	sdelay $0x1  }
0x1ca: {  	v0 =	vadd.f32 v2, v0;
	_ =	sdelay $0x1  }
0x1cb: {  	[tilespmem:s2+$0x16870] =	vst v0  }
0x1cc: {  	v0 =	vld [tilespmem:s0+$0xFFFFFD80]  }
0x1cd: {  	v1 =	vld [tilespmem:s0+$0x100]  }
0x1ce: {  	v2 =	vld [tilespmem:s0+$0x80]  }
0x1cf: {  	v3 =	vld [tilespmem:s0+$0x0]  }
0x1d0: {  	v4 =	vld [tilespmem:s0+$0xFFFFFF80]  }
0x1d1: {  	v5 =	vld [tilespmem:s0+$0xFFFFFF00]  }
0x1d2: {  	v6 =	vld [tilespmem:s0+$0xFFFFFE80]  }
0x1d3: {  	v7 =	vld [tilespmem:s0+$0xFFFFFE00];
	v1 =	vadd.f32 v1, v2;
	_ =	sdelay $0x1  }
0x1d4: {  	v2 =	vadd.f32 v3, v4  }
0x1d5: {  	v3 =	vld [tilespmem:s0+$0x200]  }
0x1d6: {  	v4 =	vld [tilespmem:s0+$0x180];
	v5 =	vadd.f32 v5, v6  }
0x1d7: {  	v0 =	vadd.f32 v7, v0;
	_ =	sdelay $0x1  }
0x1d8: {  	v1 =	vadd.f32 v1, v2;
	v0 =	vadd.f32 v5, v0;
	_ =	sdelay $0x1  }
0x1d9: {  	v2 =	vadd.f32 v3, v4;
	v0 =	vadd.f32 v1, v0;
	_ =	sdelay $0x1  }
0x1da: {  	v0 =	vadd.f32 v2, v0  }
0x1db: {  	s2 =	sshra.s32 s7, $0x2  }
0x1dc: {  	[tilespmem:s2+$0x16800] =	vst v0  }
0x1dd: {  	v0 =	vld [tilespmem:s0+$0x110]  }
0x1de: {  	v1 =	vld [tilespmem:s0+$0xFFFFFF10]  }
0x1df: {  	v2 =	vld [tilespmem:s0+$0x10]  }
0x1e0: {  	v3 =	vld [tilespmem:s0+$0xFFFFFE90]  }
0x1e1: {  	v4 =	vld [tilespmem:s0+$0xFFFFFD90]  }
0x1e2: {  	v5 =	vld [tilespmem:s0+$0x90]  }
0x1e3: {  	v6 =	vld [tilespmem:s0+$0xFFFFFE10]  }
0x1e4: {  	v7 =	vld [tilespmem:s0+$0xFFFFFF90];
	_ =	sdelay $0x2  }
0x1e5: {  	v1 =	vadd.f32 v1, v3;
	v8 =	vld [tilespmem:s0+$0x210];
	v0 =	vadd.f32 v0, v5  }
0x1e6: {  	v3 =	vld [tilespmem:s0+$0x190];
	v4 =	vadd.f32 v6, v4  }
0x1e7: {  	v2 =	vadd.f32 v2, v7  }
0x1e8: {  	v1 =	vadd.f32 v1, v4  }
0x1e9: {  	v0 =	vadd.f32 v0, v2;
	_ =	sdelay $0x1  }
0x1ea: {  	v2 =	vadd.f32 v8, v3;
	v0 =	vadd.f32 v0, v1;
	_ =	sdelay $0x1  }
0x1eb: {  	v0 =	vadd.f32 v2, v0;
	_ =	sdelay $0x1  }
0x1ec: {  	[tilespmem:s2+$0x16810] =	vst v0  }
0x1ed: {  	v0 =	vld [tilespmem:s0+$0x120]  }
0x1ee: {  	v1 =	vld [tilespmem:s0+$0xA0]  }
0x1ef: {  	v2 =	vld [tilespmem:s0+$0xFFFFFFA0]  }
0x1f0: {  	v3 =	vld [tilespmem:s0+$0x20]  }
0x1f1: {  	v4 =	vld [tilespmem:s0+$0xFFFFFF20]  }
0x1f2: {  	v5 =	vld [tilespmem:s0+$0xFFFFFDA0]  }
0x1f3: {  	v6 =	vld [tilespmem:s0+$0xFFFFFEA0];
	v0 =	vadd.f32 v0, v1  }
0x1f4: {  	v1 =	vld [tilespmem:s0+$0xFFFFFE20]  }
0x1f5: {  	v7 =	vld [tilespmem:s0+$0x1A0];
	v2 =	vadd.f32 v3, v2  }
0x1f6: {  	v3 =	vld [tilespmem:s0+$0x220];
	_ =	sdelay $0x1  }
0x1f7: {  	v4 =	vadd.f32 v4, v6  }
0x1f8: {  	v1 =	vadd.f32 v1, v5  }
0x1f9: {  	v0 =	vadd.f32 v0, v2  }
0x1fa: {  	v2 =	vadd.f32 v3, v7;
	v1 =	vadd.f32 v4, v1;
	_ =	sdelay $0x1  }
0x1fb: {  	v0 =	vadd.f32 v0, v1;
	_ =	sdelay $0x1  }
0x1fc: {  	v0 =	vadd.f32 v2, v0;
	_ =	sdelay $0x1  }
0x1fd: {  	[tilespmem:s2+$0x16820] =	vst v0  }
0x1fe: {  	v0 =	vld [tilespmem:s0+$0x130]  }
0x1ff: {  	v1 =	vld [tilespmem:s0+$0xB0]  }
0x200: {  	v2 =	vld [tilespmem:s0+$0xFFFFFE30]  }
0x201: {  	v3 =	vld [tilespmem:s0+$0xFFFFFEB0]  }
0x202: {  	v4 =	vld [tilespmem:s0+$0x30]  }
0x203: {  	v5 =	vld [tilespmem:s0+$0xFFFFFFB0]  }
0x204: {  	v6 =	vld [tilespmem:s0+$0xFFFFFF30];
	v0 =	vadd.f32 v0, v1  }
0x205: {  	v1 =	vld [tilespmem:s0+$0xFFFFFDB0];
	_ =	sdelay $0x2  }
0x206: {  	v7 =	vld [tilespmem:s0+$0x230]  }
0x207: {  	v4 =	vadd.f32 v4, v5;
	v8 =	vld [tilespmem:s0+$0x1B0];
	v3 =	vadd.f32 v6, v3  }
0x208: {  	v1 =	vadd.f32 v2, v1  }
0x209: {  	v0 =	vadd.f32 v0, v4  }
0x20a: {  	v1 =	vadd.f32 v3, v1;
	_ =	sdelay $0x1  }
0x20b: {  	v2 =	vadd.f32 v7, v8;
	v0 =	vadd.f32 v0, v1;
	_ =	sdelay $0x1  }
0x20c: {  	v0 =	vadd.f32 v2, v0;
	_ =	sdelay $0x1  }
0x20d: {  	[tilespmem:s2+$0x16830] =	vst v0  }
0x20e: {  	v0 =	vld [tilespmem:s0+$0xFFFFFE40]  }
0x20f: {  	v1 =	vld [tilespmem:s0+$0x140]  }
0x210: {  	v2 =	vld [tilespmem:s0+$0xC0]  }
0x211: {  	v3 =	vld [tilespmem:s0+$0xFFFFFF40]  }
0x212: {  	v4 =	vld [tilespmem:s0+$0xFFFFFDC0]  }
0x213: {  	v5 =	vld [tilespmem:s0+$0xFFFFFFC0]  }
0x214: {  	v6 =	vld [tilespmem:s0+$0x40]  }
0x215: {  	v7 =	vld [tilespmem:s0+$0xFFFFFEC0]  }
0x216: {  	v1 =	vadd.f32 v1, v2;
	_ =	sdelay $0x1  }
0x217: {  	v0 =	vadd.f32 v0, v4;
	v2 =	vld [tilespmem:s0+$0x240]  }
0x218: {  	v4 =	vld [tilespmem:s0+$0x1C0];
	v5 =	vadd.f32 v6, v5  }
0x219: {  	v3 =	vadd.f32 v3, v7  }
0x21a: {  	v1 =	vadd.f32 v1, v5  }
0x21b: {  	v0 =	vadd.f32 v3, v0;
	_ =	sdelay $0x1  }
0x21c: {  	v2 =	vadd.f32 v2, v4;
	v0 =	vadd.f32 v1, v0;
	_ =	sdelay $0x1  }
0x21d: {  	v0 =	vadd.f32 v2, v0;
	_ =	sdelay $0x1  }
0x21e: {  	[tilespmem:s2+$0x16840] =	vst v0  }
0x21f: {  	v2 =	vld [tilespmem:s0+$0x50]  }
0x220: {  	v1 =	vld [tilespmem:s0+$0xFFFFFE50]  }
0x221: {  	v3 =	vld [tilespmem:s0+$0xFFFFFED0]  }
0x222: {  	v4 =	vld [tilespmem:s0+$0xFFFFFDD0]  }
0x223: {  	v5 =	vld [tilespmem:s0+$0xFFFFFF50]  }
0x224: {  	v6 =	vld [tilespmem:s0+$0xFFFFFFD0]  }
0x225: {  	v7 =	vld [tilespmem:s0+$0xD0]  }
0x226: {  	v8 =	vld [tilespmem:s0+$0x150]  }
.Ltmp1:
0x227: {  	v0 =	vld [tilespmem:s0+$0x1D0];
	v4 =	vadd.f32 v1, v4;
	(pc) =	sbr.rel @p0 .LBB2_4-.Ltmp1, $4  }
0x228: {  	v1 =	vld [tilespmem:s0+$0x250];
	v5 =	vadd.f32 v5, v3  }
0x229: {  	v3 =	vadd.f32 v2, v6  }
0x22a: {  	v2 =	vadd.f32 v5, v4  }
0x22b: {  	v4 =	vadd.f32 v8, v7  }
0x22c: {  	_ = 	snop  }
0x22d: {  	v3 =	vadd.f32 v4, v3;
	_ =	sdelay $0x1  }
0x22e: {  	v0 =	vadd.f32 v1, v0;
	v47 =	vadd.f32 v3, v2;
	_ =	sdelay $0x1  }
0x22f: {  	v0 =	vadd.f32 v0, v47;
	_ =	sdelay $0x1  }
0x230: {  	[tilespmem:s2+$0x16850] =	vst v0  }
0x231: {  	v0 =	vld [tilespmem:s11+$0x160]  }
0x232: {  	v48 =	vld [tilespmem:s11+$0xFFFFFF60]  }
0x233: {  	v49 =	vld [tilespmem:s11+$0x60]  }
0x234: {  	v50 =	vld [tilespmem:s11+$0xFFFFFEE0]  }
0x235: {  	v51 =	vld [tilespmem:s11+$0xFFFFFDE0]  }
0x236: {  	v5 =	vld [tilespmem:s11+$0xE0]  }
0x237: {  	v6 =	vld [tilespmem:s11+$0xFFFFFFE0]  }
0x238: {  	v7 =	vld [tilespmem:s11+$0xFFFFFE60];
	_ =	sdelay $0x2  }
0x239: {  	v8 =	vld [tilespmem:s11+$0x1E0]  }
0x23a: {  	v9 =	vld [tilespmem:s11+$0x260];
	v1 =	vadd.f32 v48, v50;
	v0 =	vadd.f32 v0, v5  }
0x23b: {  	v2 =	vadd.f32 v49, v6;
	v52 =	vadd.f32 v7, v51;
	_ =	sdelay $0x1  }
0x23c: {  	v1 =	vadd.f32 v1, v52;
	v0 =	vadd.f32 v0, v2;
	_ =	sdelay $0x1  }
0x23d: {  	v53 =	vadd.f32 v9, v8;
	v0 =	vadd.f32 v0, v1;
	_ =	sdelay $0x1  }
0x23e: {  	v0 =	vadd.f32 v53, v0;
	_ =	sdelay $0x1  }
0x23f: {  	[tilespmem:s2+$0x16860] =	vst v0  }
0x240: {  	v0 =	vld [tilespmem:s11+$0x170]  }
0x241: {  	v54 =	vld [tilespmem:s11+$0xFFFFFE70]  }
0x242: {  	v55 =	vld [tilespmem:s11+$0xFFFFFDF0]  }
0x243: {  	v56 =	vld [tilespmem:s11+$0xFFFFFF70]  }
0x244: {  	v57 =	vld [tilespmem:s11+$0xF0]  }
0x245: {  	v58 =	vld [tilespmem:s11+$0x70]  }
0x246: {  	v59 =	vld [tilespmem:s11+$0xFFFFFEF0]  }
0x247: {  	v60 =	vld [tilespmem:s11+$0xFFFFFFF0];
	_ =	sdelay $0x2  }
0x248: {  	v61 =	vld [tilespmem:s11+$0x1F0]  }
0x249: {  	v62 =	vld [tilespmem:s11+$0x270];
	v1 =	vadd.f32 v54, v55;
	v0 =	vadd.f32 v0, v57  }
0x24a: {  	v3 =	vadd.f32 v56, v59;
	v63 =	vadd.f32 v58, v60;
	_ =	sdelay $0x1  }
0x24b: {  	v1 =	vadd.f32 v3, v1;
	v0 =	vadd.f32 v0, v63;
	_ =	sdelay $0x1  }
0x24c: {  	v2 =	vadd.f32 v62, v61;
	v0 =	vadd.f32 v0, v1;
	_ =	sdelay $0x1  }
0x24d: {  	v0 =	vadd.f32 v2, v0;
	_ =	sdelay $0x1  }
0x24e: {  	[tilespmem:s2+$0x16870] =	vst v0;
	s2 =	simm.s32 $0x1  }
0x24f: {  	[hbm4b:s5+s17] =	stream.indirect.scatter [tilespmem:s15], [sflag:$0x6], $0x80, s16, s17, $0xb8;
	[tilespmem:$0x17000] =	vst v63  }
.LBB2_6:
0x250: {  	_ =	swait.ge [sflag:s19], $0x2800  }
0x251: {  	[sflag:s19] =	ssyncset.done $0x0  }
0x252: {  	[sflag:s19] =	ssyncadd.s32 $0xFFFFD800  }
0x253: {  	_ =	swait.ge [sflag:s19], $0x2800  }
0x254: {  	[sflag:s19] =	ssyncset.done $0x0  }
0x255: {  	[sflag:s19] =	ssyncadd.s32 $0xFFFFD800  }
0x256: {  	s0 =	sshll.u32 s2, $0x8;
	_ =	swait.ge [sflag:s19], $0x800  }
0x257: {  	s0 =	sand.u32 $0x3FFFFF00, s0;
	[sflag:s19] =	ssyncset.done $0x0  }
0x258: {  	s0 =	sadd.s32 $0x8400, s0;
	[sflag:s19] =	ssyncadd.s32 $0xFFFFF800  }
0x259: {  	[hbm4b:s4+s17] =	stream.indirect.scatter [tilespmem:s18], [sflag:$0x3], $0x80, s0, s17, $0xb8;
	[tilespmem:$0x17000] =	vst v63  }
0x25a: {  	s6 =	sshllo.u32 s2, $0x1;
	_ =	swait.ge [sflag:s20], $0x800  }
0x25b: {  	s7 =	sshll.u32 s6, $0x8;
	[sflag:s20] =	ssyncset.done $0x0  }
0x25c: {  	s7 =	sand.u32 $0x3FFFFF00, s7;
	[sflag:s20] =	ssyncadd.s32 $0xFFFFF800  }
0x25d: {  	[tilespmem:s21], [sflag:$0x2] =	stream.indirect.gather [hbm4b:s1+s13], $0x80, s7, s13, $0xb8;
	[tilespmem:$0x17000] =	vst v63  }
0x25e: {  	s11 =	sshll.u32 s6, $0x7;
	s7 =	sor.u32 $0x80, s7  }
0x25f: {  	[tilespmem:s23], [sflag:$0x2] =	stream.indirect.gather [hbm4b:s1+s13], $0x80, s7, s13, $0xb8;
	[tilespmem:$0x17000] =	vst v63  }
0x260: {  	s6 =	sadd.s32 $0x5800, s11  }
0x261: {  	[tilespmem:s25], [sflag:$0x2] =	stream.indirect.gather [hbm4b:s1+s17], $0x80, s6, s17, $0xb8;
	[tilespmem:$0x17000] =	vst v63  }
0x262: {  	_ =	swait.ge [sflag:s22], $0x800  }
0x263: {  	[sflag:s22] =	ssyncset.done $0x0  }
0x264: {  	s14 =	simm.s32 $0xB280;
	[sflag:s22] =	ssyncadd.s32 $0xFFFFF800  }
0x265: {  	v0 =	vld [tilespmem:s14+$0xFFFFFD80]  }
0x266: {  	v1 =	vld [tilespmem:s14+$0x100]  }
0x267: {  	v2 =	vld [tilespmem:s14+$0x80]  }
0x268: {  	v3 =	vld [tilespmem:s14+$0x0]  }
0x269: {  	v4 =	vld [tilespmem:s14+$0xFFFFFF80]  }
0x26a: {  	v5 =	vld [tilespmem:s14+$0xFFFFFF00]  }
0x26b: {  	v6 =	vld [tilespmem:s14+$0xFFFFFE80]  }
0x26c: {  	v7 =	vld [tilespmem:s14+$0xFFFFFE00];
	_ =	sdelay $0x2  }
0x26d: {  	v8 =	vld [tilespmem:s14+$0x200]  }
0x26e: {  	v1 =	vadd.f32 v1, v2;
	v2 =	vadd.f32 v3, v4;
	v3 =	vld [tilespmem:s14+$0x180]  }
0x26f: {  	v4 =	vadd.f32 v5, v6;
	v0 =	vadd.f32 v7, v0;
	_ =	sdelay $0x1  }
0x270: {  	v0 =	vadd.f32 v4, v0;
	v1 =	vadd.f32 v1, v2;
	_ =	sdelay $0x1  }
0x271: {  	v0 =	vadd.f32 v1, v0;
	v2 =	vadd.f32 v8, v3;
	_ =	sdelay $0x1  }
0x272: {  	v0 =	vadd.f32 v2, v0  }
0x273: {  	s16 =	simm.s32 $0x0  }
0x274: {  	[tilespmem:s16+$0x16000] =	vst v0  }
0x275: {  	v0 =	vld [tilespmem:s14+$0x110]  }
0x276: {  	v1 =	vld [tilespmem:s14+$0xFFFFFF10]  }
0x277: {  	v2 =	vld [tilespmem:s14+$0x10]  }
0x278: {  	v3 =	vld [tilespmem:s14+$0xFFFFFE90]  }
0x279: {  	v4 =	vld [tilespmem:s14+$0xFFFFFD90]  }
0x27a: {  	v5 =	vld [tilespmem:s14+$0x90]  }
0x27b: {  	v6 =	vld [tilespmem:s14+$0xFFFFFE10]  }
0x27c: {  	v7 =	vld [tilespmem:s14+$0xFFFFFF90];
	_ =	sdelay $0x2  }
0x27d: {  	v60 =	vld [tilespmem:s14+$0x210]  }
0x27e: {  	v1 =	vadd.f32 v1, v3;
	v0 =	vadd.f32 v0, v5;
	v3 =	vld [tilespmem:s14+$0x190]  }
0x27f: {  	v4 =	vadd.f32 v6, v4;
	v2 =	vadd.f32 v2, v7;
	_ =	sdelay $0x1  }
0x280: {  	v1 =	vadd.f32 v1, v4;
	v0 =	vadd.f32 v0, v2;
	_ =	sdelay $0x1  }
0x281: {  	v0 =	vadd.f32 v0, v1;
	v2 =	vadd.f32 v60, v3;
	_ =	sdelay $0x1  }
0x282: {  	v0 =	vadd.f32 v2, v0;
	_ =	sdelay $0x1  }
0x283: {  	[tilespmem:s16+$0x16010] =	vst v0  }
0x284: {  	v0 =	vld [tilespmem:s14+$0x120]  }
0x285: {  	v1 =	vld [tilespmem:s14+$0xA0]  }
0x286: {  	v2 =	vld [tilespmem:s14+$0xFFFFFFA0]  }
0x287: {  	v3 =	vld [tilespmem:s14+$0x20]  }
0x288: {  	v4 =	vld [tilespmem:s14+$0xFFFFFF20]  }
0x289: {  	v5 =	vld [tilespmem:s14+$0xFFFFFDA0]  }
0x28a: {  	v6 =	vld [tilespmem:s14+$0xFFFFFEA0]  }
0x28b: {  	v7 =	vld [tilespmem:s14+$0xFFFFFE20];
	_ =	sdelay $0x2  }
0x28c: {  	v61 =	vld [tilespmem:s14+$0x1A0]  }
0x28d: {  	v0 =	vadd.f32 v0, v1;
	v1 =	vadd.f32 v3, v2;
	v2 =	vld [tilespmem:s14+$0x220]  }
0x28e: {  	v3 =	vadd.f32 v4, v6;
	v4 =	vadd.f32 v7, v5;
	_ =	sdelay $0x1  }
0x28f: {  	v0 =	vadd.f32 v0, v1;
	v1 =	vadd.f32 v3, v4;
	_ =	sdelay $0x1  }
0x290: {  	v0 =	vadd.f32 v0, v1;
	v2 =	vadd.f32 v2, v61;
	_ =	sdelay $0x1  }
0x291: {  	v0 =	vadd.f32 v2, v0;
	_ =	sdelay $0x1  }
0x292: {  	[tilespmem:s16+$0x16020] =	vst v0  }
0x293: {  	v0 =	vld [tilespmem:s14+$0x130]  }
0x294: {  	v1 =	vld [tilespmem:s14+$0xB0]  }
0x295: {  	v2 =	vld [tilespmem:s14+$0xFFFFFE30]  }
0x296: {  	v3 =	vld [tilespmem:s14+$0xFFFFFEB0]  }
0x297: {  	v4 =	vld [tilespmem:s14+$0x30]  }
0x298: {  	v5 =	vld [tilespmem:s14+$0xFFFFFFB0]  }
0x299: {  	v6 =	vld [tilespmem:s14+$0xFFFFFF30]  }
0x29a: {  	v7 =	vld [tilespmem:s14+$0xFFFFFDB0];
	_ =	sdelay $0x2  }
0x29b: {  	v62 =	vld [tilespmem:s14+$0x230]  }
0x29c: {  	v0 =	vadd.f32 v0, v1;
	v1 =	vld [tilespmem:s14+$0x1B0];
	v3 =	vadd.f32 v6, v3  }
0x29d: {  	v4 =	vadd.f32 v4, v5;
	v2 =	vadd.f32 v2, v7;
	_ =	sdelay $0x1  }
0x29e: {  	v0 =	vadd.f32 v0, v4;
	v2 =	vadd.f32 v3, v2;
	_ =	sdelay $0x1  }
0x29f: {  	v0 =	vadd.f32 v0, v2;
	v1 =	vadd.f32 v62, v1;
	_ =	sdelay $0x1  }
0x2a0: {  	v0 =	vadd.f32 v1, v0;
	_ =	sdelay $0x1  }
0x2a1: {  	[tilespmem:s16+$0x16030] =	vst v0  }
0x2a2: {  	v0 =	vld [tilespmem:s14+$0xFFFFFE40]  }
0x2a3: {  	v1 =	vld [tilespmem:s14+$0x140]  }
0x2a4: {  	v2 =	vld [tilespmem:s14+$0xC0]  }
0x2a5: {  	v3 =	vld [tilespmem:s14+$0xFFFFFF40]  }
0x2a6: {  	v4 =	vld [tilespmem:s14+$0xFFFFFDC0]  }
0x2a7: {  	v5 =	vld [tilespmem:s14+$0xFFFFFFC0]  }
0x2a8: {  	v6 =	vld [tilespmem:s14+$0x40]  }
0x2a9: {  	v7 =	vld [tilespmem:s14+$0xFFFFFEC0];
	_ =	sdelay $0x2  }
0x2aa: {  	v63 =	vld [tilespmem:s14+$0x240]  }
0x2ab: {  	v1 =	vadd.f32 v1, v2;
	v0 =	vadd.f32 v0, v4;
	v2 =	vld [tilespmem:s14+$0x1C0]  }
0x2ac: {  	v4 =	vadd.f32 v6, v5;
	v3 =	vadd.f32 v3, v7;
	_ =	sdelay $0x1  }
0x2ad: {  	v1 =	vadd.f32 v1, v4;
	v0 =	vadd.f32 v3, v0;
	_ =	sdelay $0x1  }
0x2ae: {  	v0 =	vadd.f32 v1, v0;
	v2 =	vadd.f32 v63, v2;
	_ =	sdelay $0x1  }
0x2af: {  	v0 =	vadd.f32 v2, v0;
	_ =	sdelay $0x1  }
0x2b0: {  	[tilespmem:s16+$0x16040] =	vst v0  }
0x2b1: {  	v1 =	vld [tilespmem:s14+$0x50]  }
0x2b2: {  	v0 =	vld [tilespmem:s14+$0xFFFFFE50]  }
0x2b3: {  	v2 =	vld [tilespmem:s14+$0xFFFFFED0]  }
0x2b4: {  	v3 =	vld [tilespmem:s14+$0xFFFFFDD0]  }
0x2b5: {  	v4 =	vld [tilespmem:s14+$0xFFFFFF50]  }
0x2b6: {  	v5 =	vld [tilespmem:s14+$0xFFFFFFD0]  }
0x2b7: {  	v6 =	vld [tilespmem:s14+$0xD0]  }
0x2b8: {  	v7 =	vld [tilespmem:s14+$0x150];
	_ =	sdelay $0x2  }
0x2b9: {  	v3 =	vadd.f32 v0, v3;
	v4 =	vadd.f32 v4, v2  }
0x2ba: {  	v0 =	vld [tilespmem:s14+$0x1D0];
	v2 =	vadd.f32 v1, v5  }
0x2bb: {  	s29 =	sshll.u32 s2, $0x1;
	s7 =	simm.s32 $0x200;
	s6 =	simm.s32 $0xB280;
	v1 =	vld [tilespmem:s14+$0x250];
	v3 =	vadd.f32 v4, v3;
	v4 =	vadd.f32 v7, v6  }
.LBB2_7:
0x2bc: {  	p0 =	sne.s32 s7, $0x1E00  }
0x2bd: {  	s14 =	sadd.s32 $0x500, s14;
	s8 =	smov.u32 s7;
	s7 =	sadd.s32 $0x200, s7  }
0x2be: {  	_ =	sdelay $0x1  }
0x2bf: {  	v2 =	vadd.f32 v4, v2;
	_ =	sdelay $0x1  }
0x2c0: {  	v0 =	vadd.f32 v1, v0;
	v1 =	vadd.f32 v2, v3;
	_ =	sdelay $0x1  }
0x2c1: {  	v0 =	vadd.f32 v0, v1;
	_ =	sdelay $0x1  }
0x2c2: {  	[tilespmem:s16+$0x16050] =	vst v0  }
0x2c3: {  	v0 =	vld [tilespmem:s6+$0x160]  }
0x2c4: {  	v1 =	vld [tilespmem:s6+$0xFFFFFF60]  }
0x2c5: {  	v2 =	vld [tilespmem:s6+$0x60]  }
0x2c6: {  	v3 =	vld [tilespmem:s6+$0xFFFFFEE0]  }
0x2c7: {  	v4 =	vld [tilespmem:s6+$0xFFFFFDE0]  }
0x2c8: {  	v5 =	vld [tilespmem:s6+$0xE0]  }
0x2c9: {  	v6 =	vld [tilespmem:s6+$0xFFFFFFE0]  }
0x2ca: {  	v7 =	vld [tilespmem:s6+$0xFFFFFE60]  }
0x2cb: {  	v8 =	vld [tilespmem:s6+$0x1E0]  }
0x2cc: {  	v9 =	vld [tilespmem:s6+$0x260]  }
0x2cd: {  	v1 =	vadd.f32 v1, v3;
	v0 =	vadd.f32 v0, v5  }
0x2ce: {  	v2 =	vadd.f32 v2, v6  }
0x2cf: {  	v3 =	vadd.f32 v7, v4;
	_ =	sdelay $0x1  }
0x2d0: {  	v0 =	vadd.f32 v0, v2;
	v1 =	vadd.f32 v1, v3;
	_ =	sdelay $0x1  }
0x2d1: {  	v2 =	vadd.f32 v9, v8;
	v0 =	vadd.f32 v0, v1;
	_ =	sdelay $0x1  }
0x2d2: {  	v0 =	vadd.f32 v2, v0;
	_ =	sdelay $0x1  }
0x2d3: {  	[tilespmem:s16+$0x16060] =	vst v0  }
0x2d4: {  	v0 =	vld [tilespmem:s6+$0x170]  }
0x2d5: {  	v1 =	vld [tilespmem:s6+$0xFFFFFE70]  }
0x2d6: {  	v2 =	vld [tilespmem:s6+$0xFFFFFDF0]  }
0x2d7: {  	v3 =	vld [tilespmem:s6+$0xFFFFFF70]  }
0x2d8: {  	v4 =	vld [tilespmem:s6+$0xF0]  }
0x2d9: {  	v5 =	vld [tilespmem:s6+$0x70]  }
0x2da: {  	v6 =	vld [tilespmem:s6+$0xFFFFFEF0]  }
0x2db: {  	v7 =	vld [tilespmem:s6+$0xFFFFFFF0];
	v1 =	vadd.f32 v1, v2  }
0x2dc: {  	v2 =	vld [tilespmem:s6+$0x1F0]  }
0x2dd: {  	v8 =	vld [tilespmem:s6+$0x270];
	s6 =	smov.u32 s14  }
0x2de: {  	v0 =	vadd.f32 v0, v4  }
0x2df: {  	v3 =	vadd.f32 v3, v6  }
0x2e0: {  	v4 =	vadd.f32 v5, v7  }
0x2e1: {  	v1 =	vadd.f32 v3, v1  }
0x2e2: {  	v2 =	vadd.f32 v8, v2;
	v0 =	vadd.f32 v0, v4;
	_ =	sdelay $0x1  }
0x2e3: {  	v0 =	vadd.f32 v0, v1;
	_ =	sdelay $0x1  }
0x2e4: {  	v0 =	vadd.f32 v2, v0;
	_ =	sdelay $0x1  }
0x2e5: {  	[tilespmem:s16+$0x16070] =	vst v0  }
0x2e6: {  	v0 =	vld [tilespmem:s14+$0xFFFFFD80]  }
0x2e7: {  	v1 =	vld [tilespmem:s14+$0x100]  }
0x2e8: {  	v2 =	vld [tilespmem:s14+$0x80]  }
0x2e9: {  	v3 =	vld [tilespmem:s14+$0x0]  }
0x2ea: {  	v4 =	vld [tilespmem:s14+$0xFFFFFF80]  }
0x2eb: {  	v5 =	vld [tilespmem:s14+$0xFFFFFF00]  }
0x2ec: {  	v6 =	vld [tilespmem:s14+$0xFFFFFE80]  }
0x2ed: {  	v7 =	vld [tilespmem:s14+$0xFFFFFE00];
	v1 =	vadd.f32 v1, v2;
	_ =	sdelay $0x1  }
0x2ee: {  	v2 =	vadd.f32 v3, v4  }
0x2ef: {  	v3 =	vld [tilespmem:s14+$0x200]  }
0x2f0: {  	v4 =	vld [tilespmem:s14+$0x180];
	v5 =	vadd.f32 v5, v6  }
0x2f1: {  	v0 =	vadd.f32 v7, v0;
	_ =	sdelay $0x1  }
0x2f2: {  	v1 =	vadd.f32 v1, v2;
	v0 =	vadd.f32 v5, v0;
	_ =	sdelay $0x1  }
0x2f3: {  	v2 =	vadd.f32 v3, v4;
	v0 =	vadd.f32 v1, v0;
	_ =	sdelay $0x1  }
0x2f4: {  	v0 =	vadd.f32 v2, v0  }
0x2f5: {  	s16 =	sshra.s32 s8, $0x2  }
0x2f6: {  	[tilespmem:s16+$0x16000] =	vst v0  }
0x2f7: {  	v0 =	vld [tilespmem:s14+$0x110]  }
0x2f8: {  	v1 =	vld [tilespmem:s14+$0xFFFFFF10]  }
0x2f9: {  	v2 =	vld [tilespmem:s14+$0x10]  }
0x2fa: {  	v3 =	vld [tilespmem:s14+$0xFFFFFE90]  }
0x2fb: {  	v4 =	vld [tilespmem:s14+$0xFFFFFD90]  }
0x2fc: {  	v5 =	vld [tilespmem:s14+$0x90]  }
0x2fd: {  	v6 =	vld [tilespmem:s14+$0xFFFFFE10]  }
0x2fe: {  	v7 =	vld [tilespmem:s14+$0xFFFFFF90];
	_ =	sdelay $0x2  }
0x2ff: {  	v1 =	vadd.f32 v1, v3;
	v8 =	vld [tilespmem:s14+$0x210];
	v0 =	vadd.f32 v0, v5  }
0x300: {  	v3 =	vld [tilespmem:s14+$0x190];
	v4 =	vadd.f32 v6, v4  }
0x301: {  	v2 =	vadd.f32 v2, v7  }
0x302: {  	v1 =	vadd.f32 v1, v4  }
0x303: {  	v0 =	vadd.f32 v0, v2;
	_ =	sdelay $0x1  }
0x304: {  	v2 =	vadd.f32 v8, v3;
	v0 =	vadd.f32 v0, v1;
	_ =	sdelay $0x1  }
0x305: {  	v0 =	vadd.f32 v2, v0;
	_ =	sdelay $0x1  }
0x306: {  	[tilespmem:s16+$0x16010] =	vst v0  }
0x307: {  	v0 =	vld [tilespmem:s14+$0x120]  }
0x308: {  	v1 =	vld [tilespmem:s14+$0xA0]  }
0x309: {  	v2 =	vld [tilespmem:s14+$0xFFFFFFA0]  }
0x30a: {  	v3 =	vld [tilespmem:s14+$0x20]  }
0x30b: {  	v4 =	vld [tilespmem:s14+$0xFFFFFF20]  }
0x30c: {  	v5 =	vld [tilespmem:s14+$0xFFFFFDA0]  }
0x30d: {  	v6 =	vld [tilespmem:s14+$0xFFFFFEA0];
	v0 =	vadd.f32 v0, v1  }
0x30e: {  	v1 =	vld [tilespmem:s14+$0xFFFFFE20]  }
0x30f: {  	v7 =	vld [tilespmem:s14+$0x1A0];
	v2 =	vadd.f32 v3, v2  }
0x310: {  	v3 =	vld [tilespmem:s14+$0x220];
	_ =	sdelay $0x1  }
0x311: {  	v4 =	vadd.f32 v4, v6  }
0x312: {  	v1 =	vadd.f32 v1, v5  }
0x313: {  	v0 =	vadd.f32 v0, v2  }
0x314: {  	v2 =	vadd.f32 v3, v7;
	v1 =	vadd.f32 v4, v1;
	_ =	sdelay $0x1  }
0x315: {  	v0 =	vadd.f32 v0, v1;
	_ =	sdelay $0x1  }
0x316: {  	v0 =	vadd.f32 v2, v0;
	_ =	sdelay $0x1  }
0x317: {  	[tilespmem:s16+$0x16020] =	vst v0  }
0x318: {  	v0 =	vld [tilespmem:s14+$0x130]  }
0x319: {  	v1 =	vld [tilespmem:s14+$0xB0]  }
0x31a: {  	v2 =	vld [tilespmem:s14+$0xFFFFFE30]  }
0x31b: {  	v3 =	vld [tilespmem:s14+$0xFFFFFEB0]  }
0x31c: {  	v4 =	vld [tilespmem:s14+$0x30]  }
0x31d: {  	v5 =	vld [tilespmem:s14+$0xFFFFFFB0]  }
0x31e: {  	v6 =	vld [tilespmem:s14+$0xFFFFFF30];
	v0 =	vadd.f32 v0, v1  }
0x31f: {  	v1 =	vld [tilespmem:s14+$0xFFFFFDB0];
	_ =	sdelay $0x2  }
0x320: {  	v7 =	vld [tilespmem:s14+$0x230]  }
0x321: {  	v4 =	vadd.f32 v4, v5;
	v8 =	vld [tilespmem:s14+$0x1B0];
	v3 =	vadd.f32 v6, v3  }
0x322: {  	v1 =	vadd.f32 v2, v1  }
0x323: {  	v0 =	vadd.f32 v0, v4  }
0x324: {  	v1 =	vadd.f32 v3, v1;
	_ =	sdelay $0x1  }
0x325: {  	v2 =	vadd.f32 v7, v8;
	v0 =	vadd.f32 v0, v1;
	_ =	sdelay $0x1  }
0x326: {  	v0 =	vadd.f32 v2, v0;
	_ =	sdelay $0x1  }
0x327: {  	[tilespmem:s16+$0x16030] =	vst v0  }
0x328: {  	v0 =	vld [tilespmem:s14+$0xFFFFFE40]  }
0x329: {  	v1 =	vld [tilespmem:s14+$0x140]  }
0x32a: {  	v2 =	vld [tilespmem:s14+$0xC0]  }
0x32b: {  	v3 =	vld [tilespmem:s14+$0xFFFFFF40]  }
0x32c: {  	v4 =	vld [tilespmem:s14+$0xFFFFFDC0]  }
0x32d: {  	v5 =	vld [tilespmem:s14+$0xFFFFFFC0]  }
0x32e: {  	v6 =	vld [tilespmem:s14+$0x40]  }
0x32f: {  	v7 =	vld [tilespmem:s14+$0xFFFFFEC0]  }
0x330: {  	v1 =	vadd.f32 v1, v2;
	_ =	sdelay $0x1  }
0x331: {  	v0 =	vadd.f32 v0, v4;
	v2 =	vld [tilespmem:s14+$0x240]  }
0x332: {  	v4 =	vld [tilespmem:s14+$0x1C0];
	v5 =	vadd.f32 v6, v5  }
0x333: {  	v3 =	vadd.f32 v3, v7  }
0x334: {  	v1 =	vadd.f32 v1, v5  }
0x335: {  	v0 =	vadd.f32 v3, v0;
	_ =	sdelay $0x1  }
0x336: {  	v2 =	vadd.f32 v2, v4;
	v0 =	vadd.f32 v1, v0;
	_ =	sdelay $0x1  }
0x337: {  	v0 =	vadd.f32 v2, v0;
	_ =	sdelay $0x1  }
0x338: {  	[tilespmem:s16+$0x16040] =	vst v0  }
0x339: {  	v2 =	vld [tilespmem:s14+$0x50]  }
0x33a: {  	v1 =	vld [tilespmem:s14+$0xFFFFFE50]  }
0x33b: {  	v3 =	vld [tilespmem:s14+$0xFFFFFED0]  }
0x33c: {  	v4 =	vld [tilespmem:s14+$0xFFFFFDD0]  }
0x33d: {  	v5 =	vld [tilespmem:s14+$0xFFFFFF50]  }
0x33e: {  	v6 =	vld [tilespmem:s14+$0xFFFFFFD0]  }
0x33f: {  	v7 =	vld [tilespmem:s14+$0xD0]  }
0x340: {  	v8 =	vld [tilespmem:s14+$0x150]  }
.Ltmp2:
0x341: {  	v0 =	vld [tilespmem:s14+$0x1D0];
	v4 =	vadd.f32 v1, v4;
	(pc) =	sbr.rel @p0 .LBB2_7-.Ltmp2, $4  }
0x342: {  	v1 =	vld [tilespmem:s14+$0x250];
	v3 =	vadd.f32 v5, v3  }
0x343: {  	v2 =	vadd.f32 v2, v6  }
0x344: {  	v3 =	vadd.f32 v3, v4  }
0x345: {  	v4 =	vadd.f32 v8, v7  }
0x346: {  	_ = 	snop  }
0x347: {  	v2 =	vadd.f32 v4, v2;
	_ =	sdelay $0x1  }
0x348: {  	v0 =	vadd.f32 v1, v0;
	v1 =	vadd.f32 v2, v3;
	_ =	sdelay $0x1  }
0x349: {  	v0 =	vadd.f32 v0, v1;
	_ =	sdelay $0x1  }
0x34a: {  	[tilespmem:s16+$0x16050] =	vst v0  }
0x34b: {  	v0 =	vld [tilespmem:s6+$0x160]  }
0x34c: {  	v1 =	vld [tilespmem:s6+$0xFFFFFF60]  }
0x34d: {  	v2 =	vld [tilespmem:s6+$0x60]  }
0x34e: {  	v3 =	vld [tilespmem:s6+$0xFFFFFEE0]  }
0x34f: {  	v4 =	vld [tilespmem:s6+$0xFFFFFDE0]  }
0x350: {  	v5 =	vld [tilespmem:s6+$0xE0]  }
0x351: {  	v6 =	vld [tilespmem:s6+$0xFFFFFFE0]  }
0x352: {  	v7 =	vld [tilespmem:s6+$0xFFFFFE60];
	_ =	sdelay $0x2  }
0x353: {  	v8 =	vld [tilespmem:s6+$0x1E0]  }
0x354: {  	v9 =	vld [tilespmem:s6+$0x260];
	v1 =	vadd.f32 v1, v3;
	v0 =	vadd.f32 v0, v5  }
0x355: {  	v2 =	vadd.f32 v2, v6;
	v3 =	vadd.f32 v7, v4;
	_ =	sdelay $0x1  }
0x356: {  	v1 =	vadd.f32 v1, v3;
	v0 =	vadd.f32 v0, v2;
	_ =	sdelay $0x1  }
0x357: {  	v2 =	vadd.f32 v9, v8;
	v0 =	vadd.f32 v0, v1;
	_ =	sdelay $0x1  }
0x358: {  	v0 =	vadd.f32 v2, v0;
	_ =	sdelay $0x1  }
0x359: {  	[tilespmem:s16+$0x16060] =	vst v0  }
0x35a: {  	v0 =	vld [tilespmem:s6+$0x170]  }
0x35b: {  	v1 =	vld [tilespmem:s6+$0xFFFFFE70]  }
0x35c: {  	v2 =	vld [tilespmem:s6+$0xFFFFFDF0]  }
0x35d: {  	v3 =	vld [tilespmem:s6+$0xFFFFFF70]  }
0x35e: {  	v4 =	vld [tilespmem:s6+$0xF0]  }
0x35f: {  	v5 =	vld [tilespmem:s6+$0x70]  }
0x360: {  	v6 =	vld [tilespmem:s6+$0xFFFFFEF0]  }
0x361: {  	v7 =	vld [tilespmem:s6+$0xFFFFFFF0];
	_ =	sdelay $0x2  }
0x362: {  	v57 =	vld [tilespmem:s6+$0x1F0]  }
0x363: {  	v1 =	vadd.f32 v1, v2;
	v2 =	vld [tilespmem:s6+$0x270];
	v0 =	vadd.f32 v0, v4  }
0x364: {  	v3 =	vadd.f32 v3, v6;
	v4 =	vadd.f32 v5, v7;
	_ =	sdelay $0x1  }
0x365: {  	v1 =	vadd.f32 v3, v1;
	v0 =	vadd.f32 v0, v4;
	_ =	sdelay $0x1  }
0x366: {  	v0 =	vadd.f32 v0, v1;
	v2 =	vadd.f32 v2, v57;
	_ =	sdelay $0x1  }
0x367: {  	v0 =	vadd.f32 v2, v0;
	_ =	sdelay $0x1  }
0x368: {  	[tilespmem:s16+$0x16070] =	vst v0  }
0x369: {  	[hbm4b:s5+s17] =	stream.indirect.scatter [tilespmem:s26], [sflag:$0x5], $0x80, s0, s17, $0xb8;
	[tilespmem:$0x17000] =	vst v63  }
0x36a: {  	_ =	swait.ge [sflag:s28], $0x2800  }
0x36b: {  	[sflag:s28] =	ssyncset.done $0x0  }
0x36c: {  	[sflag:s28] =	ssyncadd.s32 $0xFFFFD800  }
0x36d: {  	_ =	swait.ge [sflag:s28], $0x2800  }
0x36e: {  	[sflag:s28] =	ssyncset.done $0x0  }
0x36f: {  	[sflag:s28] =	ssyncadd.s32 $0xFFFFD800  }
0x370: {  	_ =	swait.ge [sflag:s28], $0x800  }
0x371: {  	p0 =	seq.s32 s2, $0x2B;
	[sflag:s28] =	ssyncset.done $0x0  }
0x372: {  	s6 =	simm.s32 @!p0 $0x3;
	s0 =	sadd.s32 $0x8400, s11;
	[sflag:s28] =	ssyncadd.s32 $0xFFFFF800  }
0x373: {  	[hbm4b:s4+s17] =	stream.indirect.scatter [tilespmem:s25], [sflag:$0x4], $0x80, s0, s17, $0xb8;
	[tilespmem:$0x17000] =	vst v63  }
0x374: {  	_ =	swait.ge @!p0 [sflag:s6], $0x800  }
0x375: {  	s7 =	sadd.s32 @!p0 $0x2, s29;
	[sflag:s6] =	ssyncset.done @!p0 $0x0  }
0x376: {  	[sflag:s6] =	ssyncadd.s32 @!p0 $0xFFFFF800;
	s6 =	sshll.u32 @!p0 s7, $0x8  }
0x377: {  	s8 =	simm.s32 @!p0 $0x50;
	s11 =	simm.s32 @!p0 $0xB000;
	s6 =	sand.u32 @!p0 $0x3FFFFF00, s6  }
0x378: {  	[tilespmem:s11], [sflag:$0x1] =	stream.indirect.gather @!p0 [hbm4b:s1+s8], $0x80, s6, s8, $0xb8;
	[tilespmem:$0x17000] =	vst v63  }
0x379: {  	s6 =	sor.u32 @!p0 $0x80, s6;
	s11 =	simm.s32 @!p0 $0xD800  }
0x37a: {  	[tilespmem:s11], [sflag:$0x1] =	stream.indirect.gather @!p0 [hbm4b:s1+s8], $0x80, s6, s8, $0xb8;
	[tilespmem:$0x17000] =	vst v63  }
0x37b: {  	s6 =	sshll.u32 @!p0 s7, $0x7  }
0x37c: {  	s6 =	sand.u32 @!p0 $0x3FFFFF80, s6  }
0x37d: {  	s7 =	simm.s32 @!p0 $0x10;
	s8 =	simm.s32 @!p0 $0x10000;
	s6 =	sadd.s32 @!p0 $0x5800, s6  }
0x37e: {  	[tilespmem:s8], [sflag:$0x1] =	stream.indirect.gather @!p0 [hbm4b:s1+s7], $0x80, s6, s7, $0xb8;
	[tilespmem:$0x17000] =	vst v63  }
0x37f: {  	_ =	swait.ge [sflag:s24], $0x800  }
0x380: {  	[sflag:s24] =	ssyncset.done $0x0  }
0x381: {  	s11 =	simm.s32 $0x10A80;
	[sflag:s24] =	ssyncadd.s32 $0xFFFFF800  }
0x382: {  	v0 =	vld [tilespmem:s11+$0xFFFFFD80]  }
0x383: {  	v1 =	vld [tilespmem:s11+$0x100]  }
0x384: {  	v2 =	vld [tilespmem:s11+$0x80]  }
0x385: {  	v3 =	vld [tilespmem:s11+$0x0]  }
0x386: {  	v4 =	vld [tilespmem:s11+$0xFFFFFF80]  }
0x387: {  	v5 =	vld [tilespmem:s11+$0xFFFFFF00]  }
0x388: {  	v6 =	vld [tilespmem:s11+$0xFFFFFE80]  }
0x389: {  	v7 =	vld [tilespmem:s11+$0xFFFFFE00];
	_ =	sdelay $0x2  }
0x38a: {  	v58 =	vld [tilespmem:s11+$0x200]  }
0x38b: {  	v1 =	vadd.f32 v1, v2;
	v2 =	vadd.f32 v3, v4;
	v3 =	vld [tilespmem:s11+$0x180]  }
0x38c: {  	v4 =	vadd.f32 v5, v6;
	v0 =	vadd.f32 v7, v0;
	_ =	sdelay $0x1  }
0x38d: {  	v0 =	vadd.f32 v4, v0;
	v1 =	vadd.f32 v1, v2;
	_ =	sdelay $0x1  }
0x38e: {  	v0 =	vadd.f32 v1, v0;
	v2 =	vadd.f32 v58, v3;
	_ =	sdelay $0x1  }
0x38f: {  	v0 =	vadd.f32 v2, v0  }
0x390: {  	s14 =	simm.s32 $0x0  }
0x391: {  	[tilespmem:s14+$0x16800] =	vst v0  }
0x392: {  	v0 =	vld [tilespmem:s11+$0x110]  }
0x393: {  	v1 =	vld [tilespmem:s11+$0xFFFFFF10]  }
0x394: {  	v2 =	vld [tilespmem:s11+$0x10]  }
0x395: {  	v3 =	vld [tilespmem:s11+$0xFFFFFE90]  }
0x396: {  	v4 =	vld [tilespmem:s11+$0xFFFFFD90]  }
0x397: {  	v5 =	vld [tilespmem:s11+$0x90]  }
0x398: {  	v6 =	vld [tilespmem:s11+$0xFFFFFE10]  }
0x399: {  	v7 =	vld [tilespmem:s11+$0xFFFFFF90];
	_ =	sdelay $0x2  }
0x39a: {  	v59 =	vld [tilespmem:s11+$0x210]  }
0x39b: {  	v1 =	vadd.f32 v1, v3;
	v0 =	vadd.f32 v0, v5;
	v3 =	vld [tilespmem:s11+$0x190]  }
0x39c: {  	v4 =	vadd.f32 v6, v4;
	v2 =	vadd.f32 v2, v7;
	_ =	sdelay $0x1  }
0x39d: {  	v1 =	vadd.f32 v1, v4;
	v0 =	vadd.f32 v0, v2;
	_ =	sdelay $0x1  }
0x39e: {  	v0 =	vadd.f32 v0, v1;
	v2 =	vadd.f32 v59, v3;
	_ =	sdelay $0x1  }
0x39f: {  	v0 =	vadd.f32 v2, v0;
	_ =	sdelay $0x1  }
0x3a0: {  	[tilespmem:s14+$0x16810] =	vst v0  }
0x3a1: {  	v0 =	vld [tilespmem:s11+$0x120]  }
0x3a2: {  	v1 =	vld [tilespmem:s11+$0xA0]  }
0x3a3: {  	v2 =	vld [tilespmem:s11+$0xFFFFFFA0]  }
0x3a4: {  	v3 =	vld [tilespmem:s11+$0x20]  }
0x3a5: {  	v4 =	vld [tilespmem:s11+$0xFFFFFF20]  }
0x3a6: {  	v5 =	vld [tilespmem:s11+$0xFFFFFDA0]  }
0x3a7: {  	v6 =	vld [tilespmem:s11+$0xFFFFFEA0]  }
0x3a8: {  	v7 =	vld [tilespmem:s11+$0xFFFFFE20];
	_ =	sdelay $0x2  }
0x3a9: {  	v60 =	vld [tilespmem:s11+$0x1A0]  }
0x3aa: {  	v0 =	vadd.f32 v0, v1;
	v1 =	vadd.f32 v3, v2;
	v2 =	vld [tilespmem:s11+$0x220]  }
0x3ab: {  	v3 =	vadd.f32 v4, v6;
	v4 =	vadd.f32 v7, v5;
	_ =	sdelay $0x1  }
0x3ac: {  	v0 =	vadd.f32 v0, v1;
	v1 =	vadd.f32 v3, v4;
	_ =	sdelay $0x1  }
0x3ad: {  	v0 =	vadd.f32 v0, v1;
	v2 =	vadd.f32 v2, v60;
	_ =	sdelay $0x1  }
0x3ae: {  	v0 =	vadd.f32 v2, v0;
	_ =	sdelay $0x1  }
0x3af: {  	[tilespmem:s14+$0x16820] =	vst v0  }
0x3b0: {  	v0 =	vld [tilespmem:s11+$0x130]  }
0x3b1: {  	v1 =	vld [tilespmem:s11+$0xB0]  }
0x3b2: {  	v2 =	vld [tilespmem:s11+$0xFFFFFE30]  }
0x3b3: {  	v3 =	vld [tilespmem:s11+$0xFFFFFEB0]  }
0x3b4: {  	v4 =	vld [tilespmem:s11+$0x30]  }
0x3b5: {  	v5 =	vld [tilespmem:s11+$0xFFFFFFB0]  }
0x3b6: {  	v6 =	vld [tilespmem:s11+$0xFFFFFF30]  }
0x3b7: {  	v7 =	vld [tilespmem:s11+$0xFFFFFDB0];
	_ =	sdelay $0x2  }
0x3b8: {  	v61 =	vld [tilespmem:s11+$0x230]  }
0x3b9: {  	v0 =	vadd.f32 v0, v1;
	v1 =	vld [tilespmem:s11+$0x1B0];
	v3 =	vadd.f32 v6, v3  }
0x3ba: {  	v4 =	vadd.f32 v4, v5;
	v2 =	vadd.f32 v2, v7;
	_ =	sdelay $0x1  }
0x3bb: {  	v0 =	vadd.f32 v0, v4;
	v2 =	vadd.f32 v3, v2;
	_ =	sdelay $0x1  }
0x3bc: {  	v0 =	vadd.f32 v0, v2;
	v1 =	vadd.f32 v61, v1;
	_ =	sdelay $0x1  }
0x3bd: {  	v0 =	vadd.f32 v1, v0;
	_ =	sdelay $0x1  }
0x3be: {  	[tilespmem:s14+$0x16830] =	vst v0  }
0x3bf: {  	v0 =	vld [tilespmem:s11+$0xFFFFFE40]  }
0x3c0: {  	v1 =	vld [tilespmem:s11+$0x140]  }
0x3c1: {  	v2 =	vld [tilespmem:s11+$0xC0]  }
0x3c2: {  	v3 =	vld [tilespmem:s11+$0xFFFFFF40]  }
0x3c3: {  	v4 =	vld [tilespmem:s11+$0xFFFFFDC0]  }
0x3c4: {  	v5 =	vld [tilespmem:s11+$0xFFFFFFC0]  }
0x3c5: {  	v6 =	vld [tilespmem:s11+$0x40]  }
0x3c6: {  	v7 =	vld [tilespmem:s11+$0xFFFFFEC0];
	_ =	sdelay $0x2  }
0x3c7: {  	v62 =	vld [tilespmem:s11+$0x240]  }
0x3c8: {  	v1 =	vadd.f32 v1, v2;
	v0 =	vadd.f32 v0, v4;
	v2 =	vld [tilespmem:s11+$0x1C0]  }
0x3c9: {  	v4 =	vadd.f32 v6, v5;
	v3 =	vadd.f32 v3, v7;
	_ =	sdelay $0x1  }
0x3ca: {  	v1 =	vadd.f32 v1, v4;
	v0 =	vadd.f32 v3, v0;
	_ =	sdelay $0x1  }
0x3cb: {  	v0 =	vadd.f32 v1, v0;
	v2 =	vadd.f32 v62, v2;
	_ =	sdelay $0x1  }
0x3cc: {  	v0 =	vadd.f32 v2, v0;
	_ =	sdelay $0x1  }
0x3cd: {  	[tilespmem:s14+$0x16840] =	vst v0  }
0x3ce: {  	v1 =	vld [tilespmem:s11+$0x50]  }
0x3cf: {  	v0 =	vld [tilespmem:s11+$0xFFFFFE50]  }
0x3d0: {  	v2 =	vld [tilespmem:s11+$0xFFFFFED0]  }
0x3d1: {  	v3 =	vld [tilespmem:s11+$0xFFFFFDD0]  }
0x3d2: {  	v4 =	vld [tilespmem:s11+$0xFFFFFF50]  }
0x3d3: {  	v5 =	vld [tilespmem:s11+$0xFFFFFFD0]  }
0x3d4: {  	v6 =	vld [tilespmem:s11+$0xD0]  }
0x3d5: {  	v7 =	vld [tilespmem:s11+$0x150];
	_ =	sdelay $0x2  }
0x3d6: {  	v63 =	vadd.f32 v0, v3;
	v2 =	vadd.f32 v4, v2  }
0x3d7: {  	v0 =	vld [tilespmem:s11+$0x1D0];
	v3 =	vadd.f32 v1, v5  }
0x3d8: {  	s7 =	simm.s32 $0x200;
	s6 =	simm.s32 $0x10A80;
	v1 =	vld [tilespmem:s11+$0x250];
	v4 =	vadd.f32 v7, v6;
	v2 =	vadd.f32 v2, v63  }
.LBB2_9:
0x3d9: {  	p0 =	sne.s32 s7, $0x1E00  }
0x3da: {  	s11 =	sadd.s32 $0x500, s11;
	s8 =	smov.u32 s7;
	s7 =	sadd.s32 $0x200, s7  }
0x3db: {  	_ =	sdelay $0x1  }
0x3dc: {  	v3 =	vadd.f32 v4, v3;
	_ =	sdelay $0x1  }
0x3dd: {  	v0 =	vadd.f32 v1, v0;
	v1 =	vadd.f32 v3, v2;
	_ =	sdelay $0x1  }
0x3de: {  	v0 =	vadd.f32 v0, v1;
	_ =	sdelay $0x1  }
0x3df: {  	[tilespmem:s14+$0x16850] =	vst v0  }
0x3e0: {  	v0 =	vld [tilespmem:s6+$0x160]  }
0x3e1: {  	v1 =	vld [tilespmem:s6+$0xFFFFFF60]  }
0x3e2: {  	v2 =	vld [tilespmem:s6+$0x60]  }
0x3e3: {  	v3 =	vld [tilespmem:s6+$0xFFFFFEE0]  }
0x3e4: {  	v4 =	vld [tilespmem:s6+$0xFFFFFDE0]  }
0x3e5: {  	v5 =	vld [tilespmem:s6+$0xE0]  }
0x3e6: {  	v6 =	vld [tilespmem:s6+$0xFFFFFFE0]  }
0x3e7: {  	v7 =	vld [tilespmem:s6+$0xFFFFFE60]  }
0x3e8: {  	v8 =	vld [tilespmem:s6+$0x1E0]  }
0x3e9: {  	v9 =	vld [tilespmem:s6+$0x260]  }
0x3ea: {  	v1 =	vadd.f32 v1, v3;
	v0 =	vadd.f32 v0, v5  }
0x3eb: {  	v2 =	vadd.f32 v2, v6  }
0x3ec: {  	v3 =	vadd.f32 v7, v4;
	_ =	sdelay $0x1  }
0x3ed: {  	v0 =	vadd.f32 v0, v2;
	v1 =	vadd.f32 v1, v3;
	_ =	sdelay $0x1  }
0x3ee: {  	v2 =	vadd.f32 v9, v8;
	v0 =	vadd.f32 v0, v1;
	_ =	sdelay $0x1  }
0x3ef: {  	v0 =	vadd.f32 v2, v0;
	_ =	sdelay $0x1  }
0x3f0: {  	[tilespmem:s14+$0x16860] =	vst v0  }
0x3f1: {  	v0 =	vld [tilespmem:s6+$0x170]  }
0x3f2: {  	v1 =	vld [tilespmem:s6+$0xFFFFFE70]  }
0x3f3: {  	v2 =	vld [tilespmem:s6+$0xFFFFFDF0]  }
0x3f4: {  	v3 =	vld [tilespmem:s6+$0xFFFFFF70]  }
0x3f5: {  	v4 =	vld [tilespmem:s6+$0xF0]  }
0x3f6: {  	v5 =	vld [tilespmem:s6+$0x70]  }
0x3f7: {  	v6 =	vld [tilespmem:s6+$0xFFFFFEF0]  }
0x3f8: {  	v7 =	vld [tilespmem:s6+$0xFFFFFFF0];
	v1 =	vadd.f32 v1, v2  }
0x3f9: {  	v2 =	vld [tilespmem:s6+$0x1F0]  }
0x3fa: {  	v8 =	vld [tilespmem:s6+$0x270];
	s6 =	smov.u32 s11  }
0x3fb: {  	v0 =	vadd.f32 v0, v4  }
0x3fc: {  	v3 =	vadd.f32 v3, v6  }
0x3fd: {  	v4 =	vadd.f32 v5, v7  }
0x3fe: {  	v1 =	vadd.f32 v3, v1  }
0x3ff: {  	v2 =	vadd.f32 v8, v2;
	v0 =	vadd.f32 v0, v4;
	_ =	sdelay $0x1  }
0x400: {  	v0 =	vadd.f32 v0, v1;
	_ =	sdelay $0x1  }
0x401: {  	v0 =	vadd.f32 v2, v0;
	_ =	sdelay $0x1  }
0x402: {  	[tilespmem:s14+$0x16870] =	vst v0  }
0x403: {  	v0 =	vld [tilespmem:s11+$0xFFFFFD80]  }
0x404: {  	v1 =	vld [tilespmem:s11+$0x100]  }
0x405: {  	v2 =	vld [tilespmem:s11+$0x80]  }
0x406: {  	v3 =	vld [tilespmem:s11+$0x0]  }
0x407: {  	v4 =	vld [tilespmem:s11+$0xFFFFFF80]  }
0x408: {  	v5 =	vld [tilespmem:s11+$0xFFFFFF00]  }
0x409: {  	v6 =	vld [tilespmem:s11+$0xFFFFFE80]  }
0x40a: {  	v7 =	vld [tilespmem:s11+$0xFFFFFE00];
	v1 =	vadd.f32 v1, v2;
	_ =	sdelay $0x1  }
0x40b: {  	v2 =	vadd.f32 v3, v4  }
0x40c: {  	v3 =	vld [tilespmem:s11+$0x200]  }
0x40d: {  	v4 =	vld [tilespmem:s11+$0x180];
	v5 =	vadd.f32 v5, v6  }
0x40e: {  	v0 =	vadd.f32 v7, v0;
	_ =	sdelay $0x1  }
0x40f: {  	v1 =	vadd.f32 v1, v2;
	v0 =	vadd.f32 v5, v0;
	_ =	sdelay $0x1  }
0x410: {  	v2 =	vadd.f32 v3, v4;
	v0 =	vadd.f32 v1, v0;
	_ =	sdelay $0x1  }
0x411: {  	v0 =	vadd.f32 v2, v0  }
0x412: {  	s14 =	sshra.s32 s8, $0x2  }
0x413: {  	[tilespmem:s14+$0x16800] =	vst v0  }
0x414: {  	v0 =	vld [tilespmem:s11+$0x110]  }
0x415: {  	v1 =	vld [tilespmem:s11+$0xFFFFFF10]  }
0x416: {  	v2 =	vld [tilespmem:s11+$0x10]  }
0x417: {  	v3 =	vld [tilespmem:s11+$0xFFFFFE90]  }
0x418: {  	v4 =	vld [tilespmem:s11+$0xFFFFFD90]  }
0x419: {  	v5 =	vld [tilespmem:s11+$0x90]  }
0x41a: {  	v6 =	vld [tilespmem:s11+$0xFFFFFE10]  }
0x41b: {  	v7 =	vld [tilespmem:s11+$0xFFFFFF90];
	_ =	sdelay $0x2  }
0x41c: {  	v1 =	vadd.f32 v1, v3;
	v8 =	vld [tilespmem:s11+$0x210];
	v0 =	vadd.f32 v0, v5  }
0x41d: {  	v3 =	vld [tilespmem:s11+$0x190];
	v4 =	vadd.f32 v6, v4  }
0x41e: {  	v2 =	vadd.f32 v2, v7  }
0x41f: {  	v1 =	vadd.f32 v1, v4  }
0x420: {  	v0 =	vadd.f32 v0, v2;
	_ =	sdelay $0x1  }
0x421: {  	v2 =	vadd.f32 v8, v3;
	v0 =	vadd.f32 v0, v1;
	_ =	sdelay $0x1  }
0x422: {  	v0 =	vadd.f32 v2, v0;
	_ =	sdelay $0x1  }
0x423: {  	[tilespmem:s14+$0x16810] =	vst v0  }
0x424: {  	v0 =	vld [tilespmem:s11+$0x120]  }
0x425: {  	v1 =	vld [tilespmem:s11+$0xA0]  }
0x426: {  	v2 =	vld [tilespmem:s11+$0xFFFFFFA0]  }
0x427: {  	v3 =	vld [tilespmem:s11+$0x20]  }
0x428: {  	v4 =	vld [tilespmem:s11+$0xFFFFFF20]  }
0x429: {  	v5 =	vld [tilespmem:s11+$0xFFFFFDA0]  }
0x42a: {  	v6 =	vld [tilespmem:s11+$0xFFFFFEA0];
	v0 =	vadd.f32 v0, v1  }
0x42b: {  	v1 =	vld [tilespmem:s11+$0xFFFFFE20]  }
0x42c: {  	v7 =	vld [tilespmem:s11+$0x1A0];
	v2 =	vadd.f32 v3, v2  }
0x42d: {  	v3 =	vld [tilespmem:s11+$0x220];
	_ =	sdelay $0x1  }
0x42e: {  	v4 =	vadd.f32 v4, v6  }
0x42f: {  	v1 =	vadd.f32 v1, v5  }
0x430: {  	v0 =	vadd.f32 v0, v2  }
0x431: {  	v2 =	vadd.f32 v3, v7;
	v1 =	vadd.f32 v4, v1;
	_ =	sdelay $0x1  }
0x432: {  	v0 =	vadd.f32 v0, v1;
	_ =	sdelay $0x1  }
0x433: {  	v0 =	vadd.f32 v2, v0;
	_ =	sdelay $0x1  }
0x434: {  	[tilespmem:s14+$0x16820] =	vst v0  }
0x435: {  	v0 =	vld [tilespmem:s11+$0x130]  }
0x436: {  	v1 =	vld [tilespmem:s11+$0xB0]  }
0x437: {  	v2 =	vld [tilespmem:s11+$0xFFFFFE30]  }
0x438: {  	v3 =	vld [tilespmem:s11+$0xFFFFFEB0]  }
0x439: {  	v4 =	vld [tilespmem:s11+$0x30]  }
0x43a: {  	v5 =	vld [tilespmem:s11+$0xFFFFFFB0]  }
0x43b: {  	v6 =	vld [tilespmem:s11+$0xFFFFFF30];
	v0 =	vadd.f32 v0, v1  }
0x43c: {  	v1 =	vld [tilespmem:s11+$0xFFFFFDB0];
	_ =	sdelay $0x2  }
0x43d: {  	v7 =	vld [tilespmem:s11+$0x230]  }
0x43e: {  	v4 =	vadd.f32 v4, v5;
	v8 =	vld [tilespmem:s11+$0x1B0];
	v3 =	vadd.f32 v6, v3  }
0x43f: {  	v1 =	vadd.f32 v2, v1  }
0x440: {  	v0 =	vadd.f32 v0, v4  }
0x441: {  	v1 =	vadd.f32 v3, v1;
	_ =	sdelay $0x1  }
0x442: {  	v2 =	vadd.f32 v7, v8;
	v0 =	vadd.f32 v0, v1;
	_ =	sdelay $0x1  }
0x443: {  	v0 =	vadd.f32 v2, v0;
	_ =	sdelay $0x1  }
0x444: {  	[tilespmem:s14+$0x16830] =	vst v0  }
0x445: {  	v0 =	vld [tilespmem:s11+$0xFFFFFE40]  }
0x446: {  	v1 =	vld [tilespmem:s11+$0x140]  }
0x447: {  	v2 =	vld [tilespmem:s11+$0xC0]  }
0x448: {  	v3 =	vld [tilespmem:s11+$0xFFFFFF40]  }
0x449: {  	v4 =	vld [tilespmem:s11+$0xFFFFFDC0]  }
0x44a: {  	v5 =	vld [tilespmem:s11+$0xFFFFFFC0]  }
0x44b: {  	v6 =	vld [tilespmem:s11+$0x40]  }
0x44c: {  	v7 =	vld [tilespmem:s11+$0xFFFFFEC0]  }
0x44d: {  	v1 =	vadd.f32 v1, v2;
	_ =	sdelay $0x1  }
0x44e: {  	v0 =	vadd.f32 v0, v4;
	v2 =	vld [tilespmem:s11+$0x240]  }
0x44f: {  	v4 =	vld [tilespmem:s11+$0x1C0];
	v5 =	vadd.f32 v6, v5  }
0x450: {  	v3 =	vadd.f32 v3, v7  }
0x451: {  	v1 =	vadd.f32 v1, v5  }
0x452: {  	v0 =	vadd.f32 v3, v0;
	_ =	sdelay $0x1  }
0x453: {  	v2 =	vadd.f32 v2, v4;
	v0 =	vadd.f32 v1, v0;
	_ =	sdelay $0x1  }
0x454: {  	v0 =	vadd.f32 v2, v0;
	_ =	sdelay $0x1  }
0x455: {  	[tilespmem:s14+$0x16840] =	vst v0  }
0x456: {  	v2 =	vld [tilespmem:s11+$0x50]  }
0x457: {  	v1 =	vld [tilespmem:s11+$0xFFFFFE50]  }
0x458: {  	v3 =	vld [tilespmem:s11+$0xFFFFFED0]  }
0x459: {  	v4 =	vld [tilespmem:s11+$0xFFFFFDD0]  }
0x45a: {  	v5 =	vld [tilespmem:s11+$0xFFFFFF50]  }
0x45b: {  	v6 =	vld [tilespmem:s11+$0xFFFFFFD0]  }
0x45c: {  	v7 =	vld [tilespmem:s11+$0xD0]  }
0x45d: {  	v8 =	vld [tilespmem:s11+$0x150]  }
.Ltmp3:
0x45e: {  	v0 =	vld [tilespmem:s11+$0x1D0];
	v4 =	vadd.f32 v1, v4;
	(pc) =	sbr.rel @p0 .LBB2_9-.Ltmp3, $4  }
0x45f: {  	v1 =	vld [tilespmem:s11+$0x250];
	v5 =	vadd.f32 v5, v3  }
0x460: {  	v3 =	vadd.f32 v2, v6  }
0x461: {  	v2 =	vadd.f32 v5, v4  }
0x462: {  	v4 =	vadd.f32 v8, v7  }
0x463: {  	_ = 	snop  }
0x464: {  	v3 =	vadd.f32 v4, v3;
	_ =	sdelay $0x1  }
0x465: {  	v0 =	vadd.f32 v1, v0;
	v47 =	vadd.f32 v3, v2;
	_ =	sdelay $0x1  }
0x466: {  	v0 =	vadd.f32 v0, v47;
	_ =	sdelay $0x1  }
0x467: {  	[tilespmem:s14+$0x16850] =	vst v0  }
0x468: {  	v0 =	vld [tilespmem:s6+$0x160]  }
0x469: {  	v48 =	vld [tilespmem:s6+$0xFFFFFF60]  }
0x46a: {  	v49 =	vld [tilespmem:s6+$0x60]  }
0x46b: {  	v50 =	vld [tilespmem:s6+$0xFFFFFEE0]  }
0x46c: {  	v51 =	vld [tilespmem:s6+$0xFFFFFDE0]  }
0x46d: {  	v5 =	vld [tilespmem:s6+$0xE0]  }
0x46e: {  	v6 =	vld [tilespmem:s6+$0xFFFFFFE0]  }
0x46f: {  	v7 =	vld [tilespmem:s6+$0xFFFFFE60];
	_ =	sdelay $0x2  }
0x470: {  	v8 =	vld [tilespmem:s6+$0x1E0]  }
0x471: {  	v9 =	vld [tilespmem:s6+$0x260];
	v1 =	vadd.f32 v48, v50;
	v0 =	vadd.f32 v0, v5  }
0x472: {  	v2 =	vadd.f32 v49, v6;
	v52 =	vadd.f32 v7, v51;
	_ =	sdelay $0x1  }
0x473: {  	v1 =	vadd.f32 v1, v52;
	v0 =	vadd.f32 v0, v2;
	_ =	sdelay $0x1  }
0x474: {  	v53 =	vadd.f32 v9, v8;
	v0 =	vadd.f32 v0, v1;
	_ =	sdelay $0x1  }
0x475: {  	v0 =	vadd.f32 v53, v0;
	_ =	sdelay $0x1  }
0x476: {  	[tilespmem:s14+$0x16860] =	vst v0  }
0x477: {  	v0 =	vld [tilespmem:s6+$0x170]  }
0x478: {  	v54 =	vld [tilespmem:s6+$0xFFFFFE70]  }
0x479: {  	v55 =	vld [tilespmem:s6+$0xFFFFFDF0]  }
0x47a: {  	v56 =	vld [tilespmem:s6+$0xFFFFFF70]  }
0x47b: {  	v57 =	vld [tilespmem:s6+$0xF0]  }
0x47c: {  	v58 =	vld [tilespmem:s6+$0x70]  }
0x47d: {  	v59 =	vld [tilespmem:s6+$0xFFFFFEF0]  }
0x47e: {  	v60 =	vld [tilespmem:s6+$0xFFFFFFF0];
	_ =	sdelay $0x2  }
0x47f: {  	v61 =	vld [tilespmem:s6+$0x1F0]  }
0x480: {  	v62 =	vld [tilespmem:s6+$0x270];
	v1 =	vadd.f32 v54, v55;
	v0 =	vadd.f32 v0, v57  }
0x481: {  	v3 =	vadd.f32 v56, v59;
	v63 =	vadd.f32 v58, v60;
	_ =	sdelay $0x1  }
0x482: {  	v1 =	vadd.f32 v3, v1;
	v0 =	vadd.f32 v0, v63  }
0x483: {  	s2 =	sadd.s32 $0x1, s2  }
0x484: {  	p0 =	sne.s32 s2, $0x2C;
	v2 =	vadd.f32 v62, v61;
	v0 =	vadd.f32 v0, v1  }
.Ltmp4:
0x485: {  	_ = 	snop;
	(pc) =	sbr.rel @p0 .LBB2_6-.Ltmp4, $3  }
0x486: {  	v0 =	vadd.f32 v2, v0;
	_ =	sdelay $0x1  }
0x487: {  	[tilespmem:s14+$0x16870] =	vst v0  }
0x488: {  	[hbm4b:s5+s17] =	stream.indirect.scatter [tilespmem:s15], [sflag:$0x6], $0x80, s0, s17, $0xb8;
	[tilespmem:$0x17000] =	vst v63  }
0x489: {  	_ =	swait.ge [sflag:s30], $0x800  }
0x48a: {  	[sflag:s30] =	ssyncset.done $0x0  }
0x48b: {  	[sflag:s30] =	ssyncadd.s32 $0xFFFFF800  }
0x48c: {  	_ =	swait.ge [sflag:s20], $0x800  }
0x48d: {  	[sflag:s20] =	ssyncset.done $0x0  }
0x48e: {  	s31 =	sadd.s32 $0x1, s31;
	[sflag:s20] =	ssyncadd.s32 $0xFFFFF800  }
0x48f: {  	p0 =	sne.s32 s31, s9;
	_ =	swait.ge [sflag:s22], $0x800  }
.Ltmp5:
0x490: {  	[sflag:s22] =	ssyncset.done $0x0;
	(pc) =	sbr.rel @p0 .LBB2_1-.Ltmp5, $4  }
0x491: {  	[sflag:s22] =	ssyncadd.s32 $0xFFFFF800  }
0x492: {  	_ =	swait.ge [sflag:s24], $0x800  }
0x493: {  	s8 =	simm.s32 $0xB000;
	[sflag:s24] =	ssyncset.done $0x0  }
0x494: {  	s14 =	simm.s32 $0xD800;
	s16 =	simm.s32 $0x8480;
	[sflag:s24] =	ssyncadd.s32 $0xFFFFF800  }
0x495: {  	_ =	sfence.sel $0x180000  }
0x496: {  	[bflag:$0x0] =	sbarrier.arrive $0xFFFF  }
0x497: {  	_ =	strace $0x90000047  }
0x498: {  	s0 =	stileid.u32;
	[bflag:$0x2] =	sbarrier.arrive $0xFFFF  }
0x499: {  	p0 =	sne.s32 s0, $0x0;
	s0 =	rddreg [dreg:$0x3]  }
0x49a: {  	s0 =	sadd.s32 @!p0 $0x100000, s0  }
0x49b: {  	[sflag:s0] =	ssyncadd.tile.s32 @!p0 $0x1;
	_ =	shalt  }
.Lfunc_end2:
_tile_overlayer_lowered:
.L_overlay_start_2:
0x49c: {  	(tag) =	ssettag $0x2  }
0x49d: {  	s0 =	rddreg [dreg:$0x0];
	s2 =	stileid.u32  }
0x49e: {  	s1 =	rddreg [dreg:$0x1];
	p0 =	sne.s32 s2, $0x0  }
0x49f: {  	s3 =	rddreg [dreg:$0x2];
	[bflag:$0x3] =	sbarrier.arrive $0xFFFF;
	s2 =	simm.s32 @!p0 $0x1C07  }
0x4a0: {  	[timem:s3], [sflag:s2] =	dma.local @!p0 [hbm:s0], s1  }
0x4a1: {  	s0 =	simm.s32 @!p0 $0x7  }
0x4a2: {  	_ =	swait.ge @!p0 [sflag:s0], s1  }
0x4a3: {  	s1 =	ssub.s32 @!p0 $0x0, s1;
	[sflag:s0] =	ssyncset.done @!p0 $0x0  }
0x4a4: {  	[sflag:s0] =	ssyncadd.s32 @!p0 s1  }
0x4a5: {  	[bflag:$0x3] =	sbarrier.arrive $0xFFFF  }
0x4a6: {  	_ =	shalt  }

</sc_bundles>
